<compile_context>
chip_gen: v7x
topology: tpu7x:2x2x1
jax: 0.10.2.dev20260603
libtpu: 0.0.44.dev20260713+nightly
codegen_flags: <defaults>
</compile_context>

<pallas_src>
import jax
import jax.numpy as jnp
from jax import lax
from jax.experimental import pallas as pl
from jax.experimental.pallas import tpu as pltpu
from jax.experimental.pallas import tpu_sc as plsc

N = 50000
E = 1600000
SEQ = 256
HID = 128
NCLS = 16
TARGET = N - 1

NC = 2
NS = 16
NT = NC * NS
LANES = 16

CHUNK = E // NT
BLK = 10000
NBLK = CHUNK // BLK
VECS = BLK // LANES

CHKV1 = 25
NCHK1 = VECS // CHKV1
CHKV3 = 25
NCHK3 = VECS // CHKV3

MATCH_CAP = 512
MTOT = NT * MATCH_CAP

U_CAP = 256
DUMP = U_CAP

P_TILE = 128
SELF_BASE = NT * P_TILE
P_CAP = SELF_BASE + U_CAP


def _popcnt(m):
    return plsc.all_reduce_population_count(m)[0]


def _l1_body(snd_hbm, rcv_hbm, matches_out, counts_out, rbuf0, rbuf1, schunk,
             mbuf, cbuf, sem0, sem1):
    cid = lax.axis_index("c")
    sid = lax.axis_index("s")
    wid = cid * NS + sid
    base = wid * CHUNK
    false16 = jnp.zeros((LANES,), jnp.bool_)
    rbufs = (rbuf0, rbuf1)
    sems = (sem0, sem1)

    def block(b, rbuf, mcnt):
        off = base + b * BLK

        def chunk(ch, mc):
            accm = false16
            for v in range(CHKV1):
                rv = rbuf[pl.ds((ch * CHKV1 + v) * LANES, LANES)]
                accm = accm | (rv == TARGET)

            def hit(mc):
                pltpu.sync_copy(
                    snd_hbm.at[pl.ds(off + ch * CHKV1 * LANES, CHKV1 * LANES)],
                    schunk)

                def p2(v, mc):
                    rv = rbuf[pl.ds((ch * CHKV1 + v) * LANES, LANES)]
                    m = rv == TARGET
                    n = _popcnt(m)

                    def h2(mc):
                        sv = schunk[pl.ds(v * LANES, LANES)]
                        wpos = jnp.minimum(mc, MATCH_CAP - LANES)
                        plsc.store_compressed(mbuf.at[pl.ds(wpos, LANES)], sv,
                                              mask=m)
                        return jnp.minimum(mc + n, jnp.int32(MATCH_CAP - LANES))

                    return lax.cond(n > 0, h2, lambda mc: mc, mc)

                return lax.fori_loop(0, CHKV1, p2, mc)

            return lax.cond(_popcnt(accm) > 0, hit, lambda mc: mc, mc)

        return lax.fori_loop(0, NCHK1, chunk, mcnt)

    cp = pltpu.async_copy(rcv_hbm.at[pl.ds(base, BLK)], rbufs[0], sems[0])
    mcnt = jnp.int32(0)
    for b in range(NBLK):
        cp.wait()
        if b + 1 < NBLK:
            cp = pltpu.async_copy(rcv_hbm.at[pl.ds(base + (b + 1) * BLK, BLK)],
                                  rbufs[(b + 1) % 2], sems[(b + 1) % 2])
        mcnt = block(b, rbufs[b % 2], mcnt)

    nch = (mcnt + LANES - 1) // LANES

    def wr(i, c):
        pltpu.sync_copy(
            mbuf.at[pl.ds(i * LANES, LANES)],
            matches_out.at[pl.ds(wid * MATCH_CAP + i * LANES, LANES)],
        )
        return c

    lax.fori_loop(0, nch, wr, 0)
    cbuf[...] = jnp.full((LANES,), mcnt, jnp.int32)
    pltpu.sync_copy(cbuf, counts_out.at[pl.ds(wid * LANES, LANES)])


def _l23_body(snd_hbm, rcv_hbm, words_hbm, matches, counts, neg1_hbm,
              rows_out, slots_out, mult_out, u_out,
              flag_v, rbuf0, rbuf1, sbuf0, sbuf1, pslot, psnd, idx16, rows_v,
              uniq_v, mult_v, mat_v, cnt_v, ubuf,
              flag_sh, u_sh,
              rsem0, rsem1, ssem0, ssem1):
    cid = lax.axis_index("c")
    sid = lax.axis_index("s")
    wid = cid * NS + sid
    base = wid * CHUNK
    iota = lax.iota(jnp.int32, LANES)
    lane0 = iota == 0
    onesf = jnp.ones((LANES,), jnp.float32)
    false16 = jnp.zeros((LANES,), jnp.bool_)

    rbufs = (rbuf0, rbuf1)
    sbufs = (sbuf0, sbuf1)
    rsems = (rsem0, rsem1)
    ssems = (ssem0, ssem1)
    rcp = pltpu.async_copy(rcv_hbm.at[pl.ds(base, BLK)], rbufs[0], rsem0)
    scp = pltpu.async_copy(snd_hbm.at[pl.ds(base, BLK)], sbufs[0], ssem0)

    @pl.when(sid == 0)
    def _():
        pltpu.sync_copy(matches, mat_v)
        pltpu.sync_copy(counts, cnt_v)
        pltpu.sync_copy(neg1_hbm, flag_v)

        zi = jnp.zeros((LANES,), jnp.int32)
        zf = jnp.zeros((LANES,), jnp.float32)

        def initu(i, c):
            uniq_v[pl.ds(i * LANES, LANES)] = zi
            mult_v[pl.ds(i * LANES, LANES)] = zf
            return c

        lax.fori_loop(0, U_CAP // LANES, initu, 0)

        tgt = jnp.full((LANES,), TARGET, jnp.int32)
        plsc.store_scatter(flag_v, [tgt], zi, mask=lane0)
        plsc.store_scatter(uniq_v, [zi], tgt, mask=lane0)

        def tile_loop(t, U):
            ct = cnt_v[pl.ds(t * LANES, LANES)][0]

            def kstep(k, U):
                offv = jnp.full((LANES,), t * MATCH_CAP + k, jnp.int32)
                s_spl = plsc.load_gather(mat_v, [offv])
                f_spl = plsc.load_gather(flag_v, [s_spl])
                isnew = f_spl[0] < 0

                def newfn(U):
                    def assign(U):
                        uv = jnp.full((LANES,), U, jnp.int32)
                        plsc.store_scatter(flag_v, [s_spl], uv, mask=lane0)
                        plsc.store_scatter(uniq_v, [uv], s_spl, mask=lane0)
                        plsc.addupdate_scatter(mult_v, [uv], onesf, mask=lane0)
                        return U + 1

                    return lax.cond(U < U_CAP, assign, lambda U: U, U)

                def oldfn(U):
                    plsc.addupdate_scatter(mult_v, [f_spl], onesf, mask=lane0)
                    return U

                return lax.cond(isnew, newfn, oldfn, U)

            return lax.fori_loop(0, ct, kstep, U)

        U = lax.fori_loop(0, NT, tile_loop, jnp.int32(1))

        pltpu.sync_copy(flag_v, flag_sh)
        ubuf[...] = jnp.full((LANES,), U, jnp.int32)
        pltpu.sync_copy(ubuf, u_sh)

        @pl.when(cid == 0)
        def _():
            pltpu.sync_copy(mult_v, mult_out)
            pltpu.sync_copy(ubuf, u_out)

    plsc.subcore_barrier()

    @pl.when(sid != 0)
    def _():
        pltpu.sync_copy(flag_sh, flag_v)

    pltpu.sync_copy(u_sh, ubuf)
    U = ubuf[...][0]

    dumpv = jnp.full((LANES,), DUMP, jnp.int32)
    zi16 = jnp.zeros((LANES,), jnp.int32)

    def initp(i, c):
        pslot[pl.ds(i * LANES, LANES)] = dumpv
        psnd[pl.ds(i * LANES, LANES)] = zi16
        return c

    lax.fori_loop(0, (P_TILE + LANES) // LANES, initp, 0)

    def block(b, rbuf, sbuf, pc):
        def chunk(ch, pc):
            accm = false16
            for v in range(CHKV3):
                rv = rbuf[pl.ds((ch * CHKV3 + v) * LANES, LANES)]
                sl = plsc.load_gather(flag_v, [rv])
                accm = accm | (sl >= 0)

            def hit(pc):
                def p2(v, pc):
                    rv = rbuf[pl.ds((ch * CHKV3 + v) * LANES, LANES)]
                    slots = plsc.load_gather(flag_v, [rv])
                    m = slots >= 0
                    n = _popcnt(m)

                    def h2(pc):
                        sv = sbuf[pl.ds((ch * CHKV3 + v) * LANES, LANES)]
                        wpos = jnp.minimum(pc, P_TILE)
                        plsc.store_compressed(pslot.at[pl.ds(wpos, LANES)],
                                              slots, mask=m)
                        plsc.store_compressed(psnd.at[pl.ds(wpos, LANES)],
                                              sv, mask=m)
                        return jnp.minimum(pc + n, jnp.int32(P_TILE))

                    return lax.cond(n > 0, h2, lambda pc: pc, pc)

                return lax.fori_loop(0, CHKV3, p2, pc)

            return lax.cond(_popcnt(accm) > 0, hit, lambda pc: pc, pc)

        return lax.fori_loop(0, NCHK3, chunk, pc)

    pc = jnp.int32(0)
    for b in range(NBLK):
        rcp.wait()
        scp.wait()
        if b + 1 < NBLK:
            nb = (b + 1) % 2
            noff = base + (b + 1) * BLK
            rcp = pltpu.async_copy(rcv_hbm.at[pl.ds(noff, BLK)], rbufs[nb],
                                   rsems[nb])
            scp = pltpu.async_copy(snd_hbm.at[pl.ds(noff, BLK)], sbufs[nb],
                                   ssems[nb])
        pc = block(b, rbufs[b % 2], sbufs[b % 2], pc)

    pltpu.sync_copy(pslot.at[pl.ds(0, P_TILE)],
                    slots_out.at[pl.ds(wid * P_TILE, P_TILE)])

    ng = (pc + LANES - 1) // LANES

    def grp(g, c):
        sn = psnd[pl.ds(g * LANES, LANES)]
        idx16[...] = sn
        pltpu.sync_copy(words_hbm.at[idx16], rows_v)
        pltpu.sync_copy(rows_v,
                        rows_out.at[pl.ds(wid * P_TILE + g * LANES, LANES)])
        return c

    lax.fori_loop(0, ng, grp, 0)

    @pl.when(jnp.logical_and(cid == 0, sid == 0))
    def _():
        def sgrp(g, c):
            sv = uniq_v[pl.ds(g * LANES, LANES)]
            lanes = iota + g * LANES
            valid = lanes < U
            slots = jnp.where(valid, lanes, DUMP)
            snds = jnp.where(valid, sv, 0)
            idx16[...] = slots
            pltpu.sync_copy(idx16,
                            slots_out.at[pl.ds(SELF_BASE + g * LANES, LANES)])

            @pl.when(_popcnt(valid) > 0)
            def _():
                idx16[...] = snds
                pltpu.sync_copy(words_hbm.at[idx16], rows_v)
                pltpu.sync_copy(
                    rows_v,
                    rows_out.at[pl.ds(SELF_BASE + g * LANES, LANES)])

            return c

        lax.fori_loop(0, U_CAP // LANES, sgrp, 0)


def _l4_body(rows_ref, slots_row_ref, slots_col_ref, mult_ref, we1, be1,
             wn1, bn1, we2, be2, wenc2, benc2, wn2, bn2, out_ref):
    srows = rows_ref[...]
    slots_col = slots_col_ref[...]
    srows = jnp.where(slots_col != DUMP, srows, 0.0)
    slots_row = slots_row_ref[...]
    oh = (lax.broadcasted_iota(jnp.int32, (U_CAP, P_CAP), 0)
          == slots_row).astype(jnp.float32)
    pre = jnp.dot(oh, srows, preferred_element_type=jnp.float32)
    comm1 = jnp.dot(pre, we1[...], preferred_element_type=jnp.float32) + be1[...]
    nodes = jnp.maximum(
        jnp.dot(comm1, wn1[...], preferred_element_type=jnp.float32)
        + bn1[...], 0.0)
    h2 = jnp.maximum(
        jnp.dot(nodes, we2[...], preferred_element_type=jnp.float32)
        + be2[...], 0.0)
    agg2 = jnp.sum(h2 * mult_ref[...], axis=0, keepdims=True)
    enc2 = jnp.maximum(
        jnp.dot(nodes[0:1], wenc2[...], preferred_element_type=jnp.float32)
        + benc2[...], 0.0)
    out_ref[...] = jnp.dot(
        agg2 + enc2, wn2[...], preferred_element_type=jnp.float32) + bn2[...]


def kernel(words, senders, receivers, W_enc1, b_enc1, W_node1, b_node1,
           W_edge2, b_edge2, W_enc2, b_enc2, W_node2, b_node2):
    mesh = plsc.VectorSubcoreMesh(core_axis_name="c", subcore_axis_name="s")
    i32 = jnp.int32
    f32 = jnp.float32
    params = pltpu.CompilerParams(needs_layout_passes=False)

    matches, counts = pl.kernel(
        _l1_body,
        out_type=(
            jax.ShapeDtypeStruct((MTOT,), i32),
            jax.ShapeDtypeStruct((NT * LANES,), i32),
        ),
        mesh=mesh,
        compiler_params=params,
        scratch_types=[
            pltpu.VMEM((BLK,), i32),
            pltpu.VMEM((BLK,), i32),
            pltpu.VMEM((CHKV1 * LANES,), i32),
            pltpu.VMEM((MATCH_CAP,), i32),
            pltpu.VMEM((LANES,), i32),
            pltpu.SemaphoreType.DMA,
            pltpu.SemaphoreType.DMA,
        ],
    )(senders, receivers)

    neg1 = jnp.full((N,), -1, i32)
    rows, slots, multf, u = pl.kernel(
        _l23_body,
        out_type=(
            jax.ShapeDtypeStruct((P_CAP, SEQ), f32),
            jax.ShapeDtypeStruct((P_CAP,), i32),
            jax.ShapeDtypeStruct((U_CAP,), f32),
            jax.ShapeDtypeStruct((LANES,), i32),
        ),
        mesh=mesh,
        compiler_params=params,
        scratch_types=[
            pltpu.VMEM((N,), i32),
            pltpu.VMEM((BLK,), i32),
            pltpu.VMEM((BLK,), i32),
            pltpu.VMEM((BLK,), i32),
            pltpu.VMEM((BLK,), i32),
            pltpu.VMEM((P_TILE + LANES,), i32),
            pltpu.VMEM((P_TILE + LANES,), i32),
            pltpu.VMEM((LANES,), i32),
            pltpu.VMEM((LANES, SEQ), f32),
            pltpu.VMEM((U_CAP,), i32),
            pltpu.VMEM((U_CAP,), f32),
            pltpu.VMEM((MTOT,), i32),
            pltpu.VMEM((NT * LANES,), i32),
            pltpu.VMEM((LANES,), i32),
            pltpu.VMEM_SHARED((N,), i32),
            pltpu.VMEM_SHARED((LANES,), i32),
            pltpu.SemaphoreType.DMA,
            pltpu.SemaphoreType.DMA,
            pltpu.SemaphoreType.DMA,
            pltpu.SemaphoreType.DMA,
        ],
    )(senders, receivers, words, matches, counts, neg1)

    out = pl.pallas_call(
        _l4_body,
        out_shape=jax.ShapeDtypeStruct((1, NCLS), f32),
        in_specs=[pl.BlockSpec(memory_space=pltpu.VMEM)] * 14,
        out_specs=pl.BlockSpec(memory_space=pltpu.VMEM),
    )(
        rows,
        slots.reshape(1, P_CAP),
        slots.reshape(P_CAP, 1),
        multf.reshape(U_CAP, 1),
        W_enc1,
        b_enc1.reshape(1, HID),
        W_node1,
        b_node1.reshape(1, HID),
        W_edge2,
        b_edge2.reshape(1, HID),
        W_enc2,
        b_enc2.reshape(1, HID),
        W_node2,
        b_node2.reshape(1, NCLS),
    )
    return out

# --- scband reference (transcript-rebuilt; emitter-appended) ---
"""Pipeline reference for scband-graph-convolutional-node-classifier-11098195493610 (READ-ONLY COPY).

The authoritative reference and input builder live on the scoring server;
editing this copy changes nothing except your own understanding.
"""

import jax, jax.numpy as jnp
import numpy as np

N_NODES = 50000
N_EDGES = 1600000
SEQ_LEN = 256
HIDDEN = 128
NUM_CLASSES = 16


def _dense(x, W, b, act=None):
    y = x @ W + b
    if act is not None:
        y = act(y)
    return y


def setup_inputs(seed: int = 0) -> dict:
    key = jax.random.key(seed)
    ks = jax.random.split(key, 12)
    words = jax.random.normal(ks[0], (N_NODES, SEQ_LEN), dtype=jnp.float32)
    senders = jax.random.randint(ks[1], (N_EDGES,), 0, N_NODES, dtype=jnp.int32)
    receivers = jax.random.randint(ks[2], (N_EDGES,), 0, N_NODES, dtype=jnp.int32)

    def glorot(k, shape):
        lim = np.sqrt(6.0 / (shape[0] + shape[1]))
        return jax.random.uniform(k, shape, jnp.float32, -lim, lim)

    # CommNet block 1: edge_model1 == node_encoder_model1 (shared Dense(hidden))
    W_enc1 = glorot(ks[3], (SEQ_LEN, HIDDEN))
    b_enc1 = jnp.zeros((HIDDEN,), jnp.float32)
    # node_model1: Dropout (identity in inference) + Dense(hidden, relu)
    W_node1 = glorot(ks[4], (HIDDEN, HIDDEN))
    b_node1 = jnp.zeros((HIDDEN,), jnp.float32)
    # CommNet block 2
    W_edge2 = glorot(ks[5], (HIDDEN, HIDDEN))
    b_edge2 = jnp.zeros((HIDDEN,), jnp.float32)
    W_enc2 = glorot(ks[6], (HIDDEN, HIDDEN))
    b_enc2 = jnp.zeros((HIDDEN,), jnp.float32)
    W_node2 = glorot(ks[7], (HIDDEN, NUM_CLASSES))
    b_node2 = jnp.zeros((NUM_CLASSES,), jnp.float32)

    return {
        "words": words,
        "senders": senders,
        "receivers": receivers,
        "W_enc1": W_enc1, "b_enc1": b_enc1,
        "W_node1": W_node1, "b_node1": b_node1,
        "W_edge2": W_edge2, "b_edge2": b_edge2,
        "W_enc2": W_enc2, "b_enc2": b_enc2,
        "W_node2": W_node2, "b_node2": b_node2,
    }


def reference(words, senders, receivers,
              W_enc1, b_enc1, W_node1, b_node1,
              W_edge2, b_edge2, W_enc2, b_enc2,
              W_node2, b_node2):
    # GraphIndependent node model: DenseFeatures over 'words' -> identity passthrough of features
    nodes = words

    # CommNet block 1 (graph_nets.modules.CommNet):
    #   edge features = edge_model(sender node features)
    #   aggregated = segment_sum(edge features, receivers)
    #   node encoding = node_encoder_model(nodes)
    #   nodes = node_model(aggregated + node_encoding)
    sent1 = jnp.take(nodes, senders, axis=0)
    edges1 = _dense(sent1, W_enc1, b_enc1)  # edge_model1 (shared weights)
    agg1 = jax.ops.segment_sum(edges1, receivers, num_segments=N_NODES)
    enc1 = _dense(nodes, W_enc1, b_enc1)  # node_encoder_model1 (same layer)
    comm1 = agg1 + enc1
    nodes = _dense(comm1, W_node1, b_node1, act=jax.nn.relu)  # dropout = identity (inference)

    # CommNet block 2
    sent2 = jnp.take(nodes, senders, axis=0)
    edges2 = _dense(sent2, W_edge2, b_edge2, act=jax.nn.relu)
    agg2 = jax.ops.segment_sum(edges2, receivers, num_segments=N_NODES)
    enc2 = _dense(nodes, W_enc2, b_enc2, act=jax.nn.relu)
    comm2 = agg2 + enc2
    logits = _dense(comm2, W_node2, b_node2)

    # NodeGraphModel.call: gather last node of each graph (single graph -> last node)
    node_ids = jnp.array([N_NODES - 1], dtype=jnp.int32)
    return jnp.take(logits, node_ids, axis=0)

if __name__ == "__main__":
    import jax
    _d = setup_inputs()
    print(jax.jit(kernel)(*tuple(_d.values())))

</pallas_src>

<mosaic_0001>
#map = affine_map<(d0, d1) -> (0)>
#map1 = affine_map<(d0, d1) -> (0, 0)>
module attributes {stable_mosaic.version = 14 : i64} {
  func.func @_l23_body(%arg0: i32, %arg1: i32, %arg2: memref<1600000xi32, #tpu.memory_space<hbm>>, %arg3: memref<1600000xi32, #tpu.memory_space<hbm>>, %arg4: memref<50000x256xf32, #tpu.memory_space<hbm>>, %arg5: memref<16384xi32, #tpu.memory_space<hbm>>, %arg6: memref<512xi32, #tpu.memory_space<hbm>>, %arg7: memref<50000xi32, #tpu.memory_space<hbm>>, %arg8: memref<4352x256xf32, #tpu.memory_space<hbm>>, %arg9: memref<4352xi32, #tpu.memory_space<hbm>>, %arg10: memref<256xf32, #tpu.memory_space<hbm>>, %arg11: memref<16xi32, #tpu.memory_space<hbm>>, %arg12: memref<50000xi32, #tpu.memory_space<vmem>>, %arg13: memref<10000xi32, #tpu.memory_space<vmem>>, %arg14: memref<10000xi32, #tpu.memory_space<vmem>>, %arg15: memref<10000xi32, #tpu.memory_space<vmem>>, %arg16: memref<10000xi32, #tpu.memory_space<vmem>>, %arg17: memref<144xi32, #tpu.memory_space<vmem>>, %arg18: memref<144xi32, #tpu.memory_space<vmem>>, %arg19: memref<16xi32, #tpu.memory_space<vmem>>, %arg20: memref<16x256xf32, #tpu.memory_space<vmem>>, %arg21: memref<256xi32, #tpu.memory_space<vmem>>, %arg22: memref<256xf32, #tpu.memory_space<vmem>>, %arg23: memref<16384xi32, #tpu.memory_space<vmem>>, %arg24: memref<512xi32, #tpu.memory_space<vmem>>, %arg25: memref<16xi32, #tpu.memory_space<vmem>>, %arg26: memref<50000xi32, #tpu.memory_space<vmem_shared>>, %arg27: memref<16xi32, #tpu.memory_space<vmem_shared>>, %arg28: memref<!tpu.dma_semaphore, #tpu.memory_space<semaphore_mem>>, %arg29: memref<!tpu.dma_semaphore, #tpu.memory_space<semaphore_mem>>, %arg30: memref<!tpu.dma_semaphore, #tpu.memory_space<semaphore_mem>>, %arg31: memref<!tpu.dma_semaphore, #tpu.memory_space<semaphore_mem>>) attributes {dimension_semantics = [#tpu.dimension_semantics<core_parallel>, #tpu.dimension_semantics<subcore_parallel>], iteration_bounds = array<i64: 2, 16>, scalar_prefetch = 0 : i64, scratch_operands = 20 : i64, tpu.core_type = #tpu.core_type<sc_vector_subcore>, window_params = [{transform_indices = #map}, {transform_indices = #map}, {transform_indices = #map1}, {transform_indices = #map}, {transform_indices = #map}, {transform_indices = #map}, {transform_indices = #map1}, {transform_indices = #map}, {transform_indices = #map}, {transform_indices = #map}]} {
    %mul3A = arith.constant 16 : i32
    %mul3A_0 = arith.muli %arg0, %mul3A : i32
    %add3A = arith.addi %mul3A_0, %arg1 : i32
    %mul3A_1 = arith.constant 50000 : i32
    %mul3A_2 = arith.muli %add3A, %mul3A_1 : i32
    %iota3A = tpu.iota {dimensions = array<i32: 0>} : vector<16xi32>
    %eq3A = arith.constant 0 : i32
    %eq3A_3 = vector.broadcast %eq3A : i32 to vector<16xi32>
    %eq3A_4 = arith.cmpi eq, %iota3A, %eq3A_3 : vector<16xi32>
    %broadcast_in_dim3A = arith.constant 1.000000e+00 : f32
    %broadcast_in_dim3A_5 = vector.broadcast %broadcast_in_dim3A : f32 to vector<16xf32>
    %broadcast_in_dim3A_6 = arith.constant false
    %broadcast_in_dim3A_7 = vector.broadcast %broadcast_in_dim3A_6 : i1 to vector<16xi1>
    %dma_start3A = tpu.memref_slice %arg3[%mul3A_2] : memref<1600000xi32, #tpu.memory_space<hbm>> -> memref<10000xi32, #tpu.memory_space<hbm>>
    %dma_start3A_8 = tpu.memref_slice %arg3[%mul3A_2] : memref<1600000xi32, #tpu.memory_space<hbm>> -> memref<10000xi32, #tpu.memory_space<hbm>>
    tpu.enqueue_dma source(%dma_start3A_8 : memref<10000xi32, #tpu.memory_space<hbm>>) target(%arg13 : memref<10000xi32, #tpu.memory_space<vmem>>) target_semaphore(%arg28 : memref<!tpu.dma_semaphore, #tpu.memory_space<semaphore_mem>>)
    %dma_start3A_9 = tpu.memref_slice %arg2[%mul3A_2] : memref<1600000xi32, #tpu.memory_space<hbm>> -> memref<10000xi32, #tpu.memory_space<hbm>>
    %dma_start3A_10 = tpu.memref_slice %arg2[%mul3A_2] : memref<1600000xi32, #tpu.memory_space<hbm>> -> memref<10000xi32, #tpu.memory_space<hbm>>
    tpu.enqueue_dma source(%dma_start3A_10 : memref<10000xi32, #tpu.memory_space<hbm>>) target(%arg15 : memref<10000xi32, #tpu.memory_space<vmem>>) target_semaphore(%arg30 : memref<!tpu.dma_semaphore, #tpu.memory_space<semaphore_mem>>)
    %eq3A_11 = arith.constant 0 : i32
    %eq3A_12 = arith.cmpi eq, %arg1, %eq3A_11 : i32
    %convert_element_type3A = arith.extui %eq3A_12 : i1 to i32
    %cond3A = arith.constant 0 : i32
    %cond3A_13 = arith.cmpi ne, %convert_element_type3A, %cond3A : i32
    scf.if %cond3A_13 {
      "tpu.region"() ({
        %run_scoped3A = tpu.sem_alloc : memref<!tpu.dma_semaphore, #tpu.memory_space<semaphore_mem>>
        tpu.enqueue_dma source(%arg5 : memref<16384xi32, #tpu.memory_space<hbm>>) target(%arg23 : memref<16384xi32, #tpu.memory_space<vmem>>) target_semaphore(%run_scoped3A : memref<!tpu.dma_semaphore, #tpu.memory_space<semaphore_mem>>)
        tpu.wait_dma2 semaphore(%run_scoped3A : memref<!tpu.dma_semaphore, #tpu.memory_space<semaphore_mem>>) src(%arg5 : memref<16384xi32, #tpu.memory_space<hbm>>) dst(%arg23 : memref<16384xi32, #tpu.memory_space<vmem>>)
        tpu.yield
      }) : () -> ()
      "tpu.region"() ({
        %run_scoped3A = tpu.sem_alloc : memref<!tpu.dma_semaphore, #tpu.memory_space<semaphore_mem>>
        tpu.enqueue_dma source(%arg6 : memref<512xi32, #tpu.memory_space<hbm>>) target(%arg24 : memref<512xi32, #tpu.memory_space<vmem>>) target_semaphore(%run_scoped3A : memref<!tpu.dma_semaphore, #tpu.memory_space<semaphore_mem>>)
        tpu.wait_dma2 semaphore(%run_scoped3A : memref<!tpu.dma_semaphore, #tpu.memory_space<semaphore_mem>>) src(%arg6 : memref<512xi32, #tpu.memory_space<hbm>>) dst(%arg24 : memref<512xi32, #tpu.memory_space<vmem>>)
        tpu.yield
      }) : () -> ()
      "tpu.region"() ({
        %run_scoped3A = tpu.sem_alloc : memref<!tpu.dma_semaphore, #tpu.memory_space<semaphore_mem>>
        tpu.enqueue_dma source(%arg7 : memref<50000xi32, #tpu.memory_space<hbm>>) target(%arg12 : memref<50000xi32, #tpu.memory_space<vmem>>) target_semaphore(%run_scoped3A : memref<!tpu.dma_semaphore, #tpu.memory_space<semaphore_mem>>)
        tpu.wait_dma2 semaphore(%run_scoped3A : memref<!tpu.dma_semaphore, #tpu.memory_space<semaphore_mem>>) src(%arg7 : memref<50000xi32, #tpu.memory_space<hbm>>) dst(%arg12 : memref<50000xi32, #tpu.memory_space<vmem>>)
        tpu.yield
      }) : () -> ()
      %broadcast_in_dim3A_142 = arith.constant 0 : i32
      %broadcast_in_dim3A_143 = vector.broadcast %broadcast_in_dim3A_142 : i32 to vector<16xi32>
      %broadcast_in_dim3A_144 = arith.constant 0.000000e+00 : f32
      %broadcast_in_dim3A_145 = vector.broadcast %broadcast_in_dim3A_144 : f32 to vector<16xf32>
      %scan3A_146 = arith.constant 0 : i32
      %scan3A_147 = arith.constant 0 : i32
      %scan3A_148 = arith.constant 16 : i32
      %scan3A_149 = arith.addi %scan3A_147, %scan3A_148 : i32
      %scan3A_150 = arith.constant 1 : i32
      scf.for %scan3A_168 = %scan3A_147 to %scan3A_149 step %scan3A_150  : i32 {
        %mul3A_169 = arith.constant 16 : i32
        %mul3A_170 = arith.muli %scan3A_168, %mul3A_169 : i32
        %swap3A_171 = arith.index_cast %mul3A_170 : i32 to index
        %swap3A_172 = tpu.vector_load %arg21[%swap3A_171] {strides = array<i32>} : memref<256xi32, #tpu.memory_space<vmem>>, vector<16xi32>,
        tpu.vector_store %arg21[%swap3A_171], %broadcast_in_dim3A_143 {strides = array<i32>} : memref<256xi32, #tpu.memory_space<vmem>>, vector<16xi32>,
        %mul3A_173 = arith.constant 16 : i32
        %mul3A_174 = arith.muli %scan3A_168, %mul3A_173 : i32
        %swap3A_175 = arith.index_cast %mul3A_174 : i32 to index
        %swap3A_176 = tpu.vector_load %arg22[%swap3A_175] {strides = array<i32>} : memref<256xf32, #tpu.memory_space<vmem>>, vector<16xf32>,
        tpu.vector_store %arg22[%swap3A_175], %broadcast_in_dim3A_145 {strides = array<i32>} : memref<256xf32, #tpu.memory_space<vmem>>, vector<16xf32>,
      }
      %scan3A_151 = arith.constant 16 : i32
      %broadcast_in_dim3A_152 = arith.constant 49999 : i32
      %broadcast_in_dim3A_153 = vector.broadcast %broadcast_in_dim3A_152 : i32 to vector<16xi32>
      tpu.vector_store_idx %arg12[%broadcast_in_dim3A_153], %broadcast_in_dim3A_143 masked %eq3A_4 : memref<50000xi32, #tpu.memory_space<vmem>>[vector<16xi32>], vector<16xi32>, vector<16xi1>
      tpu.vector_store_idx %arg21[%broadcast_in_dim3A_143], %broadcast_in_dim3A_153 masked %eq3A_4 : memref<256xi32, #tpu.memory_space<vmem>>[vector<16xi32>], vector<16xi32>, vector<16xi1>
      %scan3A_154 = arith.constant 1 : i32
      %scan3A_155 = arith.constant 0 : i32
      %scan3A_156 = arith.constant 32 : i32
      %scan3A_157 = arith.addi %scan3A_155, %scan3A_156 : i32
      %scan3A_158 = arith.constant 1 : i32
      %scan3A_159 = scf.for %scan3A_168 = %scan3A_155 to %scan3A_157 step %scan3A_158 iter_args(%scan3A_169 = %scan3A_154) -> (i32)  : i32 {
        %mul3A_170 = arith.constant 16 : i32
        %mul3A_171 = arith.muli %scan3A_168, %mul3A_170 : i32
        %get3A_172 = arith.index_cast %mul3A_171 : i32 to index
        %get3A_173 = tpu.vector_load %arg24[%get3A_172] {strides = array<i32>} : memref<512xi32, #tpu.memory_space<vmem>>, vector<16xi32>,
        %slice3A_174 = vector.extract_strided_slice %get3A_173 {offsets = [0], sizes = [1], strides = [1]} : vector<16xi32> to vector<1xi32>
        %squeeze3A_175 = vector.extract %slice3A_174[0] : i32 from vector<1xi32>
        %while3A_176 = arith.constant 0 : i32
        %while3A_177 = arith.subi %squeeze3A_175, %while3A_176 : i32
        %while3A_178 = arith.addi %while3A_176, %while3A_177 : i32
        %while3A_179 = arith.constant 1 : i32
        %while3A_180 = arith.divsi %while3A_177, %while3A_179 : i32
        %while3A_181 = arith.muli %while3A_180, %while3A_179 : i32
        %while3A_182 = arith.addi %while3A_176, %while3A_181 : i32
        %while3A_183 = arith.constant 1 : i32
        %while3A_184 = scf.for %while3A_187 = %while3A_176 to %while3A_182 step %while3A_183 iter_args(%while3A_188 = %scan3A_169) -> (i32)  : i32 {
          %mul3A_189 = arith.constant 512 : i32
          %mul3A_190 = arith.muli %scan3A_168, %mul3A_189 : i32
          %add3A_191 = arith.addi %mul3A_190, %while3A_187 : i32
          %broadcast_in_dim3A_192 = vector.broadcast %add3A_191 : i32 to vector<16xi32>
          %gather3A = tpu.vector_load_idx %arg23[%broadcast_in_dim3A_192] : memref<16384xi32, #tpu.memory_space<vmem>>[vector<16xi32>], vector<16xi32>,
          %gather3A_193 = tpu.vector_load_idx %arg12[%gather3A] : memref<50000xi32, #tpu.memory_space<vmem>>[vector<16xi32>], vector<16xi32>,
          %slice3A_194 = vector.extract_strided_slice %gather3A_193 {offsets = [0], sizes = [1], strides = [1]} : vector<16xi32> to vector<1xi32>
          %squeeze3A_195 = vector.extract %slice3A_194[0] : i32 from vector<1xi32>
          %lt3A = arith.constant 0 : i32
          %lt3A_196 = arith.cmpi slt, %squeeze3A_195, %lt3A : i32
          %convert_element_type3A_197 = arith.extui %lt3A_196 : i1 to i32
          %cond3A_198 = arith.constant 0 : i32
          %cond3A_199 = arith.cmpi ne, %convert_element_type3A_197, %cond3A_198 : i32
          %cond3A_200 = scf.if %cond3A_199 -> (i32) {
            %lt3A_201 = arith.constant 256 : i32
            %lt3A_202 = arith.cmpi slt, %while3A_188, %lt3A_201 : i32
            %convert_element_type3A_203 = arith.extui %lt3A_202 : i1 to i32
            %cond3A_204 = arith.constant 0 : i32
            %cond3A_205 = arith.cmpi ne, %convert_element_type3A_203, %cond3A_204 : i32
            %cond3A_206 = scf.if %cond3A_205 -> (i32) {
              %broadcast_in_dim3A_207 = vector.broadcast %while3A_188 : i32 to vector<16xi32>
              tpu.vector_store_idx %arg12[%gather3A], %broadcast_in_dim3A_207 masked %eq3A_4 : memref<50000xi32, #tpu.memory_space<vmem>>[vector<16xi32>], vector<16xi32>, vector<16xi1>
              tpu.vector_store_idx %arg21[%broadcast_in_dim3A_207], %gather3A masked %eq3A_4 : memref<256xi32, #tpu.memory_space<vmem>>[vector<16xi32>], vector<16xi32>, vector<16xi1>
              tpu.vector_store_idx %arg22[%broadcast_in_dim3A_207], %broadcast_in_dim3A_5 masked %eq3A_4 {add = true} : memref<256xf32, #tpu.memory_space<vmem>>[vector<16xi32>], vector<16xf32>, vector<16xi1>
              %add3A_208 = arith.constant 1 : i32
              %add3A_209 = arith.addi %while3A_188, %add3A_208 : i32
              scf.yield %add3A_209 : i32
            } else {
              scf.yield %while3A_188 : i32
            }
            scf.yield %cond3A_206 : i32
          } else {
            tpu.vector_store_idx %arg22[%gather3A_193], %broadcast_in_dim3A_5 masked %eq3A_4 {add = true} : memref<256xf32, #tpu.memory_space<vmem>>[vector<16xi32>], vector<16xf32>, vector<16xi1>
            scf.yield %while3A_188 : i32
          }
          scf.yield %cond3A_200 : i32
        }
        %while3A_185 = arith.constant 1 : i32
        %while3A_186 = scf.for %while3A_187 = %while3A_182 to %while3A_178 step %while3A_185 iter_args(%while3A_188 = %while3A_184) -> (i32)  : i32 {
          %mul3A_189 = arith.constant 512 : i32
          %mul3A_190 = arith.muli %scan3A_168, %mul3A_189 : i32
          %add3A_191 = arith.addi %mul3A_190, %while3A_187 : i32
          %broadcast_in_dim3A_192 = vector.broadcast %add3A_191 : i32 to vector<16xi32>
          %gather3A = tpu.vector_load_idx %arg23[%broadcast_in_dim3A_192] : memref<16384xi32, #tpu.memory_space<vmem>>[vector<16xi32>], vector<16xi32>,
          %gather3A_193 = tpu.vector_load_idx %arg12[%gather3A] : memref<50000xi32, #tpu.memory_space<vmem>>[vector<16xi32>], vector<16xi32>,
          %slice3A_194 = vector.extract_strided_slice %gather3A_193 {offsets = [0], sizes = [1], strides = [1]} : vector<16xi32> to vector<1xi32>
          %squeeze3A_195 = vector.extract %slice3A_194[0] : i32 from vector<1xi32>
          %lt3A = arith.constant 0 : i32
          %lt3A_196 = arith.cmpi slt, %squeeze3A_195, %lt3A : i32
          %convert_element_type3A_197 = arith.extui %lt3A_196 : i1 to i32
          %cond3A_198 = arith.constant 0 : i32
          %cond3A_199 = arith.cmpi ne, %convert_element_type3A_197, %cond3A_198 : i32
          %cond3A_200 = scf.if %cond3A_199 -> (i32) {
            %lt3A_201 = arith.constant 256 : i32
            %lt3A_202 = arith.cmpi slt, %while3A_188, %lt3A_201 : i32
            %convert_element_type3A_203 = arith.extui %lt3A_202 : i1 to i32
            %cond3A_204 = arith.constant 0 : i32
            %cond3A_205 = arith.cmpi ne, %convert_element_type3A_203, %cond3A_204 : i32
            %cond3A_206 = scf.if %cond3A_205 -> (i32) {
              %broadcast_in_dim3A_207 = vector.broadcast %while3A_188 : i32 to vector<16xi32>
              tpu.vector_store_idx %arg12[%gather3A], %broadcast_in_dim3A_207 masked %eq3A_4 : memref<50000xi32, #tpu.memory_space<vmem>>[vector<16xi32>], vector<16xi32>, vector<16xi1>
              tpu.vector_store_idx %arg21[%broadcast_in_dim3A_207], %gather3A masked %eq3A_4 : memref<256xi32, #tpu.memory_space<vmem>>[vector<16xi32>], vector<16xi32>, vector<16xi1>
              tpu.vector_store_idx %arg22[%broadcast_in_dim3A_207], %broadcast_in_dim3A_5 masked %eq3A_4 {add = true} : memref<256xf32, #tpu.memory_space<vmem>>[vector<16xi32>], vector<16xf32>, vector<16xi1>
              %add3A_208 = arith.constant 1 : i32
              %add3A_209 = arith.addi %while3A_188, %add3A_208 : i32
              scf.yield %add3A_209 : i32
            } else {
              scf.yield %while3A_188 : i32
            }
            scf.yield %cond3A_206 : i32
          } else {
            tpu.vector_store_idx %arg22[%gather3A_193], %broadcast_in_dim3A_5 masked %eq3A_4 {add = true} : memref<256xf32, #tpu.memory_space<vmem>>[vector<16xi32>], vector<16xf32>, vector<16xi1>
            scf.yield %while3A_188 : i32
          }
          scf.yield %cond3A_200 : i32
        }
        scf.yield %while3A_186 : i32
      }
      %scan3A_160 = arith.constant 32 : i32
      "tpu.region"() ({
        %run_scoped3A = tpu.sem_alloc : memref<!tpu.dma_semaphore, #tpu.memory_space<semaphore_mem>>
        tpu.enqueue_dma source(%arg12 : memref<50000xi32, #tpu.memory_space<vmem>>) target(%arg26 : memref<50000xi32, #tpu.memory_space<vmem_shared>>) target_semaphore(%run_scoped3A : memref<!tpu.dma_semaphore, #tpu.memory_space<semaphore_mem>>)
        tpu.wait_dma2 semaphore(%run_scoped3A : memref<!tpu.dma_semaphore, #tpu.memory_space<semaphore_mem>>) src(%arg12 : memref<50000xi32, #tpu.memory_space<vmem>>) dst(%arg26 : memref<50000xi32, #tpu.memory_space<vmem_shared>>)
        tpu.yield
      }) : () -> ()
      %broadcast_in_dim3A_161 = vector.broadcast %scan3A_159 : i32 to vector<16xi32>
      %swap3A = arith.constant 0 : index
      %swap3A_162 = tpu.vector_load %arg25[%swap3A] {strides = array<i32>} : memref<16xi32, #tpu.memory_space<vmem>>, vector<16xi32>,
      tpu.vector_store %arg25[%swap3A], %broadcast_in_dim3A_161 {strides = array<i32>} : memref<16xi32, #tpu.memory_space<vmem>>, vector<16xi32>,
      "tpu.region"() ({
        %run_scoped3A = tpu.sem_alloc : memref<!tpu.dma_semaphore, #tpu.memory_space<semaphore_mem>>
        tpu.enqueue_dma source(%arg25 : memref<16xi32, #tpu.memory_space<vmem>>) target(%arg27 : memref<16xi32, #tpu.memory_space<vmem_shared>>) target_semaphore(%run_scoped3A : memref<!tpu.dma_semaphore, #tpu.memory_space<semaphore_mem>>)
        tpu.wait_dma2 semaphore(%run_scoped3A : memref<!tpu.dma_semaphore, #tpu.memory_space<semaphore_mem>>) src(%arg25 : memref<16xi32, #tpu.memory_space<vmem>>) dst(%arg27 : memref<16xi32, #tpu.memory_space<vmem_shared>>)
        tpu.yield
      }) : () -> ()
      %eq3A_163 = arith.constant 0 : i32
      %eq3A_164 = arith.cmpi eq, %arg0, %eq3A_163 : i32
      %convert_element_type3A_165 = arith.extui %eq3A_164 : i1 to i32
      %cond3A_166 = arith.constant 0 : i32
      %cond3A_167 = arith.cmpi ne, %convert_element_type3A_165, %cond3A_166 : i32
      scf.if %cond3A_167 {
        "tpu.region"() ({
          %run_scoped3A = tpu.sem_alloc : memref<!tpu.dma_semaphore, #tpu.memory_space<semaphore_mem>>
          tpu.enqueue_dma source(%arg22 : memref<256xf32, #tpu.memory_space<vmem>>) target(%arg10 : memref<256xf32, #tpu.memory_space<hbm>>) target_semaphore(%run_scoped3A : memref<!tpu.dma_semaphore, #tpu.memory_space<semaphore_mem>>)
          tpu.wait_dma2 semaphore(%run_scoped3A : memref<!tpu.dma_semaphore, #tpu.memory_space<semaphore_mem>>) src(%arg22 : memref<256xf32, #tpu.memory_space<vmem>>) dst(%arg10 : memref<256xf32, #tpu.memory_space<hbm>>)
          tpu.yield
        }) : () -> ()
        "tpu.region"() ({
          %run_scoped3A = tpu.sem_alloc : memref<!tpu.dma_semaphore, #tpu.memory_space<semaphore_mem>>
          tpu.enqueue_dma source(%arg25 : memref<16xi32, #tpu.memory_space<vmem>>) target(%arg11 : memref<16xi32, #tpu.memory_space<hbm>>) target_semaphore(%run_scoped3A : memref<!tpu.dma_semaphore, #tpu.memory_space<semaphore_mem>>)
          tpu.wait_dma2 semaphore(%run_scoped3A : memref<!tpu.dma_semaphore, #tpu.memory_space<semaphore_mem>>) src(%arg25 : memref<16xi32, #tpu.memory_space<vmem>>) dst(%arg11 : memref<16xi32, #tpu.memory_space<hbm>>)
          tpu.yield
        }) : () -> ()
      } else {
      }
    } else {
    }
    %barrier3A = arith.constant 0 : index
    tpu.barrier barrier_id(%barrier3A)
    %ne3A = arith.constant 0 : i32
    %ne3A_14 = arith.cmpi ne, %arg1, %ne3A : i32
    %convert_element_type3A_15 = arith.extui %ne3A_14 : i1 to i32
    %cond3A_16 = arith.constant 0 : i32
    %cond3A_17 = arith.cmpi ne, %convert_element_type3A_15, %cond3A_16 : i32
    scf.if %cond3A_17 {
      "tpu.region"() ({
        %run_scoped3A = tpu.sem_alloc : memref<!tpu.dma_semaphore, #tpu.memory_space<semaphore_mem>>
        tpu.enqueue_dma source(%arg26 : memref<50000xi32, #tpu.memory_space<vmem_shared>>) target(%arg12 : memref<50000xi32, #tpu.memory_space<vmem>>) target_semaphore(%run_scoped3A : memref<!tpu.dma_semaphore, #tpu.memory_space<semaphore_mem>>)
        tpu.wait_dma2 semaphore(%run_scoped3A : memref<!tpu.dma_semaphore, #tpu.memory_space<semaphore_mem>>) src(%arg26 : memref<50000xi32, #tpu.memory_space<vmem_shared>>) dst(%arg12 : memref<50000xi32, #tpu.memory_space<vmem>>)
        tpu.yield
      }) : () -> ()
    } else {
    }
    "tpu.region"() ({
      %run_scoped3A = tpu.sem_alloc : memref<!tpu.dma_semaphore, #tpu.memory_space<semaphore_mem>>
      tpu.enqueue_dma source(%arg27 : memref<16xi32, #tpu.memory_space<vmem_shared>>) target(%arg25 : memref<16xi32, #tpu.memory_space<vmem>>) target_semaphore(%run_scoped3A : memref<!tpu.dma_semaphore, #tpu.memory_space<semaphore_mem>>)
      tpu.wait_dma2 semaphore(%run_scoped3A : memref<!tpu.dma_semaphore, #tpu.memory_space<semaphore_mem>>) src(%arg27 : memref<16xi32, #tpu.memory_space<vmem_shared>>) dst(%arg25 : memref<16xi32, #tpu.memory_space<vmem>>)
      tpu.yield
    }) : () -> ()
    %get3A = arith.constant 0 : index
    %get3A_18 = tpu.vector_load %arg25[%get3A] {strides = array<i32>} : memref<16xi32, #tpu.memory_space<vmem>>, vector<16xi32>,
    %slice3A = vector.extract_strided_slice %get3A_18 {offsets = [0], sizes = [1], strides = [1]} : vector<16xi32> to vector<1xi32>
    %squeeze3A = vector.extract %slice3A[0] : i32 from vector<1xi32>
    %broadcast_in_dim3A_19 = arith.constant 256 : i32
    %broadcast_in_dim3A_20 = vector.broadcast %broadcast_in_dim3A_19 : i32 to vector<16xi32>
    %broadcast_in_dim3A_21 = arith.constant 0 : i32
    %broadcast_in_dim3A_22 = vector.broadcast %broadcast_in_dim3A_21 : i32 to vector<16xi32>
    %scan3A = arith.constant 0 : i32
    %scan3A_23 = arith.constant 0 : i32
    %scan3A_24 = arith.constant 9 : i32
    %scan3A_25 = arith.addi %scan3A_23, %scan3A_24 : i32
    %scan3A_26 = arith.constant 1 : i32
    scf.for %scan3A_142 = %scan3A_23 to %scan3A_25 step %scan3A_26  : i32 {
      %mul3A_143 = arith.constant 16 : i32
      %mul3A_144 = arith.muli %scan3A_142, %mul3A_143 : i32
      %swap3A = arith.index_cast %mul3A_144 : i32 to index
      %swap3A_145 = tpu.vector_load %arg17[%swap3A] {strides = array<i32>} : memref<144xi32, #tpu.memory_space<vmem>>, vector<16xi32>,
      tpu.vector_store %arg17[%swap3A], %broadcast_in_dim3A_20 {strides = array<i32>} : memref<144xi32, #tpu.memory_space<vmem>>, vector<16xi32>,
      %mul3A_146 = arith.constant 16 : i32
      %mul3A_147 = arith.muli %scan3A_142, %mul3A_146 : i32
      %swap3A_148 = arith.index_cast %mul3A_147 : i32 to index
      %swap3A_149 = tpu.vector_load %arg18[%swap3A_148] {strides = array<i32>} : memref<144xi32, #tpu.memory_space<vmem>>, vector<16xi32>,
      tpu.vector_store %arg18[%swap3A_148], %broadcast_in_dim3A_22 {strides = array<i32>} : memref<144xi32, #tpu.memory_space<vmem>>, vector<16xi32>,
    }
    %scan3A_27 = arith.constant 9 : i32
    %dma_wait3A = tpu.memref_slice %arg3[%mul3A_2] : memref<1600000xi32, #tpu.memory_space<hbm>> -> memref<10000xi32, #tpu.memory_space<hbm>>
    %dma_wait3A_28 = tpu.memref_slice %arg3[%mul3A_2] : memref<1600000xi32, #tpu.memory_space<hbm>> -> memref<10000xi32, #tpu.memory_space<hbm>>
    tpu.wait_dma2 semaphore(%arg28 : memref<!tpu.dma_semaphore, #tpu.memory_space<semaphore_mem>>) src(%dma_wait3A_28 : memref<10000xi32, #tpu.memory_space<hbm>>) dst(%arg13 : memref<10000xi32, #tpu.memory_space<vmem>>)
    %dma_wait3A_29 = tpu.memref_slice %arg2[%mul3A_2] : memref<1600000xi32, #tpu.memory_space<hbm>> -> memref<10000xi32, #tpu.memory_space<hbm>>
    %dma_wait3A_30 = tpu.memref_slice %arg2[%mul3A_2] : memref<1600000xi32, #tpu.memory_space<hbm>> -> memref<10000xi32, #tpu.memory_space<hbm>>
    tpu.wait_dma2 semaphore(%arg30 : memref<!tpu.dma_semaphore, #tpu.memory_space<semaphore_mem>>) src(%dma_wait3A_30 : memref<10000xi32, #tpu.memory_space<hbm>>) dst(%arg15 : memref<10000xi32, #tpu.memory_space<vmem>>)
    %add3A_31 = arith.constant 10000 : i32
    %add3A_32 = arith.addi %mul3A_2, %add3A_31 : i32
    %dma_start3A_33 = tpu.memref_slice %arg3[%add3A_32] : memref<1600000xi32, #tpu.memory_space<hbm>> -> memref<10000xi32, #tpu.memory_space<hbm>>
    %dma_start3A_34 = tpu.memref_slice %arg3[%add3A_32] : memref<1600000xi32, #tpu.memory_space<hbm>> -> memref<10000xi32, #tpu.memory_space<hbm>>
    tpu.enqueue_dma source(%dma_start3A_34 : memref<10000xi32, #tpu.memory_space<hbm>>) target(%arg14 : memref<10000xi32, #tpu.memory_space<vmem>>) target_semaphore(%arg29 : memref<!tpu.dma_semaphore, #tpu.memory_space<semaphore_mem>>)
    %dma_start3A_35 = tpu.memref_slice %arg2[%add3A_32] : memref<1600000xi32, #tpu.memory_space<hbm>> -> memref<10000xi32, #tpu.memory_space<hbm>>
    %dma_start3A_36 = tpu.memref_slice %arg2[%add3A_32] : memref<1600000xi32, #tpu.memory_space<hbm>> -> memref<10000xi32, #tpu.memory_space<hbm>>
    tpu.enqueue_dma source(%dma_start3A_36 : memref<10000xi32, #tpu.memory_space<hbm>>) target(%arg16 : memref<10000xi32, #tpu.memory_space<vmem>>) target_semaphore(%arg31 : memref<!tpu.dma_semaphore, #tpu.memory_space<semaphore_mem>>)
    %scan3A_37 = arith.constant 0 : i32
    %scan3A_38 = arith.constant 0 : i32
    %scan3A_39 = arith.constant 25 : i32
    %scan3A_40 = arith.addi %scan3A_38, %scan3A_39 : i32
    %scan3A_41 = arith.constant 1 : i32
    %scan3A_42 = scf.for %scan3A_142 = %scan3A_38 to %scan3A_40 step %scan3A_41 iter_args(%scan3A_143 = %scan3A_37) -> (i32)  : i32 {
      %mul3A_144 = arith.constant 25 : i32
      %mul3A_145 = arith.muli %scan3A_142, %mul3A_144 : i32
      %add3A_146 = arith.constant 0 : i32
      %add3A_147 = arith.addi %mul3A_145, %add3A_146 : i32
      %mul3A_148 = arith.constant 16 : i32
      %mul3A_149 = arith.muli %add3A_147, %mul3A_148 : i32
      %get3A_150 = arith.index_cast %mul3A_149 : i32 to index
      %get3A_151 = tpu.vector_load %arg13[%get3A_150] {strides = array<i32>} : memref<10000xi32, #tpu.memory_space<vmem>>, vector<16xi32>,
      %gather3A = tpu.vector_load_idx %arg12[%get3A_151] : memref<50000xi32, #tpu.memory_space<vmem>>[vector<16xi32>], vector<16xi32>,
      %ge3A = arith.constant 0 : i32
      %ge3A_152 = vector.broadcast %ge3A : i32 to vector<16xi32>
      %ge3A_153 = arith.cmpi sge, %gather3A, %ge3A_152 : vector<16xi32>
      %or3A = arith.ori %broadcast_in_dim3A_7, %ge3A_153 : vector<16xi1>
      %mul3A_154 = arith.constant 25 : i32
      %mul3A_155 = arith.muli %scan3A_142, %mul3A_154 : i32
      %add3A_156 = arith.constant 1 : i32
      %add3A_157 = arith.addi %mul3A_155, %add3A_156 : i32
      %mul3A_158 = arith.constant 16 : i32
      %mul3A_159 = arith.muli %add3A_157, %mul3A_158 : i32
      %get3A_160 = arith.index_cast %mul3A_159 : i32 to index
      %get3A_161 = tpu.vector_load %arg13[%get3A_160] {strides = array<i32>} : memref<10000xi32, #tpu.memory_space<vmem>>, vector<16xi32>,
      %gather3A_162 = tpu.vector_load_idx %arg12[%get3A_161] : memref<50000xi32, #tpu.memory_space<vmem>>[vector<16xi32>], vector<16xi32>,
      %ge3A_163 = arith.constant 0 : i32
      %ge3A_164 = vector.broadcast %ge3A_163 : i32 to vector<16xi32>
      %ge3A_165 = arith.cmpi sge, %gather3A_162, %ge3A_164 : vector<16xi32>
      %or3A_166 = arith.ori %or3A, %ge3A_165 : vector<16xi1>
      %mul3A_167 = arith.constant 25 : i32
      %mul3A_168 = arith.muli %scan3A_142, %mul3A_167 : i32
      %add3A_169 = arith.constant 2 : i32
      %add3A_170 = arith.addi %mul3A_168, %add3A_169 : i32
      %mul3A_171 = arith.constant 16 : i32
      %mul3A_172 = arith.muli %add3A_170, %mul3A_171 : i32
      %get3A_173 = arith.index_cast %mul3A_172 : i32 to index
      %get3A_174 = tpu.vector_load %arg13[%get3A_173] {strides = array<i32>} : memref<10000xi32, #tpu.memory_space<vmem>>, vector<16xi32>,
      %gather3A_175 = tpu.vector_load_idx %arg12[%get3A_174] : memref<50000xi32, #tpu.memory_space<vmem>>[vector<16xi32>], vector<16xi32>,
      %ge3A_176 = arith.constant 0 : i32
      %ge3A_177 = vector.broadcast %ge3A_176 : i32 to vector<16xi32>
      %ge3A_178 = arith.cmpi sge, %gather3A_175, %ge3A_177 : vector<16xi32>
      %or3A_179 = arith.ori %or3A_166, %ge3A_178 : vector<16xi1>
      %mul3A_180 = arith.constant 25 : i32
      %mul3A_181 = arith.muli %scan3A_142, %mul3A_180 : i32
      %add3A_182 = arith.constant 3 : i32
      %add3A_183 = arith.addi %mul3A_181, %add3A_182 : i32
      %mul3A_184 = arith.constant 16 : i32
      %mul3A_185 = arith.muli %add3A_183, %mul3A_184 : i32
      %get3A_186 = arith.index_cast %mul3A_185 : i32 to index
      %get3A_187 = tpu.vector_load %arg13[%get3A_186] {strides = array<i32>} : memref<10000xi32, #tpu.memory_space<vmem>>, vector<16xi32>,
      %gather3A_188 = tpu.vector_load_idx %arg12[%get3A_187] : memref<50000xi32, #tpu.memory_space<vmem>>[vector<16xi32>], vector<16xi32>,
      %ge3A_189 = arith.constant 0 : i32
      %ge3A_190 = vector.broadcast %ge3A_189 : i32 to vector<16xi32>
      %ge3A_191 = arith.cmpi sge, %gather3A_188, %ge3A_190 : vector<16xi32>
      %or3A_192 = arith.ori %or3A_179, %ge3A_191 : vector<16xi1>
      %mul3A_193 = arith.constant 25 : i32
      %mul3A_194 = arith.muli %scan3A_142, %mul3A_193 : i32
      %add3A_195 = arith.constant 4 : i32
      %add3A_196 = arith.addi %mul3A_194, %add3A_195 : i32
      %mul3A_197 = arith.constant 16 : i32
      %mul3A_198 = arith.muli %add3A_196, %mul3A_197 : i32
      %get3A_199 = arith.index_cast %mul3A_198 : i32 to index
      %get3A_200 = tpu.vector_load %arg13[%get3A_199] {strides = array<i32>} : memref<10000xi32, #tpu.memory_space<vmem>>, vector<16xi32>,
      %gather3A_201 = tpu.vector_load_idx %arg12[%get3A_200] : memref<50000xi32, #tpu.memory_space<vmem>>[vector<16xi32>], vector<16xi32>,
      %ge3A_202 = arith.constant 0 : i32
      %ge3A_203 = vector.broadcast %ge3A_202 : i32 to vector<16xi32>
      %ge3A_204 = arith.cmpi sge, %gather3A_201, %ge3A_203 : vector<16xi32>
      %or3A_205 = arith.ori %or3A_192, %ge3A_204 : vector<16xi1>
      %mul3A_206 = arith.constant 25 : i32
      %mul3A_207 = arith.muli %scan3A_142, %mul3A_206 : i32
      %add3A_208 = arith.constant 5 : i32
      %add3A_209 = arith.addi %mul3A_207, %add3A_208 : i32
      %mul3A_210 = arith.constant 16 : i32
      %mul3A_211 = arith.muli %add3A_209, %mul3A_210 : i32
      %get3A_212 = arith.index_cast %mul3A_211 : i32 to index
      %get3A_213 = tpu.vector_load %arg13[%get3A_212] {strides = array<i32>} : memref<10000xi32, #tpu.memory_space<vmem>>, vector<16xi32>,
      %gather3A_214 = tpu.vector_load_idx %arg12[%get3A_213] : memref<50000xi32, #tpu.memory_space<vmem>>[vector<16xi32>], vector<16xi32>,
      %ge3A_215 = arith.constant 0 : i32
      %ge3A_216 = vector.broadcast %ge3A_215 : i32 to vector<16xi32>
      %ge3A_217 = arith.cmpi sge, %gather3A_214, %ge3A_216 : vector<16xi32>
      %or3A_218 = arith.ori %or3A_205, %ge3A_217 : vector<16xi1>
      %mul3A_219 = arith.constant 25 : i32
      %mul3A_220 = arith.muli %scan3A_142, %mul3A_219 : i32
      %add3A_221 = arith.constant 6 : i32
      %add3A_222 = arith.addi %mul3A_220, %add3A_221 : i32
      %mul3A_223 = arith.constant 16 : i32
      %mul3A_224 = arith.muli %add3A_222, %mul3A_223 : i32
      %get3A_225 = arith.index_cast %mul3A_224 : i32 to index
      %get3A_226 = tpu.vector_load %arg13[%get3A_225] {strides = array<i32>} : memref<10000xi32, #tpu.memory_space<vmem>>, vector<16xi32>,
      %gather3A_227 = tpu.vector_load_idx %arg12[%get3A_226] : memref<50000xi32, #tpu.memory_space<vmem>>[vector<16xi32>], vector<16xi32>,
      %ge3A_228 = arith.constant 0 : i32
      %ge3A_229 = vector.broadcast %ge3A_228 : i32 to vector<16xi32>
      %ge3A_230 = arith.cmpi sge, %gather3A_227, %ge3A_229 : vector<16xi32>
      %or3A_231 = arith.ori %or3A_218, %ge3A_230 : vector<16xi1>
      %mul3A_232 = arith.constant 25 : i32
      %mul3A_233 = arith.muli %scan3A_142, %mul3A_232 : i32
      %add3A_234 = arith.constant 7 : i32
      %add3A_235 = arith.addi %mul3A_233, %add3A_234 : i32
      %mul3A_236 = arith.constant 16 : i32
      %mul3A_237 = arith.muli %add3A_235, %mul3A_236 : i32
      %get3A_238 = arith.index_cast %mul3A_237 : i32 to index
      %get3A_239 = tpu.vector_load %arg13[%get3A_238] {strides = array<i32>} : memref<10000xi32, #tpu.memory_space<vmem>>, vector<16xi32>,
      %gather3A_240 = tpu.vector_load_idx %arg12[%get3A_239] : memref<50000xi32, #tpu.memory_space<vmem>>[vector<16xi32>], vector<16xi32>,
      %ge3A_241 = arith.constant 0 : i32
      %ge3A_242 = vector.broadcast %ge3A_241 : i32 to vector<16xi32>
      %ge3A_243 = arith.cmpi sge, %gather3A_240, %ge3A_242 : vector<16xi32>
      %or3A_244 = arith.ori %or3A_231, %ge3A_243 : vector<16xi1>
      %mul3A_245 = arith.constant 25 : i32
      %mul3A_246 = arith.muli %scan3A_142, %mul3A_245 : i32
      %add3A_247 = arith.constant 8 : i32
      %add3A_248 = arith.addi %mul3A_246, %add3A_247 : i32
      %mul3A_249 = arith.constant 16 : i32
      %mul3A_250 = arith.muli %add3A_248, %mul3A_249 : i32
      %get3A_251 = arith.index_cast %mul3A_250 : i32 to index
      %get3A_252 = tpu.vector_load %arg13[%get3A_251] {strides = array<i32>} : memref<10000xi32, #tpu.memory_space<vmem>>, vector<16xi32>,
      %gather3A_253 = tpu.vector_load_idx %arg12[%get3A_252] : memref<50000xi32, #tpu.memory_space<vmem>>[vector<16xi32>], vector<16xi32>,
      %ge3A_254 = arith.constant 0 : i32
      %ge3A_255 = vector.broadcast %ge3A_254 : i32 to vector<16xi32>
      %ge3A_256 = arith.cmpi sge, %gather3A_253, %ge3A_255 : vector<16xi32>
      %or3A_257 = arith.ori %or3A_244, %ge3A_256 : vector<16xi1>
      %mul3A_258 = arith.constant 25 : i32
      %mul3A_259 = arith.muli %scan3A_142, %mul3A_258 : i32
      %add3A_260 = arith.constant 9 : i32
      %add3A_261 = arith.addi %mul3A_259, %add3A_260 : i32
      %mul3A_262 = arith.constant 16 : i32
      %mul3A_263 = arith.muli %add3A_261, %mul3A_262 : i32
      %get3A_264 = arith.index_cast %mul3A_263 : i32 to index
      %get3A_265 = tpu.vector_load %arg13[%get3A_264] {strides = array<i32>} : memref<10000xi32, #tpu.memory_space<vmem>>, vector<16xi32>,
      %gather3A_266 = tpu.vector_load_idx %arg12[%get3A_265] : memref<50000xi32, #tpu.memory_space<vmem>>[vector<16xi32>], vector<16xi32>,
      %ge3A_267 = arith.constant 0 : i32
      %ge3A_268 = vector.broadcast %ge3A_267 : i32 to vector<16xi32>
      %ge3A_269 = arith.cmpi sge, %gather3A_266, %ge3A_268 : vector<16xi32>
      %or3A_270 = arith.ori %or3A_257, %ge3A_269 : vector<16xi1>
      %mul3A_271 = arith.constant 25 : i32
      %mul3A_272 = arith.muli %scan3A_142, %mul3A_271 : i32
      %add3A_273 = arith.constant 10 : i32
      %add3A_274 = arith.addi %mul3A_272, %add3A_273 : i32
      %mul3A_275 = arith.constant 16 : i32
      %mul3A_276 = arith.muli %add3A_274, %mul3A_275 : i32
      %get3A_277 = arith.index_cast %mul3A_276 : i32 to index
      %get3A_278 = tpu.vector_load %arg13[%get3A_277] {strides = array<i32>} : memref<10000xi32, #tpu.memory_space<vmem>>, vector<16xi32>,
      %gather3A_279 = tpu.vector_load_idx %arg12[%get3A_278] : memref<50000xi32, #tpu.memory_space<vmem>>[vector<16xi32>], vector<16xi32>,
      %ge3A_280 = arith.constant 0 : i32
      %ge3A_281 = vector.broadcast %ge3A_280 : i32 to vector<16xi32>
      %ge3A_282 = arith.cmpi sge, %gather3A_279, %ge3A_281 : vector<16xi32>
      %or3A_283 = arith.ori %or3A_270, %ge3A_282 : vector<16xi1>
      %mul3A_284 = arith.constant 25 : i32
      %mul3A_285 = arith.muli %scan3A_142, %mul3A_284 : i32
      %add3A_286 = arith.constant 11 : i32
      %add3A_287 = arith.addi %mul3A_285, %add3A_286 : i32
      %mul3A_288 = arith.constant 16 : i32
      %mul3A_289 = arith.muli %add3A_287, %mul3A_288 : i32
      %get3A_290 = arith.index_cast %mul3A_289 : i32 to index
      %get3A_291 = tpu.vector_load %arg13[%get3A_290] {strides = array<i32>} : memref<10000xi32, #tpu.memory_space<vmem>>, vector<16xi32>,
      %gather3A_292 = tpu.vector_load_idx %arg12[%get3A_291] : memref<50000xi32, #tpu.memory_space<vmem>>[vector<16xi32>], vector<16xi32>,
      %ge3A_293 = arith.constant 0 : i32
      %ge3A_294 = vector.broadcast %ge3A_293 : i32 to vector<16xi32>
      %ge3A_295 = arith.cmpi sge, %gather3A_292, %ge3A_294 : vector<16xi32>
      %or3A_296 = arith.ori %or3A_283, %ge3A_295 : vector<16xi1>
      %mul3A_297 = arith.constant 25 : i32
      %mul3A_298 = arith.muli %scan3A_142, %mul3A_297 : i32
      %add3A_299 = arith.constant 12 : i32
      %add3A_300 = arith.addi %mul3A_298, %add3A_299 : i32
      %mul3A_301 = arith.constant 16 : i32
      %mul3A_302 = arith.muli %add3A_300, %mul3A_301 : i32
      %get3A_303 = arith.index_cast %mul3A_302 : i32 to index
      %get3A_304 = tpu.vector_load %arg13[%get3A_303] {strides = array<i32>} : memref<10000xi32, #tpu.memory_space<vmem>>, vector<16xi32>,
      %gather3A_305 = tpu.vector_load_idx %arg12[%get3A_304] : memref<50000xi32, #tpu.memory_space<vmem>>[vector<16xi32>], vector<16xi32>,
      %ge3A_306 = arith.constant 0 : i32
      %ge3A_307 = vector.broadcast %ge3A_306 : i32 to vector<16xi32>
      %ge3A_308 = arith.cmpi sge, %gather3A_305, %ge3A_307 : vector<16xi32>
      %or3A_309 = arith.ori %or3A_296, %ge3A_308 : vector<16xi1>
      %mul3A_310 = arith.constant 25 : i32
      %mul3A_311 = arith.muli %scan3A_142, %mul3A_310 : i32
      %add3A_312 = arith.constant 13 : i32
      %add3A_313 = arith.addi %mul3A_311, %add3A_312 : i32
      %mul3A_314 = arith.constant 16 : i32
      %mul3A_315 = arith.muli %add3A_313, %mul3A_314 : i32
      %get3A_316 = arith.index_cast %mul3A_315 : i32 to index
      %get3A_317 = tpu.vector_load %arg13[%get3A_316] {strides = array<i32>} : memref<10000xi32, #tpu.memory_space<vmem>>, vector<16xi32>,
      %gather3A_318 = tpu.vector_load_idx %arg12[%get3A_317] : memref<50000xi32, #tpu.memory_space<vmem>>[vector<16xi32>], vector<16xi32>,
      %ge3A_319 = arith.constant 0 : i32
      %ge3A_320 = vector.broadcast %ge3A_319 : i32 to vector<16xi32>
      %ge3A_321 = arith.cmpi sge, %gather3A_318, %ge3A_320 : vector<16xi32>
      %or3A_322 = arith.ori %or3A_309, %ge3A_321 : vector<16xi1>
      %mul3A_323 = arith.constant 25 : i32
      %mul3A_324 = arith.muli %scan3A_142, %mul3A_323 : i32
      %add3A_325 = arith.constant 14 : i32
      %add3A_326 = arith.addi %mul3A_324, %add3A_325 : i32
      %mul3A_327 = arith.constant 16 : i32
      %mul3A_328 = arith.muli %add3A_326, %mul3A_327 : i32
      %get3A_329 = arith.index_cast %mul3A_328 : i32 to index
      %get3A_330 = tpu.vector_load %arg13[%get3A_329] {strides = array<i32>} : memref<10000xi32, #tpu.memory_space<vmem>>, vector<16xi32>,
      %gather3A_331 = tpu.vector_load_idx %arg12[%get3A_330] : memref<50000xi32, #tpu.memory_space<vmem>>[vector<16xi32>], vector<16xi32>,
      %ge3A_332 = arith.constant 0 : i32
      %ge3A_333 = vector.broadcast %ge3A_332 : i32 to vector<16xi32>
      %ge3A_334 = arith.cmpi sge, %gather3A_331, %ge3A_333 : vector<16xi32>
      %or3A_335 = arith.ori %or3A_322, %ge3A_334 : vector<16xi1>
      %mul3A_336 = arith.constant 25 : i32
      %mul3A_337 = arith.muli %scan3A_142, %mul3A_336 : i32
      %add3A_338 = arith.constant 15 : i32
      %add3A_339 = arith.addi %mul3A_337, %add3A_338 : i32
      %mul3A_340 = arith.constant 16 : i32
      %mul3A_341 = arith.muli %add3A_339, %mul3A_340 : i32
      %get3A_342 = arith.index_cast %mul3A_341 : i32 to index
      %get3A_343 = tpu.vector_load %arg13[%get3A_342] {strides = array<i32>} : memref<10000xi32, #tpu.memory_space<vmem>>, vector<16xi32>,
      %gather3A_344 = tpu.vector_load_idx %arg12[%get3A_343] : memref<50000xi32, #tpu.memory_space<vmem>>[vector<16xi32>], vector<16xi32>,
      %ge3A_345 = arith.constant 0 : i32
      %ge3A_346 = vector.broadcast %ge3A_345 : i32 to vector<16xi32>
      %ge3A_347 = arith.cmpi sge, %gather3A_344, %ge3A_346 : vector<16xi32>
      %or3A_348 = arith.ori %or3A_335, %ge3A_347 : vector<16xi1>
      %mul3A_349 = arith.constant 25 : i32
      %mul3A_350 = arith.muli %scan3A_142, %mul3A_349 : i32
      %add3A_351 = arith.constant 16 : i32
      %add3A_352 = arith.addi %mul3A_350, %add3A_351 : i32
      %mul3A_353 = arith.constant 16 : i32
      %mul3A_354 = arith.muli %add3A_352, %mul3A_353 : i32
      %get3A_355 = arith.index_cast %mul3A_354 : i32 to index
      %get3A_356 = tpu.vector_load %arg13[%get3A_355] {strides = array<i32>} : memref<10000xi32, #tpu.memory_space<vmem>>, vector<16xi32>,
      %gather3A_357 = tpu.vector_load_idx %arg12[%get3A_356] : memref<50000xi32, #tpu.memory_space<vmem>>[vector<16xi32>], vector<16xi32>,
      %ge3A_358 = arith.constant 0 : i32
      %ge3A_359 = vector.broadcast %ge3A_358 : i32 to vector<16xi32>
      %ge3A_360 = arith.cmpi sge, %gather3A_357, %ge3A_359 : vector<16xi32>
      %or3A_361 = arith.ori %or3A_348, %ge3A_360 : vector<16xi1>
      %mul3A_362 = arith.constant 25 : i32
      %mul3A_363 = arith.muli %scan3A_142, %mul3A_362 : i32
      %add3A_364 = arith.constant 17 : i32
      %add3A_365 = arith.addi %mul3A_363, %add3A_364 : i32
      %mul3A_366 = arith.constant 16 : i32
      %mul3A_367 = arith.muli %add3A_365, %mul3A_366 : i32
      %get3A_368 = arith.index_cast %mul3A_367 : i32 to index
      %get3A_369 = tpu.vector_load %arg13[%get3A_368] {strides = array<i32>} : memref<10000xi32, #tpu.memory_space<vmem>>, vector<16xi32>,
      %gather3A_370 = tpu.vector_load_idx %arg12[%get3A_369] : memref<50000xi32, #tpu.memory_space<vmem>>[vector<16xi32>], vector<16xi32>,
      %ge3A_371 = arith.constant 0 : i32
      %ge3A_372 = vector.broadcast %ge3A_371 : i32 to vector<16xi32>
      %ge3A_373 = arith.cmpi sge, %gather3A_370, %ge3A_372 : vector<16xi32>
      %or3A_374 = arith.ori %or3A_361, %ge3A_373 : vector<16xi1>
      %mul3A_375 = arith.constant 25 : i32
      %mul3A_376 = arith.muli %scan3A_142, %mul3A_375 : i32
      %add3A_377 = arith.constant 18 : i32
      %add3A_378 = arith.addi %mul3A_376, %add3A_377 : i32
      %mul3A_379 = arith.constant 16 : i32
      %mul3A_380 = arith.muli %add3A_378, %mul3A_379 : i32
      %get3A_381 = arith.index_cast %mul3A_380 : i32 to index
      %get3A_382 = tpu.vector_load %arg13[%get3A_381] {strides = array<i32>} : memref<10000xi32, #tpu.memory_space<vmem>>, vector<16xi32>,
      %gather3A_383 = tpu.vector_load_idx %arg12[%get3A_382] : memref<50000xi32, #tpu.memory_space<vmem>>[vector<16xi32>], vector<16xi32>,
      %ge3A_384 = arith.constant 0 : i32
      %ge3A_385 = vector.broadcast %ge3A_384 : i32 to vector<16xi32>
      %ge3A_386 = arith.cmpi sge, %gather3A_383, %ge3A_385 : vector<16xi32>
      %or3A_387 = arith.ori %or3A_374, %ge3A_386 : vector<16xi1>
      %mul3A_388 = arith.constant 25 : i32
      %mul3A_389 = arith.muli %scan3A_142, %mul3A_388 : i32
      %add3A_390 = arith.constant 19 : i32
      %add3A_391 = arith.addi %mul3A_389, %add3A_390 : i32
      %mul3A_392 = arith.constant 16 : i32
      %mul3A_393 = arith.muli %add3A_391, %mul3A_392 : i32
      %get3A_394 = arith.index_cast %mul3A_393 : i32 to index
      %get3A_395 = tpu.vector_load %arg13[%get3A_394] {strides = array<i32>} : memref<10000xi32, #tpu.memory_space<vmem>>, vector<16xi32>,
      %gather3A_396 = tpu.vector_load_idx %arg12[%get3A_395] : memref<50000xi32, #tpu.memory_space<vmem>>[vector<16xi32>], vector<16xi32>,
      %ge3A_397 = arith.constant 0 : i32
      %ge3A_398 = vector.broadcast %ge3A_397 : i32 to vector<16xi32>
      %ge3A_399 = arith.cmpi sge, %gather3A_396, %ge3A_398 : vector<16xi32>
      %or3A_400 = arith.ori %or3A_387, %ge3A_399 : vector<16xi1>
      %mul3A_401 = arith.constant 25 : i32
      %mul3A_402 = arith.muli %scan3A_142, %mul3A_401 : i32
      %add3A_403 = arith.constant 20 : i32
      %add3A_404 = arith.addi %mul3A_402, %add3A_403 : i32
      %mul3A_405 = arith.constant 16 : i32
      %mul3A_406 = arith.muli %add3A_404, %mul3A_405 : i32
      %get3A_407 = arith.index_cast %mul3A_406 : i32 to index
      %get3A_408 = tpu.vector_load %arg13[%get3A_407] {strides = array<i32>} : memref<10000xi32, #tpu.memory_space<vmem>>, vector<16xi32>,
      %gather3A_409 = tpu.vector_load_idx %arg12[%get3A_408] : memref<50000xi32, #tpu.memory_space<vmem>>[vector<16xi32>], vector<16xi32>,
      %ge3A_410 = arith.constant 0 : i32
      %ge3A_411 = vector.broadcast %ge3A_410 : i32 to vector<16xi32>
      %ge3A_412 = arith.cmpi sge, %gather3A_409, %ge3A_411 : vector<16xi32>
      %or3A_413 = arith.ori %or3A_400, %ge3A_412 : vector<16xi1>
      %mul3A_414 = arith.constant 25 : i32
      %mul3A_415 = arith.muli %scan3A_142, %mul3A_414 : i32
      %add3A_416 = arith.constant 21 : i32
      %add3A_417 = arith.addi %mul3A_415, %add3A_416 : i32
      %mul3A_418 = arith.constant 16 : i32
      %mul3A_419 = arith.muli %add3A_417, %mul3A_418 : i32
      %get3A_420 = arith.index_cast %mul3A_419 : i32 to index
      %get3A_421 = tpu.vector_load %arg13[%get3A_420] {strides = array<i32>} : memref<10000xi32, #tpu.memory_space<vmem>>, vector<16xi32>,
      %gather3A_422 = tpu.vector_load_idx %arg12[%get3A_421] : memref<50000xi32, #tpu.memory_space<vmem>>[vector<16xi32>], vector<16xi32>,
      %ge3A_423 = arith.constant 0 : i32
      %ge3A_424 = vector.broadcast %ge3A_423 : i32 to vector<16xi32>
      %ge3A_425 = arith.cmpi sge, %gather3A_422, %ge3A_424 : vector<16xi32>
      %or3A_426 = arith.ori %or3A_413, %ge3A_425 : vector<16xi1>
      %mul3A_427 = arith.constant 25 : i32
      %mul3A_428 = arith.muli %scan3A_142, %mul3A_427 : i32
      %add3A_429 = arith.constant 22 : i32
      %add3A_430 = arith.addi %mul3A_428, %add3A_429 : i32
      %mul3A_431 = arith.constant 16 : i32
      %mul3A_432 = arith.muli %add3A_430, %mul3A_431 : i32
      %get3A_433 = arith.index_cast %mul3A_432 : i32 to index
      %get3A_434 = tpu.vector_load %arg13[%get3A_433] {strides = array<i32>} : memref<10000xi32, #tpu.memory_space<vmem>>, vector<16xi32>,
      %gather3A_435 = tpu.vector_load_idx %arg12[%get3A_434] : memref<50000xi32, #tpu.memory_space<vmem>>[vector<16xi32>], vector<16xi32>,
      %ge3A_436 = arith.constant 0 : i32
      %ge3A_437 = vector.broadcast %ge3A_436 : i32 to vector<16xi32>
      %ge3A_438 = arith.cmpi sge, %gather3A_435, %ge3A_437 : vector<16xi32>
      %or3A_439 = arith.ori %or3A_426, %ge3A_438 : vector<16xi1>
      %mul3A_440 = arith.constant 25 : i32
      %mul3A_441 = arith.muli %scan3A_142, %mul3A_440 : i32
      %add3A_442 = arith.constant 23 : i32
      %add3A_443 = arith.addi %mul3A_441, %add3A_442 : i32
      %mul3A_444 = arith.constant 16 : i32
      %mul3A_445 = arith.muli %add3A_443, %mul3A_444 : i32
      %get3A_446 = arith.index_cast %mul3A_445 : i32 to index
      %get3A_447 = tpu.vector_load %arg13[%get3A_446] {strides = array<i32>} : memref<10000xi32, #tpu.memory_space<vmem>>, vector<16xi32>,
      %gather3A_448 = tpu.vector_load_idx %arg12[%get3A_447] : memref<50000xi32, #tpu.memory_space<vmem>>[vector<16xi32>], vector<16xi32>,
      %ge3A_449 = arith.constant 0 : i32
      %ge3A_450 = vector.broadcast %ge3A_449 : i32 to vector<16xi32>
      %ge3A_451 = arith.cmpi sge, %gather3A_448, %ge3A_450 : vector<16xi32>
      %or3A_452 = arith.ori %or3A_439, %ge3A_451 : vector<16xi1>
      %mul3A_453 = arith.constant 25 : i32
      %mul3A_454 = arith.muli %scan3A_142, %mul3A_453 : i32
      %add3A_455 = arith.constant 24 : i32
      %add3A_456 = arith.addi %mul3A_454, %add3A_455 : i32
      %mul3A_457 = arith.constant 16 : i32
      %mul3A_458 = arith.muli %add3A_456, %mul3A_457 : i32
      %get3A_459 = arith.index_cast %mul3A_458 : i32 to index
      %get3A_460 = tpu.vector_load %arg13[%get3A_459] {strides = array<i32>} : memref<10000xi32, #tpu.memory_space<vmem>>, vector<16xi32>,
      %gather3A_461 = tpu.vector_load_idx %arg12[%get3A_460] : memref<50000xi32, #tpu.memory_space<vmem>>[vector<16xi32>], vector<16xi32>,
      %ge3A_462 = arith.constant 0 : i32
      %ge3A_463 = vector.broadcast %ge3A_462 : i32 to vector<16xi32>
      %ge3A_464 = arith.cmpi sge, %gather3A_461, %ge3A_463 : vector<16xi32>
      %or3A_465 = arith.ori %or3A_452, %ge3A_464 : vector<16xi1>
      %all_reduce_population_count3A = tpu.all_reduce %or3A_465 {dim = 0 : i64, kind = #tpu.reduction_kind<sum>} : vector<16xi1> -> vector<16xi32>
      %slice3A_466 = vector.extract_strided_slice %all_reduce_population_count3A {offsets = [0], sizes = [1], strides = [1]} : vector<16xi32> to vector<1xi32>
      %squeeze3A_467 = vector.extract %slice3A_466[0] : i32 from vector<1xi32>
      %gt3A = arith.constant 0 : i32
      %gt3A_468 = arith.cmpi sgt, %squeeze3A_467, %gt3A : i32
      %convert_element_type3A_469 = arith.extui %gt3A_468 : i1 to i32
      %cond3A_470 = arith.constant 0 : i32
      %cond3A_471 = arith.cmpi ne, %convert_element_type3A_469, %cond3A_470 : i32
      %cond3A_472 = scf.if %cond3A_471 -> (i32) {
        %scan3A_473 = arith.constant 0 : i32
        %scan3A_474 = arith.constant 25 : i32
        %scan3A_475 = arith.addi %scan3A_473, %scan3A_474 : i32
        %scan3A_476 = arith.constant 1 : i32
        %scan3A_477 = scf.for %scan3A_479 = %scan3A_473 to %scan3A_475 step %scan3A_476 iter_args(%scan3A_480 = %scan3A_143) -> (i32)  : i32 {
          %mul3A_481 = arith.constant 25 : i32
          %mul3A_482 = arith.muli %scan3A_142, %mul3A_481 : i32
          %add3A_483 = arith.addi %mul3A_482, %scan3A_479 : i32
          %mul3A_484 = arith.constant 16 : i32
          %mul3A_485 = arith.muli %add3A_483, %mul3A_484 : i32
          %get3A_486 = arith.index_cast %mul3A_485 : i32 to index
          %get3A_487 = tpu.vector_load %arg13[%get3A_486] {strides = array<i32>} : memref<10000xi32, #tpu.memory_space<vmem>>, vector<16xi32>,
          %gather3A_488 = tpu.vector_load_idx %arg12[%get3A_487] : memref<50000xi32, #tpu.memory_space<vmem>>[vector<16xi32>], vector<16xi32>,
          %ge3A_489 = arith.constant 0 : i32
          %ge3A_490 = vector.broadcast %ge3A_489 : i32 to vector<16xi32>
          %ge3A_491 = arith.cmpi sge, %gather3A_488, %ge3A_490 : vector<16xi32>
          %all_reduce_population_count3A_492 = tpu.all_reduce %ge3A_491 {dim = 0 : i64, kind = #tpu.reduction_kind<sum>} : vector<16xi1> -> vector<16xi32>
          %slice3A_493 = vector.extract_strided_slice %all_reduce_population_count3A_492 {offsets = [0], sizes = [1], strides = [1]} : vector<16xi32> to vector<1xi32>
          %squeeze3A_494 = vector.extract %slice3A_493[0] : i32 from vector<1xi32>
          %gt3A_495 = arith.constant 0 : i32
          %gt3A_496 = arith.cmpi sgt, %squeeze3A_494, %gt3A_495 : i32
          %convert_element_type3A_497 = arith.extui %gt3A_496 : i1 to i32
          %cond3A_498 = arith.constant 0 : i32
          %cond3A_499 = arith.cmpi ne, %convert_element_type3A_497, %cond3A_498 : i32
          %cond3A_500 = scf.if %cond3A_499 -> (i32) {
            %mul3A_501 = arith.constant 25 : i32
            %mul3A_502 = arith.muli %scan3A_142, %mul3A_501 : i32
            %add3A_503 = arith.addi %mul3A_502, %scan3A_479 : i32
            %mul3A_504 = arith.constant 16 : i32
            %mul3A_505 = arith.muli %add3A_503, %mul3A_504 : i32
            %get3A_506 = arith.index_cast %mul3A_505 : i32 to index
            %get3A_507 = tpu.vector_load %arg15[%get3A_506] {strides = array<i32>} : memref<10000xi32, #tpu.memory_space<vmem>>, vector<16xi32>,
            %min3A = arith.constant 128 : i32
            %min3A_508 = arith.minsi %scan3A_480, %min3A : i32
            %swap3A = arith.index_cast %min3A_508 : i32 to index
            %swap3A_509 = tpu.vector_load %arg17[%swap3A] masked %ge3A_491 {strides = array<i32>} : memref<144xi32, #tpu.memory_space<vmem>>, vector<16xi32>, vector<16xi1>
            tpu.vector_store %arg17[%swap3A], %gather3A_488 masked %ge3A_491 {strides = array<i32>} : memref<144xi32, #tpu.memory_space<vmem>>, vector<16xi32>, vector<16xi1>
            %swap3A_510 = arith.index_cast %min3A_508 : i32 to index
            %swap3A_511 = tpu.vector_load %arg18[%swap3A_510] masked %ge3A_491 {strides = array<i32>} : memref<144xi32, #tpu.memory_space<vmem>>, vector<16xi32>, vector<16xi1>
            tpu.vector_store %arg18[%swap3A_510], %get3A_507 masked %ge3A_491 {strides = array<i32>} : memref<144xi32, #tpu.memory_space<vmem>>, vector<16xi32>, vector<16xi1>
            %add3A_512 = arith.addi %scan3A_480, %squeeze3A_494 : i32
            %min3A_513 = arith.constant 128 : i32
            %min3A_514 = arith.minsi %add3A_512, %min3A_513 : i32
            scf.yield %min3A_514 : i32
          } else {
            scf.yield %scan3A_480 : i32
          }
          scf.yield %cond3A_500 : i32
        }
        %scan3A_478 = arith.constant 25 : i32
        scf.yield %scan3A_477 : i32
      } else {
        scf.yield %scan3A_143 : i32
      }
      scf.yield %cond3A_472 : i32
    }
    %scan3A_43 = arith.constant 25 : i32
    %dma_wait3A_44 = tpu.memref_slice %arg3[%add3A_32] : memref<1600000xi32, #tpu.memory_space<hbm>> -> memref<10000xi32, #tpu.memory_space<hbm>>
    %dma_wait3A_45 = tpu.memref_slice %arg3[%add3A_32] : memref<1600000xi32, #tpu.memory_space<hbm>> -> memref<10000xi32, #tpu.memory_space<hbm>>
    tpu.wait_dma2 semaphore(%arg29 : memref<!tpu.dma_semaphore, #tpu.memory_space<semaphore_mem>>) src(%dma_wait3A_45 : memref<10000xi32, #tpu.memory_space<hbm>>) dst(%arg14 : memref<10000xi32, #tpu.memory_space<vmem>>)
    %dma_wait3A_46 = tpu.memref_slice %arg2[%add3A_32] : memref<1600000xi32, #tpu.memory_space<hbm>> -> memref<10000xi32, #tpu.memory_space<hbm>>
    %dma_wait3A_47 = tpu.memref_slice %arg2[%add3A_32] : memref<1600000xi32, #tpu.memory_space<hbm>> -> memref<10000xi32, #tpu.memory_space<hbm>>
    tpu.wait_dma2 semaphore(%arg31 : memref<!tpu.dma_semaphore, #tpu.memory_space<semaphore_mem>>) src(%dma_wait3A_47 : memref<10000xi32, #tpu.memory_space<hbm>>) dst(%arg16 : memref<10000xi32, #tpu.memory_space<vmem>>)
    %add3A_48 = arith.constant 20000 : i32
    %add3A_49 = arith.addi %mul3A_2, %add3A_48 : i32
    %dma_start3A_50 = tpu.memref_slice %arg3[%add3A_49] : memref<1600000xi32, #tpu.memory_space<hbm>> -> memref<10000xi32, #tpu.memory_space<hbm>>
    %dma_start3A_51 = tpu.memref_slice %arg3[%add3A_49] : memref<1600000xi32, #tpu.memory_space<hbm>> -> memref<10000xi32, #tpu.memory_space<hbm>>
    tpu.enqueue_dma source(%dma_start3A_51 : memref<10000xi32, #tpu.memory_space<hbm>>) target(%arg13 : memref<10000xi32, #tpu.memory_space<vmem>>) target_semaphore(%arg28 : memref<!tpu.dma_semaphore, #tpu.memory_space<semaphore_mem>>)
    %dma_start3A_52 = tpu.memref_slice %arg2[%add3A_49] : memref<1600000xi32, #tpu.memory_space<hbm>> -> memref<10000xi32, #tpu.memory_space<hbm>>
    %dma_start3A_53 = tpu.memref_slice %arg2[%add3A_49] : memref<1600000xi32, #tpu.memory_space<hbm>> -> memref<10000xi32, #tpu.memory_space<hbm>>
    tpu.enqueue_dma source(%dma_start3A_53 : memref<10000xi32, #tpu.memory_space<hbm>>) target(%arg15 : memref<10000xi32, #tpu.memory_space<vmem>>) target_semaphore(%arg30 : memref<!tpu.dma_semaphore, #tpu.memory_space<semaphore_mem>>)
    %scan3A_54 = arith.constant 0 : i32
    %scan3A_55 = arith.constant 25 : i32
    %scan3A_56 = arith.addi %scan3A_54, %scan3A_55 : i32
    %scan3A_57 = arith.constant 1 : i32
    %scan3A_58 = scf.for %scan3A_142 = %scan3A_54 to %scan3A_56 step %scan3A_57 iter_args(%scan3A_143 = %scan3A_42) -> (i32)  : i32 {
      %mul3A_144 = arith.constant 25 : i32
      %mul3A_145 = arith.muli %scan3A_142, %mul3A_144 : i32
      %add3A_146 = arith.constant 0 : i32
      %add3A_147 = arith.addi %mul3A_145, %add3A_146 : i32
      %mul3A_148 = arith.constant 16 : i32
      %mul3A_149 = arith.muli %add3A_147, %mul3A_148 : i32
      %get3A_150 = arith.index_cast %mul3A_149 : i32 to index
      %get3A_151 = tpu.vector_load %arg14[%get3A_150] {strides = array<i32>} : memref<10000xi32, #tpu.memory_space<vmem>>, vector<16xi32>,
      %gather3A = tpu.vector_load_idx %arg12[%get3A_151] : memref<50000xi32, #tpu.memory_space<vmem>>[vector<16xi32>], vector<16xi32>,
      %ge3A = arith.constant 0 : i32
      %ge3A_152 = vector.broadcast %ge3A : i32 to vector<16xi32>
      %ge3A_153 = arith.cmpi sge, %gather3A, %ge3A_152 : vector<16xi32>
      %or3A = arith.ori %broadcast_in_dim3A_7, %ge3A_153 : vector<16xi1>
      %mul3A_154 = arith.constant 25 : i32
      %mul3A_155 = arith.muli %scan3A_142, %mul3A_154 : i32
      %add3A_156 = arith.constant 1 : i32
      %add3A_157 = arith.addi %mul3A_155, %add3A_156 : i32
      %mul3A_158 = arith.constant 16 : i32
      %mul3A_159 = arith.muli %add3A_157, %mul3A_158 : i32
      %get3A_160 = arith.index_cast %mul3A_159 : i32 to index
      %get3A_161 = tpu.vector_load %arg14[%get3A_160] {strides = array<i32>} : memref<10000xi32, #tpu.memory_space<vmem>>, vector<16xi32>,
      %gather3A_162 = tpu.vector_load_idx %arg12[%get3A_161] : memref<50000xi32, #tpu.memory_space<vmem>>[vector<16xi32>], vector<16xi32>,
      %ge3A_163 = arith.constant 0 : i32
      %ge3A_164 = vector.broadcast %ge3A_163 : i32 to vector<16xi32>
      %ge3A_165 = arith.cmpi sge, %gather3A_162, %ge3A_164 : vector<16xi32>
      %or3A_166 = arith.ori %or3A, %ge3A_165 : vector<16xi1>
      %mul3A_167 = arith.constant 25 : i32
      %mul3A_168 = arith.muli %scan3A_142, %mul3A_167 : i32
      %add3A_169 = arith.constant 2 : i32
      %add3A_170 = arith.addi %mul3A_168, %add3A_169 : i32
      %mul3A_171 = arith.constant 16 : i32
      %mul3A_172 = arith.muli %add3A_170, %mul3A_171 : i32
      %get3A_173 = arith.index_cast %mul3A_172 : i32 to index
      %get3A_174 = tpu.vector_load %arg14[%get3A_173] {strides = array<i32>} : memref<10000xi32, #tpu.memory_space<vmem>>, vector<16xi32>,
      %gather3A_175 = tpu.vector_load_idx %arg12[%get3A_174] : memref<50000xi32, #tpu.memory_space<vmem>>[vector<16xi32>], vector<16xi32>,
      %ge3A_176 = arith.constant 0 : i32
      %ge3A_177 = vector.broadcast %ge3A_176 : i32 to vector<16xi32>
      %ge3A_178 = arith.cmpi sge, %gather3A_175, %ge3A_177 : vector<16xi32>
      %or3A_179 = arith.ori %or3A_166, %ge3A_178 : vector<16xi1>
      %mul3A_180 = arith.constant 25 : i32
      %mul3A_181 = arith.muli %scan3A_142, %mul3A_180 : i32
      %add3A_182 = arith.constant 3 : i32
      %add3A_183 = arith.addi %mul3A_181, %add3A_182 : i32
      %mul3A_184 = arith.constant 16 : i32
      %mul3A_185 = arith.muli %add3A_183, %mul3A_184 : i32
      %get3A_186 = arith.index_cast %mul3A_185 : i32 to index
      %get3A_187 = tpu.vector_load %arg14[%get3A_186] {strides = array<i32>} : memref<10000xi32, #tpu.memory_space<vmem>>, vector<16xi32>,
      %gather3A_188 = tpu.vector_load_idx %arg12[%get3A_187] : memref<50000xi32, #tpu.memory_space<vmem>>[vector<16xi32>], vector<16xi32>,
      %ge3A_189 = arith.constant 0 : i32
      %ge3A_190 = vector.broadcast %ge3A_189 : i32 to vector<16xi32>
      %ge3A_191 = arith.cmpi sge, %gather3A_188, %ge3A_190 : vector<16xi32>
      %or3A_192 = arith.ori %or3A_179, %ge3A_191 : vector<16xi1>
      %mul3A_193 = arith.constant 25 : i32
      %mul3A_194 = arith.muli %scan3A_142, %mul3A_193 : i32
      %add3A_195 = arith.constant 4 : i32
      %add3A_196 = arith.addi %mul3A_194, %add3A_195 : i32
      %mul3A_197 = arith.constant 16 : i32
      %mul3A_198 = arith.muli %add3A_196, %mul3A_197 : i32
      %get3A_199 = arith.index_cast %mul3A_198 : i32 to index
      %get3A_200 = tpu.vector_load %arg14[%get3A_199] {strides = array<i32>} : memref<10000xi32, #tpu.memory_space<vmem>>, vector<16xi32>,
      %gather3A_201 = tpu.vector_load_idx %arg12[%get3A_200] : memref<50000xi32, #tpu.memory_space<vmem>>[vector<16xi32>], vector<16xi32>,
      %ge3A_202 = arith.constant 0 : i32
      %ge3A_203 = vector.broadcast %ge3A_202 : i32 to vector<16xi32>
      %ge3A_204 = arith.cmpi sge, %gather3A_201, %ge3A_203 : vector<16xi32>
      %or3A_205 = arith.ori %or3A_192, %ge3A_204 : vector<16xi1>
      %mul3A_206 = arith.constant 25 : i32
      %mul3A_207 = arith.muli %scan3A_142, %mul3A_206 : i32
      %add3A_208 = arith.constant 5 : i32
      %add3A_209 = arith.addi %mul3A_207, %add3A_208 : i32
      %mul3A_210 = arith.constant 16 : i32
      %mul3A_211 = arith.muli %add3A_209, %mul3A_210 : i32
      %get3A_212 = arith.index_cast %mul3A_211 : i32 to index
      %get3A_213 = tpu.vector_load %arg14[%get3A_212] {strides = array<i32>} : memref<10000xi32, #tpu.memory_space<vmem>>, vector<16xi32>,
      %gather3A_214 = tpu.vector_load_idx %arg12[%get3A_213] : memref<50000xi32, #tpu.memory_space<vmem>>[vector<16xi32>], vector<16xi32>,
      %ge3A_215 = arith.constant 0 : i32
      %ge3A_216 = vector.broadcast %ge3A_215 : i32 to vector<16xi32>
      %ge3A_217 = arith.cmpi sge, %gather3A_214, %ge3A_216 : vector<16xi32>
      %or3A_218 = arith.ori %or3A_205, %ge3A_217 : vector<16xi1>
      %mul3A_219 = arith.constant 25 : i32
      %mul3A_220 = arith.muli %scan3A_142, %mul3A_219 : i32
      %add3A_221 = arith.constant 6 : i32
      %add3A_222 = arith.addi %mul3A_220, %add3A_221 : i32
      %mul3A_223 = arith.constant 16 : i32
      %mul3A_224 = arith.muli %add3A_222, %mul3A_223 : i32
      %get3A_225 = arith.index_cast %mul3A_224 : i32 to index
      %get3A_226 = tpu.vector_load %arg14[%get3A_225] {strides = array<i32>} : memref<10000xi32, #tpu.memory_space<vmem>>, vector<16xi32>,
      %gather3A_227 = tpu.vector_load_idx %arg12[%get3A_226] : memref<50000xi32, #tpu.memory_space<vmem>>[vector<16xi32>], vector<16xi32>,
      %ge3A_228 = arith.constant 0 : i32
      %ge3A_229 = vector.broadcast %ge3A_228 : i32 to vector<16xi32>
      %ge3A_230 = arith.cmpi sge, %gather3A_227, %ge3A_229 : vector<16xi32>
      %or3A_231 = arith.ori %or3A_218, %ge3A_230 : vector<16xi1>
      %mul3A_232 = arith.constant 25 : i32
      %mul3A_233 = arith.muli %scan3A_142, %mul3A_232 : i32
      %add3A_234 = arith.constant 7 : i32
      %add3A_235 = arith.addi %mul3A_233, %add3A_234 : i32
      %mul3A_236 = arith.constant 16 : i32
      %mul3A_237 = arith.muli %add3A_235, %mul3A_236 : i32
      %get3A_238 = arith.index_cast %mul3A_237 : i32 to index
      %get3A_239 = tpu.vector_load %arg14[%get3A_238] {strides = array<i32>} : memref<10000xi32, #tpu.memory_space<vmem>>, vector<16xi32>,
      %gather3A_240 = tpu.vector_load_idx %arg12[%get3A_239] : memref<50000xi32, #tpu.memory_space<vmem>>[vector<16xi32>], vector<16xi32>,
      %ge3A_241 = arith.constant 0 : i32
      %ge3A_242 = vector.broadcast %ge3A_241 : i32 to vector<16xi32>
      %ge3A_243 = arith.cmpi sge, %gather3A_240, %ge3A_242 : vector<16xi32>
      %or3A_244 = arith.ori %or3A_231, %ge3A_243 : vector<16xi1>
      %mul3A_245 = arith.constant 25 : i32
      %mul3A_246 = arith.muli %scan3A_142, %mul3A_245 : i32
      %add3A_247 = arith.constant 8 : i32
      %add3A_248 = arith.addi %mul3A_246, %add3A_247 : i32
      %mul3A_249 = arith.constant 16 : i32
      %mul3A_250 = arith.muli %add3A_248, %mul3A_249 : i32
      %get3A_251 = arith.index_cast %mul3A_250 : i32 to index
      %get3A_252 = tpu.vector_load %arg14[%get3A_251] {strides = array<i32>} : memref<10000xi32, #tpu.memory_space<vmem>>, vector<16xi32>,
      %gather3A_253 = tpu.vector_load_idx %arg12[%get3A_252] : memref<50000xi32, #tpu.memory_space<vmem>>[vector<16xi32>], vector<16xi32>,
      %ge3A_254 = arith.constant 0 : i32
      %ge3A_255 = vector.broadcast %ge3A_254 : i32 to vector<16xi32>
      %ge3A_256 = arith.cmpi sge, %gather3A_253, %ge3A_255 : vector<16xi32>
      %or3A_257 = arith.ori %or3A_244, %ge3A_256 : vector<16xi1>
      %mul3A_258 = arith.constant 25 : i32
      %mul3A_259 = arith.muli %scan3A_142, %mul3A_258 : i32
      %add3A_260 = arith.constant 9 : i32
      %add3A_261 = arith.addi %mul3A_259, %add3A_260 : i32
      %mul3A_262 = arith.constant 16 : i32
      %mul3A_263 = arith.muli %add3A_261, %mul3A_262 : i32
      %get3A_264 = arith.index_cast %mul3A_263 : i32 to index
      %get3A_265 = tpu.vector_load %arg14[%get3A_264] {strides = array<i32>} : memref<10000xi32, #tpu.memory_space<vmem>>, vector<16xi32>,
      %gather3A_266 = tpu.vector_load_idx %arg12[%get3A_265] : memref<50000xi32, #tpu.memory_space<vmem>>[vector<16xi32>], vector<16xi32>,
      %ge3A_267 = arith.constant 0 : i32
      %ge3A_268 = vector.broadcast %ge3A_267 : i32 to vector<16xi32>
      %ge3A_269 = arith.cmpi sge, %gather3A_266, %ge3A_268 : vector<16xi32>
      %or3A_270 = arith.ori %or3A_257, %ge3A_269 : vector<16xi1>
      %mul3A_271 = arith.constant 25 : i32
      %mul3A_272 = arith.muli %scan3A_142, %mul3A_271 : i32
      %add3A_273 = arith.constant 10 : i32
      %add3A_274 = arith.addi %mul3A_272, %add3A_273 : i32
      %mul3A_275 = arith.constant 16 : i32
      %mul3A_276 = arith.muli %add3A_274, %mul3A_275 : i32
      %get3A_277 = arith.index_cast %mul3A_276 : i32 to index
      %get3A_278 = tpu.vector_load %arg14[%get3A_277] {strides = array<i32>} : memref<10000xi32, #tpu.memory_space<vmem>>, vector<16xi32>,
      %gather3A_279 = tpu.vector_load_idx %arg12[%get3A_278] : memref<50000xi32, #tpu.memory_space<vmem>>[vector<16xi32>], vector<16xi32>,
      %ge3A_280 = arith.constant 0 : i32
      %ge3A_281 = vector.broadcast %ge3A_280 : i32 to vector<16xi32>
      %ge3A_282 = arith.cmpi sge, %gather3A_279, %ge3A_281 : vector<16xi32>
      %or3A_283 = arith.ori %or3A_270, %ge3A_282 : vector<16xi1>
      %mul3A_284 = arith.constant 25 : i32
      %mul3A_285 = arith.muli %scan3A_142, %mul3A_284 : i32
      %add3A_286 = arith.constant 11 : i32
      %add3A_287 = arith.addi %mul3A_285, %add3A_286 : i32
      %mul3A_288 = arith.constant 16 : i32
      %mul3A_289 = arith.muli %add3A_287, %mul3A_288 : i32
      %get3A_290 = arith.index_cast %mul3A_289 : i32 to index
      %get3A_291 = tpu.vector_load %arg14[%get3A_290] {strides = array<i32>} : memref<10000xi32, #tpu.memory_space<vmem>>, vector<16xi32>,
      %gather3A_292 = tpu.vector_load_idx %arg12[%get3A_291] : memref<50000xi32, #tpu.memory_space<vmem>>[vector<16xi32>], vector<16xi32>,
      %ge3A_293 = arith.constant 0 : i32
      %ge3A_294 = vector.broadcast %ge3A_293 : i32 to vector<16xi32>
      %ge3A_295 = arith.cmpi sge, %gather3A_292, %ge3A_294 : vector<16xi32>
      %or3A_296 = arith.ori %or3A_283, %ge3A_295 : vector<16xi1>
      %mul3A_297 = arith.constant 25 : i32
      %mul3A_298 = arith.muli %scan3A_142, %mul3A_297 : i32
      %add3A_299 = arith.constant 12 : i32
      %add3A_300 = arith.addi %mul3A_298, %add3A_299 : i32
      %mul3A_301 = arith.constant 16 : i32
      %mul3A_302 = arith.muli %add3A_300, %mul3A_301 : i32
      %get3A_303 = arith.index_cast %mul3A_302 : i32 to index
      %get3A_304 = tpu.vector_load %arg14[%get3A_303] {strides = array<i32>} : memref<10000xi32, #tpu.memory_space<vmem>>, vector<16xi32>,
      %gather3A_305 = tpu.vector_load_idx %arg12[%get3A_304] : memref<50000xi32, #tpu.memory_space<vmem>>[vector<16xi32>], vector<16xi32>,
      %ge3A_306 = arith.constant 0 : i32
      %ge3A_307 = vector.broadcast %ge3A_306 : i32 to vector<16xi32>
      %ge3A_308 = arith.cmpi sge, %gather3A_305, %ge3A_307 : vector<16xi32>
      %or3A_309 = arith.ori %or3A_296, %ge3A_308 : vector<16xi1>
      %mul3A_310 = arith.constant 25 : i32
      %mul3A_311 = arith.muli %scan3A_142, %mul3A_310 : i32
      %add3A_312 = arith.constant 13 : i32
      %add3A_313 = arith.addi %mul3A_311, %add3A_312 : i32
      %mul3A_314 = arith.constant 16 : i32
      %mul3A_315 = arith.muli %add3A_313, %mul3A_314 : i32
      %get3A_316 = arith.index_cast %mul3A_315 : i32 to index
      %get3A_317 = tpu.vector_load %arg14[%get3A_316] {strides = array<i32>} : memref<10000xi32, #tpu.memory_space<vmem>>, vector<16xi32>,
      %gather3A_318 = tpu.vector_load_idx %arg12[%get3A_317] : memref<50000xi32, #tpu.memory_space<vmem>>[vector<16xi32>], vector<16xi32>,
      %ge3A_319 = arith.constant 0 : i32
      %ge3A_320 = vector.broadcast %ge3A_319 : i32 to vector<16xi32>
      %ge3A_321 = arith.cmpi sge, %gather3A_318, %ge3A_320 : vector<16xi32>
      %or3A_322 = arith.ori %or3A_309, %ge3A_321 : vector<16xi1>
      %mul3A_323 = arith.constant 25 : i32
      %mul3A_324 = arith.muli %scan3A_142, %mul3A_323 : i32
      %add3A_325 = arith.constant 14 : i32
      %add3A_326 = arith.addi %mul3A_324, %add3A_325 : i32
      %mul3A_327 = arith.constant 16 : i32
      %mul3A_328 = arith.muli %add3A_326, %mul3A_327 : i32
      %get3A_329 = arith.index_cast %mul3A_328 : i32 to index
      %get3A_330 = tpu.vector_load %arg14[%get3A_329] {strides = array<i32>} : memref<10000xi32, #tpu.memory_space<vmem>>, vector<16xi32>,
      %gather3A_331 = tpu.vector_load_idx %arg12[%get3A_330] : memref<50000xi32, #tpu.memory_space<vmem>>[vector<16xi32>], vector<16xi32>,
      %ge3A_332 = arith.constant 0 : i32
      %ge3A_333 = vector.broadcast %ge3A_332 : i32 to vector<16xi32>
      %ge3A_334 = arith.cmpi sge, %gather3A_331, %ge3A_333 : vector<16xi32>
      %or3A_335 = arith.ori %or3A_322, %ge3A_334 : vector<16xi1>
      %mul3A_336 = arith.constant 25 : i32
      %mul3A_337 = arith.muli %scan3A_142, %mul3A_336 : i32
      %add3A_338 = arith.constant 15 : i32
      %add3A_339 = arith.addi %mul3A_337, %add3A_338 : i32
      %mul3A_340 = arith.constant 16 : i32
      %mul3A_341 = arith.muli %add3A_339, %mul3A_340 : i32
      %get3A_342 = arith.index_cast %mul3A_341 : i32 to index
      %get3A_343 = tpu.vector_load %arg14[%get3A_342] {strides = array<i32>} : memref<10000xi32, #tpu.memory_space<vmem>>, vector<16xi32>,
      %gather3A_344 = tpu.vector_load_idx %arg12[%get3A_343] : memref<50000xi32, #tpu.memory_space<vmem>>[vector<16xi32>], vector<16xi32>,
      %ge3A_345 = arith.constant 0 : i32
      %ge3A_346 = vector.broadcast %ge3A_345 : i32 to vector<16xi32>
      %ge3A_347 = arith.cmpi sge, %gather3A_344, %ge3A_346 : vector<16xi32>
      %or3A_348 = arith.ori %or3A_335, %ge3A_347 : vector<16xi1>
      %mul3A_349 = arith.constant 25 : i32
      %mul3A_350 = arith.muli %scan3A_142, %mul3A_349 : i32
      %add3A_351 = arith.constant 16 : i32
      %add3A_352 = arith.addi %mul3A_350, %add3A_351 : i32
      %mul3A_353 = arith.constant 16 : i32
      %mul3A_354 = arith.muli %add3A_352, %mul3A_353 : i32
      %get3A_355 = arith.index_cast %mul3A_354 : i32 to index
      %get3A_356 = tpu.vector_load %arg14[%get3A_355] {strides = array<i32>} : memref<10000xi32, #tpu.memory_space<vmem>>, vector<16xi32>,
      %gather3A_357 = tpu.vector_load_idx %arg12[%get3A_356] : memref<50000xi32, #tpu.memory_space<vmem>>[vector<16xi32>], vector<16xi32>,
      %ge3A_358 = arith.constant 0 : i32
      %ge3A_359 = vector.broadcast %ge3A_358 : i32 to vector<16xi32>
      %ge3A_360 = arith.cmpi sge, %gather3A_357, %ge3A_359 : vector<16xi32>
      %or3A_361 = arith.ori %or3A_348, %ge3A_360 : vector<16xi1>
      %mul3A_362 = arith.constant 25 : i32
      %mul3A_363 = arith.muli %scan3A_142, %mul3A_362 : i32
      %add3A_364 = arith.constant 17 : i32
      %add3A_365 = arith.addi %mul3A_363, %add3A_364 : i32
      %mul3A_366 = arith.constant 16 : i32
      %mul3A_367 = arith.muli %add3A_365, %mul3A_366 : i32
      %get3A_368 = arith.index_cast %mul3A_367 : i32 to index
      %get3A_369 = tpu.vector_load %arg14[%get3A_368] {strides = array<i32>} : memref<10000xi32, #tpu.memory_space<vmem>>, vector<16xi32>,
      %gather3A_370 = tpu.vector_load_idx %arg12[%get3A_369] : memref<50000xi32, #tpu.memory_space<vmem>>[vector<16xi32>], vector<16xi32>,
      %ge3A_371 = arith.constant 0 : i32
      %ge3A_372 = vector.broadcast %ge3A_371 : i32 to vector<16xi32>
      %ge3A_373 = arith.cmpi sge, %gather3A_370, %ge3A_372 : vector<16xi32>
      %or3A_374 = arith.ori %or3A_361, %ge3A_373 : vector<16xi1>
      %mul3A_375 = arith.constant 25 : i32
      %mul3A_376 = arith.muli %scan3A_142, %mul3A_375 : i32
      %add3A_377 = arith.constant 18 : i32
      %add3A_378 = arith.addi %mul3A_376, %add3A_377 : i32
      %mul3A_379 = arith.constant 16 : i32
      %mul3A_380 = arith.muli %add3A_378, %mul3A_379 : i32
      %get3A_381 = arith.index_cast %mul3A_380 : i32 to index
      %get3A_382 = tpu.vector_load %arg14[%get3A_381] {strides = array<i32>} : memref<10000xi32, #tpu.memory_space<vmem>>, vector<16xi32>,
      %gather3A_383 = tpu.vector_load_idx %arg12[%get3A_382] : memref<50000xi32, #tpu.memory_space<vmem>>[vector<16xi32>], vector<16xi32>,
      %ge3A_384 = arith.constant 0 : i32
      %ge3A_385 = vector.broadcast %ge3A_384 : i32 to vector<16xi32>
      %ge3A_386 = arith.cmpi sge, %gather3A_383, %ge3A_385 : vector<16xi32>
      %or3A_387 = arith.ori %or3A_374, %ge3A_386 : vector<16xi1>
      %mul3A_388 = arith.constant 25 : i32
      %mul3A_389 = arith.muli %scan3A_142, %mul3A_388 : i32
      %add3A_390 = arith.constant 19 : i32
      %add3A_391 = arith.addi %mul3A_389, %add3A_390 : i32
      %mul3A_392 = arith.constant 16 : i32
      %mul3A_393 = arith.muli %add3A_391, %mul3A_392 : i32
      %get3A_394 = arith.index_cast %mul3A_393 : i32 to index
      %get3A_395 = tpu.vector_load %arg14[%get3A_394] {strides = array<i32>} : memref<10000xi32, #tpu.memory_space<vmem>>, vector<16xi32>,
      %gather3A_396 = tpu.vector_load_idx %arg12[%get3A_395] : memref<50000xi32, #tpu.memory_space<vmem>>[vector<16xi32>], vector<16xi32>,
      %ge3A_397 = arith.constant 0 : i32
      %ge3A_398 = vector.broadcast %ge3A_397 : i32 to vector<16xi32>
      %ge3A_399 = arith.cmpi sge, %gather3A_396, %ge3A_398 : vector<16xi32>
      %or3A_400 = arith.ori %or3A_387, %ge3A_399 : vector<16xi1>
      %mul3A_401 = arith.constant 25 : i32
      %mul3A_402 = arith.muli %scan3A_142, %mul3A_401 : i32
      %add3A_403 = arith.constant 20 : i32
      %add3A_404 = arith.addi %mul3A_402, %add3A_403 : i32
      %mul3A_405 = arith.constant 16 : i32
      %mul3A_406 = arith.muli %add3A_404, %mul3A_405 : i32
      %get3A_407 = arith.index_cast %mul3A_406 : i32 to index
      %get3A_408 = tpu.vector_load %arg14[%get3A_407] {strides = array<i32>} : memref<10000xi32, #tpu.memory_space<vmem>>, vector<16xi32>,
      %gather3A_409 = tpu.vector_load_idx %arg12[%get3A_408] : memref<50000xi32, #tpu.memory_space<vmem>>[vector<16xi32>], vector<16xi32>,
      %ge3A_410 = arith.constant 0 : i32
      %ge3A_411 = vector.broadcast %ge3A_410 : i32 to vector<16xi32>
      %ge3A_412 = arith.cmpi sge, %gather3A_409, %ge3A_411 : vector<16xi32>
      %or3A_413 = arith.ori %or3A_400, %ge3A_412 : vector<16xi1>
      %mul3A_414 = arith.constant 25 : i32
      %mul3A_415 = arith.muli %scan3A_142, %mul3A_414 : i32
      %add3A_416 = arith.constant 21 : i32
      %add3A_417 = arith.addi %mul3A_415, %add3A_416 : i32
      %mul3A_418 = arith.constant 16 : i32
      %mul3A_419 = arith.muli %add3A_417, %mul3A_418 : i32
      %get3A_420 = arith.index_cast %mul3A_419 : i32 to index
      %get3A_421 = tpu.vector_load %arg14[%get3A_420] {strides = array<i32>} : memref<10000xi32, #tpu.memory_space<vmem>>, vector<16xi32>,
      %gather3A_422 = tpu.vector_load_idx %arg12[%get3A_421] : memref<50000xi32, #tpu.memory_space<vmem>>[vector<16xi32>], vector<16xi32>,
      %ge3A_423 = arith.constant 0 : i32
      %ge3A_424 = vector.broadcast %ge3A_423 : i32 to vector<16xi32>
      %ge3A_425 = arith.cmpi sge, %gather3A_422, %ge3A_424 : vector<16xi32>
      %or3A_426 = arith.ori %or3A_413, %ge3A_425 : vector<16xi1>
      %mul3A_427 = arith.constant 25 : i32
      %mul3A_428 = arith.muli %scan3A_142, %mul3A_427 : i32
      %add3A_429 = arith.constant 22 : i32
      %add3A_430 = arith.addi %mul3A_428, %add3A_429 : i32
      %mul3A_431 = arith.constant 16 : i32
      %mul3A_432 = arith.muli %add3A_430, %mul3A_431 : i32
      %get3A_433 = arith.index_cast %mul3A_432 : i32 to index
      %get3A_434 = tpu.vector_load %arg14[%get3A_433] {strides = array<i32>} : memref<10000xi32, #tpu.memory_space<vmem>>, vector<16xi32>,
      %gather3A_435 = tpu.vector_load_idx %arg12[%get3A_434] : memref<50000xi32, #tpu.memory_space<vmem>>[vector<16xi32>], vector<16xi32>,
      %ge3A_436 = arith.constant 0 : i32
      %ge3A_437 = vector.broadcast %ge3A_436 : i32 to vector<16xi32>
      %ge3A_438 = arith.cmpi sge, %gather3A_435, %ge3A_437 : vector<16xi32>
      %or3A_439 = arith.ori %or3A_426, %ge3A_438 : vector<16xi1>
      %mul3A_440 = arith.constant 25 : i32
      %mul3A_441 = arith.muli %scan3A_142, %mul3A_440 : i32
      %add3A_442 = arith.constant 23 : i32
      %add3A_443 = arith.addi %mul3A_441, %add3A_442 : i32
      %mul3A_444 = arith.constant 16 : i32
      %mul3A_445 = arith.muli %add3A_443, %mul3A_444 : i32
      %get3A_446 = arith.index_cast %mul3A_445 : i32 to index
      %get3A_447 = tpu.vector_load %arg14[%get3A_446] {strides = array<i32>} : memref<10000xi32, #tpu.memory_space<vmem>>, vector<16xi32>,
      %gather3A_448 = tpu.vector_load_idx %arg12[%get3A_447] : memref<50000xi32, #tpu.memory_space<vmem>>[vector<16xi32>], vector<16xi32>,
      %ge3A_449 = arith.constant 0 : i32
      %ge3A_450 = vector.broadcast %ge3A_449 : i32 to vector<16xi32>
      %ge3A_451 = arith.cmpi sge, %gather3A_448, %ge3A_450 : vector<16xi32>
      %or3A_452 = arith.ori %or3A_439, %ge3A_451 : vector<16xi1>
      %mul3A_453 = arith.constant 25 : i32
      %mul3A_454 = arith.muli %scan3A_142, %mul3A_453 : i32
      %add3A_455 = arith.constant 24 : i32
      %add3A_456 = arith.addi %mul3A_454, %add3A_455 : i32
      %mul3A_457 = arith.constant 16 : i32
      %mul3A_458 = arith.muli %add3A_456, %mul3A_457 : i32
      %get3A_459 = arith.index_cast %mul3A_458 : i32 to index
      %get3A_460 = tpu.vector_load %arg14[%get3A_459] {strides = array<i32>} : memref<10000xi32, #tpu.memory_space<vmem>>, vector<16xi32>,
      %gather3A_461 = tpu.vector_load_idx %arg12[%get3A_460] : memref<50000xi32, #tpu.memory_space<vmem>>[vector<16xi32>], vector<16xi32>,
      %ge3A_462 = arith.constant 0 : i32
      %ge3A_463 = vector.broadcast %ge3A_462 : i32 to vector<16xi32>
      %ge3A_464 = arith.cmpi sge, %gather3A_461, %ge3A_463 : vector<16xi32>
      %or3A_465 = arith.ori %or3A_452, %ge3A_464 : vector<16xi1>
      %all_reduce_population_count3A = tpu.all_reduce %or3A_465 {dim = 0 : i64, kind = #tpu.reduction_kind<sum>} : vector<16xi1> -> vector<16xi32>
      %slice3A_466 = vector.extract_strided_slice %all_reduce_population_count3A {offsets = [0], sizes = [1], strides = [1]} : vector<16xi32> to vector<1xi32>
      %squeeze3A_467 = vector.extract %slice3A_466[0] : i32 from vector<1xi32>
      %gt3A = arith.constant 0 : i32
      %gt3A_468 = arith.cmpi sgt, %squeeze3A_467, %gt3A : i32
      %convert_element_type3A_469 = arith.extui %gt3A_468 : i1 to i32
      %cond3A_470 = arith.constant 0 : i32
      %cond3A_471 = arith.cmpi ne, %convert_element_type3A_469, %cond3A_470 : i32
      %cond3A_472 = scf.if %cond3A_471 -> (i32) {
        %scan3A_473 = arith.constant 0 : i32
        %scan3A_474 = arith.constant 25 : i32
        %scan3A_475 = arith.addi %scan3A_473, %scan3A_474 : i32
        %scan3A_476 = arith.constant 1 : i32
        %scan3A_477 = scf.for %scan3A_479 = %scan3A_473 to %scan3A_475 step %scan3A_476 iter_args(%scan3A_480 = %scan3A_143) -> (i32)  : i32 {
          %mul3A_481 = arith.constant 25 : i32
          %mul3A_482 = arith.muli %scan3A_142, %mul3A_481 : i32
          %add3A_483 = arith.addi %mul3A_482, %scan3A_479 : i32
          %mul3A_484 = arith.constant 16 : i32
          %mul3A_485 = arith.muli %add3A_483, %mul3A_484 : i32
          %get3A_486 = arith.index_cast %mul3A_485 : i32 to index
          %get3A_487 = tpu.vector_load %arg14[%get3A_486] {strides = array<i32>} : memref<10000xi32, #tpu.memory_space<vmem>>, vector<16xi32>,
          %gather3A_488 = tpu.vector_load_idx %arg12[%get3A_487] : memref<50000xi32, #tpu.memory_space<vmem>>[vector<16xi32>], vector<16xi32>,
          %ge3A_489 = arith.constant 0 : i32
          %ge3A_490 = vector.broadcast %ge3A_489 : i32 to vector<16xi32>
          %ge3A_491 = arith.cmpi sge, %gather3A_488, %ge3A_490 : vector<16xi32>
          %all_reduce_population_count3A_492 = tpu.all_reduce %ge3A_491 {dim = 0 : i64, kind = #tpu.reduction_kind<sum>} : vector<16xi1> -> vector<16xi32>
          %slice3A_493 = vector.extract_strided_slice %all_reduce_population_count3A_492 {offsets = [0], sizes = [1], strides = [1]} : vector<16xi32> to vector<1xi32>
          %squeeze3A_494 = vector.extract %slice3A_493[0] : i32 from vector<1xi32>
          %gt3A_495 = arith.constant 0 : i32
          %gt3A_496 = arith.cmpi sgt, %squeeze3A_494, %gt3A_495 : i32
          %convert_element_type3A_497 = arith.extui %gt3A_496 : i1 to i32
          %cond3A_498 = arith.constant 0 : i32
          %cond3A_499 = arith.cmpi ne, %convert_element_type3A_497, %cond3A_498 : i32
          %cond3A_500 = scf.if %cond3A_499 -> (i32) {
            %mul3A_501 = arith.constant 25 : i32
            %mul3A_502 = arith.muli %scan3A_142, %mul3A_501 : i32
            %add3A_503 = arith.addi %mul3A_502, %scan3A_479 : i32
            %mul3A_504 = arith.constant 16 : i32
            %mul3A_505 = arith.muli %add3A_503, %mul3A_504 : i32
            %get3A_506 = arith.index_cast %mul3A_505 : i32 to index
            %get3A_507 = tpu.vector_load %arg16[%get3A_506] {strides = array<i32>} : memref<10000xi32, #tpu.memory_space<vmem>>, vector<16xi32>,
            %min3A = arith.constant 128 : i32
            %min3A_508 = arith.minsi %scan3A_480, %min3A : i32
            %swap3A = arith.index_cast %min3A_508 : i32 to index
            %swap3A_509 = tpu.vector_load %arg17[%swap3A] masked %ge3A_491 {strides = array<i32>} : memref<144xi32, #tpu.memory_space<vmem>>, vector<16xi32>, vector<16xi1>
            tpu.vector_store %arg17[%swap3A], %gather3A_488 masked %ge3A_491 {strides = array<i32>} : memref<144xi32, #tpu.memory_space<vmem>>, vector<16xi32>, vector<16xi1>
            %swap3A_510 = arith.index_cast %min3A_508 : i32 to index
            %swap3A_511 = tpu.vector_load %arg18[%swap3A_510] masked %ge3A_491 {strides = array<i32>} : memref<144xi32, #tpu.memory_space<vmem>>, vector<16xi32>, vector<16xi1>
            tpu.vector_store %arg18[%swap3A_510], %get3A_507 masked %ge3A_491 {strides = array<i32>} : memref<144xi32, #tpu.memory_space<vmem>>, vector<16xi32>, vector<16xi1>
            %add3A_512 = arith.addi %scan3A_480, %squeeze3A_494 : i32
            %min3A_513 = arith.constant 128 : i32
            %min3A_514 = arith.minsi %add3A_512, %min3A_513 : i32
            scf.yield %min3A_514 : i32
          } else {
            scf.yield %scan3A_480 : i32
          }
          scf.yield %cond3A_500 : i32
        }
        %scan3A_478 = arith.constant 25 : i32
        scf.yield %scan3A_477 : i32
      } else {
        scf.yield %scan3A_143 : i32
      }
      scf.yield %cond3A_472 : i32
    }
    %scan3A_59 = arith.constant 25 : i32
    %dma_wait3A_60 = tpu.memref_slice %arg3[%add3A_49] : memref<1600000xi32, #tpu.memory_space<hbm>> -> memref<10000xi32, #tpu.memory_space<hbm>>
    %dma_wait3A_61 = tpu.memref_slice %arg3[%add3A_49] : memref<1600000xi32, #tpu.memory_space<hbm>> -> memref<10000xi32, #tpu.memory_space<hbm>>
    tpu.wait_dma2 semaphore(%arg28 : memref<!tpu.dma_semaphore, #tpu.memory_space<semaphore_mem>>) src(%dma_wait3A_61 : memref<10000xi32, #tpu.memory_space<hbm>>) dst(%arg13 : memref<10000xi32, #tpu.memory_space<vmem>>)
    %dma_wait3A_62 = tpu.memref_slice %arg2[%add3A_49] : memref<1600000xi32, #tpu.memory_space<hbm>> -> memref<10000xi32, #tpu.memory_space<hbm>>
    %dma_wait3A_63 = tpu.memref_slice %arg2[%add3A_49] : memref<1600000xi32, #tpu.memory_space<hbm>> -> memref<10000xi32, #tpu.memory_space<hbm>>
    tpu.wait_dma2 semaphore(%arg30 : memref<!tpu.dma_semaphore, #tpu.memory_space<semaphore_mem>>) src(%dma_wait3A_63 : memref<10000xi32, #tpu.memory_space<hbm>>) dst(%arg15 : memref<10000xi32, #tpu.memory_space<vmem>>)
    %add3A_64 = arith.constant 30000 : i32
    %add3A_65 = arith.addi %mul3A_2, %add3A_64 : i32
    %dma_start3A_66 = tpu.memref_slice %arg3[%add3A_65] : memref<1600000xi32, #tpu.memory_space<hbm>> -> memref<10000xi32, #tpu.memory_space<hbm>>
    %dma_start3A_67 = tpu.memref_slice %arg3[%add3A_65] : memref<1600000xi32, #tpu.memory_space<hbm>> -> memref<10000xi32, #tpu.memory_space<hbm>>
    tpu.enqueue_dma source(%dma_start3A_67 : memref<10000xi32, #tpu.memory_space<hbm>>) target(%arg14 : memref<10000xi32, #tpu.memory_space<vmem>>) target_semaphore(%arg29 : memref<!tpu.dma_semaphore, #tpu.memory_space<semaphore_mem>>)
    %dma_start3A_68 = tpu.memref_slice %arg2[%add3A_65] : memref<1600000xi32, #tpu.memory_space<hbm>> -> memref<10000xi32, #tpu.memory_space<hbm>>
    %dma_start3A_69 = tpu.memref_slice %arg2[%add3A_65] : memref<1600000xi32, #tpu.memory_space<hbm>> -> memref<10000xi32, #tpu.memory_space<hbm>>
    tpu.enqueue_dma source(%dma_start3A_69 : memref<10000xi32, #tpu.memory_space<hbm>>) target(%arg16 : memref<10000xi32, #tpu.memory_space<vmem>>) target_semaphore(%arg31 : memref<!tpu.dma_semaphore, #tpu.memory_space<semaphore_mem>>)
    %scan3A_70 = arith.constant 0 : i32
    %scan3A_71 = arith.constant 25 : i32
    %scan3A_72 = arith.addi %scan3A_70, %scan3A_71 : i32
    %scan3A_73 = arith.constant 1 : i32
    %scan3A_74 = scf.for %scan3A_142 = %scan3A_70 to %scan3A_72 step %scan3A_73 iter_args(%scan3A_143 = %scan3A_58) -> (i32)  : i32 {
      %mul3A_144 = arith.constant 25 : i32
      %mul3A_145 = arith.muli %scan3A_142, %mul3A_144 : i32
      %add3A_146 = arith.constant 0 : i32
      %add3A_147 = arith.addi %mul3A_145, %add3A_146 : i32
      %mul3A_148 = arith.constant 16 : i32
      %mul3A_149 = arith.muli %add3A_147, %mul3A_148 : i32
      %get3A_150 = arith.index_cast %mul3A_149 : i32 to index
      %get3A_151 = tpu.vector_load %arg13[%get3A_150] {strides = array<i32>} : memref<10000xi32, #tpu.memory_space<vmem>>, vector<16xi32>,
      %gather3A = tpu.vector_load_idx %arg12[%get3A_151] : memref<50000xi32, #tpu.memory_space<vmem>>[vector<16xi32>], vector<16xi32>,
      %ge3A = arith.constant 0 : i32
      %ge3A_152 = vector.broadcast %ge3A : i32 to vector<16xi32>
      %ge3A_153 = arith.cmpi sge, %gather3A, %ge3A_152 : vector<16xi32>
      %or3A = arith.ori %broadcast_in_dim3A_7, %ge3A_153 : vector<16xi1>
      %mul3A_154 = arith.constant 25 : i32
      %mul3A_155 = arith.muli %scan3A_142, %mul3A_154 : i32
      %add3A_156 = arith.constant 1 : i32
      %add3A_157 = arith.addi %mul3A_155, %add3A_156 : i32
      %mul3A_158 = arith.constant 16 : i32
      %mul3A_159 = arith.muli %add3A_157, %mul3A_158 : i32
      %get3A_160 = arith.index_cast %mul3A_159 : i32 to index
      %get3A_161 = tpu.vector_load %arg13[%get3A_160] {strides = array<i32>} : memref<10000xi32, #tpu.memory_space<vmem>>, vector<16xi32>,
      %gather3A_162 = tpu.vector_load_idx %arg12[%get3A_161] : memref<50000xi32, #tpu.memory_space<vmem>>[vector<16xi32>], vector<16xi32>,
      %ge3A_163 = arith.constant 0 : i32
      %ge3A_164 = vector.broadcast %ge3A_163 : i32 to vector<16xi32>
      %ge3A_165 = arith.cmpi sge, %gather3A_162, %ge3A_164 : vector<16xi32>
      %or3A_166 = arith.ori %or3A, %ge3A_165 : vector<16xi1>
      %mul3A_167 = arith.constant 25 : i32
      %mul3A_168 = arith.muli %scan3A_142, %mul3A_167 : i32
      %add3A_169 = arith.constant 2 : i32
      %add3A_170 = arith.addi %mul3A_168, %add3A_169 : i32
      %mul3A_171 = arith.constant 16 : i32
      %mul3A_172 = arith.muli %add3A_170, %mul3A_171 : i32
      %get3A_173 = arith.index_cast %mul3A_172 : i32 to index
      %get3A_174 = tpu.vector_load %arg13[%get3A_173] {strides = array<i32>} : memref<10000xi32, #tpu.memory_space<vmem>>, vector<16xi32>,
      %gather3A_175 = tpu.vector_load_idx %arg12[%get3A_174] : memref<50000xi32, #tpu.memory_space<vmem>>[vector<16xi32>], vector<16xi32>,
      %ge3A_176 = arith.constant 0 : i32
      %ge3A_177 = vector.broadcast %ge3A_176 : i32 to vector<16xi32>
      %ge3A_178 = arith.cmpi sge, %gather3A_175, %ge3A_177 : vector<16xi32>
      %or3A_179 = arith.ori %or3A_166, %ge3A_178 : vector<16xi1>
      %mul3A_180 = arith.constant 25 : i32
      %mul3A_181 = arith.muli %scan3A_142, %mul3A_180 : i32
      %add3A_182 = arith.constant 3 : i32
      %add3A_183 = arith.addi %mul3A_181, %add3A_182 : i32
      %mul3A_184 = arith.constant 16 : i32
      %mul3A_185 = arith.muli %add3A_183, %mul3A_184 : i32
      %get3A_186 = arith.index_cast %mul3A_185 : i32 to index
      %get3A_187 = tpu.vector_load %arg13[%get3A_186] {strides = array<i32>} : memref<10000xi32, #tpu.memory_space<vmem>>, vector<16xi32>,
      %gather3A_188 = tpu.vector_load_idx %arg12[%get3A_187] : memref<50000xi32, #tpu.memory_space<vmem>>[vector<16xi32>], vector<16xi32>,
      %ge3A_189 = arith.constant 0 : i32
      %ge3A_190 = vector.broadcast %ge3A_189 : i32 to vector<16xi32>
      %ge3A_191 = arith.cmpi sge, %gather3A_188, %ge3A_190 : vector<16xi32>
      %or3A_192 = arith.ori %or3A_179, %ge3A_191 : vector<16xi1>
      %mul3A_193 = arith.constant 25 : i32
      %mul3A_194 = arith.muli %scan3A_142, %mul3A_193 : i32
      %add3A_195 = arith.constant 4 : i32
      %add3A_196 = arith.addi %mul3A_194, %add3A_195 : i32
      %mul3A_197 = arith.constant 16 : i32
      %mul3A_198 = arith.muli %add3A_196, %mul3A_197 : i32
      %get3A_199 = arith.index_cast %mul3A_198 : i32 to index
      %get3A_200 = tpu.vector_load %arg13[%get3A_199] {strides = array<i32>} : memref<10000xi32, #tpu.memory_space<vmem>>, vector<16xi32>,
      %gather3A_201 = tpu.vector_load_idx %arg12[%get3A_200] : memref<50000xi32, #tpu.memory_space<vmem>>[vector<16xi32>], vector<16xi32>,
      %ge3A_202 = arith.constant 0 : i32
      %ge3A_203 = vector.broadcast %ge3A_202 : i32 to vector<16xi32>
      %ge3A_204 = arith.cmpi sge, %gather3A_201, %ge3A_203 : vector<16xi32>
      %or3A_205 = arith.ori %or3A_192, %ge3A_204 : vector<16xi1>
      %mul3A_206 = arith.constant 25 : i32
      %mul3A_207 = arith.muli %scan3A_142, %mul3A_206 : i32
      %add3A_208 = arith.constant 5 : i32
      %add3A_209 = arith.addi %mul3A_207, %add3A_208 : i32
      %mul3A_210 = arith.constant 16 : i32
      %mul3A_211 = arith.muli %add3A_209, %mul3A_210 : i32
      %get3A_212 = arith.index_cast %mul3A_211 : i32 to index
      %get3A_213 = tpu.vector_load %arg13[%get3A_212] {strides = array<i32>} : memref<10000xi32, #tpu.memory_space<vmem>>, vector<16xi32>,
      %gather3A_214 = tpu.vector_load_idx %arg12[%get3A_213] : memref<50000xi32, #tpu.memory_space<vmem>>[vector<16xi32>], vector<16xi32>,
      %ge3A_215 = arith.constant 0 : i32
      %ge3A_216 = vector.broadcast %ge3A_215 : i32 to vector<16xi32>
      %ge3A_217 = arith.cmpi sge, %gather3A_214, %ge3A_216 : vector<16xi32>
      %or3A_218 = arith.ori %or3A_205, %ge3A_217 : vector<16xi1>
      %mul3A_219 = arith.constant 25 : i32
      %mul3A_220 = arith.muli %scan3A_142, %mul3A_219 : i32
      %add3A_221 = arith.constant 6 : i32
      %add3A_222 = arith.addi %mul3A_220, %add3A_221 : i32
      %mul3A_223 = arith.constant 16 : i32
      %mul3A_224 = arith.muli %add3A_222, %mul3A_223 : i32
      %get3A_225 = arith.index_cast %mul3A_224 : i32 to index
      %get3A_226 = tpu.vector_load %arg13[%get3A_225] {strides = array<i32>} : memref<10000xi32, #tpu.memory_space<vmem>>, vector<16xi32>,
      %gather3A_227 = tpu.vector_load_idx %arg12[%get3A_226] : memref<50000xi32, #tpu.memory_space<vmem>>[vector<16xi32>], vector<16xi32>,
      %ge3A_228 = arith.constant 0 : i32
      %ge3A_229 = vector.broadcast %ge3A_228 : i32 to vector<16xi32>
      %ge3A_230 = arith.cmpi sge, %gather3A_227, %ge3A_229 : vector<16xi32>
      %or3A_231 = arith.ori %or3A_218, %ge3A_230 : vector<16xi1>
      %mul3A_232 = arith.constant 25 : i32
      %mul3A_233 = arith.muli %scan3A_142, %mul3A_232 : i32
      %add3A_234 = arith.constant 7 : i32
      %add3A_235 = arith.addi %mul3A_233, %add3A_234 : i32
      %mul3A_236 = arith.constant 16 : i32
      %mul3A_237 = arith.muli %add3A_235, %mul3A_236 : i32
      %get3A_238 = arith.index_cast %mul3A_237 : i32 to index
      %get3A_239 = tpu.vector_load %arg13[%get3A_238] {strides = array<i32>} : memref<10000xi32, #tpu.memory_space<vmem>>, vector<16xi32>,
      %gather3A_240 = tpu.vector_load_idx %arg12[%get3A_239] : memref<50000xi32, #tpu.memory_space<vmem>>[vector<16xi32>], vector<16xi32>,
      %ge3A_241 = arith.constant 0 : i32
      %ge3A_242 = vector.broadcast %ge3A_241 : i32 to vector<16xi32>
      %ge3A_243 = arith.cmpi sge, %gather3A_240, %ge3A_242 : vector<16xi32>
      %or3A_244 = arith.ori %or3A_231, %ge3A_243 : vector<16xi1>
      %mul3A_245 = arith.constant 25 : i32
      %mul3A_246 = arith.muli %scan3A_142, %mul3A_245 : i32
      %add3A_247 = arith.constant 8 : i32
      %add3A_248 = arith.addi %mul3A_246, %add3A_247 : i32
      %mul3A_249 = arith.constant 16 : i32
      %mul3A_250 = arith.muli %add3A_248, %mul3A_249 : i32
      %get3A_251 = arith.index_cast %mul3A_250 : i32 to index
      %get3A_252 = tpu.vector_load %arg13[%get3A_251] {strides = array<i32>} : memref<10000xi32, #tpu.memory_space<vmem>>, vector<16xi32>,
      %gather3A_253 = tpu.vector_load_idx %arg12[%get3A_252] : memref<50000xi32, #tpu.memory_space<vmem>>[vector<16xi32>], vector<16xi32>,
      %ge3A_254 = arith.constant 0 : i32
      %ge3A_255 = vector.broadcast %ge3A_254 : i32 to vector<16xi32>
      %ge3A_256 = arith.cmpi sge, %gather3A_253, %ge3A_255 : vector<16xi32>
      %or3A_257 = arith.ori %or3A_244, %ge3A_256 : vector<16xi1>
      %mul3A_258 = arith.constant 25 : i32
      %mul3A_259 = arith.muli %scan3A_142, %mul3A_258 : i32
      %add3A_260 = arith.constant 9 : i32
      %add3A_261 = arith.addi %mul3A_259, %add3A_260 : i32
      %mul3A_262 = arith.constant 16 : i32
      %mul3A_263 = arith.muli %add3A_261, %mul3A_262 : i32
      %get3A_264 = arith.index_cast %mul3A_263 : i32 to index
      %get3A_265 = tpu.vector_load %arg13[%get3A_264] {strides = array<i32>} : memref<10000xi32, #tpu.memory_space<vmem>>, vector<16xi32>,
      %gather3A_266 = tpu.vector_load_idx %arg12[%get3A_265] : memref<50000xi32, #tpu.memory_space<vmem>>[vector<16xi32>], vector<16xi32>,
      %ge3A_267 = arith.constant 0 : i32
      %ge3A_268 = vector.broadcast %ge3A_267 : i32 to vector<16xi32>
      %ge3A_269 = arith.cmpi sge, %gather3A_266, %ge3A_268 : vector<16xi32>
      %or3A_270 = arith.ori %or3A_257, %ge3A_269 : vector<16xi1>
      %mul3A_271 = arith.constant 25 : i32
      %mul3A_272 = arith.muli %scan3A_142, %mul3A_271 : i32
      %add3A_273 = arith.constant 10 : i32
      %add3A_274 = arith.addi %mul3A_272, %add3A_273 : i32
      %mul3A_275 = arith.constant 16 : i32
      %mul3A_276 = arith.muli %add3A_274, %mul3A_275 : i32
      %get3A_277 = arith.index_cast %mul3A_276 : i32 to index
      %get3A_278 = tpu.vector_load %arg13[%get3A_277] {strides = array<i32>} : memref<10000xi32, #tpu.memory_space<vmem>>, vector<16xi32>,
      %gather3A_279 = tpu.vector_load_idx %arg12[%get3A_278] : memref<50000xi32, #tpu.memory_space<vmem>>[vector<16xi32>], vector<16xi32>,
      %ge3A_280 = arith.constant 0 : i32
      %ge3A_281 = vector.broadcast %ge3A_280 : i32 to vector<16xi32>
      %ge3A_282 = arith.cmpi sge, %gather3A_279, %ge3A_281 : vector<16xi32>
      %or3A_283 = arith.ori %or3A_270, %ge3A_282 : vector<16xi1>
      %mul3A_284 = arith.constant 25 : i32
      %mul3A_285 = arith.muli %scan3A_142, %mul3A_284 : i32
      %add3A_286 = arith.constant 11 : i32
      %add3A_287 = arith.addi %mul3A_285, %add3A_286 : i32
      %mul3A_288 = arith.constant 16 : i32
      %mul3A_289 = arith.muli %add3A_287, %mul3A_288 : i32
      %get3A_290 = arith.index_cast %mul3A_289 : i32 to index
      %get3A_291 = tpu.vector_load %arg13[%get3A_290] {strides = array<i32>} : memref<10000xi32, #tpu.memory_space<vmem>>, vector<16xi32>,
      %gather3A_292 = tpu.vector_load_idx %arg12[%get3A_291] : memref<50000xi32, #tpu.memory_space<vmem>>[vector<16xi32>], vector<16xi32>,
      %ge3A_293 = arith.constant 0 : i32
      %ge3A_294 = vector.broadcast %ge3A_293 : i32 to vector<16xi32>
      %ge3A_295 = arith.cmpi sge, %gather3A_292, %ge3A_294 : vector<16xi32>
      %or3A_296 = arith.ori %or3A_283, %ge3A_295 : vector<16xi1>
      %mul3A_297 = arith.constant 25 : i32
      %mul3A_298 = arith.muli %scan3A_142, %mul3A_297 : i32
      %add3A_299 = arith.constant 12 : i32
      %add3A_300 = arith.addi %mul3A_298, %add3A_299 : i32
      %mul3A_301 = arith.constant 16 : i32
      %mul3A_302 = arith.muli %add3A_300, %mul3A_301 : i32
      %get3A_303 = arith.index_cast %mul3A_302 : i32 to index
      %get3A_304 = tpu.vector_load %arg13[%get3A_303] {strides = array<i32>} : memref<10000xi32, #tpu.memory_space<vmem>>, vector<16xi32>,
      %gather3A_305 = tpu.vector_load_idx %arg12[%get3A_304] : memref<50000xi32, #tpu.memory_space<vmem>>[vector<16xi32>], vector<16xi32>,
      %ge3A_306 = arith.constant 0 : i32
      %ge3A_307 = vector.broadcast %ge3A_306 : i32 to vector<16xi32>
      %ge3A_308 = arith.cmpi sge, %gather3A_305, %ge3A_307 : vector<16xi32>
      %or3A_309 = arith.ori %or3A_296, %ge3A_308 : vector<16xi1>
      %mul3A_310 = arith.constant 25 : i32
      %mul3A_311 = arith.muli %scan3A_142, %mul3A_310 : i32
      %add3A_312 = arith.constant 13 : i32
      %add3A_313 = arith.addi %mul3A_311, %add3A_312 : i32
      %mul3A_314 = arith.constant 16 : i32
      %mul3A_315 = arith.muli %add3A_313, %mul3A_314 : i32
      %get3A_316 = arith.index_cast %mul3A_315 : i32 to index
      %get3A_317 = tpu.vector_load %arg13[%get3A_316] {strides = array<i32>} : memref<10000xi32, #tpu.memory_space<vmem>>, vector<16xi32>,
      %gather3A_318 = tpu.vector_load_idx %arg12[%get3A_317] : memref<50000xi32, #tpu.memory_space<vmem>>[vector<16xi32>], vector<16xi32>,
      %ge3A_319 = arith.constant 0 : i32
      %ge3A_320 = vector.broadcast %ge3A_319 : i32 to vector<16xi32>
      %ge3A_321 = arith.cmpi sge, %gather3A_318, %ge3A_320 : vector<16xi32>
      %or3A_322 = arith.ori %or3A_309, %ge3A_321 : vector<16xi1>
      %mul3A_323 = arith.constant 25 : i32
      %mul3A_324 = arith.muli %scan3A_142, %mul3A_323 : i32
      %add3A_325 = arith.constant 14 : i32
      %add3A_326 = arith.addi %mul3A_324, %add3A_325 : i32
      %mul3A_327 = arith.constant 16 : i32
      %mul3A_328 = arith.muli %add3A_326, %mul3A_327 : i32
      %get3A_329 = arith.index_cast %mul3A_328 : i32 to index
      %get3A_330 = tpu.vector_load %arg13[%get3A_329] {strides = array<i32>} : memref<10000xi32, #tpu.memory_space<vmem>>, vector<16xi32>,
      %gather3A_331 = tpu.vector_load_idx %arg12[%get3A_330] : memref<50000xi32, #tpu.memory_space<vmem>>[vector<16xi32>], vector<16xi32>,
      %ge3A_332 = arith.constant 0 : i32
      %ge3A_333 = vector.broadcast %ge3A_332 : i32 to vector<16xi32>
      %ge3A_334 = arith.cmpi sge, %gather3A_331, %ge3A_333 : vector<16xi32>
      %or3A_335 = arith.ori %or3A_322, %ge3A_334 : vector<16xi1>
      %mul3A_336 = arith.constant 25 : i32
      %mul3A_337 = arith.muli %scan3A_142, %mul3A_336 : i32
      %add3A_338 = arith.constant 15 : i32
      %add3A_339 = arith.addi %mul3A_337, %add3A_338 : i32
      %mul3A_340 = arith.constant 16 : i32
      %mul3A_341 = arith.muli %add3A_339, %mul3A_340 : i32
      %get3A_342 = arith.index_cast %mul3A_341 : i32 to index
      %get3A_343 = tpu.vector_load %arg13[%get3A_342] {strides = array<i32>} : memref<10000xi32, #tpu.memory_space<vmem>>, vector<16xi32>,
      %gather3A_344 = tpu.vector_load_idx %arg12[%get3A_343] : memref<50000xi32, #tpu.memory_space<vmem>>[vector<16xi32>], vector<16xi32>,
      %ge3A_345 = arith.constant 0 : i32
      %ge3A_346 = vector.broadcast %ge3A_345 : i32 to vector<16xi32>
      %ge3A_347 = arith.cmpi sge, %gather3A_344, %ge3A_346 : vector<16xi32>
      %or3A_348 = arith.ori %or3A_335, %ge3A_347 : vector<16xi1>
      %mul3A_349 = arith.constant 25 : i32
      %mul3A_350 = arith.muli %scan3A_142, %mul3A_349 : i32
      %add3A_351 = arith.constant 16 : i32
      %add3A_352 = arith.addi %mul3A_350, %add3A_351 : i32
      %mul3A_353 = arith.constant 16 : i32
      %mul3A_354 = arith.muli %add3A_352, %mul3A_353 : i32
      %get3A_355 = arith.index_cast %mul3A_354 : i32 to index
      %get3A_356 = tpu.vector_load %arg13[%get3A_355] {strides = array<i32>} : memref<10000xi32, #tpu.memory_space<vmem>>, vector<16xi32>,
      %gather3A_357 = tpu.vector_load_idx %arg12[%get3A_356] : memref<50000xi32, #tpu.memory_space<vmem>>[vector<16xi32>], vector<16xi32>,
      %ge3A_358 = arith.constant 0 : i32
      %ge3A_359 = vector.broadcast %ge3A_358 : i32 to vector<16xi32>
      %ge3A_360 = arith.cmpi sge, %gather3A_357, %ge3A_359 : vector<16xi32>
      %or3A_361 = arith.ori %or3A_348, %ge3A_360 : vector<16xi1>
      %mul3A_362 = arith.constant 25 : i32
      %mul3A_363 = arith.muli %scan3A_142, %mul3A_362 : i32
      %add3A_364 = arith.constant 17 : i32
      %add3A_365 = arith.addi %mul3A_363, %add3A_364 : i32
      %mul3A_366 = arith.constant 16 : i32
      %mul3A_367 = arith.muli %add3A_365, %mul3A_366 : i32
      %get3A_368 = arith.index_cast %mul3A_367 : i32 to index
      %get3A_369 = tpu.vector_load %arg13[%get3A_368] {strides = array<i32>} : memref<10000xi32, #tpu.memory_space<vmem>>, vector<16xi32>,
      %gather3A_370 = tpu.vector_load_idx %arg12[%get3A_369] : memref<50000xi32, #tpu.memory_space<vmem>>[vector<16xi32>], vector<16xi32>,
      %ge3A_371 = arith.constant 0 : i32
      %ge3A_372 = vector.broadcast %ge3A_371 : i32 to vector<16xi32>
      %ge3A_373 = arith.cmpi sge, %gather3A_370, %ge3A_372 : vector<16xi32>
      %or3A_374 = arith.ori %or3A_361, %ge3A_373 : vector<16xi1>
      %mul3A_375 = arith.constant 25 : i32
      %mul3A_376 = arith.muli %scan3A_142, %mul3A_375 : i32
      %add3A_377 = arith.constant 18 : i32
      %add3A_378 = arith.addi %mul3A_376, %add3A_377 : i32
      %mul3A_379 = arith.constant 16 : i32
      %mul3A_380 = arith.muli %add3A_378, %mul3A_379 : i32
      %get3A_381 = arith.index_cast %mul3A_380 : i32 to index
      %get3A_382 = tpu.vector_load %arg13[%get3A_381] {strides = array<i32>} : memref<10000xi32, #tpu.memory_space<vmem>>, vector<16xi32>,
      %gather3A_383 = tpu.vector_load_idx %arg12[%get3A_382] : memref<50000xi32, #tpu.memory_space<vmem>>[vector<16xi32>], vector<16xi32>,
      %ge3A_384 = arith.constant 0 : i32
      %ge3A_385 = vector.broadcast %ge3A_384 : i32 to vector<16xi32>
      %ge3A_386 = arith.cmpi sge, %gather3A_383, %ge3A_385 : vector<16xi32>
      %or3A_387 = arith.ori %or3A_374, %ge3A_386 : vector<16xi1>
      %mul3A_388 = arith.constant 25 : i32
      %mul3A_389 = arith.muli %scan3A_142, %mul3A_388 : i32
      %add3A_390 = arith.constant 19 : i32
      %add3A_391 = arith.addi %mul3A_389, %add3A_390 : i32
      %mul3A_392 = arith.constant 16 : i32
      %mul3A_393 = arith.muli %add3A_391, %mul3A_392 : i32
      %get3A_394 = arith.index_cast %mul3A_393 : i32 to index
      %get3A_395 = tpu.vector_load %arg13[%get3A_394] {strides = array<i32>} : memref<10000xi32, #tpu.memory_space<vmem>>, vector<16xi32>,
      %gather3A_396 = tpu.vector_load_idx %arg12[%get3A_395] : memref<50000xi32, #tpu.memory_space<vmem>>[vector<16xi32>], vector<16xi32>,
      %ge3A_397 = arith.constant 0 : i32
      %ge3A_398 = vector.broadcast %ge3A_397 : i32 to vector<16xi32>
      %ge3A_399 = arith.cmpi sge, %gather3A_396, %ge3A_398 : vector<16xi32>
      %or3A_400 = arith.ori %or3A_387, %ge3A_399 : vector<16xi1>
      %mul3A_401 = arith.constant 25 : i32
      %mul3A_402 = arith.muli %scan3A_142, %mul3A_401 : i32
      %add3A_403 = arith.constant 20 : i32
      %add3A_404 = arith.addi %mul3A_402, %add3A_403 : i32
      %mul3A_405 = arith.constant 16 : i32
      %mul3A_406 = arith.muli %add3A_404, %mul3A_405 : i32
      %get3A_407 = arith.index_cast %mul3A_406 : i32 to index
      %get3A_408 = tpu.vector_load %arg13[%get3A_407] {strides = array<i32>} : memref<10000xi32, #tpu.memory_space<vmem>>, vector<16xi32>,
      %gather3A_409 = tpu.vector_load_idx %arg12[%get3A_408] : memref<50000xi32, #tpu.memory_space<vmem>>[vector<16xi32>], vector<16xi32>,
      %ge3A_410 = arith.constant 0 : i32
      %ge3A_411 = vector.broadcast %ge3A_410 : i32 to vector<16xi32>
      %ge3A_412 = arith.cmpi sge, %gather3A_409, %ge3A_411 : vector<16xi32>
      %or3A_413 = arith.ori %or3A_400, %ge3A_412 : vector<16xi1>
      %mul3A_414 = arith.constant 25 : i32
      %mul3A_415 = arith.muli %scan3A_142, %mul3A_414 : i32
      %add3A_416 = arith.constant 21 : i32
      %add3A_417 = arith.addi %mul3A_415, %add3A_416 : i32
      %mul3A_418 = arith.constant 16 : i32
      %mul3A_419 = arith.muli %add3A_417, %mul3A_418 : i32
      %get3A_420 = arith.index_cast %mul3A_419 : i32 to index
      %get3A_421 = tpu.vector_load %arg13[%get3A_420] {strides = array<i32>} : memref<10000xi32, #tpu.memory_space<vmem>>, vector<16xi32>,
      %gather3A_422 = tpu.vector_load_idx %arg12[%get3A_421] : memref<50000xi32, #tpu.memory_space<vmem>>[vector<16xi32>], vector<16xi32>,
      %ge3A_423 = arith.constant 0 : i32
      %ge3A_424 = vector.broadcast %ge3A_423 : i32 to vector<16xi32>
      %ge3A_425 = arith.cmpi sge, %gather3A_422, %ge3A_424 : vector<16xi32>
      %or3A_426 = arith.ori %or3A_413, %ge3A_425 : vector<16xi1>
      %mul3A_427 = arith.constant 25 : i32
      %mul3A_428 = arith.muli %scan3A_142, %mul3A_427 : i32
      %add3A_429 = arith.constant 22 : i32
      %add3A_430 = arith.addi %mul3A_428, %add3A_429 : i32
      %mul3A_431 = arith.constant 16 : i32
      %mul3A_432 = arith.muli %add3A_430, %mul3A_431 : i32
      %get3A_433 = arith.index_cast %mul3A_432 : i32 to index
      %get3A_434 = tpu.vector_load %arg13[%get3A_433] {strides = array<i32>} : memref<10000xi32, #tpu.memory_space<vmem>>, vector<16xi32>,
      %gather3A_435 = tpu.vector_load_idx %arg12[%get3A_434] : memref<50000xi32, #tpu.memory_space<vmem>>[vector<16xi32>], vector<16xi32>,
      %ge3A_436 = arith.constant 0 : i32
      %ge3A_437 = vector.broadcast %ge3A_436 : i32 to vector<16xi32>
      %ge3A_438 = arith.cmpi sge, %gather3A_435, %ge3A_437 : vector<16xi32>
      %or3A_439 = arith.ori %or3A_426, %ge3A_438 : vector<16xi1>
      %mul3A_440 = arith.constant 25 : i32
      %mul3A_441 = arith.muli %scan3A_142, %mul3A_440 : i32
      %add3A_442 = arith.constant 23 : i32
      %add3A_443 = arith.addi %mul3A_441, %add3A_442 : i32
      %mul3A_444 = arith.constant 16 : i32
      %mul3A_445 = arith.muli %add3A_443, %mul3A_444 : i32
      %get3A_446 = arith.index_cast %mul3A_445 : i32 to index
      %get3A_447 = tpu.vector_load %arg13[%get3A_446] {strides = array<i32>} : memref<10000xi32, #tpu.memory_space<vmem>>, vector<16xi32>,
      %gather3A_448 = tpu.vector_load_idx %arg12[%get3A_447] : memref<50000xi32, #tpu.memory_space<vmem>>[vector<16xi32>], vector<16xi32>,
      %ge3A_449 = arith.constant 0 : i32
      %ge3A_450 = vector.broadcast %ge3A_449 : i32 to vector<16xi32>
      %ge3A_451 = arith.cmpi sge, %gather3A_448, %ge3A_450 : vector<16xi32>
      %or3A_452 = arith.ori %or3A_439, %ge3A_451 : vector<16xi1>
      %mul3A_453 = arith.constant 25 : i32
      %mul3A_454 = arith.muli %scan3A_142, %mul3A_453 : i32
      %add3A_455 = arith.constant 24 : i32
      %add3A_456 = arith.addi %mul3A_454, %add3A_455 : i32
      %mul3A_457 = arith.constant 16 : i32
      %mul3A_458 = arith.muli %add3A_456, %mul3A_457 : i32
      %get3A_459 = arith.index_cast %mul3A_458 : i32 to index
      %get3A_460 = tpu.vector_load %arg13[%get3A_459] {strides = array<i32>} : memref<10000xi32, #tpu.memory_space<vmem>>, vector<16xi32>,
      %gather3A_461 = tpu.vector_load_idx %arg12[%get3A_460] : memref<50000xi32, #tpu.memory_space<vmem>>[vector<16xi32>], vector<16xi32>,
      %ge3A_462 = arith.constant 0 : i32
      %ge3A_463 = vector.broadcast %ge3A_462 : i32 to vector<16xi32>
      %ge3A_464 = arith.cmpi sge, %gather3A_461, %ge3A_463 : vector<16xi32>
      %or3A_465 = arith.ori %or3A_452, %ge3A_464 : vector<16xi1>
      %all_reduce_population_count3A = tpu.all_reduce %or3A_465 {dim = 0 : i64, kind = #tpu.reduction_kind<sum>} : vector<16xi1> -> vector<16xi32>
      %slice3A_466 = vector.extract_strided_slice %all_reduce_population_count3A {offsets = [0], sizes = [1], strides = [1]} : vector<16xi32> to vector<1xi32>
      %squeeze3A_467 = vector.extract %slice3A_466[0] : i32 from vector<1xi32>
      %gt3A = arith.constant 0 : i32
      %gt3A_468 = arith.cmpi sgt, %squeeze3A_467, %gt3A : i32
      %convert_element_type3A_469 = arith.extui %gt3A_468 : i1 to i32
      %cond3A_470 = arith.constant 0 : i32
      %cond3A_471 = arith.cmpi ne, %convert_element_type3A_469, %cond3A_470 : i32
      %cond3A_472 = scf.if %cond3A_471 -> (i32) {
        %scan3A_473 = arith.constant 0 : i32
        %scan3A_474 = arith.constant 25 : i32
        %scan3A_475 = arith.addi %scan3A_473, %scan3A_474 : i32
        %scan3A_476 = arith.constant 1 : i32
        %scan3A_477 = scf.for %scan3A_479 = %scan3A_473 to %scan3A_475 step %scan3A_476 iter_args(%scan3A_480 = %scan3A_143) -> (i32)  : i32 {
          %mul3A_481 = arith.constant 25 : i32
          %mul3A_482 = arith.muli %scan3A_142, %mul3A_481 : i32
          %add3A_483 = arith.addi %mul3A_482, %scan3A_479 : i32
          %mul3A_484 = arith.constant 16 : i32
          %mul3A_485 = arith.muli %add3A_483, %mul3A_484 : i32
          %get3A_486 = arith.index_cast %mul3A_485 : i32 to index
          %get3A_487 = tpu.vector_load %arg13[%get3A_486] {strides = array<i32>} : memref<10000xi32, #tpu.memory_space<vmem>>, vector<16xi32>,
          %gather3A_488 = tpu.vector_load_idx %arg12[%get3A_487] : memref<50000xi32, #tpu.memory_space<vmem>>[vector<16xi32>], vector<16xi32>,
          %ge3A_489 = arith.constant 0 : i32
          %ge3A_490 = vector.broadcast %ge3A_489 : i32 to vector<16xi32>
          %ge3A_491 = arith.cmpi sge, %gather3A_488, %ge3A_490 : vector<16xi32>
          %all_reduce_population_count3A_492 = tpu.all_reduce %ge3A_491 {dim = 0 : i64, kind = #tpu.reduction_kind<sum>} : vector<16xi1> -> vector<16xi32>
          %slice3A_493 = vector.extract_strided_slice %all_reduce_population_count3A_492 {offsets = [0], sizes = [1], strides = [1]} : vector<16xi32> to vector<1xi32>
          %squeeze3A_494 = vector.extract %slice3A_493[0] : i32 from vector<1xi32>
          %gt3A_495 = arith.constant 0 : i32
          %gt3A_496 = arith.cmpi sgt, %squeeze3A_494, %gt3A_495 : i32
          %convert_element_type3A_497 = arith.extui %gt3A_496 : i1 to i32
          %cond3A_498 = arith.constant 0 : i32
          %cond3A_499 = arith.cmpi ne, %convert_element_type3A_497, %cond3A_498 : i32
          %cond3A_500 = scf.if %cond3A_499 -> (i32) {
            %mul3A_501 = arith.constant 25 : i32
            %mul3A_502 = arith.muli %scan3A_142, %mul3A_501 : i32
            %add3A_503 = arith.addi %mul3A_502, %scan3A_479 : i32
            %mul3A_504 = arith.constant 16 : i32
            %mul3A_505 = arith.muli %add3A_503, %mul3A_504 : i32
            %get3A_506 = arith.index_cast %mul3A_505 : i32 to index
            %get3A_507 = tpu.vector_load %arg15[%get3A_506] {strides = array<i32>} : memref<10000xi32, #tpu.memory_space<vmem>>, vector<16xi32>,
            %min3A = arith.constant 128 : i32
            %min3A_508 = arith.minsi %scan3A_480, %min3A : i32
            %swap3A = arith.index_cast %min3A_508 : i32 to index
            %swap3A_509 = tpu.vector_load %arg17[%swap3A] masked %ge3A_491 {strides = array<i32>} : memref<144xi32, #tpu.memory_space<vmem>>, vector<16xi32>, vector<16xi1>
            tpu.vector_store %arg17[%swap3A], %gather3A_488 masked %ge3A_491 {strides = array<i32>} : memref<144xi32, #tpu.memory_space<vmem>>, vector<16xi32>, vector<16xi1>
            %swap3A_510 = arith.index_cast %min3A_508 : i32 to index
            %swap3A_511 = tpu.vector_load %arg18[%swap3A_510] masked %ge3A_491 {strides = array<i32>} : memref<144xi32, #tpu.memory_space<vmem>>, vector<16xi32>, vector<16xi1>
            tpu.vector_store %arg18[%swap3A_510], %get3A_507 masked %ge3A_491 {strides = array<i32>} : memref<144xi32, #tpu.memory_space<vmem>>, vector<16xi32>, vector<16xi1>
            %add3A_512 = arith.addi %scan3A_480, %squeeze3A_494 : i32
            %min3A_513 = arith.constant 128 : i32
            %min3A_514 = arith.minsi %add3A_512, %min3A_513 : i32
            scf.yield %min3A_514 : i32
          } else {
            scf.yield %scan3A_480 : i32
          }
          scf.yield %cond3A_500 : i32
        }
        %scan3A_478 = arith.constant 25 : i32
        scf.yield %scan3A_477 : i32
      } else {
        scf.yield %scan3A_143 : i32
      }
      scf.yield %cond3A_472 : i32
    }
    %scan3A_75 = arith.constant 25 : i32
    %dma_wait3A_76 = tpu.memref_slice %arg3[%add3A_65] : memref<1600000xi32, #tpu.memory_space<hbm>> -> memref<10000xi32, #tpu.memory_space<hbm>>
    %dma_wait3A_77 = tpu.memref_slice %arg3[%add3A_65] : memref<1600000xi32, #tpu.memory_space<hbm>> -> memref<10000xi32, #tpu.memory_space<hbm>>
    tpu.wait_dma2 semaphore(%arg29 : memref<!tpu.dma_semaphore, #tpu.memory_space<semaphore_mem>>) src(%dma_wait3A_77 : memref<10000xi32, #tpu.memory_space<hbm>>) dst(%arg14 : memref<10000xi32, #tpu.memory_space<vmem>>)
    %dma_wait3A_78 = tpu.memref_slice %arg2[%add3A_65] : memref<1600000xi32, #tpu.memory_space<hbm>> -> memref<10000xi32, #tpu.memory_space<hbm>>
    %dma_wait3A_79 = tpu.memref_slice %arg2[%add3A_65] : memref<1600000xi32, #tpu.memory_space<hbm>> -> memref<10000xi32, #tpu.memory_space<hbm>>
    tpu.wait_dma2 semaphore(%arg31 : memref<!tpu.dma_semaphore, #tpu.memory_space<semaphore_mem>>) src(%dma_wait3A_79 : memref<10000xi32, #tpu.memory_space<hbm>>) dst(%arg16 : memref<10000xi32, #tpu.memory_space<vmem>>)
    %add3A_80 = arith.constant 40000 : i32
    %add3A_81 = arith.addi %mul3A_2, %add3A_80 : i32
    %dma_start3A_82 = tpu.memref_slice %arg3[%add3A_81] : memref<1600000xi32, #tpu.memory_space<hbm>> -> memref<10000xi32, #tpu.memory_space<hbm>>
    %dma_start3A_83 = tpu.memref_slice %arg3[%add3A_81] : memref<1600000xi32, #tpu.memory_space<hbm>> -> memref<10000xi32, #tpu.memory_space<hbm>>
    tpu.enqueue_dma source(%dma_start3A_83 : memref<10000xi32, #tpu.memory_space<hbm>>) target(%arg13 : memref<10000xi32, #tpu.memory_space<vmem>>) target_semaphore(%arg28 : memref<!tpu.dma_semaphore, #tpu.memory_space<semaphore_mem>>)
    %dma_start3A_84 = tpu.memref_slice %arg2[%add3A_81] : memref<1600000xi32, #tpu.memory_space<hbm>> -> memref<10000xi32, #tpu.memory_space<hbm>>
    %dma_start3A_85 = tpu.memref_slice %arg2[%add3A_81] : memref<1600000xi32, #tpu.memory_space<hbm>> -> memref<10000xi32, #tpu.memory_space<hbm>>
    tpu.enqueue_dma source(%dma_start3A_85 : memref<10000xi32, #tpu.memory_space<hbm>>) target(%arg15 : memref<10000xi32, #tpu.memory_space<vmem>>) target_semaphore(%arg30 : memref<!tpu.dma_semaphore, #tpu.memory_space<semaphore_mem>>)
    %scan3A_86 = arith.constant 0 : i32
    %scan3A_87 = arith.constant 25 : i32
    %scan3A_88 = arith.addi %scan3A_86, %scan3A_87 : i32
    %scan3A_89 = arith.constant 1 : i32
    %scan3A_90 = scf.for %scan3A_142 = %scan3A_86 to %scan3A_88 step %scan3A_89 iter_args(%scan3A_143 = %scan3A_74) -> (i32)  : i32 {
      %mul3A_144 = arith.constant 25 : i32
      %mul3A_145 = arith.muli %scan3A_142, %mul3A_144 : i32
      %add3A_146 = arith.constant 0 : i32
      %add3A_147 = arith.addi %mul3A_145, %add3A_146 : i32
      %mul3A_148 = arith.constant 16 : i32
      %mul3A_149 = arith.muli %add3A_147, %mul3A_148 : i32
      %get3A_150 = arith.index_cast %mul3A_149 : i32 to index
      %get3A_151 = tpu.vector_load %arg14[%get3A_150] {strides = array<i32>} : memref<10000xi32, #tpu.memory_space<vmem>>, vector<16xi32>,
      %gather3A = tpu.vector_load_idx %arg12[%get3A_151] : memref<50000xi32, #tpu.memory_space<vmem>>[vector<16xi32>], vector<16xi32>,
      %ge3A = arith.constant 0 : i32
      %ge3A_152 = vector.broadcast %ge3A : i32 to vector<16xi32>
      %ge3A_153 = arith.cmpi sge, %gather3A, %ge3A_152 : vector<16xi32>
      %or3A = arith.ori %broadcast_in_dim3A_7, %ge3A_153 : vector<16xi1>
      %mul3A_154 = arith.constant 25 : i32
      %mul3A_155 = arith.muli %scan3A_142, %mul3A_154 : i32
      %add3A_156 = arith.constant 1 : i32
      %add3A_157 = arith.addi %mul3A_155, %add3A_156 : i32
      %mul3A_158 = arith.constant 16 : i32
      %mul3A_159 = arith.muli %add3A_157, %mul3A_158 : i32
      %get3A_160 = arith.index_cast %mul3A_159 : i32 to index
      %get3A_161 = tpu.vector_load %arg14[%get3A_160] {strides = array<i32>} : memref<10000xi32, #tpu.memory_space<vmem>>, vector<16xi32>,
      %gather3A_162 = tpu.vector_load_idx %arg12[%get3A_161] : memref<50000xi32, #tpu.memory_space<vmem>>[vector<16xi32>], vector<16xi32>,
      %ge3A_163 = arith.constant 0 : i32
      %ge3A_164 = vector.broadcast %ge3A_163 : i32 to vector<16xi32>
      %ge3A_165 = arith.cmpi sge, %gather3A_162, %ge3A_164 : vector<16xi32>
      %or3A_166 = arith.ori %or3A, %ge3A_165 : vector<16xi1>
      %mul3A_167 = arith.constant 25 : i32
      %mul3A_168 = arith.muli %scan3A_142, %mul3A_167 : i32
      %add3A_169 = arith.constant 2 : i32
      %add3A_170 = arith.addi %mul3A_168, %add3A_169 : i32
      %mul3A_171 = arith.constant 16 : i32
      %mul3A_172 = arith.muli %add3A_170, %mul3A_171 : i32
      %get3A_173 = arith.index_cast %mul3A_172 : i32 to index
      %get3A_174 = tpu.vector_load %arg14[%get3A_173] {strides = array<i32>} : memref<10000xi32, #tpu.memory_space<vmem>>, vector<16xi32>,
      %gather3A_175 = tpu.vector_load_idx %arg12[%get3A_174] : memref<50000xi32, #tpu.memory_space<vmem>>[vector<16xi32>], vector<16xi32>,
      %ge3A_176 = arith.constant 0 : i32
      %ge3A_177 = vector.broadcast %ge3A_176 : i32 to vector<16xi32>
      %ge3A_178 = arith.cmpi sge, %gather3A_175, %ge3A_177 : vector<16xi32>
      %or3A_179 = arith.ori %or3A_166, %ge3A_178 : vector<16xi1>
      %mul3A_180 = arith.constant 25 : i32
      %mul3A_181 = arith.muli %scan3A_142, %mul3A_180 : i32
      %add3A_182 = arith.constant 3 : i32
      %add3A_183 = arith.addi %mul3A_181, %add3A_182 : i32
      %mul3A_184 = arith.constant 16 : i32
      %mul3A_185 = arith.muli %add3A_183, %mul3A_184 : i32
      %get3A_186 = arith.index_cast %mul3A_185 : i32 to index
      %get3A_187 = tpu.vector_load %arg14[%get3A_186] {strides = array<i32>} : memref<10000xi32, #tpu.memory_space<vmem>>, vector<16xi32>,
      %gather3A_188 = tpu.vector_load_idx %arg12[%get3A_187] : memref<50000xi32, #tpu.memory_space<vmem>>[vector<16xi32>], vector<16xi32>,
      %ge3A_189 = arith.constant 0 : i32
      %ge3A_190 = vector.broadcast %ge3A_189 : i32 to vector<16xi32>
      %ge3A_191 = arith.cmpi sge, %gather3A_188, %ge3A_190 : vector<16xi32>
      %or3A_192 = arith.ori %or3A_179, %ge3A_191 : vector<16xi1>
      %mul3A_193 = arith.constant 25 : i32
      %mul3A_194 = arith.muli %scan3A_142, %mul3A_193 : i32
      %add3A_195 = arith.constant 4 : i32
      %add3A_196 = arith.addi %mul3A_194, %add3A_195 : i32
      %mul3A_197 = arith.constant 16 : i32
      %mul3A_198 = arith.muli %add3A_196, %mul3A_197 : i32
      %get3A_199 = arith.index_cast %mul3A_198 : i32 to index
      %get3A_200 = tpu.vector_load %arg14[%get3A_199] {strides = array<i32>} : memref<10000xi32, #tpu.memory_space<vmem>>, vector<16xi32>,
      %gather3A_201 = tpu.vector_load_idx %arg12[%get3A_200] : memref<50000xi32, #tpu.memory_space<vmem>>[vector<16xi32>], vector<16xi32>,
      %ge3A_202 = arith.constant 0 : i32
      %ge3A_203 = vector.broadcast %ge3A_202 : i32 to vector<16xi32>
      %ge3A_204 = arith.cmpi sge, %gather3A_201, %ge3A_203 : vector<16xi32>
      %or3A_205 = arith.ori %or3A_192, %ge3A_204 : vector<16xi1>
      %mul3A_206 = arith.constant 25 : i32
      %mul3A_207 = arith.muli %scan3A_142, %mul3A_206 : i32
      %add3A_208 = arith.constant 5 : i32
      %add3A_209 = arith.addi %mul3A_207, %add3A_208 : i32
      %mul3A_210 = arith.constant 16 : i32
      %mul3A_211 = arith.muli %add3A_209, %mul3A_210 : i32
      %get3A_212 = arith.index_cast %mul3A_211 : i32 to index
      %get3A_213 = tpu.vector_load %arg14[%get3A_212] {strides = array<i32>} : memref<10000xi32, #tpu.memory_space<vmem>>, vector<16xi32>,
      %gather3A_214 = tpu.vector_load_idx %arg12[%get3A_213] : memref<50000xi32, #tpu.memory_space<vmem>>[vector<16xi32>], vector<16xi32>,
      %ge3A_215 = arith.constant 0 : i32
      %ge3A_216 = vector.broadcast %ge3A_215 : i32 to vector<16xi32>
      %ge3A_217 = arith.cmpi sge, %gather3A_214, %ge3A_216 : vector<16xi32>
      %or3A_218 = arith.ori %or3A_205, %ge3A_217 : vector<16xi1>
      %mul3A_219 = arith.constant 25 : i32
      %mul3A_220 = arith.muli %scan3A_142, %mul3A_219 : i32
      %add3A_221 = arith.constant 6 : i32
      %add3A_222 = arith.addi %mul3A_220, %add3A_221 : i32
      %mul3A_223 = arith.constant 16 : i32
      %mul3A_224 = arith.muli %add3A_222, %mul3A_223 : i32
      %get3A_225 = arith.index_cast %mul3A_224 : i32 to index
      %get3A_226 = tpu.vector_load %arg14[%get3A_225] {strides = array<i32>} : memref<10000xi32, #tpu.memory_space<vmem>>, vector<16xi32>,
      %gather3A_227 = tpu.vector_load_idx %arg12[%get3A_226] : memref<50000xi32, #tpu.memory_space<vmem>>[vector<16xi32>], vector<16xi32>,
      %ge3A_228 = arith.constant 0 : i32
      %ge3A_229 = vector.broadcast %ge3A_228 : i32 to vector<16xi32>
      %ge3A_230 = arith.cmpi sge, %gather3A_227, %ge3A_229 : vector<16xi32>
      %or3A_231 = arith.ori %or3A_218, %ge3A_230 : vector<16xi1>
      %mul3A_232 = arith.constant 25 : i32
      %mul3A_233 = arith.muli %scan3A_142, %mul3A_232 : i32
      %add3A_234 = arith.constant 7 : i32
      %add3A_235 = arith.addi %mul3A_233, %add3A_234 : i32
      %mul3A_236 = arith.constant 16 : i32
      %mul3A_237 = arith.muli %add3A_235, %mul3A_236 : i32
      %get3A_238 = arith.index_cast %mul3A_237 : i32 to index
      %get3A_239 = tpu.vector_load %arg14[%get3A_238] {strides = array<i32>} : memref<10000xi32, #tpu.memory_space<vmem>>, vector<16xi32>,
      %gather3A_240 = tpu.vector_load_idx %arg12[%get3A_239] : memref<50000xi32, #tpu.memory_space<vmem>>[vector<16xi32>], vector<16xi32>,
      %ge3A_241 = arith.constant 0 : i32
      %ge3A_242 = vector.broadcast %ge3A_241 : i32 to vector<16xi32>
      %ge3A_243 = arith.cmpi sge, %gather3A_240, %ge3A_242 : vector<16xi32>
      %or3A_244 = arith.ori %or3A_231, %ge3A_243 : vector<16xi1>
      %mul3A_245 = arith.constant 25 : i32
      %mul3A_246 = arith.muli %scan3A_142, %mul3A_245 : i32
      %add3A_247 = arith.constant 8 : i32
      %add3A_248 = arith.addi %mul3A_246, %add3A_247 : i32
      %mul3A_249 = arith.constant 16 : i32
      %mul3A_250 = arith.muli %add3A_248, %mul3A_249 : i32
      %get3A_251 = arith.index_cast %mul3A_250 : i32 to index
      %get3A_252 = tpu.vector_load %arg14[%get3A_251] {strides = array<i32>} : memref<10000xi32, #tpu.memory_space<vmem>>, vector<16xi32>,
      %gather3A_253 = tpu.vector_load_idx %arg12[%get3A_252] : memref<50000xi32, #tpu.memory_space<vmem>>[vector<16xi32>], vector<16xi32>,
      %ge3A_254 = arith.constant 0 : i32
      %ge3A_255 = vector.broadcast %ge3A_254 : i32 to vector<16xi32>
      %ge3A_256 = arith.cmpi sge, %gather3A_253, %ge3A_255 : vector<16xi32>
      %or3A_257 = arith.ori %or3A_244, %ge3A_256 : vector<16xi1>
      %mul3A_258 = arith.constant 25 : i32
      %mul3A_259 = arith.muli %scan3A_142, %mul3A_258 : i32
      %add3A_260 = arith.constant 9 : i32
      %add3A_261 = arith.addi %mul3A_259, %add3A_260 : i32
      %mul3A_262 = arith.constant 16 : i32
      %mul3A_263 = arith.muli %add3A_261, %mul3A_262 : i32
      %get3A_264 = arith.index_cast %mul3A_263 : i32 to index
      %get3A_265 = tpu.vector_load %arg14[%get3A_264] {strides = array<i32>} : memref<10000xi32, #tpu.memory_space<vmem>>, vector<16xi32>,
      %gather3A_266 = tpu.vector_load_idx %arg12[%get3A_265] : memref<50000xi32, #tpu.memory_space<vmem>>[vector<16xi32>], vector<16xi32>,
      %ge3A_267 = arith.constant 0 : i32
      %ge3A_268 = vector.broadcast %ge3A_267 : i32 to vector<16xi32>
      %ge3A_269 = arith.cmpi sge, %gather3A_266, %ge3A_268 : vector<16xi32>
      %or3A_270 = arith.ori %or3A_257, %ge3A_269 : vector<16xi1>
      %mul3A_271 = arith.constant 25 : i32
      %mul3A_272 = arith.muli %scan3A_142, %mul3A_271 : i32
      %add3A_273 = arith.constant 10 : i32
      %add3A_274 = arith.addi %mul3A_272, %add3A_273 : i32
      %mul3A_275 = arith.constant 16 : i32
      %mul3A_276 = arith.muli %add3A_274, %mul3A_275 : i32
      %get3A_277 = arith.index_cast %mul3A_276 : i32 to index
      %get3A_278 = tpu.vector_load %arg14[%get3A_277] {strides = array<i32>} : memref<10000xi32, #tpu.memory_space<vmem>>, vector<16xi32>,
      %gather3A_279 = tpu.vector_load_idx %arg12[%get3A_278] : memref<50000xi32, #tpu.memory_space<vmem>>[vector<16xi32>], vector<16xi32>,
      %ge3A_280 = arith.constant 0 : i32
      %ge3A_281 = vector.broadcast %ge3A_280 : i32 to vector<16xi32>
      %ge3A_282 = arith.cmpi sge, %gather3A_279, %ge3A_281 : vector<16xi32>
      %or3A_283 = arith.ori %or3A_270, %ge3A_282 : vector<16xi1>
      %mul3A_284 = arith.constant 25 : i32
      %mul3A_285 = arith.muli %scan3A_142, %mul3A_284 : i32
      %add3A_286 = arith.constant 11 : i32
      %add3A_287 = arith.addi %mul3A_285, %add3A_286 : i32
      %mul3A_288 = arith.constant 16 : i32
      %mul3A_289 = arith.muli %add3A_287, %mul3A_288 : i32
      %get3A_290 = arith.index_cast %mul3A_289 : i32 to index
      %get3A_291 = tpu.vector_load %arg14[%get3A_290] {strides = array<i32>} : memref<10000xi32, #tpu.memory_space<vmem>>, vector<16xi32>,
      %gather3A_292 = tpu.vector_load_idx %arg12[%get3A_291] : memref<50000xi32, #tpu.memory_space<vmem>>[vector<16xi32>], vector<16xi32>,
      %ge3A_293 = arith.constant 0 : i32
      %ge3A_294 = vector.broadcast %ge3A_293 : i32 to vector<16xi32>
      %ge3A_295 = arith.cmpi sge, %gather3A_292, %ge3A_294 : vector<16xi32>
      %or3A_296 = arith.ori %or3A_283, %ge3A_295 : vector<16xi1>
      %mul3A_297 = arith.constant 25 : i32
      %mul3A_298 = arith.muli %scan3A_142, %mul3A_297 : i32
      %add3A_299 = arith.constant 12 : i32
      %add3A_300 = arith.addi %mul3A_298, %add3A_299 : i32
      %mul3A_301 = arith.constant 16 : i32
      %mul3A_302 = arith.muli %add3A_300, %mul3A_301 : i32
      %get3A_303 = arith.index_cast %mul3A_302 : i32 to index
      %get3A_304 = tpu.vector_load %arg14[%get3A_303] {strides = array<i32>} : memref<10000xi32, #tpu.memory_space<vmem>>, vector<16xi32>,
      %gather3A_305 = tpu.vector_load_idx %arg12[%get3A_304] : memref<50000xi32, #tpu.memory_space<vmem>>[vector<16xi32>], vector<16xi32>,
      %ge3A_306 = arith.constant 0 : i32
      %ge3A_307 = vector.broadcast %ge3A_306 : i32 to vector<16xi32>
      %ge3A_308 = arith.cmpi sge, %gather3A_305, %ge3A_307 : vector<16xi32>
      %or3A_309 = arith.ori %or3A_296, %ge3A_308 : vector<16xi1>
      %mul3A_310 = arith.constant 25 : i32
      %mul3A_311 = arith.muli %scan3A_142, %mul3A_310 : i32
      %add3A_312 = arith.constant 13 : i32
      %add3A_313 = arith.addi %mul3A_311, %add3A_312 : i32
      %mul3A_314 = arith.constant 16 : i32
      %mul3A_315 = arith.muli %add3A_313, %mul3A_314 : i32
      %get3A_316 = arith.index_cast %mul3A_315 : i32 to index
      %get3A_317 = tpu.vector_load %arg14[%get3A_316] {strides = array<i32>} : memref<10000xi32, #tpu.memory_space<vmem>>, vector<16xi32>,
      %gather3A_318 = tpu.vector_load_idx %arg12[%get3A_317] : memref<50000xi32, #tpu.memory_space<vmem>>[vector<16xi32>], vector<16xi32>,
      %ge3A_319 = arith.constant 0 : i32
      %ge3A_320 = vector.broadcast %ge3A_319 : i32 to vector<16xi32>
      %ge3A_321 = arith.cmpi sge, %gather3A_318, %ge3A_320 : vector<16xi32>
      %or3A_322 = arith.ori %or3A_309, %ge3A_321 : vector<16xi1>
      %mul3A_323 = arith.constant 25 : i32
      %mul3A_324 = arith.muli %scan3A_142, %mul3A_323 : i32
      %add3A_325 = arith.constant 14 : i32
      %add3A_326 = arith.addi %mul3A_324, %add3A_325 : i32
      %mul3A_327 = arith.constant 16 : i32
      %mul3A_328 = arith.muli %add3A_326, %mul3A_327 : i32
      %get3A_329 = arith.index_cast %mul3A_328 : i32 to index
      %get3A_330 = tpu.vector_load %arg14[%get3A_329] {strides = array<i32>} : memref<10000xi32, #tpu.memory_space<vmem>>, vector<16xi32>,
      %gather3A_331 = tpu.vector_load_idx %arg12[%get3A_330] : memref<50000xi32, #tpu.memory_space<vmem>>[vector<16xi32>], vector<16xi32>,
      %ge3A_332 = arith.constant 0 : i32
      %ge3A_333 = vector.broadcast %ge3A_332 : i32 to vector<16xi32>
      %ge3A_334 = arith.cmpi sge, %gather3A_331, %ge3A_333 : vector<16xi32>
      %or3A_335 = arith.ori %or3A_322, %ge3A_334 : vector<16xi1>
      %mul3A_336 = arith.constant 25 : i32
      %mul3A_337 = arith.muli %scan3A_142, %mul3A_336 : i32
      %add3A_338 = arith.constant 15 : i32
      %add3A_339 = arith.addi %mul3A_337, %add3A_338 : i32
      %mul3A_340 = arith.constant 16 : i32
      %mul3A_341 = arith.muli %add3A_339, %mul3A_340 : i32
      %get3A_342 = arith.index_cast %mul3A_341 : i32 to index
      %get3A_343 = tpu.vector_load %arg14[%get3A_342] {strides = array<i32>} : memref<10000xi32, #tpu.memory_space<vmem>>, vector<16xi32>,
      %gather3A_344 = tpu.vector_load_idx %arg12[%get3A_343] : memref<50000xi32, #tpu.memory_space<vmem>>[vector<16xi32>], vector<16xi32>,
      %ge3A_345 = arith.constant 0 : i32
      %ge3A_346 = vector.broadcast %ge3A_345 : i32 to vector<16xi32>
      %ge3A_347 = arith.cmpi sge, %gather3A_344, %ge3A_346 : vector<16xi32>
      %or3A_348 = arith.ori %or3A_335, %ge3A_347 : vector<16xi1>
      %mul3A_349 = arith.constant 25 : i32
      %mul3A_350 = arith.muli %scan3A_142, %mul3A_349 : i32
      %add3A_351 = arith.constant 16 : i32
      %add3A_352 = arith.addi %mul3A_350, %add3A_351 : i32
      %mul3A_353 = arith.constant 16 : i32
      %mul3A_354 = arith.muli %add3A_352, %mul3A_353 : i32
      %get3A_355 = arith.index_cast %mul3A_354 : i32 to index
      %get3A_356 = tpu.vector_load %arg14[%get3A_355] {strides = array<i32>} : memref<10000xi32, #tpu.memory_space<vmem>>, vector<16xi32>,
      %gather3A_357 = tpu.vector_load_idx %arg12[%get3A_356] : memref<50000xi32, #tpu.memory_space<vmem>>[vector<16xi32>], vector<16xi32>,
      %ge3A_358 = arith.constant 0 : i32
      %ge3A_359 = vector.broadcast %ge3A_358 : i32 to vector<16xi32>
      %ge3A_360 = arith.cmpi sge, %gather3A_357, %ge3A_359 : vector<16xi32>
      %or3A_361 = arith.ori %or3A_348, %ge3A_360 : vector<16xi1>
      %mul3A_362 = arith.constant 25 : i32
      %mul3A_363 = arith.muli %scan3A_142, %mul3A_362 : i32
      %add3A_364 = arith.constant 17 : i32
      %add3A_365 = arith.addi %mul3A_363, %add3A_364 : i32
      %mul3A_366 = arith.constant 16 : i32
      %mul3A_367 = arith.muli %add3A_365, %mul3A_366 : i32
      %get3A_368 = arith.index_cast %mul3A_367 : i32 to index
      %get3A_369 = tpu.vector_load %arg14[%get3A_368] {strides = array<i32>} : memref<10000xi32, #tpu.memory_space<vmem>>, vector<16xi32>,
      %gather3A_370 = tpu.vector_load_idx %arg12[%get3A_369] : memref<50000xi32, #tpu.memory_space<vmem>>[vector<16xi32>], vector<16xi32>,
      %ge3A_371 = arith.constant 0 : i32
      %ge3A_372 = vector.broadcast %ge3A_371 : i32 to vector<16xi32>
      %ge3A_373 = arith.cmpi sge, %gather3A_370, %ge3A_372 : vector<16xi32>
      %or3A_374 = arith.ori %or3A_361, %ge3A_373 : vector<16xi1>
      %mul3A_375 = arith.constant 25 : i32
      %mul3A_376 = arith.muli %scan3A_142, %mul3A_375 : i32
      %add3A_377 = arith.constant 18 : i32
      %add3A_378 = arith.addi %mul3A_376, %add3A_377 : i32
      %mul3A_379 = arith.constant 16 : i32
      %mul3A_380 = arith.muli %add3A_378, %mul3A_379 : i32
      %get3A_381 = arith.index_cast %mul3A_380 : i32 to index
      %get3A_382 = tpu.vector_load %arg14[%get3A_381] {strides = array<i32>} : memref<10000xi32, #tpu.memory_space<vmem>>, vector<16xi32>,
      %gather3A_383 = tpu.vector_load_idx %arg12[%get3A_382] : memref<50000xi32, #tpu.memory_space<vmem>>[vector<16xi32>], vector<16xi32>,
      %ge3A_384 = arith.constant 0 : i32
      %ge3A_385 = vector.broadcast %ge3A_384 : i32 to vector<16xi32>
      %ge3A_386 = arith.cmpi sge, %gather3A_383, %ge3A_385 : vector<16xi32>
      %or3A_387 = arith.ori %or3A_374, %ge3A_386 : vector<16xi1>
      %mul3A_388 = arith.constant 25 : i32
      %mul3A_389 = arith.muli %scan3A_142, %mul3A_388 : i32
      %add3A_390 = arith.constant 19 : i32
      %add3A_391 = arith.addi %mul3A_389, %add3A_390 : i32
      %mul3A_392 = arith.constant 16 : i32
      %mul3A_393 = arith.muli %add3A_391, %mul3A_392 : i32
      %get3A_394 = arith.index_cast %mul3A_393 : i32 to index
      %get3A_395 = tpu.vector_load %arg14[%get3A_394] {strides = array<i32>} : memref<10000xi32, #tpu.memory_space<vmem>>, vector<16xi32>,
      %gather3A_396 = tpu.vector_load_idx %arg12[%get3A_395] : memref<50000xi32, #tpu.memory_space<vmem>>[vector<16xi32>], vector<16xi32>,
      %ge3A_397 = arith.constant 0 : i32
      %ge3A_398 = vector.broadcast %ge3A_397 : i32 to vector<16xi32>
      %ge3A_399 = arith.cmpi sge, %gather3A_396, %ge3A_398 : vector<16xi32>
      %or3A_400 = arith.ori %or3A_387, %ge3A_399 : vector<16xi1>
      %mul3A_401 = arith.constant 25 : i32
      %mul3A_402 = arith.muli %scan3A_142, %mul3A_401 : i32
      %add3A_403 = arith.constant 20 : i32
      %add3A_404 = arith.addi %mul3A_402, %add3A_403 : i32
      %mul3A_405 = arith.constant 16 : i32
      %mul3A_406 = arith.muli %add3A_404, %mul3A_405 : i32
      %get3A_407 = arith.index_cast %mul3A_406 : i32 to index
      %get3A_408 = tpu.vector_load %arg14[%get3A_407] {strides = array<i32>} : memref<10000xi32, #tpu.memory_space<vmem>>, vector<16xi32>,
      %gather3A_409 = tpu.vector_load_idx %arg12[%get3A_408] : memref<50000xi32, #tpu.memory_space<vmem>>[vector<16xi32>], vector<16xi32>,
      %ge3A_410 = arith.constant 0 : i32
      %ge3A_411 = vector.broadcast %ge3A_410 : i32 to vector<16xi32>
      %ge3A_412 = arith.cmpi sge, %gather3A_409, %ge3A_411 : vector<16xi32>
      %or3A_413 = arith.ori %or3A_400, %ge3A_412 : vector<16xi1>
      %mul3A_414 = arith.constant 25 : i32
      %mul3A_415 = arith.muli %scan3A_142, %mul3A_414 : i32
      %add3A_416 = arith.constant 21 : i32
      %add3A_417 = arith.addi %mul3A_415, %add3A_416 : i32
      %mul3A_418 = arith.constant 16 : i32
      %mul3A_419 = arith.muli %add3A_417, %mul3A_418 : i32
      %get3A_420 = arith.index_cast %mul3A_419 : i32 to index
      %get3A_421 = tpu.vector_load %arg14[%get3A_420] {strides = array<i32>} : memref<10000xi32, #tpu.memory_space<vmem>>, vector<16xi32>,
      %gather3A_422 = tpu.vector_load_idx %arg12[%get3A_421] : memref<50000xi32, #tpu.memory_space<vmem>>[vector<16xi32>], vector<16xi32>,
      %ge3A_423 = arith.constant 0 : i32
      %ge3A_424 = vector.broadcast %ge3A_423 : i32 to vector<16xi32>
      %ge3A_425 = arith.cmpi sge, %gather3A_422, %ge3A_424 : vector<16xi32>
      %or3A_426 = arith.ori %or3A_413, %ge3A_425 : vector<16xi1>
      %mul3A_427 = arith.constant 25 : i32
      %mul3A_428 = arith.muli %scan3A_142, %mul3A_427 : i32
      %add3A_429 = arith.constant 22 : i32
      %add3A_430 = arith.addi %mul3A_428, %add3A_429 : i32
      %mul3A_431 = arith.constant 16 : i32
      %mul3A_432 = arith.muli %add3A_430, %mul3A_431 : i32
      %get3A_433 = arith.index_cast %mul3A_432 : i32 to index
      %get3A_434 = tpu.vector_load %arg14[%get3A_433] {strides = array<i32>} : memref<10000xi32, #tpu.memory_space<vmem>>, vector<16xi32>,
      %gather3A_435 = tpu.vector_load_idx %arg12[%get3A_434] : memref<50000xi32, #tpu.memory_space<vmem>>[vector<16xi32>], vector<16xi32>,
      %ge3A_436 = arith.constant 0 : i32
      %ge3A_437 = vector.broadcast %ge3A_436 : i32 to vector<16xi32>
      %ge3A_438 = arith.cmpi sge, %gather3A_435, %ge3A_437 : vector<16xi32>
      %or3A_439 = arith.ori %or3A_426, %ge3A_438 : vector<16xi1>
      %mul3A_440 = arith.constant 25 : i32
      %mul3A_441 = arith.muli %scan3A_142, %mul3A_440 : i32
      %add3A_442 = arith.constant 23 : i32
      %add3A_443 = arith.addi %mul3A_441, %add3A_442 : i32
      %mul3A_444 = arith.constant 16 : i32
      %mul3A_445 = arith.muli %add3A_443, %mul3A_444 : i32
      %get3A_446 = arith.index_cast %mul3A_445 : i32 to index
      %get3A_447 = tpu.vector_load %arg14[%get3A_446] {strides = array<i32>} : memref<10000xi32, #tpu.memory_space<vmem>>, vector<16xi32>,
      %gather3A_448 = tpu.vector_load_idx %arg12[%get3A_447] : memref<50000xi32, #tpu.memory_space<vmem>>[vector<16xi32>], vector<16xi32>,
      %ge3A_449 = arith.constant 0 : i32
      %ge3A_450 = vector.broadcast %ge3A_449 : i32 to vector<16xi32>
      %ge3A_451 = arith.cmpi sge, %gather3A_448, %ge3A_450 : vector<16xi32>
      %or3A_452 = arith.ori %or3A_439, %ge3A_451 : vector<16xi1>
      %mul3A_453 = arith.constant 25 : i32
      %mul3A_454 = arith.muli %scan3A_142, %mul3A_453 : i32
      %add3A_455 = arith.constant 24 : i32
      %add3A_456 = arith.addi %mul3A_454, %add3A_455 : i32
      %mul3A_457 = arith.constant 16 : i32
      %mul3A_458 = arith.muli %add3A_456, %mul3A_457 : i32
      %get3A_459 = arith.index_cast %mul3A_458 : i32 to index
      %get3A_460 = tpu.vector_load %arg14[%get3A_459] {strides = array<i32>} : memref<10000xi32, #tpu.memory_space<vmem>>, vector<16xi32>,
      %gather3A_461 = tpu.vector_load_idx %arg12[%get3A_460] : memref<50000xi32, #tpu.memory_space<vmem>>[vector<16xi32>], vector<16xi32>,
      %ge3A_462 = arith.constant 0 : i32
      %ge3A_463 = vector.broadcast %ge3A_462 : i32 to vector<16xi32>
      %ge3A_464 = arith.cmpi sge, %gather3A_461, %ge3A_463 : vector<16xi32>
      %or3A_465 = arith.ori %or3A_452, %ge3A_464 : vector<16xi1>
      %all_reduce_population_count3A = tpu.all_reduce %or3A_465 {dim = 0 : i64, kind = #tpu.reduction_kind<sum>} : vector<16xi1> -> vector<16xi32>
      %slice3A_466 = vector.extract_strided_slice %all_reduce_population_count3A {offsets = [0], sizes = [1], strides = [1]} : vector<16xi32> to vector<1xi32>
      %squeeze3A_467 = vector.extract %slice3A_466[0] : i32 from vector<1xi32>
      %gt3A = arith.constant 0 : i32
      %gt3A_468 = arith.cmpi sgt, %squeeze3A_467, %gt3A : i32
      %convert_element_type3A_469 = arith.extui %gt3A_468 : i1 to i32
      %cond3A_470 = arith.constant 0 : i32
      %cond3A_471 = arith.cmpi ne, %convert_element_type3A_469, %cond3A_470 : i32
      %cond3A_472 = scf.if %cond3A_471 -> (i32) {
        %scan3A_473 = arith.constant 0 : i32
        %scan3A_474 = arith.constant 25 : i32
        %scan3A_475 = arith.addi %scan3A_473, %scan3A_474 : i32
        %scan3A_476 = arith.constant 1 : i32
        %scan3A_477 = scf.for %scan3A_479 = %scan3A_473 to %scan3A_475 step %scan3A_476 iter_args(%scan3A_480 = %scan3A_143) -> (i32)  : i32 {
          %mul3A_481 = arith.constant 25 : i32
          %mul3A_482 = arith.muli %scan3A_142, %mul3A_481 : i32
          %add3A_483 = arith.addi %mul3A_482, %scan3A_479 : i32
          %mul3A_484 = arith.constant 16 : i32
          %mul3A_485 = arith.muli %add3A_483, %mul3A_484 : i32
          %get3A_486 = arith.index_cast %mul3A_485 : i32 to index
          %get3A_487 = tpu.vector_load %arg14[%get3A_486] {strides = array<i32>} : memref<10000xi32, #tpu.memory_space<vmem>>, vector<16xi32>,
          %gather3A_488 = tpu.vector_load_idx %arg12[%get3A_487] : memref<50000xi32, #tpu.memory_space<vmem>>[vector<16xi32>], vector<16xi32>,
          %ge3A_489 = arith.constant 0 : i32
          %ge3A_490 = vector.broadcast %ge3A_489 : i32 to vector<16xi32>
          %ge3A_491 = arith.cmpi sge, %gather3A_488, %ge3A_490 : vector<16xi32>
          %all_reduce_population_count3A_492 = tpu.all_reduce %ge3A_491 {dim = 0 : i64, kind = #tpu.reduction_kind<sum>} : vector<16xi1> -> vector<16xi32>
          %slice3A_493 = vector.extract_strided_slice %all_reduce_population_count3A_492 {offsets = [0], sizes = [1], strides = [1]} : vector<16xi32> to vector<1xi32>
          %squeeze3A_494 = vector.extract %slice3A_493[0] : i32 from vector<1xi32>
          %gt3A_495 = arith.constant 0 : i32
          %gt3A_496 = arith.cmpi sgt, %squeeze3A_494, %gt3A_495 : i32
          %convert_element_type3A_497 = arith.extui %gt3A_496 : i1 to i32
          %cond3A_498 = arith.constant 0 : i32
          %cond3A_499 = arith.cmpi ne, %convert_element_type3A_497, %cond3A_498 : i32
          %cond3A_500 = scf.if %cond3A_499 -> (i32) {
            %mul3A_501 = arith.constant 25 : i32
            %mul3A_502 = arith.muli %scan3A_142, %mul3A_501 : i32
            %add3A_503 = arith.addi %mul3A_502, %scan3A_479 : i32
            %mul3A_504 = arith.constant 16 : i32
            %mul3A_505 = arith.muli %add3A_503, %mul3A_504 : i32
            %get3A_506 = arith.index_cast %mul3A_505 : i32 to index
            %get3A_507 = tpu.vector_load %arg16[%get3A_506] {strides = array<i32>} : memref<10000xi32, #tpu.memory_space<vmem>>, vector<16xi32>,
            %min3A = arith.constant 128 : i32
            %min3A_508 = arith.minsi %scan3A_480, %min3A : i32
            %swap3A = arith.index_cast %min3A_508 : i32 to index
            %swap3A_509 = tpu.vector_load %arg17[%swap3A] masked %ge3A_491 {strides = array<i32>} : memref<144xi32, #tpu.memory_space<vmem>>, vector<16xi32>, vector<16xi1>
            tpu.vector_store %arg17[%swap3A], %gather3A_488 masked %ge3A_491 {strides = array<i32>} : memref<144xi32, #tpu.memory_space<vmem>>, vector<16xi32>, vector<16xi1>
            %swap3A_510 = arith.index_cast %min3A_508 : i32 to index
            %swap3A_511 = tpu.vector_load %arg18[%swap3A_510] masked %ge3A_491 {strides = array<i32>} : memref<144xi32, #tpu.memory_space<vmem>>, vector<16xi32>, vector<16xi1>
            tpu.vector_store %arg18[%swap3A_510], %get3A_507 masked %ge3A_491 {strides = array<i32>} : memref<144xi32, #tpu.memory_space<vmem>>, vector<16xi32>, vector<16xi1>
            %add3A_512 = arith.addi %scan3A_480, %squeeze3A_494 : i32
            %min3A_513 = arith.constant 128 : i32
            %min3A_514 = arith.minsi %add3A_512, %min3A_513 : i32
            scf.yield %min3A_514 : i32
          } else {
            scf.yield %scan3A_480 : i32
          }
          scf.yield %cond3A_500 : i32
        }
        %scan3A_478 = arith.constant 25 : i32
        scf.yield %scan3A_477 : i32
      } else {
        scf.yield %scan3A_143 : i32
      }
      scf.yield %cond3A_472 : i32
    }
    %scan3A_91 = arith.constant 25 : i32
    %dma_wait3A_92 = tpu.memref_slice %arg3[%add3A_81] : memref<1600000xi32, #tpu.memory_space<hbm>> -> memref<10000xi32, #tpu.memory_space<hbm>>
    %dma_wait3A_93 = tpu.memref_slice %arg3[%add3A_81] : memref<1600000xi32, #tpu.memory_space<hbm>> -> memref<10000xi32, #tpu.memory_space<hbm>>
    tpu.wait_dma2 semaphore(%arg28 : memref<!tpu.dma_semaphore, #tpu.memory_space<semaphore_mem>>) src(%dma_wait3A_93 : memref<10000xi32, #tpu.memory_space<hbm>>) dst(%arg13 : memref<10000xi32, #tpu.memory_space<vmem>>)
    %dma_wait3A_94 = tpu.memref_slice %arg2[%add3A_81] : memref<1600000xi32, #tpu.memory_space<hbm>> -> memref<10000xi32, #tpu.memory_space<hbm>>
    %dma_wait3A_95 = tpu.memref_slice %arg2[%add3A_81] : memref<1600000xi32, #tpu.memory_space<hbm>> -> memref<10000xi32, #tpu.memory_space<hbm>>
    tpu.wait_dma2 semaphore(%arg30 : memref<!tpu.dma_semaphore, #tpu.memory_space<semaphore_mem>>) src(%dma_wait3A_95 : memref<10000xi32, #tpu.memory_space<hbm>>) dst(%arg15 : memref<10000xi32, #tpu.memory_space<vmem>>)
    %scan3A_96 = arith.constant 0 : i32
    %scan3A_97 = arith.constant 25 : i32
    %scan3A_98 = arith.addi %scan3A_96, %scan3A_97 : i32
    %scan3A_99 = arith.constant 1 : i32
    %scan3A_100 = scf.for %scan3A_142 = %scan3A_96 to %scan3A_98 step %scan3A_99 iter_args(%scan3A_143 = %scan3A_90) -> (i32)  : i32 {
      %mul3A_144 = arith.constant 25 : i32
      %mul3A_145 = arith.muli %scan3A_142, %mul3A_144 : i32
      %add3A_146 = arith.constant 0 : i32
      %add3A_147 = arith.addi %mul3A_145, %add3A_146 : i32
      %mul3A_148 = arith.constant 16 : i32
      %mul3A_149 = arith.muli %add3A_147, %mul3A_148 : i32
      %get3A_150 = arith.index_cast %mul3A_149 : i32 to index
      %get3A_151 = tpu.vector_load %arg13[%get3A_150] {strides = array<i32>} : memref<10000xi32, #tpu.memory_space<vmem>>, vector<16xi32>,
      %gather3A = tpu.vector_load_idx %arg12[%get3A_151] : memref<50000xi32, #tpu.memory_space<vmem>>[vector<16xi32>], vector<16xi32>,
      %ge3A = arith.constant 0 : i32
      %ge3A_152 = vector.broadcast %ge3A : i32 to vector<16xi32>
      %ge3A_153 = arith.cmpi sge, %gather3A, %ge3A_152 : vector<16xi32>
      %or3A = arith.ori %broadcast_in_dim3A_7, %ge3A_153 : vector<16xi1>
      %mul3A_154 = arith.constant 25 : i32
      %mul3A_155 = arith.muli %scan3A_142, %mul3A_154 : i32
      %add3A_156 = arith.constant 1 : i32
      %add3A_157 = arith.addi %mul3A_155, %add3A_156 : i32
      %mul3A_158 = arith.constant 16 : i32
      %mul3A_159 = arith.muli %add3A_157, %mul3A_158 : i32
      %get3A_160 = arith.index_cast %mul3A_159 : i32 to index
      %get3A_161 = tpu.vector_load %arg13[%get3A_160] {strides = array<i32>} : memref<10000xi32, #tpu.memory_space<vmem>>, vector<16xi32>,
      %gather3A_162 = tpu.vector_load_idx %arg12[%get3A_161] : memref<50000xi32, #tpu.memory_space<vmem>>[vector<16xi32>], vector<16xi32>,
      %ge3A_163 = arith.constant 0 : i32
      %ge3A_164 = vector.broadcast %ge3A_163 : i32 to vector<16xi32>
      %ge3A_165 = arith.cmpi sge, %gather3A_162, %ge3A_164 : vector<16xi32>
      %or3A_166 = arith.ori %or3A, %ge3A_165 : vector<16xi1>
      %mul3A_167 = arith.constant 25 : i32
      %mul3A_168 = arith.muli %scan3A_142, %mul3A_167 : i32
      %add3A_169 = arith.constant 2 : i32
      %add3A_170 = arith.addi %mul3A_168, %add3A_169 : i32
      %mul3A_171 = arith.constant 16 : i32
      %mul3A_172 = arith.muli %add3A_170, %mul3A_171 : i32
      %get3A_173 = arith.index_cast %mul3A_172 : i32 to index
      %get3A_174 = tpu.vector_load %arg13[%get3A_173] {strides = array<i32>} : memref<10000xi32, #tpu.memory_space<vmem>>, vector<16xi32>,
      %gather3A_175 = tpu.vector_load_idx %arg12[%get3A_174] : memref<50000xi32, #tpu.memory_space<vmem>>[vector<16xi32>], vector<16xi32>,
      %ge3A_176 = arith.constant 0 : i32
      %ge3A_177 = vector.broadcast %ge3A_176 : i32 to vector<16xi32>
      %ge3A_178 = arith.cmpi sge, %gather3A_175, %ge3A_177 : vector<16xi32>
      %or3A_179 = arith.ori %or3A_166, %ge3A_178 : vector<16xi1>
      %mul3A_180 = arith.constant 25 : i32
      %mul3A_181 = arith.muli %scan3A_142, %mul3A_180 : i32
      %add3A_182 = arith.constant 3 : i32
      %add3A_183 = arith.addi %mul3A_181, %add3A_182 : i32
      %mul3A_184 = arith.constant 16 : i32
      %mul3A_185 = arith.muli %add3A_183, %mul3A_184 : i32
      %get3A_186 = arith.index_cast %mul3A_185 : i32 to index
      %get3A_187 = tpu.vector_load %arg13[%get3A_186] {strides = array<i32>} : memref<10000xi32, #tpu.memory_space<vmem>>, vector<16xi32>,
      %gather3A_188 = tpu.vector_load_idx %arg12[%get3A_187] : memref<50000xi32, #tpu.memory_space<vmem>>[vector<16xi32>], vector<16xi32>,
      %ge3A_189 = arith.constant 0 : i32
      %ge3A_190 = vector.broadcast %ge3A_189 : i32 to vector<16xi32>
      %ge3A_191 = arith.cmpi sge, %gather3A_188, %ge3A_190 : vector<16xi32>
      %or3A_192 = arith.ori %or3A_179, %ge3A_191 : vector<16xi1>
      %mul3A_193 = arith.constant 25 : i32
      %mul3A_194 = arith.muli %scan3A_142, %mul3A_193 : i32
      %add3A_195 = arith.constant 4 : i32
      %add3A_196 = arith.addi %mul3A_194, %add3A_195 : i32
      %mul3A_197 = arith.constant 16 : i32
      %mul3A_198 = arith.muli %add3A_196, %mul3A_197 : i32
      %get3A_199 = arith.index_cast %mul3A_198 : i32 to index
      %get3A_200 = tpu.vector_load %arg13[%get3A_199] {strides = array<i32>} : memref<10000xi32, #tpu.memory_space<vmem>>, vector<16xi32>,
      %gather3A_201 = tpu.vector_load_idx %arg12[%get3A_200] : memref<50000xi32, #tpu.memory_space<vmem>>[vector<16xi32>], vector<16xi32>,
      %ge3A_202 = arith.constant 0 : i32
      %ge3A_203 = vector.broadcast %ge3A_202 : i32 to vector<16xi32>
      %ge3A_204 = arith.cmpi sge, %gather3A_201, %ge3A_203 : vector<16xi32>
      %or3A_205 = arith.ori %or3A_192, %ge3A_204 : vector<16xi1>
      %mul3A_206 = arith.constant 25 : i32
      %mul3A_207 = arith.muli %scan3A_142, %mul3A_206 : i32
      %add3A_208 = arith.constant 5 : i32
      %add3A_209 = arith.addi %mul3A_207, %add3A_208 : i32
      %mul3A_210 = arith.constant 16 : i32
      %mul3A_211 = arith.muli %add3A_209, %mul3A_210 : i32
      %get3A_212 = arith.index_cast %mul3A_211 : i32 to index
      %get3A_213 = tpu.vector_load %arg13[%get3A_212] {strides = array<i32>} : memref<10000xi32, #tpu.memory_space<vmem>>, vector<16xi32>,
      %gather3A_214 = tpu.vector_load_idx %arg12[%get3A_213] : memref<50000xi32, #tpu.memory_space<vmem>>[vector<16xi32>], vector<16xi32>,
      %ge3A_215 = arith.constant 0 : i32
      %ge3A_216 = vector.broadcast %ge3A_215 : i32 to vector<16xi32>
      %ge3A_217 = arith.cmpi sge, %gather3A_214, %ge3A_216 : vector<16xi32>
      %or3A_218 = arith.ori %or3A_205, %ge3A_217 : vector<16xi1>
      %mul3A_219 = arith.constant 25 : i32
      %mul3A_220 = arith.muli %scan3A_142, %mul3A_219 : i32
      %add3A_221 = arith.constant 6 : i32
      %add3A_222 = arith.addi %mul3A_220, %add3A_221 : i32
      %mul3A_223 = arith.constant 16 : i32
      %mul3A_224 = arith.muli %add3A_222, %mul3A_223 : i32
      %get3A_225 = arith.index_cast %mul3A_224 : i32 to index
      %get3A_226 = tpu.vector_load %arg13[%get3A_225] {strides = array<i32>} : memref<10000xi32, #tpu.memory_space<vmem>>, vector<16xi32>,
      %gather3A_227 = tpu.vector_load_idx %arg12[%get3A_226] : memref<50000xi32, #tpu.memory_space<vmem>>[vector<16xi32>], vector<16xi32>,
      %ge3A_228 = arith.constant 0 : i32
      %ge3A_229 = vector.broadcast %ge3A_228 : i32 to vector<16xi32>
      %ge3A_230 = arith.cmpi sge, %gather3A_227, %ge3A_229 : vector<16xi32>
      %or3A_231 = arith.ori %or3A_218, %ge3A_230 : vector<16xi1>
      %mul3A_232 = arith.constant 25 : i32
      %mul3A_233 = arith.muli %scan3A_142, %mul3A_232 : i32
      %add3A_234 = arith.constant 7 : i32
      %add3A_235 = arith.addi %mul3A_233, %add3A_234 : i32
      %mul3A_236 = arith.constant 16 : i32
      %mul3A_237 = arith.muli %add3A_235, %mul3A_236 : i32
      %get3A_238 = arith.index_cast %mul3A_237 : i32 to index
      %get3A_239 = tpu.vector_load %arg13[%get3A_238] {strides = array<i32>} : memref<10000xi32, #tpu.memory_space<vmem>>, vector<16xi32>,
      %gather3A_240 = tpu.vector_load_idx %arg12[%get3A_239] : memref<50000xi32, #tpu.memory_space<vmem>>[vector<16xi32>], vector<16xi32>,
      %ge3A_241 = arith.constant 0 : i32
      %ge3A_242 = vector.broadcast %ge3A_241 : i32 to vector<16xi32>
      %ge3A_243 = arith.cmpi sge, %gather3A_240, %ge3A_242 : vector<16xi32>
      %or3A_244 = arith.ori %or3A_231, %ge3A_243 : vector<16xi1>
      %mul3A_245 = arith.constant 25 : i32
      %mul3A_246 = arith.muli %scan3A_142, %mul3A_245 : i32
      %add3A_247 = arith.constant 8 : i32
      %add3A_248 = arith.addi %mul3A_246, %add3A_247 : i32
      %mul3A_249 = arith.constant 16 : i32
      %mul3A_250 = arith.muli %add3A_248, %mul3A_249 : i32
      %get3A_251 = arith.index_cast %mul3A_250 : i32 to index
      %get3A_252 = tpu.vector_load %arg13[%get3A_251] {strides = array<i32>} : memref<10000xi32, #tpu.memory_space<vmem>>, vector<16xi32>,
      %gather3A_253 = tpu.vector_load_idx %arg12[%get3A_252] : memref<50000xi32, #tpu.memory_space<vmem>>[vector<16xi32>], vector<16xi32>,
      %ge3A_254 = arith.constant 0 : i32
      %ge3A_255 = vector.broadcast %ge3A_254 : i32 to vector<16xi32>
      %ge3A_256 = arith.cmpi sge, %gather3A_253, %ge3A_255 : vector<16xi32>
      %or3A_257 = arith.ori %or3A_244, %ge3A_256 : vector<16xi1>
      %mul3A_258 = arith.constant 25 : i32
      %mul3A_259 = arith.muli %scan3A_142, %mul3A_258 : i32
      %add3A_260 = arith.constant 9 : i32
      %add3A_261 = arith.addi %mul3A_259, %add3A_260 : i32
      %mul3A_262 = arith.constant 16 : i32
      %mul3A_263 = arith.muli %add3A_261, %mul3A_262 : i32
      %get3A_264 = arith.index_cast %mul3A_263 : i32 to index
      %get3A_265 = tpu.vector_load %arg13[%get3A_264] {strides = array<i32>} : memref<10000xi32, #tpu.memory_space<vmem>>, vector<16xi32>,
      %gather3A_266 = tpu.vector_load_idx %arg12[%get3A_265] : memref<50000xi32, #tpu.memory_space<vmem>>[vector<16xi32>], vector<16xi32>,
      %ge3A_267 = arith.constant 0 : i32
      %ge3A_268 = vector.broadcast %ge3A_267 : i32 to vector<16xi32>
      %ge3A_269 = arith.cmpi sge, %gather3A_266, %ge3A_268 : vector<16xi32>
      %or3A_270 = arith.ori %or3A_257, %ge3A_269 : vector<16xi1>
      %mul3A_271 = arith.constant 25 : i32
      %mul3A_272 = arith.muli %scan3A_142, %mul3A_271 : i32
      %add3A_273 = arith.constant 10 : i32
      %add3A_274 = arith.addi %mul3A_272, %add3A_273 : i32
      %mul3A_275 = arith.constant 16 : i32
      %mul3A_276 = arith.muli %add3A_274, %mul3A_275 : i32
      %get3A_277 = arith.index_cast %mul3A_276 : i32 to index
      %get3A_278 = tpu.vector_load %arg13[%get3A_277] {strides = array<i32>} : memref<10000xi32, #tpu.memory_space<vmem>>, vector<16xi32>,
      %gather3A_279 = tpu.vector_load_idx %arg12[%get3A_278] : memref<50000xi32, #tpu.memory_space<vmem>>[vector<16xi32>], vector<16xi32>,
      %ge3A_280 = arith.constant 0 : i32
      %ge3A_281 = vector.broadcast %ge3A_280 : i32 to vector<16xi32>
      %ge3A_282 = arith.cmpi sge, %gather3A_279, %ge3A_281 : vector<16xi32>
      %or3A_283 = arith.ori %or3A_270, %ge3A_282 : vector<16xi1>
      %mul3A_284 = arith.constant 25 : i32
      %mul3A_285 = arith.muli %scan3A_142, %mul3A_284 : i32
      %add3A_286 = arith.constant 11 : i32
      %add3A_287 = arith.addi %mul3A_285, %add3A_286 : i32
      %mul3A_288 = arith.constant 16 : i32
      %mul3A_289 = arith.muli %add3A_287, %mul3A_288 : i32
      %get3A_290 = arith.index_cast %mul3A_289 : i32 to index
      %get3A_291 = tpu.vector_load %arg13[%get3A_290] {strides = array<i32>} : memref<10000xi32, #tpu.memory_space<vmem>>, vector<16xi32>,
      %gather3A_292 = tpu.vector_load_idx %arg12[%get3A_291] : memref<50000xi32, #tpu.memory_space<vmem>>[vector<16xi32>], vector<16xi32>,
      %ge3A_293 = arith.constant 0 : i32
      %ge3A_294 = vector.broadcast %ge3A_293 : i32 to vector<16xi32>
      %ge3A_295 = arith.cmpi sge, %gather3A_292, %ge3A_294 : vector<16xi32>
      %or3A_296 = arith.ori %or3A_283, %ge3A_295 : vector<16xi1>
      %mul3A_297 = arith.constant 25 : i32
      %mul3A_298 = arith.muli %scan3A_142, %mul3A_297 : i32
      %add3A_299 = arith.constant 12 : i32
      %add3A_300 = arith.addi %mul3A_298, %add3A_299 : i32
      %mul3A_301 = arith.constant 16 : i32
      %mul3A_302 = arith.muli %add3A_300, %mul3A_301 : i32
      %get3A_303 = arith.index_cast %mul3A_302 : i32 to index
      %get3A_304 = tpu.vector_load %arg13[%get3A_303] {strides = array<i32>} : memref<10000xi32, #tpu.memory_space<vmem>>, vector<16xi32>,
      %gather3A_305 = tpu.vector_load_idx %arg12[%get3A_304] : memref<50000xi32, #tpu.memory_space<vmem>>[vector<16xi32>], vector<16xi32>,
      %ge3A_306 = arith.constant 0 : i32
      %ge3A_307 = vector.broadcast %ge3A_306 : i32 to vector<16xi32>
      %ge3A_308 = arith.cmpi sge, %gather3A_305, %ge3A_307 : vector<16xi32>
      %or3A_309 = arith.ori %or3A_296, %ge3A_308 : vector<16xi1>
      %mul3A_310 = arith.constant 25 : i32
      %mul3A_311 = arith.muli %scan3A_142, %mul3A_310 : i32
      %add3A_312 = arith.constant 13 : i32
      %add3A_313 = arith.addi %mul3A_311, %add3A_312 : i32
      %mul3A_314 = arith.constant 16 : i32
      %mul3A_315 = arith.muli %add3A_313, %mul3A_314 : i32
      %get3A_316 = arith.index_cast %mul3A_315 : i32 to index
      %get3A_317 = tpu.vector_load %arg13[%get3A_316] {strides = array<i32>} : memref<10000xi32, #tpu.memory_space<vmem>>, vector<16xi32>,
      %gather3A_318 = tpu.vector_load_idx %arg12[%get3A_317] : memref<50000xi32, #tpu.memory_space<vmem>>[vector<16xi32>], vector<16xi32>,
      %ge3A_319 = arith.constant 0 : i32
      %ge3A_320 = vector.broadcast %ge3A_319 : i32 to vector<16xi32>
      %ge3A_321 = arith.cmpi sge, %gather3A_318, %ge3A_320 : vector<16xi32>
      %or3A_322 = arith.ori %or3A_309, %ge3A_321 : vector<16xi1>
      %mul3A_323 = arith.constant 25 : i32
      %mul3A_324 = arith.muli %scan3A_142, %mul3A_323 : i32
      %add3A_325 = arith.constant 14 : i32
      %add3A_326 = arith.addi %mul3A_324, %add3A_325 : i32
      %mul3A_327 = arith.constant 16 : i32
      %mul3A_328 = arith.muli %add3A_326, %mul3A_327 : i32
      %get3A_329 = arith.index_cast %mul3A_328 : i32 to index
      %get3A_330 = tpu.vector_load %arg13[%get3A_329] {strides = array<i32>} : memref<10000xi32, #tpu.memory_space<vmem>>, vector<16xi32>,
      %gather3A_331 = tpu.vector_load_idx %arg12[%get3A_330] : memref<50000xi32, #tpu.memory_space<vmem>>[vector<16xi32>], vector<16xi32>,
      %ge3A_332 = arith.constant 0 : i32
      %ge3A_333 = vector.broadcast %ge3A_332 : i32 to vector<16xi32>
      %ge3A_334 = arith.cmpi sge, %gather3A_331, %ge3A_333 : vector<16xi32>
      %or3A_335 = arith.ori %or3A_322, %ge3A_334 : vector<16xi1>
      %mul3A_336 = arith.constant 25 : i32
      %mul3A_337 = arith.muli %scan3A_142, %mul3A_336 : i32
      %add3A_338 = arith.constant 15 : i32
      %add3A_339 = arith.addi %mul3A_337, %add3A_338 : i32
      %mul3A_340 = arith.constant 16 : i32
      %mul3A_341 = arith.muli %add3A_339, %mul3A_340 : i32
      %get3A_342 = arith.index_cast %mul3A_341 : i32 to index
      %get3A_343 = tpu.vector_load %arg13[%get3A_342] {strides = array<i32>} : memref<10000xi32, #tpu.memory_space<vmem>>, vector<16xi32>,
      %gather3A_344 = tpu.vector_load_idx %arg12[%get3A_343] : memref<50000xi32, #tpu.memory_space<vmem>>[vector<16xi32>], vector<16xi32>,
      %ge3A_345 = arith.constant 0 : i32
      %ge3A_346 = vector.broadcast %ge3A_345 : i32 to vector<16xi32>
      %ge3A_347 = arith.cmpi sge, %gather3A_344, %ge3A_346 : vector<16xi32>
      %or3A_348 = arith.ori %or3A_335, %ge3A_347 : vector<16xi1>
      %mul3A_349 = arith.constant 25 : i32
      %mul3A_350 = arith.muli %scan3A_142, %mul3A_349 : i32
      %add3A_351 = arith.constant 16 : i32
      %add3A_352 = arith.addi %mul3A_350, %add3A_351 : i32
      %mul3A_353 = arith.constant 16 : i32
      %mul3A_354 = arith.muli %add3A_352, %mul3A_353 : i32
      %get3A_355 = arith.index_cast %mul3A_354 : i32 to index
      %get3A_356 = tpu.vector_load %arg13[%get3A_355] {strides = array<i32>} : memref<10000xi32, #tpu.memory_space<vmem>>, vector<16xi32>,
      %gather3A_357 = tpu.vector_load_idx %arg12[%get3A_356] : memref<50000xi32, #tpu.memory_space<vmem>>[vector<16xi32>], vector<16xi32>,
      %ge3A_358 = arith.constant 0 : i32
      %ge3A_359 = vector.broadcast %ge3A_358 : i32 to vector<16xi32>
      %ge3A_360 = arith.cmpi sge, %gather3A_357, %ge3A_359 : vector<16xi32>
      %or3A_361 = arith.ori %or3A_348, %ge3A_360 : vector<16xi1>
      %mul3A_362 = arith.constant 25 : i32
      %mul3A_363 = arith.muli %scan3A_142, %mul3A_362 : i32
      %add3A_364 = arith.constant 17 : i32
      %add3A_365 = arith.addi %mul3A_363, %add3A_364 : i32
      %mul3A_366 = arith.constant 16 : i32
      %mul3A_367 = arith.muli %add3A_365, %mul3A_366 : i32
      %get3A_368 = arith.index_cast %mul3A_367 : i32 to index
      %get3A_369 = tpu.vector_load %arg13[%get3A_368] {strides = array<i32>} : memref<10000xi32, #tpu.memory_space<vmem>>, vector<16xi32>,
      %gather3A_370 = tpu.vector_load_idx %arg12[%get3A_369] : memref<50000xi32, #tpu.memory_space<vmem>>[vector<16xi32>], vector<16xi32>,
      %ge3A_371 = arith.constant 0 : i32
      %ge3A_372 = vector.broadcast %ge3A_371 : i32 to vector<16xi32>
      %ge3A_373 = arith.cmpi sge, %gather3A_370, %ge3A_372 : vector<16xi32>
      %or3A_374 = arith.ori %or3A_361, %ge3A_373 : vector<16xi1>
      %mul3A_375 = arith.constant 25 : i32
      %mul3A_376 = arith.muli %scan3A_142, %mul3A_375 : i32
      %add3A_377 = arith.constant 18 : i32
      %add3A_378 = arith.addi %mul3A_376, %add3A_377 : i32
      %mul3A_379 = arith.constant 16 : i32
      %mul3A_380 = arith.muli %add3A_378, %mul3A_379 : i32
      %get3A_381 = arith.index_cast %mul3A_380 : i32 to index
      %get3A_382 = tpu.vector_load %arg13[%get3A_381] {strides = array<i32>} : memref<10000xi32, #tpu.memory_space<vmem>>, vector<16xi32>,
      %gather3A_383 = tpu.vector_load_idx %arg12[%get3A_382] : memref<50000xi32, #tpu.memory_space<vmem>>[vector<16xi32>], vector<16xi32>,
      %ge3A_384 = arith.constant 0 : i32
      %ge3A_385 = vector.broadcast %ge3A_384 : i32 to vector<16xi32>
      %ge3A_386 = arith.cmpi sge, %gather3A_383, %ge3A_385 : vector<16xi32>
      %or3A_387 = arith.ori %or3A_374, %ge3A_386 : vector<16xi1>
      %mul3A_388 = arith.constant 25 : i32
      %mul3A_389 = arith.muli %scan3A_142, %mul3A_388 : i32
      %add3A_390 = arith.constant 19 : i32
      %add3A_391 = arith.addi %mul3A_389, %add3A_390 : i32
      %mul3A_392 = arith.constant 16 : i32
      %mul3A_393 = arith.muli %add3A_391, %mul3A_392 : i32
      %get3A_394 = arith.index_cast %mul3A_393 : i32 to index
      %get3A_395 = tpu.vector_load %arg13[%get3A_394] {strides = array<i32>} : memref<10000xi32, #tpu.memory_space<vmem>>, vector<16xi32>,
      %gather3A_396 = tpu.vector_load_idx %arg12[%get3A_395] : memref<50000xi32, #tpu.memory_space<vmem>>[vector<16xi32>], vector<16xi32>,
      %ge3A_397 = arith.constant 0 : i32
      %ge3A_398 = vector.broadcast %ge3A_397 : i32 to vector<16xi32>
      %ge3A_399 = arith.cmpi sge, %gather3A_396, %ge3A_398 : vector<16xi32>
      %or3A_400 = arith.ori %or3A_387, %ge3A_399 : vector<16xi1>
      %mul3A_401 = arith.constant 25 : i32
      %mul3A_402 = arith.muli %scan3A_142, %mul3A_401 : i32
      %add3A_403 = arith.constant 20 : i32
      %add3A_404 = arith.addi %mul3A_402, %add3A_403 : i32
      %mul3A_405 = arith.constant 16 : i32
      %mul3A_406 = arith.muli %add3A_404, %mul3A_405 : i32
      %get3A_407 = arith.index_cast %mul3A_406 : i32 to index
      %get3A_408 = tpu.vector_load %arg13[%get3A_407] {strides = array<i32>} : memref<10000xi32, #tpu.memory_space<vmem>>, vector<16xi32>,
      %gather3A_409 = tpu.vector_load_idx %arg12[%get3A_408] : memref<50000xi32, #tpu.memory_space<vmem>>[vector<16xi32>], vector<16xi32>,
      %ge3A_410 = arith.constant 0 : i32
      %ge3A_411 = vector.broadcast %ge3A_410 : i32 to vector<16xi32>
      %ge3A_412 = arith.cmpi sge, %gather3A_409, %ge3A_411 : vector<16xi32>
      %or3A_413 = arith.ori %or3A_400, %ge3A_412 : vector<16xi1>
      %mul3A_414 = arith.constant 25 : i32
      %mul3A_415 = arith.muli %scan3A_142, %mul3A_414 : i32
      %add3A_416 = arith.constant 21 : i32
      %add3A_417 = arith.addi %mul3A_415, %add3A_416 : i32
      %mul3A_418 = arith.constant 16 : i32
      %mul3A_419 = arith.muli %add3A_417, %mul3A_418 : i32
      %get3A_420 = arith.index_cast %mul3A_419 : i32 to index
      %get3A_421 = tpu.vector_load %arg13[%get3A_420] {strides = array<i32>} : memref<10000xi32, #tpu.memory_space<vmem>>, vector<16xi32>,
      %gather3A_422 = tpu.vector_load_idx %arg12[%get3A_421] : memref<50000xi32, #tpu.memory_space<vmem>>[vector<16xi32>], vector<16xi32>,
      %ge3A_423 = arith.constant 0 : i32
      %ge3A_424 = vector.broadcast %ge3A_423 : i32 to vector<16xi32>
      %ge3A_425 = arith.cmpi sge, %gather3A_422, %ge3A_424 : vector<16xi32>
      %or3A_426 = arith.ori %or3A_413, %ge3A_425 : vector<16xi1>
      %mul3A_427 = arith.constant 25 : i32
      %mul3A_428 = arith.muli %scan3A_142, %mul3A_427 : i32
      %add3A_429 = arith.constant 22 : i32
      %add3A_430 = arith.addi %mul3A_428, %add3A_429 : i32
      %mul3A_431 = arith.constant 16 : i32
      %mul3A_432 = arith.muli %add3A_430, %mul3A_431 : i32
      %get3A_433 = arith.index_cast %mul3A_432 : i32 to index
      %get3A_434 = tpu.vector_load %arg13[%get3A_433] {strides = array<i32>} : memref<10000xi32, #tpu.memory_space<vmem>>, vector<16xi32>,
      %gather3A_435 = tpu.vector_load_idx %arg12[%get3A_434] : memref<50000xi32, #tpu.memory_space<vmem>>[vector<16xi32>], vector<16xi32>,
      %ge3A_436 = arith.constant 0 : i32
      %ge3A_437 = vector.broadcast %ge3A_436 : i32 to vector<16xi32>
      %ge3A_438 = arith.cmpi sge, %gather3A_435, %ge3A_437 : vector<16xi32>
      %or3A_439 = arith.ori %or3A_426, %ge3A_438 : vector<16xi1>
      %mul3A_440 = arith.constant 25 : i32
      %mul3A_441 = arith.muli %scan3A_142, %mul3A_440 : i32
      %add3A_442 = arith.constant 23 : i32
      %add3A_443 = arith.addi %mul3A_441, %add3A_442 : i32
      %mul3A_444 = arith.constant 16 : i32
      %mul3A_445 = arith.muli %add3A_443, %mul3A_444 : i32
      %get3A_446 = arith.index_cast %mul3A_445 : i32 to index
      %get3A_447 = tpu.vector_load %arg13[%get3A_446] {strides = array<i32>} : memref<10000xi32, #tpu.memory_space<vmem>>, vector<16xi32>,
      %gather3A_448 = tpu.vector_load_idx %arg12[%get3A_447] : memref<50000xi32, #tpu.memory_space<vmem>>[vector<16xi32>], vector<16xi32>,
      %ge3A_449 = arith.constant 0 : i32
      %ge3A_450 = vector.broadcast %ge3A_449 : i32 to vector<16xi32>
      %ge3A_451 = arith.cmpi sge, %gather3A_448, %ge3A_450 : vector<16xi32>
      %or3A_452 = arith.ori %or3A_439, %ge3A_451 : vector<16xi1>
      %mul3A_453 = arith.constant 25 : i32
      %mul3A_454 = arith.muli %scan3A_142, %mul3A_453 : i32
      %add3A_455 = arith.constant 24 : i32
      %add3A_456 = arith.addi %mul3A_454, %add3A_455 : i32
      %mul3A_457 = arith.constant 16 : i32
      %mul3A_458 = arith.muli %add3A_456, %mul3A_457 : i32
      %get3A_459 = arith.index_cast %mul3A_458 : i32 to index
      %get3A_460 = tpu.vector_load %arg13[%get3A_459] {strides = array<i32>} : memref<10000xi32, #tpu.memory_space<vmem>>, vector<16xi32>,
      %gather3A_461 = tpu.vector_load_idx %arg12[%get3A_460] : memref<50000xi32, #tpu.memory_space<vmem>>[vector<16xi32>], vector<16xi32>,
      %ge3A_462 = arith.constant 0 : i32
      %ge3A_463 = vector.broadcast %ge3A_462 : i32 to vector<16xi32>
      %ge3A_464 = arith.cmpi sge, %gather3A_461, %ge3A_463 : vector<16xi32>
      %or3A_465 = arith.ori %or3A_452, %ge3A_464 : vector<16xi1>
      %all_reduce_population_count3A = tpu.all_reduce %or3A_465 {dim = 0 : i64, kind = #tpu.reduction_kind<sum>} : vector<16xi1> -> vector<16xi32>
      %slice3A_466 = vector.extract_strided_slice %all_reduce_population_count3A {offsets = [0], sizes = [1], strides = [1]} : vector<16xi32> to vector<1xi32>
      %squeeze3A_467 = vector.extract %slice3A_466[0] : i32 from vector<1xi32>
      %gt3A = arith.constant 0 : i32
      %gt3A_468 = arith.cmpi sgt, %squeeze3A_467, %gt3A : i32
      %convert_element_type3A_469 = arith.extui %gt3A_468 : i1 to i32
      %cond3A_470 = arith.constant 0 : i32
      %cond3A_471 = arith.cmpi ne, %convert_element_type3A_469, %cond3A_470 : i32
      %cond3A_472 = scf.if %cond3A_471 -> (i32) {
        %scan3A_473 = arith.constant 0 : i32
        %scan3A_474 = arith.constant 25 : i32
        %scan3A_475 = arith.addi %scan3A_473, %scan3A_474 : i32
        %scan3A_476 = arith.constant 1 : i32
        %scan3A_477 = scf.for %scan3A_479 = %scan3A_473 to %scan3A_475 step %scan3A_476 iter_args(%scan3A_480 = %scan3A_143) -> (i32)  : i32 {
          %mul3A_481 = arith.constant 25 : i32
          %mul3A_482 = arith.muli %scan3A_142, %mul3A_481 : i32
          %add3A_483 = arith.addi %mul3A_482, %scan3A_479 : i32
          %mul3A_484 = arith.constant 16 : i32
          %mul3A_485 = arith.muli %add3A_483, %mul3A_484 : i32
          %get3A_486 = arith.index_cast %mul3A_485 : i32 to index
          %get3A_487 = tpu.vector_load %arg13[%get3A_486] {strides = array<i32>} : memref<10000xi32, #tpu.memory_space<vmem>>, vector<16xi32>,
          %gather3A_488 = tpu.vector_load_idx %arg12[%get3A_487] : memref<50000xi32, #tpu.memory_space<vmem>>[vector<16xi32>], vector<16xi32>,
          %ge3A_489 = arith.constant 0 : i32
          %ge3A_490 = vector.broadcast %ge3A_489 : i32 to vector<16xi32>
          %ge3A_491 = arith.cmpi sge, %gather3A_488, %ge3A_490 : vector<16xi32>
          %all_reduce_population_count3A_492 = tpu.all_reduce %ge3A_491 {dim = 0 : i64, kind = #tpu.reduction_kind<sum>} : vector<16xi1> -> vector<16xi32>
          %slice3A_493 = vector.extract_strided_slice %all_reduce_population_count3A_492 {offsets = [0], sizes = [1], strides = [1]} : vector<16xi32> to vector<1xi32>
          %squeeze3A_494 = vector.extract %slice3A_493[0] : i32 from vector<1xi32>
          %gt3A_495 = arith.constant 0 : i32
          %gt3A_496 = arith.cmpi sgt, %squeeze3A_494, %gt3A_495 : i32
          %convert_element_type3A_497 = arith.extui %gt3A_496 : i1 to i32
          %cond3A_498 = arith.constant 0 : i32
          %cond3A_499 = arith.cmpi ne, %convert_element_type3A_497, %cond3A_498 : i32
          %cond3A_500 = scf.if %cond3A_499 -> (i32) {
            %mul3A_501 = arith.constant 25 : i32
            %mul3A_502 = arith.muli %scan3A_142, %mul3A_501 : i32
            %add3A_503 = arith.addi %mul3A_502, %scan3A_479 : i32
            %mul3A_504 = arith.constant 16 : i32
            %mul3A_505 = arith.muli %add3A_503, %mul3A_504 : i32
            %get3A_506 = arith.index_cast %mul3A_505 : i32 to index
            %get3A_507 = tpu.vector_load %arg15[%get3A_506] {strides = array<i32>} : memref<10000xi32, #tpu.memory_space<vmem>>, vector<16xi32>,
            %min3A = arith.constant 128 : i32
            %min3A_508 = arith.minsi %scan3A_480, %min3A : i32
            %swap3A = arith.index_cast %min3A_508 : i32 to index
            %swap3A_509 = tpu.vector_load %arg17[%swap3A] masked %ge3A_491 {strides = array<i32>} : memref<144xi32, #tpu.memory_space<vmem>>, vector<16xi32>, vector<16xi1>
            tpu.vector_store %arg17[%swap3A], %gather3A_488 masked %ge3A_491 {strides = array<i32>} : memref<144xi32, #tpu.memory_space<vmem>>, vector<16xi32>, vector<16xi1>
            %swap3A_510 = arith.index_cast %min3A_508 : i32 to index
            %swap3A_511 = tpu.vector_load %arg18[%swap3A_510] masked %ge3A_491 {strides = array<i32>} : memref<144xi32, #tpu.memory_space<vmem>>, vector<16xi32>, vector<16xi1>
            tpu.vector_store %arg18[%swap3A_510], %get3A_507 masked %ge3A_491 {strides = array<i32>} : memref<144xi32, #tpu.memory_space<vmem>>, vector<16xi32>, vector<16xi1>
            %add3A_512 = arith.addi %scan3A_480, %squeeze3A_494 : i32
            %min3A_513 = arith.constant 128 : i32
            %min3A_514 = arith.minsi %add3A_512, %min3A_513 : i32
            scf.yield %min3A_514 : i32
          } else {
            scf.yield %scan3A_480 : i32
          }
          scf.yield %cond3A_500 : i32
        }
        %scan3A_478 = arith.constant 25 : i32
        scf.yield %scan3A_477 : i32
      } else {
        scf.yield %scan3A_143 : i32
      }
      scf.yield %cond3A_472 : i32
    }
    %scan3A_101 = arith.constant 25 : i32
    %mul3A_102 = arith.constant 128 : i32
    %mul3A_103 = arith.muli %add3A, %mul3A_102 : i32
    "tpu.region"() ({
      %run_scoped3A = tpu.sem_alloc : memref<!tpu.dma_semaphore, #tpu.memory_space<semaphore_mem>>
      %dma_start3A_142 = arith.constant 0 : i32
      %dma_start3A_143 = tpu.memref_slice %arg17[%dma_start3A_142] : memref<144xi32, #tpu.memory_space<vmem>> -> memref<128xi32, #tpu.memory_space<vmem>>
      %dma_start3A_144 = tpu.memref_slice %arg9[%mul3A_103] : memref<4352xi32, #tpu.memory_space<hbm>> -> memref<128xi32, #tpu.memory_space<hbm>>
      %dma_start3A_145 = tpu.memref_slice %arg9[%mul3A_103] : memref<4352xi32, #tpu.memory_space<hbm>> -> memref<128xi32, #tpu.memory_space<hbm>>
      %dma_start3A_146 = arith.constant 0 : i32
      %dma_start3A_147 = tpu.memref_slice %arg17[%dma_start3A_146] : memref<144xi32, #tpu.memory_space<vmem>> -> memref<128xi32, #tpu.memory_space<vmem>>
      tpu.enqueue_dma source(%dma_start3A_147 : memref<128xi32, #tpu.memory_space<vmem>>) target(%dma_start3A_145 : memref<128xi32, #tpu.memory_space<hbm>>) target_semaphore(%run_scoped3A : memref<!tpu.dma_semaphore, #tpu.memory_space<semaphore_mem>>)
      %dma_wait3A_148 = arith.constant 0 : i32
      %dma_wait3A_149 = tpu.memref_slice %arg17[%dma_wait3A_148] : memref<144xi32, #tpu.memory_space<vmem>> -> memref<128xi32, #tpu.memory_space<vmem>>
      %dma_wait3A_150 = tpu.memref_slice %arg9[%mul3A_103] : memref<4352xi32, #tpu.memory_space<hbm>> -> memref<128xi32, #tpu.memory_space<hbm>>
      %dma_wait3A_151 = tpu.memref_slice %arg9[%mul3A_103] : memref<4352xi32, #tpu.memory_space<hbm>> -> memref<128xi32, #tpu.memory_space<hbm>>
      %dma_wait3A_152 = arith.constant 0 : i32
      %dma_wait3A_153 = tpu.memref_slice %arg17[%dma_wait3A_152] : memref<144xi32, #tpu.memory_space<vmem>> -> memref<128xi32, #tpu.memory_space<vmem>>
      tpu.wait_dma2 semaphore(%run_scoped3A : memref<!tpu.dma_semaphore, #tpu.memory_space<semaphore_mem>>) src(%dma_wait3A_153 : memref<128xi32, #tpu.memory_space<vmem>>) dst(%dma_wait3A_151 : memref<128xi32, #tpu.memory_space<hbm>>)
      tpu.yield
    }) : () -> ()
    %add3A_104 = arith.constant 16 : i32
    %add3A_105 = arith.addi %scan3A_100, %add3A_104 : i32
    %sub3A = arith.constant 1 : i32
    %sub3A_106 = arith.subi %add3A_105, %sub3A : i32
    %jit3A = arith.constant 16 : i32
    %div3A = arith.divsi %sub3A_106, %jit3A : i32
    %sign3A = arith.constant 0 : i32
    %sign3A_107 = arith.cmpi sgt, %sub3A_106, %sign3A : i32
    %sign3A_108 = arith.extui %sign3A_107 : i1 to i32
    %sign3A_109 = arith.constant 0 : i32
    %sign3A_110 = arith.cmpi slt, %sub3A_106, %sign3A_109 : i32
    %sign3A_111 = arith.extui %sign3A_110 : i1 to i32
    %sign3A_112 = arith.subi %sign3A_108, %sign3A_111 : i32
    %sign3A_113 = arith.constant 0 : i32
    %sign3A_114 = arith.cmpi sgt, %jit3A, %sign3A_113 : i32
    %sign3A_115 = arith.extui %sign3A_114 : i1 to i32
    %sign3A_116 = arith.constant 0 : i32
    %sign3A_117 = arith.cmpi slt, %jit3A, %sign3A_116 : i32
    %sign3A_118 = arith.extui %sign3A_117 : i1 to i32
    %sign3A_119 = arith.subi %sign3A_115, %sign3A_118 : i32
    %ne3A_120 = arith.cmpi ne, %sign3A_112, %sign3A_119 : i32
    %rem3A = arith.remsi %sub3A_106, %jit3A : i32
    %ne3A_121 = arith.constant 0 : i32
    %ne3A_122 = arith.cmpi ne, %rem3A, %ne3A_121 : i32
    %and3A = arith.andi %ne3A_120, %ne3A_122 : i1
    %sub3A_123 = arith.constant 1 : i32
    %sub3A_124 = arith.subi %div3A, %sub3A_123 : i32
    %select_n3A = arith.select %and3A, %sub3A_124, %div3A : i32
    %while3A = arith.constant 0 : i32
    %while3A_125 = arith.constant 0 : i32
    %while3A_126 = arith.subi %select_n3A, %while3A_125 : i32
    %while3A_127 = arith.addi %while3A_125, %while3A_126 : i32
    %while3A_128 = arith.constant 1 : i32
    %while3A_129 = arith.divsi %while3A_126, %while3A_128 : i32
    %while3A_130 = arith.muli %while3A_129, %while3A_128 : i32
    %while3A_131 = arith.addi %while3A_125, %while3A_130 : i32
    %while3A_132 = arith.constant 1 : i32
    scf.for %while3A_142 = %while3A_125 to %while3A_131 step %while3A_132  : i32 {
      %mul3A_143 = arith.constant 16 : i32
      %mul3A_144 = arith.muli %while3A_142, %mul3A_143 : i32
      %get3A_145 = arith.index_cast %mul3A_144 : i32 to index
      %get3A_146 = tpu.vector_load %arg18[%get3A_145] {strides = array<i32>} : memref<144xi32, #tpu.memory_space<vmem>>, vector<16xi32>,
      %swap3A = arith.constant 0 : index
      %swap3A_147 = tpu.vector_load %arg19[%swap3A] {strides = array<i32>} : memref<16xi32, #tpu.memory_space<vmem>>, vector<16xi32>,
      tpu.vector_store %arg19[%swap3A], %get3A_146 {strides = array<i32>} : memref<16xi32, #tpu.memory_space<vmem>>, vector<16xi32>,
      "tpu.region"() ({
        %run_scoped3A = tpu.sem_alloc : memref<!tpu.dma_semaphore, #tpu.memory_space<semaphore_mem>>
        %dma_start3A_153 = arith.constant 0 : i32
        %dma_start3A_154 = arith.constant 0 : i32
        %dma_start3A_155 = tpu.memref_slice %arg4[%dma_start3A_153, %dma_start3A_154] : memref<50000x256xf32, #tpu.memory_space<hbm>> -> memref<50000x256xf32, #tpu.memory_space<hbm>>
        tpu.enqueue_indirect_dma source(%dma_start3A_155 : memref<50000x256xf32, #tpu.memory_space<hbm>>) target(%arg20 : memref<16x256xf32, #tpu.memory_space<vmem>>) offsets(%arg19 : memref<16xi32, #tpu.memory_space<vmem>>) semaphore(%run_scoped3A : memref<!tpu.dma_semaphore, #tpu.memory_space<semaphore_mem>>)
        %dma_wait3A_156 = arith.constant 0 : i32
        %dma_wait3A_157 = arith.constant 0 : i32
        %dma_wait3A_158 = tpu.memref_slice %arg4[%dma_wait3A_156, %dma_wait3A_157] : memref<50000x256xf32, #tpu.memory_space<hbm>> -> memref<50000x256xf32, #tpu.memory_space<hbm>>
        tpu.wait_indirect_dma semaphore(%run_scoped3A : memref<!tpu.dma_semaphore, #tpu.memory_space<semaphore_mem>>) src(%dma_wait3A_158 : memref<50000x256xf32, #tpu.memory_space<hbm>>) dst(%arg20 : memref<16x256xf32, #tpu.memory_space<vmem>>)
        tpu.yield
      }) : () -> ()
      %mul3A_148 = arith.constant 128 : i32
      %mul3A_149 = arith.muli %add3A, %mul3A_148 : i32
      %mul3A_150 = arith.constant 16 : i32
      %mul3A_151 = arith.muli %while3A_142, %mul3A_150 : i32
      %add3A_152 = arith.addi %mul3A_149, %mul3A_151 : i32
      "tpu.region"() ({
        %run_scoped3A = tpu.sem_alloc : memref<!tpu.dma_semaphore, #tpu.memory_space<semaphore_mem>>
        %dma_start3A_153 = arith.constant 0 : i32
        %dma_start3A_154 = tpu.memref_slice %arg8[%add3A_152, %dma_start3A_153] : memref<4352x256xf32, #tpu.memory_space<hbm>> -> memref<16x256xf32, #tpu.memory_space<hbm>>
        %dma_start3A_155 = arith.constant 0 : i32
        %dma_start3A_156 = tpu.memref_slice %arg8[%add3A_152, %dma_start3A_155] : memref<4352x256xf32, #tpu.memory_space<hbm>> -> memref<16x256xf32, #tpu.memory_space<hbm>>
        tpu.enqueue_dma source(%arg20 : memref<16x256xf32, #tpu.memory_space<vmem>>) target(%dma_start3A_156 : memref<16x256xf32, #tpu.memory_space<hbm>>) target_semaphore(%run_scoped3A : memref<!tpu.dma_semaphore, #tpu.memory_space<semaphore_mem>>)
        %dma_wait3A_157 = arith.constant 0 : i32
        %dma_wait3A_158 = tpu.memref_slice %arg8[%add3A_152, %dma_wait3A_157] : memref<4352x256xf32, #tpu.memory_space<hbm>> -> memref<16x256xf32, #tpu.memory_space<hbm>>
        %dma_wait3A_159 = arith.constant 0 : i32
        %dma_wait3A_160 = tpu.memref_slice %arg8[%add3A_152, %dma_wait3A_159] : memref<4352x256xf32, #tpu.memory_space<hbm>> -> memref<16x256xf32, #tpu.memory_space<hbm>>
        tpu.wait_dma2 semaphore(%run_scoped3A : memref<!tpu.dma_semaphore, #tpu.memory_space<semaphore_mem>>) src(%arg20 : memref<16x256xf32, #tpu.memory_space<vmem>>) dst(%dma_wait3A_160 : memref<16x256xf32, #tpu.memory_space<hbm>>)
        tpu.yield
      }) : () -> ()
    }
    %while3A_133 = arith.constant 1 : i32
    scf.for %while3A_142 = %while3A_131 to %while3A_127 step %while3A_133  : i32 {
      %mul3A_143 = arith.constant 16 : i32
      %mul3A_144 = arith.muli %while3A_142, %mul3A_143 : i32
      %get3A_145 = arith.index_cast %mul3A_144 : i32 to index
      %get3A_146 = tpu.vector_load %arg18[%get3A_145] {strides = array<i32>} : memref<144xi32, #tpu.memory_space<vmem>>, vector<16xi32>,
      %swap3A = arith.constant 0 : index
      %swap3A_147 = tpu.vector_load %arg19[%swap3A] {strides = array<i32>} : memref<16xi32, #tpu.memory_space<vmem>>, vector<16xi32>,
      tpu.vector_store %arg19[%swap3A], %get3A_146 {strides = array<i32>} : memref<16xi32, #tpu.memory_space<vmem>>, vector<16xi32>,
      "tpu.region"() ({
        %run_scoped3A = tpu.sem_alloc : memref<!tpu.dma_semaphore, #tpu.memory_space<semaphore_mem>>
        %dma_start3A_153 = arith.constant 0 : i32
        %dma_start3A_154 = arith.constant 0 : i32
        %dma_start3A_155 = tpu.memref_slice %arg4[%dma_start3A_153, %dma_start3A_154] : memref<50000x256xf32, #tpu.memory_space<hbm>> -> memref<50000x256xf32, #tpu.memory_space<hbm>>
        tpu.enqueue_indirect_dma source(%dma_start3A_155 : memref<50000x256xf32, #tpu.memory_space<hbm>>) target(%arg20 : memref<16x256xf32, #tpu.memory_space<vmem>>) offsets(%arg19 : memref<16xi32, #tpu.memory_space<vmem>>) semaphore(%run_scoped3A : memref<!tpu.dma_semaphore, #tpu.memory_space<semaphore_mem>>)
        %dma_wait3A_156 = arith.constant 0 : i32
        %dma_wait3A_157 = arith.constant 0 : i32
        %dma_wait3A_158 = tpu.memref_slice %arg4[%dma_wait3A_156, %dma_wait3A_157] : memref<50000x256xf32, #tpu.memory_space<hbm>> -> memref<50000x256xf32, #tpu.memory_space<hbm>>
        tpu.wait_indirect_dma semaphore(%run_scoped3A : memref<!tpu.dma_semaphore, #tpu.memory_space<semaphore_mem>>) src(%dma_wait3A_158 : memref<50000x256xf32, #tpu.memory_space<hbm>>) dst(%arg20 : memref<16x256xf32, #tpu.memory_space<vmem>>)
        tpu.yield
      }) : () -> ()
      %mul3A_148 = arith.constant 128 : i32
      %mul3A_149 = arith.muli %add3A, %mul3A_148 : i32
      %mul3A_150 = arith.constant 16 : i32
      %mul3A_151 = arith.muli %while3A_142, %mul3A_150 : i32
      %add3A_152 = arith.addi %mul3A_149, %mul3A_151 : i32
      "tpu.region"() ({
        %run_scoped3A = tpu.sem_alloc : memref<!tpu.dma_semaphore, #tpu.memory_space<semaphore_mem>>
        %dma_start3A_153 = arith.constant 0 : i32
        %dma_start3A_154 = tpu.memref_slice %arg8[%add3A_152, %dma_start3A_153] : memref<4352x256xf32, #tpu.memory_space<hbm>> -> memref<16x256xf32, #tpu.memory_space<hbm>>
        %dma_start3A_155 = arith.constant 0 : i32
        %dma_start3A_156 = tpu.memref_slice %arg8[%add3A_152, %dma_start3A_155] : memref<4352x256xf32, #tpu.memory_space<hbm>> -> memref<16x256xf32, #tpu.memory_space<hbm>>
        tpu.enqueue_dma source(%arg20 : memref<16x256xf32, #tpu.memory_space<vmem>>) target(%dma_start3A_156 : memref<16x256xf32, #tpu.memory_space<hbm>>) target_semaphore(%run_scoped3A : memref<!tpu.dma_semaphore, #tpu.memory_space<semaphore_mem>>)
        %dma_wait3A_157 = arith.constant 0 : i32
        %dma_wait3A_158 = tpu.memref_slice %arg8[%add3A_152, %dma_wait3A_157] : memref<4352x256xf32, #tpu.memory_space<hbm>> -> memref<16x256xf32, #tpu.memory_space<hbm>>
        %dma_wait3A_159 = arith.constant 0 : i32
        %dma_wait3A_160 = tpu.memref_slice %arg8[%add3A_152, %dma_wait3A_159] : memref<4352x256xf32, #tpu.memory_space<hbm>> -> memref<16x256xf32, #tpu.memory_space<hbm>>
        tpu.wait_dma2 semaphore(%run_scoped3A : memref<!tpu.dma_semaphore, #tpu.memory_space<semaphore_mem>>) src(%arg20 : memref<16x256xf32, #tpu.memory_space<vmem>>) dst(%dma_wait3A_160 : memref<16x256xf32, #tpu.memory_space<hbm>>)
        tpu.yield
      }) : () -> ()
    }
    %eq3A_134 = arith.constant 0 : i32
    %eq3A_135 = arith.cmpi eq, %arg0, %eq3A_134 : i32
    %eq3A_136 = arith.constant 0 : i32
    %eq3A_137 = arith.cmpi eq, %arg1, %eq3A_136 : i32
    %and3A_138 = arith.andi %eq3A_135, %eq3A_137 : i1
    %convert_element_type3A_139 = arith.extui %and3A_138 : i1 to i32
    %cond3A_140 = arith.constant 0 : i32
    %cond3A_141 = arith.cmpi ne, %convert_element_type3A_139, %cond3A_140 : i32
    scf.if %cond3A_141 {
      %scan3A_142 = arith.constant 0 : i32
      %scan3A_143 = arith.constant 0 : i32
      %scan3A_144 = arith.constant 16 : i32
      %scan3A_145 = arith.addi %scan3A_143, %scan3A_144 : i32
      %scan3A_146 = arith.constant 1 : i32
      scf.for %scan3A_148 = %scan3A_143 to %scan3A_145 step %scan3A_146  : i32 {
        %mul3A_149 = arith.constant 16 : i32
        %mul3A_150 = arith.muli %scan3A_148, %mul3A_149 : i32
        %get3A_151 = arith.index_cast %mul3A_150 : i32 to index
        %get3A_152 = tpu.vector_load %arg21[%get3A_151] {strides = array<i32>} : memref<256xi32, #tpu.memory_space<vmem>>, vector<16xi32>,
        %mul3A_153 = arith.constant 16 : i32
        %mul3A_154 = arith.muli %scan3A_148, %mul3A_153 : i32
        %add3A_155 = vector.broadcast %mul3A_154 : i32 to vector<16xi32>
        %add3A_156 = arith.addi %iota3A, %add3A_155 : vector<16xi32>
        %lt3A = vector.broadcast %squeeze3A : i32 to vector<16xi32>
        %lt3A_157 = arith.cmpi slt, %add3A_156, %lt3A : vector<16xi32>
        %jit3A_158 = arith.constant 256 : i32
        %broadcast_in_dim3A_159 = vector.broadcast %jit3A_158 : i32 to vector<16xi32>
        %select_n3A_160 = arith.select %lt3A_157, %add3A_156, %broadcast_in_dim3A_159 : vector<16xi1>, vector<16xi32>
        %jit3A_161 = arith.constant 0 : i32
        %broadcast_in_dim3A_162 = vector.broadcast %jit3A_161 : i32 to vector<16xi32>
        %select_n3A_163 = arith.select %lt3A_157, %get3A_152, %broadcast_in_dim3A_162 : vector<16xi1>, vector<16xi32>
        %swap3A = arith.constant 0 : index
        %swap3A_164 = tpu.vector_load %arg19[%swap3A] {strides = array<i32>} : memref<16xi32, #tpu.memory_space<vmem>>, vector<16xi32>,
        tpu.vector_store %arg19[%swap3A], %select_n3A_160 {strides = array<i32>} : memref<16xi32, #tpu.memory_space<vmem>>, vector<16xi32>,
        %mul3A_165 = arith.constant 16 : i32
        %mul3A_166 = arith.muli %scan3A_148, %mul3A_165 : i32
        %add3A_167 = arith.constant 4096 : i32
        %add3A_168 = arith.addi %add3A_167, %mul3A_166 : i32
        "tpu.region"() ({
          %run_scoped3A = tpu.sem_alloc : memref<!tpu.dma_semaphore, #tpu.memory_space<semaphore_mem>>
          %dma_start3A_175 = tpu.memref_slice %arg9[%add3A_168] : memref<4352xi32, #tpu.memory_space<hbm>> -> memref<16xi32, #tpu.memory_space<hbm>>
          %dma_start3A_176 = tpu.memref_slice %arg9[%add3A_168] : memref<4352xi32, #tpu.memory_space<hbm>> -> memref<16xi32, #tpu.memory_space<hbm>>
          tpu.enqueue_dma source(%arg19 : memref<16xi32, #tpu.memory_space<vmem>>) target(%dma_start3A_176 : memref<16xi32, #tpu.memory_space<hbm>>) target_semaphore(%run_scoped3A : memref<!tpu.dma_semaphore, #tpu.memory_space<semaphore_mem>>)
          %dma_wait3A_177 = tpu.memref_slice %arg9[%add3A_168] : memref<4352xi32, #tpu.memory_space<hbm>> -> memref<16xi32, #tpu.memory_space<hbm>>
          %dma_wait3A_178 = tpu.memref_slice %arg9[%add3A_168] : memref<4352xi32, #tpu.memory_space<hbm>> -> memref<16xi32, #tpu.memory_space<hbm>>
          tpu.wait_dma2 semaphore(%run_scoped3A : memref<!tpu.dma_semaphore, #tpu.memory_space<semaphore_mem>>) src(%arg19 : memref<16xi32, #tpu.memory_space<vmem>>) dst(%dma_wait3A_178 : memref<16xi32, #tpu.memory_space<hbm>>)
          tpu.yield
        }) : () -> ()
        %all_reduce_population_count3A = tpu.all_reduce %lt3A_157 {dim = 0 : i64, kind = #tpu.reduction_kind<sum>} : vector<16xi1> -> vector<16xi32>
        %slice3A_169 = vector.extract_strided_slice %all_reduce_population_count3A {offsets = [0], sizes = [1], strides = [1]} : vector<16xi32> to vector<1xi32>
        %squeeze3A_170 = vector.extract %slice3A_169[0] : i32 from vector<1xi32>
        %gt3A = arith.constant 0 : i32
        %gt3A_171 = arith.cmpi sgt, %squeeze3A_170, %gt3A : i32
        %convert_element_type3A_172 = arith.extui %gt3A_171 : i1 to i32
        %cond3A_173 = arith.constant 0 : i32
        %cond3A_174 = arith.cmpi ne, %convert_element_type3A_172, %cond3A_173 : i32
        scf.if %cond3A_174 {
          %swap3A_175 = arith.constant 0 : index
          %swap3A_176 = tpu.vector_load %arg19[%swap3A_175] {strides = array<i32>} : memref<16xi32, #tpu.memory_space<vmem>>, vector<16xi32>,
          tpu.vector_store %arg19[%swap3A_175], %select_n3A_163 {strides = array<i32>} : memref<16xi32, #tpu.memory_space<vmem>>, vector<16xi32>,
          "tpu.region"() ({
            %run_scoped3A = tpu.sem_alloc : memref<!tpu.dma_semaphore, #tpu.memory_space<semaphore_mem>>
            %dma_start3A_181 = arith.constant 0 : i32
            %dma_start3A_182 = arith.constant 0 : i32
            %dma_start3A_183 = tpu.memref_slice %arg4[%dma_start3A_181, %dma_start3A_182] : memref<50000x256xf32, #tpu.memory_space<hbm>> -> memref<50000x256xf32, #tpu.memory_space<hbm>>
            tpu.enqueue_indirect_dma source(%dma_start3A_183 : memref<50000x256xf32, #tpu.memory_space<hbm>>) target(%arg20 : memref<16x256xf32, #tpu.memory_space<vmem>>) offsets(%arg19 : memref<16xi32, #tpu.memory_space<vmem>>) semaphore(%run_scoped3A : memref<!tpu.dma_semaphore, #tpu.memory_space<semaphore_mem>>)
            %dma_wait3A_184 = arith.constant 0 : i32
            %dma_wait3A_185 = arith.constant 0 : i32
            %dma_wait3A_186 = tpu.memref_slice %arg4[%dma_wait3A_184, %dma_wait3A_185] : memref<50000x256xf32, #tpu.memory_space<hbm>> -> memref<50000x256xf32, #tpu.memory_space<hbm>>
            tpu.wait_indirect_dma semaphore(%run_scoped3A : memref<!tpu.dma_semaphore, #tpu.memory_space<semaphore_mem>>) src(%dma_wait3A_186 : memref<50000x256xf32, #tpu.memory_space<hbm>>) dst(%arg20 : memref<16x256xf32, #tpu.memory_space<vmem>>)
            tpu.yield
          }) : () -> ()
          %mul3A_177 = arith.constant 16 : i32
          %mul3A_178 = arith.muli %scan3A_148, %mul3A_177 : i32
          %add3A_179 = arith.constant 4096 : i32
          %add3A_180 = arith.addi %add3A_179, %mul3A_178 : i32
          "tpu.region"() ({
            %run_scoped3A = tpu.sem_alloc : memref<!tpu.dma_semaphore, #tpu.memory_space<semaphore_mem>>
            %dma_start3A_181 = arith.constant 0 : i32
            %dma_start3A_182 = tpu.memref_slice %arg8[%add3A_180, %dma_start3A_181] : memref<4352x256xf32, #tpu.memory_space<hbm>> -> memref<16x256xf32, #tpu.memory_space<hbm>>
            %dma_start3A_183 = arith.constant 0 : i32
            %dma_start3A_184 = tpu.memref_slice %arg8[%add3A_180, %dma_start3A_183] : memref<4352x256xf32, #tpu.memory_space<hbm>> -> memref<16x256xf32, #tpu.memory_space<hbm>>
            tpu.enqueue_dma source(%arg20 : memref<16x256xf32, #tpu.memory_space<vmem>>) target(%dma_start3A_184 : memref<16x256xf32, #tpu.memory_space<hbm>>) target_semaphore(%run_scoped3A : memref<!tpu.dma_semaphore, #tpu.memory_space<semaphore_mem>>)
            %dma_wait3A_185 = arith.constant 0 : i32
            %dma_wait3A_186 = tpu.memref_slice %arg8[%add3A_180, %dma_wait3A_185] : memref<4352x256xf32, #tpu.memory_space<hbm>> -> memref<16x256xf32, #tpu.memory_space<hbm>>
            %dma_wait3A_187 = arith.constant 0 : i32
            %dma_wait3A_188 = tpu.memref_slice %arg8[%add3A_180, %dma_wait3A_187] : memref<4352x256xf32, #tpu.memory_space<hbm>> -> memref<16x256xf32, #tpu.memory_space<hbm>>
            tpu.wait_dma2 semaphore(%run_scoped3A : memref<!tpu.dma_semaphore, #tpu.memory_space<semaphore_mem>>) src(%arg20 : memref<16x256xf32, #tpu.memory_space<vmem>>) dst(%dma_wait3A_188 : memref<16x256xf32, #tpu.memory_space<hbm>>)
            tpu.yield
          }) : () -> ()
        } else {
        }
      }
      %scan3A_147 = arith.constant 16 : i32
    } else {
    }
    return
  }
}

#map = affine_map<(d0, d1) -> (0)>
module attributes {stable_mosaic.version = 14 : i64} {
  func.func @_l1_body(%arg0: i32, %arg1: i32, %arg2: memref<1600000xi32, #tpu.memory_space<hbm>>, %arg3: memref<1600000xi32, #tpu.memory_space<hbm>>, %arg4: memref<16384xi32, #tpu.memory_space<hbm>>, %arg5: memref<512xi32, #tpu.memory_space<hbm>>, %arg6: memref<10000xi32, #tpu.memory_space<vmem>>, %arg7: memref<10000xi32, #tpu.memory_space<vmem>>, %arg8: memref<400xi32, #tpu.memory_space<vmem>>, %arg9: memref<512xi32, #tpu.memory_space<vmem>>, %arg10: memref<16xi32, #tpu.memory_space<vmem>>, %arg11: memref<!tpu.dma_semaphore, #tpu.memory_space<semaphore_mem>>, %arg12: memref<!tpu.dma_semaphore, #tpu.memory_space<semaphore_mem>>) attributes {dimension_semantics = [#tpu.dimension_semantics<core_parallel>, #tpu.dimension_semantics<subcore_parallel>], iteration_bounds = array<i64: 2, 16>, scalar_prefetch = 0 : i64, scratch_operands = 7 : i64, tpu.core_type = #tpu.core_type<sc_vector_subcore>, window_params = [{transform_indices = #map}, {transform_indices = #map}, {transform_indices = #map}, {transform_indices = #map}]} {
    %mul3A = arith.constant 16 : i32
    %mul3A_0 = arith.muli %arg0, %mul3A : i32
    %add3A = arith.addi %mul3A_0, %arg1 : i32
    %mul3A_1 = arith.constant 50000 : i32
    %mul3A_2 = arith.muli %add3A, %mul3A_1 : i32
    %broadcast_in_dim3A = arith.constant false
    %broadcast_in_dim3A_3 = vector.broadcast %broadcast_in_dim3A : i1 to vector<16xi1>
    %dma_start3A = tpu.memref_slice %arg3[%mul3A_2] : memref<1600000xi32, #tpu.memory_space<hbm>> -> memref<10000xi32, #tpu.memory_space<hbm>>
    %dma_start3A_4 = tpu.memref_slice %arg3[%mul3A_2] : memref<1600000xi32, #tpu.memory_space<hbm>> -> memref<10000xi32, #tpu.memory_space<hbm>>
    tpu.enqueue_dma source(%dma_start3A_4 : memref<10000xi32, #tpu.memory_space<hbm>>) target(%arg6 : memref<10000xi32, #tpu.memory_space<vmem>>) target_semaphore(%arg11 : memref<!tpu.dma_semaphore, #tpu.memory_space<semaphore_mem>>)
    %dma_wait3A = tpu.memref_slice %arg3[%mul3A_2] : memref<1600000xi32, #tpu.memory_space<hbm>> -> memref<10000xi32, #tpu.memory_space<hbm>>
    %dma_wait3A_5 = tpu.memref_slice %arg3[%mul3A_2] : memref<1600000xi32, #tpu.memory_space<hbm>> -> memref<10000xi32, #tpu.memory_space<hbm>>
    tpu.wait_dma2 semaphore(%arg11 : memref<!tpu.dma_semaphore, #tpu.memory_space<semaphore_mem>>) src(%dma_wait3A_5 : memref<10000xi32, #tpu.memory_space<hbm>>) dst(%arg6 : memref<10000xi32, #tpu.memory_space<vmem>>)
    %add3A_6 = arith.constant 10000 : i32
    %add3A_7 = arith.addi %mul3A_2, %add3A_6 : i32
    %dma_start3A_8 = tpu.memref_slice %arg3[%add3A_7] : memref<1600000xi32, #tpu.memory_space<hbm>> -> memref<10000xi32, #tpu.memory_space<hbm>>
    %dma_start3A_9 = tpu.memref_slice %arg3[%add3A_7] : memref<1600000xi32, #tpu.memory_space<hbm>> -> memref<10000xi32, #tpu.memory_space<hbm>>
    tpu.enqueue_dma source(%dma_start3A_9 : memref<10000xi32, #tpu.memory_space<hbm>>) target(%arg7 : memref<10000xi32, #tpu.memory_space<vmem>>) target_semaphore(%arg12 : memref<!tpu.dma_semaphore, #tpu.memory_space<semaphore_mem>>)
    %add3A_10 = arith.constant 0 : i32
    %add3A_11 = arith.addi %mul3A_2, %add3A_10 : i32
    %scan3A = arith.constant 0 : i32
    %scan3A_12 = arith.constant 0 : i32
    %scan3A_13 = arith.constant 25 : i32
    %scan3A_14 = arith.addi %scan3A_12, %scan3A_13 : i32
    %scan3A_15 = arith.constant 1 : i32
    %scan3A_16 = scf.for %scan3A_103 = %scan3A_12 to %scan3A_14 step %scan3A_15 iter_args(%scan3A_104 = %scan3A) -> (i32)  : i32 {
      %mul3A_105 = arith.constant 25 : i32
      %mul3A_106 = arith.muli %scan3A_103, %mul3A_105 : i32
      %add3A_107 = arith.constant 0 : i32
      %add3A_108 = arith.addi %mul3A_106, %add3A_107 : i32
      %mul3A_109 = arith.constant 16 : i32
      %mul3A_110 = arith.muli %add3A_108, %mul3A_109 : i32
      %get3A = arith.index_cast %mul3A_110 : i32 to index
      %get3A_111 = tpu.vector_load %arg6[%get3A] {strides = array<i32>} : memref<10000xi32, #tpu.memory_space<vmem>>, vector<16xi32>,
      %eq3A = arith.constant 49999 : i32
      %eq3A_112 = vector.broadcast %eq3A : i32 to vector<16xi32>
      %eq3A_113 = arith.cmpi eq, %get3A_111, %eq3A_112 : vector<16xi32>
      %or3A = arith.ori %broadcast_in_dim3A_3, %eq3A_113 : vector<16xi1>
      %mul3A_114 = arith.constant 25 : i32
      %mul3A_115 = arith.muli %scan3A_103, %mul3A_114 : i32
      %add3A_116 = arith.constant 1 : i32
      %add3A_117 = arith.addi %mul3A_115, %add3A_116 : i32
      %mul3A_118 = arith.constant 16 : i32
      %mul3A_119 = arith.muli %add3A_117, %mul3A_118 : i32
      %get3A_120 = arith.index_cast %mul3A_119 : i32 to index
      %get3A_121 = tpu.vector_load %arg6[%get3A_120] {strides = array<i32>} : memref<10000xi32, #tpu.memory_space<vmem>>, vector<16xi32>,
      %eq3A_122 = arith.constant 49999 : i32
      %eq3A_123 = vector.broadcast %eq3A_122 : i32 to vector<16xi32>
      %eq3A_124 = arith.cmpi eq, %get3A_121, %eq3A_123 : vector<16xi32>
      %or3A_125 = arith.ori %or3A, %eq3A_124 : vector<16xi1>
      %mul3A_126 = arith.constant 25 : i32
      %mul3A_127 = arith.muli %scan3A_103, %mul3A_126 : i32
      %add3A_128 = arith.constant 2 : i32
      %add3A_129 = arith.addi %mul3A_127, %add3A_128 : i32
      %mul3A_130 = arith.constant 16 : i32
      %mul3A_131 = arith.muli %add3A_129, %mul3A_130 : i32
      %get3A_132 = arith.index_cast %mul3A_131 : i32 to index
      %get3A_133 = tpu.vector_load %arg6[%get3A_132] {strides = array<i32>} : memref<10000xi32, #tpu.memory_space<vmem>>, vector<16xi32>,
      %eq3A_134 = arith.constant 49999 : i32
      %eq3A_135 = vector.broadcast %eq3A_134 : i32 to vector<16xi32>
      %eq3A_136 = arith.cmpi eq, %get3A_133, %eq3A_135 : vector<16xi32>
      %or3A_137 = arith.ori %or3A_125, %eq3A_136 : vector<16xi1>
      %mul3A_138 = arith.constant 25 : i32
      %mul3A_139 = arith.muli %scan3A_103, %mul3A_138 : i32
      %add3A_140 = arith.constant 3 : i32
      %add3A_141 = arith.addi %mul3A_139, %add3A_140 : i32
      %mul3A_142 = arith.constant 16 : i32
      %mul3A_143 = arith.muli %add3A_141, %mul3A_142 : i32
      %get3A_144 = arith.index_cast %mul3A_143 : i32 to index
      %get3A_145 = tpu.vector_load %arg6[%get3A_144] {strides = array<i32>} : memref<10000xi32, #tpu.memory_space<vmem>>, vector<16xi32>,
      %eq3A_146 = arith.constant 49999 : i32
      %eq3A_147 = vector.broadcast %eq3A_146 : i32 to vector<16xi32>
      %eq3A_148 = arith.cmpi eq, %get3A_145, %eq3A_147 : vector<16xi32>
      %or3A_149 = arith.ori %or3A_137, %eq3A_148 : vector<16xi1>
      %mul3A_150 = arith.constant 25 : i32
      %mul3A_151 = arith.muli %scan3A_103, %mul3A_150 : i32
      %add3A_152 = arith.constant 4 : i32
      %add3A_153 = arith.addi %mul3A_151, %add3A_152 : i32
      %mul3A_154 = arith.constant 16 : i32
      %mul3A_155 = arith.muli %add3A_153, %mul3A_154 : i32
      %get3A_156 = arith.index_cast %mul3A_155 : i32 to index
      %get3A_157 = tpu.vector_load %arg6[%get3A_156] {strides = array<i32>} : memref<10000xi32, #tpu.memory_space<vmem>>, vector<16xi32>,
      %eq3A_158 = arith.constant 49999 : i32
      %eq3A_159 = vector.broadcast %eq3A_158 : i32 to vector<16xi32>
      %eq3A_160 = arith.cmpi eq, %get3A_157, %eq3A_159 : vector<16xi32>
      %or3A_161 = arith.ori %or3A_149, %eq3A_160 : vector<16xi1>
      %mul3A_162 = arith.constant 25 : i32
      %mul3A_163 = arith.muli %scan3A_103, %mul3A_162 : i32
      %add3A_164 = arith.constant 5 : i32
      %add3A_165 = arith.addi %mul3A_163, %add3A_164 : i32
      %mul3A_166 = arith.constant 16 : i32
      %mul3A_167 = arith.muli %add3A_165, %mul3A_166 : i32
      %get3A_168 = arith.index_cast %mul3A_167 : i32 to index
      %get3A_169 = tpu.vector_load %arg6[%get3A_168] {strides = array<i32>} : memref<10000xi32, #tpu.memory_space<vmem>>, vector<16xi32>,
      %eq3A_170 = arith.constant 49999 : i32
      %eq3A_171 = vector.broadcast %eq3A_170 : i32 to vector<16xi32>
      %eq3A_172 = arith.cmpi eq, %get3A_169, %eq3A_171 : vector<16xi32>
      %or3A_173 = arith.ori %or3A_161, %eq3A_172 : vector<16xi1>
      %mul3A_174 = arith.constant 25 : i32
      %mul3A_175 = arith.muli %scan3A_103, %mul3A_174 : i32
      %add3A_176 = arith.constant 6 : i32
      %add3A_177 = arith.addi %mul3A_175, %add3A_176 : i32
      %mul3A_178 = arith.constant 16 : i32
      %mul3A_179 = arith.muli %add3A_177, %mul3A_178 : i32
      %get3A_180 = arith.index_cast %mul3A_179 : i32 to index
      %get3A_181 = tpu.vector_load %arg6[%get3A_180] {strides = array<i32>} : memref<10000xi32, #tpu.memory_space<vmem>>, vector<16xi32>,
      %eq3A_182 = arith.constant 49999 : i32
      %eq3A_183 = vector.broadcast %eq3A_182 : i32 to vector<16xi32>
      %eq3A_184 = arith.cmpi eq, %get3A_181, %eq3A_183 : vector<16xi32>
      %or3A_185 = arith.ori %or3A_173, %eq3A_184 : vector<16xi1>
      %mul3A_186 = arith.constant 25 : i32
      %mul3A_187 = arith.muli %scan3A_103, %mul3A_186 : i32
      %add3A_188 = arith.constant 7 : i32
      %add3A_189 = arith.addi %mul3A_187, %add3A_188 : i32
      %mul3A_190 = arith.constant 16 : i32
      %mul3A_191 = arith.muli %add3A_189, %mul3A_190 : i32
      %get3A_192 = arith.index_cast %mul3A_191 : i32 to index
      %get3A_193 = tpu.vector_load %arg6[%get3A_192] {strides = array<i32>} : memref<10000xi32, #tpu.memory_space<vmem>>, vector<16xi32>,
      %eq3A_194 = arith.constant 49999 : i32
      %eq3A_195 = vector.broadcast %eq3A_194 : i32 to vector<16xi32>
      %eq3A_196 = arith.cmpi eq, %get3A_193, %eq3A_195 : vector<16xi32>
      %or3A_197 = arith.ori %or3A_185, %eq3A_196 : vector<16xi1>
      %mul3A_198 = arith.constant 25 : i32
      %mul3A_199 = arith.muli %scan3A_103, %mul3A_198 : i32
      %add3A_200 = arith.constant 8 : i32
      %add3A_201 = arith.addi %mul3A_199, %add3A_200 : i32
      %mul3A_202 = arith.constant 16 : i32
      %mul3A_203 = arith.muli %add3A_201, %mul3A_202 : i32
      %get3A_204 = arith.index_cast %mul3A_203 : i32 to index
      %get3A_205 = tpu.vector_load %arg6[%get3A_204] {strides = array<i32>} : memref<10000xi32, #tpu.memory_space<vmem>>, vector<16xi32>,
      %eq3A_206 = arith.constant 49999 : i32
      %eq3A_207 = vector.broadcast %eq3A_206 : i32 to vector<16xi32>
      %eq3A_208 = arith.cmpi eq, %get3A_205, %eq3A_207 : vector<16xi32>
      %or3A_209 = arith.ori %or3A_197, %eq3A_208 : vector<16xi1>
      %mul3A_210 = arith.constant 25 : i32
      %mul3A_211 = arith.muli %scan3A_103, %mul3A_210 : i32
      %add3A_212 = arith.constant 9 : i32
      %add3A_213 = arith.addi %mul3A_211, %add3A_212 : i32
      %mul3A_214 = arith.constant 16 : i32
      %mul3A_215 = arith.muli %add3A_213, %mul3A_214 : i32
      %get3A_216 = arith.index_cast %mul3A_215 : i32 to index
      %get3A_217 = tpu.vector_load %arg6[%get3A_216] {strides = array<i32>} : memref<10000xi32, #tpu.memory_space<vmem>>, vector<16xi32>,
      %eq3A_218 = arith.constant 49999 : i32
      %eq3A_219 = vector.broadcast %eq3A_218 : i32 to vector<16xi32>
      %eq3A_220 = arith.cmpi eq, %get3A_217, %eq3A_219 : vector<16xi32>
      %or3A_221 = arith.ori %or3A_209, %eq3A_220 : vector<16xi1>
      %mul3A_222 = arith.constant 25 : i32
      %mul3A_223 = arith.muli %scan3A_103, %mul3A_222 : i32
      %add3A_224 = arith.constant 10 : i32
      %add3A_225 = arith.addi %mul3A_223, %add3A_224 : i32
      %mul3A_226 = arith.constant 16 : i32
      %mul3A_227 = arith.muli %add3A_225, %mul3A_226 : i32
      %get3A_228 = arith.index_cast %mul3A_227 : i32 to index
      %get3A_229 = tpu.vector_load %arg6[%get3A_228] {strides = array<i32>} : memref<10000xi32, #tpu.memory_space<vmem>>, vector<16xi32>,
      %eq3A_230 = arith.constant 49999 : i32
      %eq3A_231 = vector.broadcast %eq3A_230 : i32 to vector<16xi32>
      %eq3A_232 = arith.cmpi eq, %get3A_229, %eq3A_231 : vector<16xi32>
      %or3A_233 = arith.ori %or3A_221, %eq3A_232 : vector<16xi1>
      %mul3A_234 = arith.constant 25 : i32
      %mul3A_235 = arith.muli %scan3A_103, %mul3A_234 : i32
      %add3A_236 = arith.constant 11 : i32
      %add3A_237 = arith.addi %mul3A_235, %add3A_236 : i32
      %mul3A_238 = arith.constant 16 : i32
      %mul3A_239 = arith.muli %add3A_237, %mul3A_238 : i32
      %get3A_240 = arith.index_cast %mul3A_239 : i32 to index
      %get3A_241 = tpu.vector_load %arg6[%get3A_240] {strides = array<i32>} : memref<10000xi32, #tpu.memory_space<vmem>>, vector<16xi32>,
      %eq3A_242 = arith.constant 49999 : i32
      %eq3A_243 = vector.broadcast %eq3A_242 : i32 to vector<16xi32>
      %eq3A_244 = arith.cmpi eq, %get3A_241, %eq3A_243 : vector<16xi32>
      %or3A_245 = arith.ori %or3A_233, %eq3A_244 : vector<16xi1>
      %mul3A_246 = arith.constant 25 : i32
      %mul3A_247 = arith.muli %scan3A_103, %mul3A_246 : i32
      %add3A_248 = arith.constant 12 : i32
      %add3A_249 = arith.addi %mul3A_247, %add3A_248 : i32
      %mul3A_250 = arith.constant 16 : i32
      %mul3A_251 = arith.muli %add3A_249, %mul3A_250 : i32
      %get3A_252 = arith.index_cast %mul3A_251 : i32 to index
      %get3A_253 = tpu.vector_load %arg6[%get3A_252] {strides = array<i32>} : memref<10000xi32, #tpu.memory_space<vmem>>, vector<16xi32>,
      %eq3A_254 = arith.constant 49999 : i32
      %eq3A_255 = vector.broadcast %eq3A_254 : i32 to vector<16xi32>
      %eq3A_256 = arith.cmpi eq, %get3A_253, %eq3A_255 : vector<16xi32>
      %or3A_257 = arith.ori %or3A_245, %eq3A_256 : vector<16xi1>
      %mul3A_258 = arith.constant 25 : i32
      %mul3A_259 = arith.muli %scan3A_103, %mul3A_258 : i32
      %add3A_260 = arith.constant 13 : i32
      %add3A_261 = arith.addi %mul3A_259, %add3A_260 : i32
      %mul3A_262 = arith.constant 16 : i32
      %mul3A_263 = arith.muli %add3A_261, %mul3A_262 : i32
      %get3A_264 = arith.index_cast %mul3A_263 : i32 to index
      %get3A_265 = tpu.vector_load %arg6[%get3A_264] {strides = array<i32>} : memref<10000xi32, #tpu.memory_space<vmem>>, vector<16xi32>,
      %eq3A_266 = arith.constant 49999 : i32
      %eq3A_267 = vector.broadcast %eq3A_266 : i32 to vector<16xi32>
      %eq3A_268 = arith.cmpi eq, %get3A_265, %eq3A_267 : vector<16xi32>
      %or3A_269 = arith.ori %or3A_257, %eq3A_268 : vector<16xi1>
      %mul3A_270 = arith.constant 25 : i32
      %mul3A_271 = arith.muli %scan3A_103, %mul3A_270 : i32
      %add3A_272 = arith.constant 14 : i32
      %add3A_273 = arith.addi %mul3A_271, %add3A_272 : i32
      %mul3A_274 = arith.constant 16 : i32
      %mul3A_275 = arith.muli %add3A_273, %mul3A_274 : i32
      %get3A_276 = arith.index_cast %mul3A_275 : i32 to index
      %get3A_277 = tpu.vector_load %arg6[%get3A_276] {strides = array<i32>} : memref<10000xi32, #tpu.memory_space<vmem>>, vector<16xi32>,
      %eq3A_278 = arith.constant 49999 : i32
      %eq3A_279 = vector.broadcast %eq3A_278 : i32 to vector<16xi32>
      %eq3A_280 = arith.cmpi eq, %get3A_277, %eq3A_279 : vector<16xi32>
      %or3A_281 = arith.ori %or3A_269, %eq3A_280 : vector<16xi1>
      %mul3A_282 = arith.constant 25 : i32
      %mul3A_283 = arith.muli %scan3A_103, %mul3A_282 : i32
      %add3A_284 = arith.constant 15 : i32
      %add3A_285 = arith.addi %mul3A_283, %add3A_284 : i32
      %mul3A_286 = arith.constant 16 : i32
      %mul3A_287 = arith.muli %add3A_285, %mul3A_286 : i32
      %get3A_288 = arith.index_cast %mul3A_287 : i32 to index
      %get3A_289 = tpu.vector_load %arg6[%get3A_288] {strides = array<i32>} : memref<10000xi32, #tpu.memory_space<vmem>>, vector<16xi32>,
      %eq3A_290 = arith.constant 49999 : i32
      %eq3A_291 = vector.broadcast %eq3A_290 : i32 to vector<16xi32>
      %eq3A_292 = arith.cmpi eq, %get3A_289, %eq3A_291 : vector<16xi32>
      %or3A_293 = arith.ori %or3A_281, %eq3A_292 : vector<16xi1>
      %mul3A_294 = arith.constant 25 : i32
      %mul3A_295 = arith.muli %scan3A_103, %mul3A_294 : i32
      %add3A_296 = arith.constant 16 : i32
      %add3A_297 = arith.addi %mul3A_295, %add3A_296 : i32
      %mul3A_298 = arith.constant 16 : i32
      %mul3A_299 = arith.muli %add3A_297, %mul3A_298 : i32
      %get3A_300 = arith.index_cast %mul3A_299 : i32 to index
      %get3A_301 = tpu.vector_load %arg6[%get3A_300] {strides = array<i32>} : memref<10000xi32, #tpu.memory_space<vmem>>, vector<16xi32>,
      %eq3A_302 = arith.constant 49999 : i32
      %eq3A_303 = vector.broadcast %eq3A_302 : i32 to vector<16xi32>
      %eq3A_304 = arith.cmpi eq, %get3A_301, %eq3A_303 : vector<16xi32>
      %or3A_305 = arith.ori %or3A_293, %eq3A_304 : vector<16xi1>
      %mul3A_306 = arith.constant 25 : i32
      %mul3A_307 = arith.muli %scan3A_103, %mul3A_306 : i32
      %add3A_308 = arith.constant 17 : i32
      %add3A_309 = arith.addi %mul3A_307, %add3A_308 : i32
      %mul3A_310 = arith.constant 16 : i32
      %mul3A_311 = arith.muli %add3A_309, %mul3A_310 : i32
      %get3A_312 = arith.index_cast %mul3A_311 : i32 to index
      %get3A_313 = tpu.vector_load %arg6[%get3A_312] {strides = array<i32>} : memref<10000xi32, #tpu.memory_space<vmem>>, vector<16xi32>,
      %eq3A_314 = arith.constant 49999 : i32
      %eq3A_315 = vector.broadcast %eq3A_314 : i32 to vector<16xi32>
      %eq3A_316 = arith.cmpi eq, %get3A_313, %eq3A_315 : vector<16xi32>
      %or3A_317 = arith.ori %or3A_305, %eq3A_316 : vector<16xi1>
      %mul3A_318 = arith.constant 25 : i32
      %mul3A_319 = arith.muli %scan3A_103, %mul3A_318 : i32
      %add3A_320 = arith.constant 18 : i32
      %add3A_321 = arith.addi %mul3A_319, %add3A_320 : i32
      %mul3A_322 = arith.constant 16 : i32
      %mul3A_323 = arith.muli %add3A_321, %mul3A_322 : i32
      %get3A_324 = arith.index_cast %mul3A_323 : i32 to index
      %get3A_325 = tpu.vector_load %arg6[%get3A_324] {strides = array<i32>} : memref<10000xi32, #tpu.memory_space<vmem>>, vector<16xi32>,
      %eq3A_326 = arith.constant 49999 : i32
      %eq3A_327 = vector.broadcast %eq3A_326 : i32 to vector<16xi32>
      %eq3A_328 = arith.cmpi eq, %get3A_325, %eq3A_327 : vector<16xi32>
      %or3A_329 = arith.ori %or3A_317, %eq3A_328 : vector<16xi1>
      %mul3A_330 = arith.constant 25 : i32
      %mul3A_331 = arith.muli %scan3A_103, %mul3A_330 : i32
      %add3A_332 = arith.constant 19 : i32
      %add3A_333 = arith.addi %mul3A_331, %add3A_332 : i32
      %mul3A_334 = arith.constant 16 : i32
      %mul3A_335 = arith.muli %add3A_333, %mul3A_334 : i32
      %get3A_336 = arith.index_cast %mul3A_335 : i32 to index
      %get3A_337 = tpu.vector_load %arg6[%get3A_336] {strides = array<i32>} : memref<10000xi32, #tpu.memory_space<vmem>>, vector<16xi32>,
      %eq3A_338 = arith.constant 49999 : i32
      %eq3A_339 = vector.broadcast %eq3A_338 : i32 to vector<16xi32>
      %eq3A_340 = arith.cmpi eq, %get3A_337, %eq3A_339 : vector<16xi32>
      %or3A_341 = arith.ori %or3A_329, %eq3A_340 : vector<16xi1>
      %mul3A_342 = arith.constant 25 : i32
      %mul3A_343 = arith.muli %scan3A_103, %mul3A_342 : i32
      %add3A_344 = arith.constant 20 : i32
      %add3A_345 = arith.addi %mul3A_343, %add3A_344 : i32
      %mul3A_346 = arith.constant 16 : i32
      %mul3A_347 = arith.muli %add3A_345, %mul3A_346 : i32
      %get3A_348 = arith.index_cast %mul3A_347 : i32 to index
      %get3A_349 = tpu.vector_load %arg6[%get3A_348] {strides = array<i32>} : memref<10000xi32, #tpu.memory_space<vmem>>, vector<16xi32>,
      %eq3A_350 = arith.constant 49999 : i32
      %eq3A_351 = vector.broadcast %eq3A_350 : i32 to vector<16xi32>
      %eq3A_352 = arith.cmpi eq, %get3A_349, %eq3A_351 : vector<16xi32>
      %or3A_353 = arith.ori %or3A_341, %eq3A_352 : vector<16xi1>
      %mul3A_354 = arith.constant 25 : i32
      %mul3A_355 = arith.muli %scan3A_103, %mul3A_354 : i32
      %add3A_356 = arith.constant 21 : i32
      %add3A_357 = arith.addi %mul3A_355, %add3A_356 : i32
      %mul3A_358 = arith.constant 16 : i32
      %mul3A_359 = arith.muli %add3A_357, %mul3A_358 : i32
      %get3A_360 = arith.index_cast %mul3A_359 : i32 to index
      %get3A_361 = tpu.vector_load %arg6[%get3A_360] {strides = array<i32>} : memref<10000xi32, #tpu.memory_space<vmem>>, vector<16xi32>,
      %eq3A_362 = arith.constant 49999 : i32
      %eq3A_363 = vector.broadcast %eq3A_362 : i32 to vector<16xi32>
      %eq3A_364 = arith.cmpi eq, %get3A_361, %eq3A_363 : vector<16xi32>
      %or3A_365 = arith.ori %or3A_353, %eq3A_364 : vector<16xi1>
      %mul3A_366 = arith.constant 25 : i32
      %mul3A_367 = arith.muli %scan3A_103, %mul3A_366 : i32
      %add3A_368 = arith.constant 22 : i32
      %add3A_369 = arith.addi %mul3A_367, %add3A_368 : i32
      %mul3A_370 = arith.constant 16 : i32
      %mul3A_371 = arith.muli %add3A_369, %mul3A_370 : i32
      %get3A_372 = arith.index_cast %mul3A_371 : i32 to index
      %get3A_373 = tpu.vector_load %arg6[%get3A_372] {strides = array<i32>} : memref<10000xi32, #tpu.memory_space<vmem>>, vector<16xi32>,
      %eq3A_374 = arith.constant 49999 : i32
      %eq3A_375 = vector.broadcast %eq3A_374 : i32 to vector<16xi32>
      %eq3A_376 = arith.cmpi eq, %get3A_373, %eq3A_375 : vector<16xi32>
      %or3A_377 = arith.ori %or3A_365, %eq3A_376 : vector<16xi1>
      %mul3A_378 = arith.constant 25 : i32
      %mul3A_379 = arith.muli %scan3A_103, %mul3A_378 : i32
      %add3A_380 = arith.constant 23 : i32
      %add3A_381 = arith.addi %mul3A_379, %add3A_380 : i32
      %mul3A_382 = arith.constant 16 : i32
      %mul3A_383 = arith.muli %add3A_381, %mul3A_382 : i32
      %get3A_384 = arith.index_cast %mul3A_383 : i32 to index
      %get3A_385 = tpu.vector_load %arg6[%get3A_384] {strides = array<i32>} : memref<10000xi32, #tpu.memory_space<vmem>>, vector<16xi32>,
      %eq3A_386 = arith.constant 49999 : i32
      %eq3A_387 = vector.broadcast %eq3A_386 : i32 to vector<16xi32>
      %eq3A_388 = arith.cmpi eq, %get3A_385, %eq3A_387 : vector<16xi32>
      %or3A_389 = arith.ori %or3A_377, %eq3A_388 : vector<16xi1>
      %mul3A_390 = arith.constant 25 : i32
      %mul3A_391 = arith.muli %scan3A_103, %mul3A_390 : i32
      %add3A_392 = arith.constant 24 : i32
      %add3A_393 = arith.addi %mul3A_391, %add3A_392 : i32
      %mul3A_394 = arith.constant 16 : i32
      %mul3A_395 = arith.muli %add3A_393, %mul3A_394 : i32
      %get3A_396 = arith.index_cast %mul3A_395 : i32 to index
      %get3A_397 = tpu.vector_load %arg6[%get3A_396] {strides = array<i32>} : memref<10000xi32, #tpu.memory_space<vmem>>, vector<16xi32>,
      %eq3A_398 = arith.constant 49999 : i32
      %eq3A_399 = vector.broadcast %eq3A_398 : i32 to vector<16xi32>
      %eq3A_400 = arith.cmpi eq, %get3A_397, %eq3A_399 : vector<16xi32>
      %or3A_401 = arith.ori %or3A_389, %eq3A_400 : vector<16xi1>
      %all_reduce_population_count3A = tpu.all_reduce %or3A_401 {dim = 0 : i64, kind = #tpu.reduction_kind<sum>} : vector<16xi1> -> vector<16xi32>
      %slice3A = vector.extract_strided_slice %all_reduce_population_count3A {offsets = [0], sizes = [1], strides = [1]} : vector<16xi32> to vector<1xi32>
      %squeeze3A = vector.extract %slice3A[0] : i32 from vector<1xi32>
      %gt3A = arith.constant 0 : i32
      %gt3A_402 = arith.cmpi sgt, %squeeze3A, %gt3A : i32
      %convert_element_type3A = arith.extui %gt3A_402 : i1 to i32
      %cond3A = arith.constant 0 : i32
      %cond3A_403 = arith.cmpi ne, %convert_element_type3A, %cond3A : i32
      %cond3A_404 = scf.if %cond3A_403 -> (i32) {
        %mul3A_405 = arith.constant 25 : i32
        %mul3A_406 = arith.muli %scan3A_103, %mul3A_405 : i32
        %mul3A_407 = arith.constant 16 : i32
        %mul3A_408 = arith.muli %mul3A_406, %mul3A_407 : i32
        %add3A_409 = arith.addi %add3A_11, %mul3A_408 : i32
        "tpu.region"() ({
          %run_scoped3A = tpu.sem_alloc : memref<!tpu.dma_semaphore, #tpu.memory_space<semaphore_mem>>
          %dma_start3A_416 = tpu.memref_slice %arg2[%add3A_409] : memref<1600000xi32, #tpu.memory_space<hbm>> -> memref<400xi32, #tpu.memory_space<hbm>>
          %dma_start3A_417 = tpu.memref_slice %arg2[%add3A_409] : memref<1600000xi32, #tpu.memory_space<hbm>> -> memref<400xi32, #tpu.memory_space<hbm>>
          tpu.enqueue_dma source(%dma_start3A_417 : memref<400xi32, #tpu.memory_space<hbm>>) target(%arg8 : memref<400xi32, #tpu.memory_space<vmem>>) target_semaphore(%run_scoped3A : memref<!tpu.dma_semaphore, #tpu.memory_space<semaphore_mem>>)
          %dma_wait3A_418 = tpu.memref_slice %arg2[%add3A_409] : memref<1600000xi32, #tpu.memory_space<hbm>> -> memref<400xi32, #tpu.memory_space<hbm>>
          %dma_wait3A_419 = tpu.memref_slice %arg2[%add3A_409] : memref<1600000xi32, #tpu.memory_space<hbm>> -> memref<400xi32, #tpu.memory_space<hbm>>
          tpu.wait_dma2 semaphore(%run_scoped3A : memref<!tpu.dma_semaphore, #tpu.memory_space<semaphore_mem>>) src(%dma_wait3A_419 : memref<400xi32, #tpu.memory_space<hbm>>) dst(%arg8 : memref<400xi32, #tpu.memory_space<vmem>>)
          tpu.yield
        }) : () -> ()
        %scan3A_410 = arith.constant 0 : i32
        %scan3A_411 = arith.constant 25 : i32
        %scan3A_412 = arith.addi %scan3A_410, %scan3A_411 : i32
        %scan3A_413 = arith.constant 1 : i32
        %scan3A_414 = scf.for %scan3A_416 = %scan3A_410 to %scan3A_412 step %scan3A_413 iter_args(%scan3A_417 = %scan3A_104) -> (i32)  : i32 {
          %mul3A_418 = arith.constant 25 : i32
          %mul3A_419 = arith.muli %scan3A_103, %mul3A_418 : i32
          %add3A_420 = arith.addi %mul3A_419, %scan3A_416 : i32
          %mul3A_421 = arith.constant 16 : i32
          %mul3A_422 = arith.muli %add3A_420, %mul3A_421 : i32
          %get3A_423 = arith.index_cast %mul3A_422 : i32 to index
          %get3A_424 = tpu.vector_load %arg6[%get3A_423] {strides = array<i32>} : memref<10000xi32, #tpu.memory_space<vmem>>, vector<16xi32>,
          %eq3A_425 = arith.constant 49999 : i32
          %eq3A_426 = vector.broadcast %eq3A_425 : i32 to vector<16xi32>
          %eq3A_427 = arith.cmpi eq, %get3A_424, %eq3A_426 : vector<16xi32>
          %all_reduce_population_count3A_428 = tpu.all_reduce %eq3A_427 {dim = 0 : i64, kind = #tpu.reduction_kind<sum>} : vector<16xi1> -> vector<16xi32>
          %slice3A_429 = vector.extract_strided_slice %all_reduce_population_count3A_428 {offsets = [0], sizes = [1], strides = [1]} : vector<16xi32> to vector<1xi32>
          %squeeze3A_430 = vector.extract %slice3A_429[0] : i32 from vector<1xi32>
          %gt3A_431 = arith.constant 0 : i32
          %gt3A_432 = arith.cmpi sgt, %squeeze3A_430, %gt3A_431 : i32
          %convert_element_type3A_433 = arith.extui %gt3A_432 : i1 to i32
          %cond3A_434 = arith.constant 0 : i32
          %cond3A_435 = arith.cmpi ne, %convert_element_type3A_433, %cond3A_434 : i32
          %cond3A_436 = scf.if %cond3A_435 -> (i32) {
            %mul3A_437 = arith.constant 16 : i32
            %mul3A_438 = arith.muli %scan3A_416, %mul3A_437 : i32
            %get3A_439 = arith.index_cast %mul3A_438 : i32 to index
            %get3A_440 = tpu.vector_load %arg8[%get3A_439] {strides = array<i32>} : memref<400xi32, #tpu.memory_space<vmem>>, vector<16xi32>,
            %min3A = arith.constant 496 : i32
            %min3A_441 = arith.minsi %scan3A_417, %min3A : i32
            %swap3A_442 = arith.index_cast %min3A_441 : i32 to index
            %swap3A_443 = tpu.vector_load %arg9[%swap3A_442] masked %eq3A_427 {strides = array<i32>} : memref<512xi32, #tpu.memory_space<vmem>>, vector<16xi32>, vector<16xi1>
            tpu.vector_store %arg9[%swap3A_442], %get3A_440 masked %eq3A_427 {strides = array<i32>} : memref<512xi32, #tpu.memory_space<vmem>>, vector<16xi32>, vector<16xi1>
            %add3A_444 = arith.addi %scan3A_417, %squeeze3A_430 : i32
            %min3A_445 = arith.constant 496 : i32
            %min3A_446 = arith.minsi %add3A_444, %min3A_445 : i32
            scf.yield %min3A_446 : i32
          } else {
            scf.yield %scan3A_417 : i32
          }
          scf.yield %cond3A_436 : i32
        }
        %scan3A_415 = arith.constant 25 : i32
        scf.yield %scan3A_414 : i32
      } else {
        scf.yield %scan3A_104 : i32
      }
      scf.yield %cond3A_404 : i32
    }
    %scan3A_17 = arith.constant 25 : i32
    %dma_wait3A_18 = tpu.memref_slice %arg3[%add3A_7] : memref<1600000xi32, #tpu.memory_space<hbm>> -> memref<10000xi32, #tpu.memory_space<hbm>>
    %dma_wait3A_19 = tpu.memref_slice %arg3[%add3A_7] : memref<1600000xi32, #tpu.memory_space<hbm>> -> memref<10000xi32, #tpu.memory_space<hbm>>
    tpu.wait_dma2 semaphore(%arg12 : memref<!tpu.dma_semaphore, #tpu.memory_space<semaphore_mem>>) src(%dma_wait3A_19 : memref<10000xi32, #tpu.memory_space<hbm>>) dst(%arg7 : memref<10000xi32, #tpu.memory_space<vmem>>)
    %add3A_20 = arith.constant 20000 : i32
    %add3A_21 = arith.addi %mul3A_2, %add3A_20 : i32
    %dma_start3A_22 = tpu.memref_slice %arg3[%add3A_21] : memref<1600000xi32, #tpu.memory_space<hbm>> -> memref<10000xi32, #tpu.memory_space<hbm>>
    %dma_start3A_23 = tpu.memref_slice %arg3[%add3A_21] : memref<1600000xi32, #tpu.memory_space<hbm>> -> memref<10000xi32, #tpu.memory_space<hbm>>
    tpu.enqueue_dma source(%dma_start3A_23 : memref<10000xi32, #tpu.memory_space<hbm>>) target(%arg6 : memref<10000xi32, #tpu.memory_space<vmem>>) target_semaphore(%arg11 : memref<!tpu.dma_semaphore, #tpu.memory_space<semaphore_mem>>)
    %add3A_24 = arith.constant 10000 : i32
    %add3A_25 = arith.addi %mul3A_2, %add3A_24 : i32
    %scan3A_26 = arith.constant 0 : i32
    %scan3A_27 = arith.constant 25 : i32
    %scan3A_28 = arith.addi %scan3A_26, %scan3A_27 : i32
    %scan3A_29 = arith.constant 1 : i32
    %scan3A_30 = scf.for %scan3A_103 = %scan3A_26 to %scan3A_28 step %scan3A_29 iter_args(%scan3A_104 = %scan3A_16) -> (i32)  : i32 {
      %mul3A_105 = arith.constant 25 : i32
      %mul3A_106 = arith.muli %scan3A_103, %mul3A_105 : i32
      %add3A_107 = arith.constant 0 : i32
      %add3A_108 = arith.addi %mul3A_106, %add3A_107 : i32
      %mul3A_109 = arith.constant 16 : i32
      %mul3A_110 = arith.muli %add3A_108, %mul3A_109 : i32
      %get3A = arith.index_cast %mul3A_110 : i32 to index
      %get3A_111 = tpu.vector_load %arg7[%get3A] {strides = array<i32>} : memref<10000xi32, #tpu.memory_space<vmem>>, vector<16xi32>,
      %eq3A = arith.constant 49999 : i32
      %eq3A_112 = vector.broadcast %eq3A : i32 to vector<16xi32>
      %eq3A_113 = arith.cmpi eq, %get3A_111, %eq3A_112 : vector<16xi32>
      %or3A = arith.ori %broadcast_in_dim3A_3, %eq3A_113 : vector<16xi1>
      %mul3A_114 = arith.constant 25 : i32
      %mul3A_115 = arith.muli %scan3A_103, %mul3A_114 : i32
      %add3A_116 = arith.constant 1 : i32
      %add3A_117 = arith.addi %mul3A_115, %add3A_116 : i32
      %mul3A_118 = arith.constant 16 : i32
      %mul3A_119 = arith.muli %add3A_117, %mul3A_118 : i32
      %get3A_120 = arith.index_cast %mul3A_119 : i32 to index
      %get3A_121 = tpu.vector_load %arg7[%get3A_120] {strides = array<i32>} : memref<10000xi32, #tpu.memory_space<vmem>>, vector<16xi32>,
      %eq3A_122 = arith.constant 49999 : i32
      %eq3A_123 = vector.broadcast %eq3A_122 : i32 to vector<16xi32>
      %eq3A_124 = arith.cmpi eq, %get3A_121, %eq3A_123 : vector<16xi32>
      %or3A_125 = arith.ori %or3A, %eq3A_124 : vector<16xi1>
      %mul3A_126 = arith.constant 25 : i32
      %mul3A_127 = arith.muli %scan3A_103, %mul3A_126 : i32
      %add3A_128 = arith.constant 2 : i32
      %add3A_129 = arith.addi %mul3A_127, %add3A_128 : i32
      %mul3A_130 = arith.constant 16 : i32
      %mul3A_131 = arith.muli %add3A_129, %mul3A_130 : i32
      %get3A_132 = arith.index_cast %mul3A_131 : i32 to index
      %get3A_133 = tpu.vector_load %arg7[%get3A_132] {strides = array<i32>} : memref<10000xi32, #tpu.memory_space<vmem>>, vector<16xi32>,
      %eq3A_134 = arith.constant 49999 : i32
      %eq3A_135 = vector.broadcast %eq3A_134 : i32 to vector<16xi32>
      %eq3A_136 = arith.cmpi eq, %get3A_133, %eq3A_135 : vector<16xi32>
      %or3A_137 = arith.ori %or3A_125, %eq3A_136 : vector<16xi1>
      %mul3A_138 = arith.constant 25 : i32
      %mul3A_139 = arith.muli %scan3A_103, %mul3A_138 : i32
      %add3A_140 = arith.constant 3 : i32
      %add3A_141 = arith.addi %mul3A_139, %add3A_140 : i32
      %mul3A_142 = arith.constant 16 : i32
      %mul3A_143 = arith.muli %add3A_141, %mul3A_142 : i32
      %get3A_144 = arith.index_cast %mul3A_143 : i32 to index
      %get3A_145 = tpu.vector_load %arg7[%get3A_144] {strides = array<i32>} : memref<10000xi32, #tpu.memory_space<vmem>>, vector<16xi32>,
      %eq3A_146 = arith.constant 49999 : i32
      %eq3A_147 = vector.broadcast %eq3A_146 : i32 to vector<16xi32>
      %eq3A_148 = arith.cmpi eq, %get3A_145, %eq3A_147 : vector<16xi32>
      %or3A_149 = arith.ori %or3A_137, %eq3A_148 : vector<16xi1>
      %mul3A_150 = arith.constant 25 : i32
      %mul3A_151 = arith.muli %scan3A_103, %mul3A_150 : i32
      %add3A_152 = arith.constant 4 : i32
      %add3A_153 = arith.addi %mul3A_151, %add3A_152 : i32
      %mul3A_154 = arith.constant 16 : i32
      %mul3A_155 = arith.muli %add3A_153, %mul3A_154 : i32
      %get3A_156 = arith.index_cast %mul3A_155 : i32 to index
      %get3A_157 = tpu.vector_load %arg7[%get3A_156] {strides = array<i32>} : memref<10000xi32, #tpu.memory_space<vmem>>, vector<16xi32>,
      %eq3A_158 = arith.constant 49999 : i32
      %eq3A_159 = vector.broadcast %eq3A_158 : i32 to vector<16xi32>
      %eq3A_160 = arith.cmpi eq, %get3A_157, %eq3A_159 : vector<16xi32>
      %or3A_161 = arith.ori %or3A_149, %eq3A_160 : vector<16xi1>
      %mul3A_162 = arith.constant 25 : i32
      %mul3A_163 = arith.muli %scan3A_103, %mul3A_162 : i32
      %add3A_164 = arith.constant 5 : i32
      %add3A_165 = arith.addi %mul3A_163, %add3A_164 : i32
      %mul3A_166 = arith.constant 16 : i32
      %mul3A_167 = arith.muli %add3A_165, %mul3A_166 : i32
      %get3A_168 = arith.index_cast %mul3A_167 : i32 to index
      %get3A_169 = tpu.vector_load %arg7[%get3A_168] {strides = array<i32>} : memref<10000xi32, #tpu.memory_space<vmem>>, vector<16xi32>,
      %eq3A_170 = arith.constant 49999 : i32
      %eq3A_171 = vector.broadcast %eq3A_170 : i32 to vector<16xi32>
      %eq3A_172 = arith.cmpi eq, %get3A_169, %eq3A_171 : vector<16xi32>
      %or3A_173 = arith.ori %or3A_161, %eq3A_172 : vector<16xi1>
      %mul3A_174 = arith.constant 25 : i32
      %mul3A_175 = arith.muli %scan3A_103, %mul3A_174 : i32
      %add3A_176 = arith.constant 6 : i32
      %add3A_177 = arith.addi %mul3A_175, %add3A_176 : i32
      %mul3A_178 = arith.constant 16 : i32
      %mul3A_179 = arith.muli %add3A_177, %mul3A_178 : i32
      %get3A_180 = arith.index_cast %mul3A_179 : i32 to index
      %get3A_181 = tpu.vector_load %arg7[%get3A_180] {strides = array<i32>} : memref<10000xi32, #tpu.memory_space<vmem>>, vector<16xi32>,
      %eq3A_182 = arith.constant 49999 : i32
      %eq3A_183 = vector.broadcast %eq3A_182 : i32 to vector<16xi32>
      %eq3A_184 = arith.cmpi eq, %get3A_181, %eq3A_183 : vector<16xi32>
      %or3A_185 = arith.ori %or3A_173, %eq3A_184 : vector<16xi1>
      %mul3A_186 = arith.constant 25 : i32
      %mul3A_187 = arith.muli %scan3A_103, %mul3A_186 : i32
      %add3A_188 = arith.constant 7 : i32
      %add3A_189 = arith.addi %mul3A_187, %add3A_188 : i32
      %mul3A_190 = arith.constant 16 : i32
      %mul3A_191 = arith.muli %add3A_189, %mul3A_190 : i32
      %get3A_192 = arith.index_cast %mul3A_191 : i32 to index
      %get3A_193 = tpu.vector_load %arg7[%get3A_192] {strides = array<i32>} : memref<10000xi32, #tpu.memory_space<vmem>>, vector<16xi32>,
      %eq3A_194 = arith.constant 49999 : i32
      %eq3A_195 = vector.broadcast %eq3A_194 : i32 to vector<16xi32>
      %eq3A_196 = arith.cmpi eq, %get3A_193, %eq3A_195 : vector<16xi32>
      %or3A_197 = arith.ori %or3A_185, %eq3A_196 : vector<16xi1>
      %mul3A_198 = arith.constant 25 : i32
      %mul3A_199 = arith.muli %scan3A_103, %mul3A_198 : i32
      %add3A_200 = arith.constant 8 : i32
      %add3A_201 = arith.addi %mul3A_199, %add3A_200 : i32
      %mul3A_202 = arith.constant 16 : i32
      %mul3A_203 = arith.muli %add3A_201, %mul3A_202 : i32
      %get3A_204 = arith.index_cast %mul3A_203 : i32 to index
      %get3A_205 = tpu.vector_load %arg7[%get3A_204] {strides = array<i32>} : memref<10000xi32, #tpu.memory_space<vmem>>, vector<16xi32>,
      %eq3A_206 = arith.constant 49999 : i32
      %eq3A_207 = vector.broadcast %eq3A_206 : i32 to vector<16xi32>
      %eq3A_208 = arith.cmpi eq, %get3A_205, %eq3A_207 : vector<16xi32>
      %or3A_209 = arith.ori %or3A_197, %eq3A_208 : vector<16xi1>
      %mul3A_210 = arith.constant 25 : i32
      %mul3A_211 = arith.muli %scan3A_103, %mul3A_210 : i32
      %add3A_212 = arith.constant 9 : i32
      %add3A_213 = arith.addi %mul3A_211, %add3A_212 : i32
      %mul3A_214 = arith.constant 16 : i32
      %mul3A_215 = arith.muli %add3A_213, %mul3A_214 : i32
      %get3A_216 = arith.index_cast %mul3A_215 : i32 to index
      %get3A_217 = tpu.vector_load %arg7[%get3A_216] {strides = array<i32>} : memref<10000xi32, #tpu.memory_space<vmem>>, vector<16xi32>,
      %eq3A_218 = arith.constant 49999 : i32
      %eq3A_219 = vector.broadcast %eq3A_218 : i32 to vector<16xi32>
      %eq3A_220 = arith.cmpi eq, %get3A_217, %eq3A_219 : vector<16xi32>
      %or3A_221 = arith.ori %or3A_209, %eq3A_220 : vector<16xi1>
      %mul3A_222 = arith.constant 25 : i32
      %mul3A_223 = arith.muli %scan3A_103, %mul3A_222 : i32
      %add3A_224 = arith.constant 10 : i32
      %add3A_225 = arith.addi %mul3A_223, %add3A_224 : i32
      %mul3A_226 = arith.constant 16 : i32
      %mul3A_227 = arith.muli %add3A_225, %mul3A_226 : i32
      %get3A_228 = arith.index_cast %mul3A_227 : i32 to index
      %get3A_229 = tpu.vector_load %arg7[%get3A_228] {strides = array<i32>} : memref<10000xi32, #tpu.memory_space<vmem>>, vector<16xi32>,
      %eq3A_230 = arith.constant 49999 : i32
      %eq3A_231 = vector.broadcast %eq3A_230 : i32 to vector<16xi32>
      %eq3A_232 = arith.cmpi eq, %get3A_229, %eq3A_231 : vector<16xi32>
      %or3A_233 = arith.ori %or3A_221, %eq3A_232 : vector<16xi1>
      %mul3A_234 = arith.constant 25 : i32
      %mul3A_235 = arith.muli %scan3A_103, %mul3A_234 : i32
      %add3A_236 = arith.constant 11 : i32
      %add3A_237 = arith.addi %mul3A_235, %add3A_236 : i32
      %mul3A_238 = arith.constant 16 : i32
      %mul3A_239 = arith.muli %add3A_237, %mul3A_238 : i32
      %get3A_240 = arith.index_cast %mul3A_239 : i32 to index
      %get3A_241 = tpu.vector_load %arg7[%get3A_240] {strides = array<i32>} : memref<10000xi32, #tpu.memory_space<vmem>>, vector<16xi32>,
      %eq3A_242 = arith.constant 49999 : i32
      %eq3A_243 = vector.broadcast %eq3A_242 : i32 to vector<16xi32>
      %eq3A_244 = arith.cmpi eq, %get3A_241, %eq3A_243 : vector<16xi32>
      %or3A_245 = arith.ori %or3A_233, %eq3A_244 : vector<16xi1>
      %mul3A_246 = arith.constant 25 : i32
      %mul3A_247 = arith.muli %scan3A_103, %mul3A_246 : i32
      %add3A_248 = arith.constant 12 : i32
      %add3A_249 = arith.addi %mul3A_247, %add3A_248 : i32
      %mul3A_250 = arith.constant 16 : i32
      %mul3A_251 = arith.muli %add3A_249, %mul3A_250 : i32
      %get3A_252 = arith.index_cast %mul3A_251 : i32 to index
      %get3A_253 = tpu.vector_load %arg7[%get3A_252] {strides = array<i32>} : memref<10000xi32, #tpu.memory_space<vmem>>, vector<16xi32>,
      %eq3A_254 = arith.constant 49999 : i32
      %eq3A_255 = vector.broadcast %eq3A_254 : i32 to vector<16xi32>
      %eq3A_256 = arith.cmpi eq, %get3A_253, %eq3A_255 : vector<16xi32>
      %or3A_257 = arith.ori %or3A_245, %eq3A_256 : vector<16xi1>
      %mul3A_258 = arith.constant 25 : i32
      %mul3A_259 = arith.muli %scan3A_103, %mul3A_258 : i32
      %add3A_260 = arith.constant 13 : i32
      %add3A_261 = arith.addi %mul3A_259, %add3A_260 : i32
      %mul3A_262 = arith.constant 16 : i32
      %mul3A_263 = arith.muli %add3A_261, %mul3A_262 : i32
      %get3A_264 = arith.index_cast %mul3A_263 : i32 to index
      %get3A_265 = tpu.vector_load %arg7[%get3A_264] {strides = array<i32>} : memref<10000xi32, #tpu.memory_space<vmem>>, vector<16xi32>,
      %eq3A_266 = arith.constant 49999 : i32
      %eq3A_267 = vector.broadcast %eq3A_266 : i32 to vector<16xi32>
      %eq3A_268 = arith.cmpi eq, %get3A_265, %eq3A_267 : vector<16xi32>
      %or3A_269 = arith.ori %or3A_257, %eq3A_268 : vector<16xi1>
      %mul3A_270 = arith.constant 25 : i32
      %mul3A_271 = arith.muli %scan3A_103, %mul3A_270 : i32
      %add3A_272 = arith.constant 14 : i32
      %add3A_273 = arith.addi %mul3A_271, %add3A_272 : i32
      %mul3A_274 = arith.constant 16 : i32
      %mul3A_275 = arith.muli %add3A_273, %mul3A_274 : i32
      %get3A_276 = arith.index_cast %mul3A_275 : i32 to index
      %get3A_277 = tpu.vector_load %arg7[%get3A_276] {strides = array<i32>} : memref<10000xi32, #tpu.memory_space<vmem>>, vector<16xi32>,
      %eq3A_278 = arith.constant 49999 : i32
      %eq3A_279 = vector.broadcast %eq3A_278 : i32 to vector<16xi32>
      %eq3A_280 = arith.cmpi eq, %get3A_277, %eq3A_279 : vector<16xi32>
      %or3A_281 = arith.ori %or3A_269, %eq3A_280 : vector<16xi1>
      %mul3A_282 = arith.constant 25 : i32
      %mul3A_283 = arith.muli %scan3A_103, %mul3A_282 : i32
      %add3A_284 = arith.constant 15 : i32
      %add3A_285 = arith.addi %mul3A_283, %add3A_284 : i32
      %mul3A_286 = arith.constant 16 : i32
      %mul3A_287 = arith.muli %add3A_285, %mul3A_286 : i32
      %get3A_288 = arith.index_cast %mul3A_287 : i32 to index
      %get3A_289 = tpu.vector_load %arg7[%get3A_288] {strides = array<i32>} : memref<10000xi32, #tpu.memory_space<vmem>>, vector<16xi32>,
      %eq3A_290 = arith.constant 49999 : i32
      %eq3A_291 = vector.broadcast %eq3A_290 : i32 to vector<16xi32>
      %eq3A_292 = arith.cmpi eq, %get3A_289, %eq3A_291 : vector<16xi32>
      %or3A_293 = arith.ori %or3A_281, %eq3A_292 : vector<16xi1>
      %mul3A_294 = arith.constant 25 : i32
      %mul3A_295 = arith.muli %scan3A_103, %mul3A_294 : i32
      %add3A_296 = arith.constant 16 : i32
      %add3A_297 = arith.addi %mul3A_295, %add3A_296 : i32
      %mul3A_298 = arith.constant 16 : i32
      %mul3A_299 = arith.muli %add3A_297, %mul3A_298 : i32
      %get3A_300 = arith.index_cast %mul3A_299 : i32 to index
      %get3A_301 = tpu.vector_load %arg7[%get3A_300] {strides = array<i32>} : memref<10000xi32, #tpu.memory_space<vmem>>, vector<16xi32>,
      %eq3A_302 = arith.constant 49999 : i32
      %eq3A_303 = vector.broadcast %eq3A_302 : i32 to vector<16xi32>
      %eq3A_304 = arith.cmpi eq, %get3A_301, %eq3A_303 : vector<16xi32>
      %or3A_305 = arith.ori %or3A_293, %eq3A_304 : vector<16xi1>
      %mul3A_306 = arith.constant 25 : i32
      %mul3A_307 = arith.muli %scan3A_103, %mul3A_306 : i32
      %add3A_308 = arith.constant 17 : i32
      %add3A_309 = arith.addi %mul3A_307, %add3A_308 : i32
      %mul3A_310 = arith.constant 16 : i32
      %mul3A_311 = arith.muli %add3A_309, %mul3A_310 : i32
      %get3A_312 = arith.index_cast %mul3A_311 : i32 to index
      %get3A_313 = tpu.vector_load %arg7[%get3A_312] {strides = array<i32>} : memref<10000xi32, #tpu.memory_space<vmem>>, vector<16xi32>,
      %eq3A_314 = arith.constant 49999 : i32
      %eq3A_315 = vector.broadcast %eq3A_314 : i32 to vector<16xi32>
      %eq3A_316 = arith.cmpi eq, %get3A_313, %eq3A_315 : vector<16xi32>
      %or3A_317 = arith.ori %or3A_305, %eq3A_316 : vector<16xi1>
      %mul3A_318 = arith.constant 25 : i32
      %mul3A_319 = arith.muli %scan3A_103, %mul3A_318 : i32
      %add3A_320 = arith.constant 18 : i32
      %add3A_321 = arith.addi %mul3A_319, %add3A_320 : i32
      %mul3A_322 = arith.constant 16 : i32
      %mul3A_323 = arith.muli %add3A_321, %mul3A_322 : i32
      %get3A_324 = arith.index_cast %mul3A_323 : i32 to index
      %get3A_325 = tpu.vector_load %arg7[%get3A_324] {strides = array<i32>} : memref<10000xi32, #tpu.memory_space<vmem>>, vector<16xi32>,
      %eq3A_326 = arith.constant 49999 : i32
      %eq3A_327 = vector.broadcast %eq3A_326 : i32 to vector<16xi32>
      %eq3A_328 = arith.cmpi eq, %get3A_325, %eq3A_327 : vector<16xi32>
      %or3A_329 = arith.ori %or3A_317, %eq3A_328 : vector<16xi1>
      %mul3A_330 = arith.constant 25 : i32
      %mul3A_331 = arith.muli %scan3A_103, %mul3A_330 : i32
      %add3A_332 = arith.constant 19 : i32
      %add3A_333 = arith.addi %mul3A_331, %add3A_332 : i32
      %mul3A_334 = arith.constant 16 : i32
      %mul3A_335 = arith.muli %add3A_333, %mul3A_334 : i32
      %get3A_336 = arith.index_cast %mul3A_335 : i32 to index
      %get3A_337 = tpu.vector_load %arg7[%get3A_336] {strides = array<i32>} : memref<10000xi32, #tpu.memory_space<vmem>>, vector<16xi32>,
      %eq3A_338 = arith.constant 49999 : i32
      %eq3A_339 = vector.broadcast %eq3A_338 : i32 to vector<16xi32>
      %eq3A_340 = arith.cmpi eq, %get3A_337, %eq3A_339 : vector<16xi32>
      %or3A_341 = arith.ori %or3A_329, %eq3A_340 : vector<16xi1>
      %mul3A_342 = arith.constant 25 : i32
      %mul3A_343 = arith.muli %scan3A_103, %mul3A_342 : i32
      %add3A_344 = arith.constant 20 : i32
      %add3A_345 = arith.addi %mul3A_343, %add3A_344 : i32
      %mul3A_346 = arith.constant 16 : i32
      %mul3A_347 = arith.muli %add3A_345, %mul3A_346 : i32
      %get3A_348 = arith.index_cast %mul3A_347 : i32 to index
      %get3A_349 = tpu.vector_load %arg7[%get3A_348] {strides = array<i32>} : memref<10000xi32, #tpu.memory_space<vmem>>, vector<16xi32>,
      %eq3A_350 = arith.constant 49999 : i32
      %eq3A_351 = vector.broadcast %eq3A_350 : i32 to vector<16xi32>
      %eq3A_352 = arith.cmpi eq, %get3A_349, %eq3A_351 : vector<16xi32>
      %or3A_353 = arith.ori %or3A_341, %eq3A_352 : vector<16xi1>
      %mul3A_354 = arith.constant 25 : i32
      %mul3A_355 = arith.muli %scan3A_103, %mul3A_354 : i32
      %add3A_356 = arith.constant 21 : i32
      %add3A_357 = arith.addi %mul3A_355, %add3A_356 : i32
      %mul3A_358 = arith.constant 16 : i32
      %mul3A_359 = arith.muli %add3A_357, %mul3A_358 : i32
      %get3A_360 = arith.index_cast %mul3A_359 : i32 to index
      %get3A_361 = tpu.vector_load %arg7[%get3A_360] {strides = array<i32>} : memref<10000xi32, #tpu.memory_space<vmem>>, vector<16xi32>,
      %eq3A_362 = arith.constant 49999 : i32
      %eq3A_363 = vector.broadcast %eq3A_362 : i32 to vector<16xi32>
      %eq3A_364 = arith.cmpi eq, %get3A_361, %eq3A_363 : vector<16xi32>
      %or3A_365 = arith.ori %or3A_353, %eq3A_364 : vector<16xi1>
      %mul3A_366 = arith.constant 25 : i32
      %mul3A_367 = arith.muli %scan3A_103, %mul3A_366 : i32
      %add3A_368 = arith.constant 22 : i32
      %add3A_369 = arith.addi %mul3A_367, %add3A_368 : i32
      %mul3A_370 = arith.constant 16 : i32
      %mul3A_371 = arith.muli %add3A_369, %mul3A_370 : i32
      %get3A_372 = arith.index_cast %mul3A_371 : i32 to index
      %get3A_373 = tpu.vector_load %arg7[%get3A_372] {strides = array<i32>} : memref<10000xi32, #tpu.memory_space<vmem>>, vector<16xi32>,
      %eq3A_374 = arith.constant 49999 : i32
      %eq3A_375 = vector.broadcast %eq3A_374 : i32 to vector<16xi32>
      %eq3A_376 = arith.cmpi eq, %get3A_373, %eq3A_375 : vector<16xi32>
      %or3A_377 = arith.ori %or3A_365, %eq3A_376 : vector<16xi1>
      %mul3A_378 = arith.constant 25 : i32
      %mul3A_379 = arith.muli %scan3A_103, %mul3A_378 : i32
      %add3A_380 = arith.constant 23 : i32
      %add3A_381 = arith.addi %mul3A_379, %add3A_380 : i32
      %mul3A_382 = arith.constant 16 : i32
      %mul3A_383 = arith.muli %add3A_381, %mul3A_382 : i32
      %get3A_384 = arith.index_cast %mul3A_383 : i32 to index
      %get3A_385 = tpu.vector_load %arg7[%get3A_384] {strides = array<i32>} : memref<10000xi32, #tpu.memory_space<vmem>>, vector<16xi32>,
      %eq3A_386 = arith.constant 49999 : i32
      %eq3A_387 = vector.broadcast %eq3A_386 : i32 to vector<16xi32>
      %eq3A_388 = arith.cmpi eq, %get3A_385, %eq3A_387 : vector<16xi32>
      %or3A_389 = arith.ori %or3A_377, %eq3A_388 : vector<16xi1>
      %mul3A_390 = arith.constant 25 : i32
      %mul3A_391 = arith.muli %scan3A_103, %mul3A_390 : i32
      %add3A_392 = arith.constant 24 : i32
      %add3A_393 = arith.addi %mul3A_391, %add3A_392 : i32
      %mul3A_394 = arith.constant 16 : i32
      %mul3A_395 = arith.muli %add3A_393, %mul3A_394 : i32
      %get3A_396 = arith.index_cast %mul3A_395 : i32 to index
      %get3A_397 = tpu.vector_load %arg7[%get3A_396] {strides = array<i32>} : memref<10000xi32, #tpu.memory_space<vmem>>, vector<16xi32>,
      %eq3A_398 = arith.constant 49999 : i32
      %eq3A_399 = vector.broadcast %eq3A_398 : i32 to vector<16xi32>
      %eq3A_400 = arith.cmpi eq, %get3A_397, %eq3A_399 : vector<16xi32>
      %or3A_401 = arith.ori %or3A_389, %eq3A_400 : vector<16xi1>
      %all_reduce_population_count3A = tpu.all_reduce %or3A_401 {dim = 0 : i64, kind = #tpu.reduction_kind<sum>} : vector<16xi1> -> vector<16xi32>
      %slice3A = vector.extract_strided_slice %all_reduce_population_count3A {offsets = [0], sizes = [1], strides = [1]} : vector<16xi32> to vector<1xi32>
      %squeeze3A = vector.extract %slice3A[0] : i32 from vector<1xi32>
      %gt3A = arith.constant 0 : i32
      %gt3A_402 = arith.cmpi sgt, %squeeze3A, %gt3A : i32
      %convert_element_type3A = arith.extui %gt3A_402 : i1 to i32
      %cond3A = arith.constant 0 : i32
      %cond3A_403 = arith.cmpi ne, %convert_element_type3A, %cond3A : i32
      %cond3A_404 = scf.if %cond3A_403 -> (i32) {
        %mul3A_405 = arith.constant 25 : i32
        %mul3A_406 = arith.muli %scan3A_103, %mul3A_405 : i32
        %mul3A_407 = arith.constant 16 : i32
        %mul3A_408 = arith.muli %mul3A_406, %mul3A_407 : i32
        %add3A_409 = arith.addi %add3A_25, %mul3A_408 : i32
        "tpu.region"() ({
          %run_scoped3A = tpu.sem_alloc : memref<!tpu.dma_semaphore, #tpu.memory_space<semaphore_mem>>
          %dma_start3A_416 = tpu.memref_slice %arg2[%add3A_409] : memref<1600000xi32, #tpu.memory_space<hbm>> -> memref<400xi32, #tpu.memory_space<hbm>>
          %dma_start3A_417 = tpu.memref_slice %arg2[%add3A_409] : memref<1600000xi32, #tpu.memory_space<hbm>> -> memref<400xi32, #tpu.memory_space<hbm>>
          tpu.enqueue_dma source(%dma_start3A_417 : memref<400xi32, #tpu.memory_space<hbm>>) target(%arg8 : memref<400xi32, #tpu.memory_space<vmem>>) target_semaphore(%run_scoped3A : memref<!tpu.dma_semaphore, #tpu.memory_space<semaphore_mem>>)
          %dma_wait3A_418 = tpu.memref_slice %arg2[%add3A_409] : memref<1600000xi32, #tpu.memory_space<hbm>> -> memref<400xi32, #tpu.memory_space<hbm>>
          %dma_wait3A_419 = tpu.memref_slice %arg2[%add3A_409] : memref<1600000xi32, #tpu.memory_space<hbm>> -> memref<400xi32, #tpu.memory_space<hbm>>
          tpu.wait_dma2 semaphore(%run_scoped3A : memref<!tpu.dma_semaphore, #tpu.memory_space<semaphore_mem>>) src(%dma_wait3A_419 : memref<400xi32, #tpu.memory_space<hbm>>) dst(%arg8 : memref<400xi32, #tpu.memory_space<vmem>>)
          tpu.yield
        }) : () -> ()
        %scan3A_410 = arith.constant 0 : i32
        %scan3A_411 = arith.constant 25 : i32
        %scan3A_412 = arith.addi %scan3A_410, %scan3A_411 : i32
        %scan3A_413 = arith.constant 1 : i32
        %scan3A_414 = scf.for %scan3A_416 = %scan3A_410 to %scan3A_412 step %scan3A_413 iter_args(%scan3A_417 = %scan3A_104) -> (i32)  : i32 {
          %mul3A_418 = arith.constant 25 : i32
          %mul3A_419 = arith.muli %scan3A_103, %mul3A_418 : i32
          %add3A_420 = arith.addi %mul3A_419, %scan3A_416 : i32
          %mul3A_421 = arith.constant 16 : i32
          %mul3A_422 = arith.muli %add3A_420, %mul3A_421 : i32
          %get3A_423 = arith.index_cast %mul3A_422 : i32 to index
          %get3A_424 = tpu.vector_load %arg7[%get3A_423] {strides = array<i32>} : memref<10000xi32, #tpu.memory_space<vmem>>, vector<16xi32>,
          %eq3A_425 = arith.constant 49999 : i32
          %eq3A_426 = vector.broadcast %eq3A_425 : i32 to vector<16xi32>
          %eq3A_427 = arith.cmpi eq, %get3A_424, %eq3A_426 : vector<16xi32>
          %all_reduce_population_count3A_428 = tpu.all_reduce %eq3A_427 {dim = 0 : i64, kind = #tpu.reduction_kind<sum>} : vector<16xi1> -> vector<16xi32>
          %slice3A_429 = vector.extract_strided_slice %all_reduce_population_count3A_428 {offsets = [0], sizes = [1], strides = [1]} : vector<16xi32> to vector<1xi32>
          %squeeze3A_430 = vector.extract %slice3A_429[0] : i32 from vector<1xi32>
          %gt3A_431 = arith.constant 0 : i32
          %gt3A_432 = arith.cmpi sgt, %squeeze3A_430, %gt3A_431 : i32
          %convert_element_type3A_433 = arith.extui %gt3A_432 : i1 to i32
          %cond3A_434 = arith.constant 0 : i32
          %cond3A_435 = arith.cmpi ne, %convert_element_type3A_433, %cond3A_434 : i32
          %cond3A_436 = scf.if %cond3A_435 -> (i32) {
            %mul3A_437 = arith.constant 16 : i32
            %mul3A_438 = arith.muli %scan3A_416, %mul3A_437 : i32
            %get3A_439 = arith.index_cast %mul3A_438 : i32 to index
            %get3A_440 = tpu.vector_load %arg8[%get3A_439] {strides = array<i32>} : memref<400xi32, #tpu.memory_space<vmem>>, vector<16xi32>,
            %min3A = arith.constant 496 : i32
            %min3A_441 = arith.minsi %scan3A_417, %min3A : i32
            %swap3A_442 = arith.index_cast %min3A_441 : i32 to index
            %swap3A_443 = tpu.vector_load %arg9[%swap3A_442] masked %eq3A_427 {strides = array<i32>} : memref<512xi32, #tpu.memory_space<vmem>>, vector<16xi32>, vector<16xi1>
            tpu.vector_store %arg9[%swap3A_442], %get3A_440 masked %eq3A_427 {strides = array<i32>} : memref<512xi32, #tpu.memory_space<vmem>>, vector<16xi32>, vector<16xi1>
            %add3A_444 = arith.addi %scan3A_417, %squeeze3A_430 : i32
            %min3A_445 = arith.constant 496 : i32
            %min3A_446 = arith.minsi %add3A_444, %min3A_445 : i32
            scf.yield %min3A_446 : i32
          } else {
            scf.yield %scan3A_417 : i32
          }
          scf.yield %cond3A_436 : i32
        }
        %scan3A_415 = arith.constant 25 : i32
        scf.yield %scan3A_414 : i32
      } else {
        scf.yield %scan3A_104 : i32
      }
      scf.yield %cond3A_404 : i32
    }
    %scan3A_31 = arith.constant 25 : i32
    %dma_wait3A_32 = tpu.memref_slice %arg3[%add3A_21] : memref<1600000xi32, #tpu.memory_space<hbm>> -> memref<10000xi32, #tpu.memory_space<hbm>>
    %dma_wait3A_33 = tpu.memref_slice %arg3[%add3A_21] : memref<1600000xi32, #tpu.memory_space<hbm>> -> memref<10000xi32, #tpu.memory_space<hbm>>
    tpu.wait_dma2 semaphore(%arg11 : memref<!tpu.dma_semaphore, #tpu.memory_space<semaphore_mem>>) src(%dma_wait3A_33 : memref<10000xi32, #tpu.memory_space<hbm>>) dst(%arg6 : memref<10000xi32, #tpu.memory_space<vmem>>)
    %add3A_34 = arith.constant 30000 : i32
    %add3A_35 = arith.addi %mul3A_2, %add3A_34 : i32
    %dma_start3A_36 = tpu.memref_slice %arg3[%add3A_35] : memref<1600000xi32, #tpu.memory_space<hbm>> -> memref<10000xi32, #tpu.memory_space<hbm>>
    %dma_start3A_37 = tpu.memref_slice %arg3[%add3A_35] : memref<1600000xi32, #tpu.memory_space<hbm>> -> memref<10000xi32, #tpu.memory_space<hbm>>
    tpu.enqueue_dma source(%dma_start3A_37 : memref<10000xi32, #tpu.memory_space<hbm>>) target(%arg7 : memref<10000xi32, #tpu.memory_space<vmem>>) target_semaphore(%arg12 : memref<!tpu.dma_semaphore, #tpu.memory_space<semaphore_mem>>)
    %add3A_38 = arith.constant 20000 : i32
    %add3A_39 = arith.addi %mul3A_2, %add3A_38 : i32
    %scan3A_40 = arith.constant 0 : i32
    %scan3A_41 = arith.constant 25 : i32
    %scan3A_42 = arith.addi %scan3A_40, %scan3A_41 : i32
    %scan3A_43 = arith.constant 1 : i32
    %scan3A_44 = scf.for %scan3A_103 = %scan3A_40 to %scan3A_42 step %scan3A_43 iter_args(%scan3A_104 = %scan3A_30) -> (i32)  : i32 {
      %mul3A_105 = arith.constant 25 : i32
      %mul3A_106 = arith.muli %scan3A_103, %mul3A_105 : i32
      %add3A_107 = arith.constant 0 : i32
      %add3A_108 = arith.addi %mul3A_106, %add3A_107 : i32
      %mul3A_109 = arith.constant 16 : i32
      %mul3A_110 = arith.muli %add3A_108, %mul3A_109 : i32
      %get3A = arith.index_cast %mul3A_110 : i32 to index
      %get3A_111 = tpu.vector_load %arg6[%get3A] {strides = array<i32>} : memref<10000xi32, #tpu.memory_space<vmem>>, vector<16xi32>,
      %eq3A = arith.constant 49999 : i32
      %eq3A_112 = vector.broadcast %eq3A : i32 to vector<16xi32>
      %eq3A_113 = arith.cmpi eq, %get3A_111, %eq3A_112 : vector<16xi32>
      %or3A = arith.ori %broadcast_in_dim3A_3, %eq3A_113 : vector<16xi1>
      %mul3A_114 = arith.constant 25 : i32
      %mul3A_115 = arith.muli %scan3A_103, %mul3A_114 : i32
      %add3A_116 = arith.constant 1 : i32
      %add3A_117 = arith.addi %mul3A_115, %add3A_116 : i32
      %mul3A_118 = arith.constant 16 : i32
      %mul3A_119 = arith.muli %add3A_117, %mul3A_118 : i32
      %get3A_120 = arith.index_cast %mul3A_119 : i32 to index
      %get3A_121 = tpu.vector_load %arg6[%get3A_120] {strides = array<i32>} : memref<10000xi32, #tpu.memory_space<vmem>>, vector<16xi32>,
      %eq3A_122 = arith.constant 49999 : i32
      %eq3A_123 = vector.broadcast %eq3A_122 : i32 to vector<16xi32>
      %eq3A_124 = arith.cmpi eq, %get3A_121, %eq3A_123 : vector<16xi32>
      %or3A_125 = arith.ori %or3A, %eq3A_124 : vector<16xi1>
      %mul3A_126 = arith.constant 25 : i32
      %mul3A_127 = arith.muli %scan3A_103, %mul3A_126 : i32
      %add3A_128 = arith.constant 2 : i32
      %add3A_129 = arith.addi %mul3A_127, %add3A_128 : i32
      %mul3A_130 = arith.constant 16 : i32
      %mul3A_131 = arith.muli %add3A_129, %mul3A_130 : i32
      %get3A_132 = arith.index_cast %mul3A_131 : i32 to index
      %get3A_133 = tpu.vector_load %arg6[%get3A_132] {strides = array<i32>} : memref<10000xi32, #tpu.memory_space<vmem>>, vector<16xi32>,
      %eq3A_134 = arith.constant 49999 : i32
      %eq3A_135 = vector.broadcast %eq3A_134 : i32 to vector<16xi32>
      %eq3A_136 = arith.cmpi eq, %get3A_133, %eq3A_135 : vector<16xi32>
      %or3A_137 = arith.ori %or3A_125, %eq3A_136 : vector<16xi1>
      %mul3A_138 = arith.constant 25 : i32
      %mul3A_139 = arith.muli %scan3A_103, %mul3A_138 : i32
      %add3A_140 = arith.constant 3 : i32
      %add3A_141 = arith.addi %mul3A_139, %add3A_140 : i32
      %mul3A_142 = arith.constant 16 : i32
      %mul3A_143 = arith.muli %add3A_141, %mul3A_142 : i32
      %get3A_144 = arith.index_cast %mul3A_143 : i32 to index
      %get3A_145 = tpu.vector_load %arg6[%get3A_144] {strides = array<i32>} : memref<10000xi32, #tpu.memory_space<vmem>>, vector<16xi32>,
      %eq3A_146 = arith.constant 49999 : i32
      %eq3A_147 = vector.broadcast %eq3A_146 : i32 to vector<16xi32>
      %eq3A_148 = arith.cmpi eq, %get3A_145, %eq3A_147 : vector<16xi32>
      %or3A_149 = arith.ori %or3A_137, %eq3A_148 : vector<16xi1>
      %mul3A_150 = arith.constant 25 : i32
      %mul3A_151 = arith.muli %scan3A_103, %mul3A_150 : i32
      %add3A_152 = arith.constant 4 : i32
      %add3A_153 = arith.addi %mul3A_151, %add3A_152 : i32
      %mul3A_154 = arith.constant 16 : i32
      %mul3A_155 = arith.muli %add3A_153, %mul3A_154 : i32
      %get3A_156 = arith.index_cast %mul3A_155 : i32 to index
      %get3A_157 = tpu.vector_load %arg6[%get3A_156] {strides = array<i32>} : memref<10000xi32, #tpu.memory_space<vmem>>, vector<16xi32>,
      %eq3A_158 = arith.constant 49999 : i32
      %eq3A_159 = vector.broadcast %eq3A_158 : i32 to vector<16xi32>
      %eq3A_160 = arith.cmpi eq, %get3A_157, %eq3A_159 : vector<16xi32>
      %or3A_161 = arith.ori %or3A_149, %eq3A_160 : vector<16xi1>
      %mul3A_162 = arith.constant 25 : i32
      %mul3A_163 = arith.muli %scan3A_103, %mul3A_162 : i32
      %add3A_164 = arith.constant 5 : i32
      %add3A_165 = arith.addi %mul3A_163, %add3A_164 : i32
      %mul3A_166 = arith.constant 16 : i32
      %mul3A_167 = arith.muli %add3A_165, %mul3A_166 : i32
      %get3A_168 = arith.index_cast %mul3A_167 : i32 to index
      %get3A_169 = tpu.vector_load %arg6[%get3A_168] {strides = array<i32>} : memref<10000xi32, #tpu.memory_space<vmem>>, vector<16xi32>,
      %eq3A_170 = arith.constant 49999 : i32
      %eq3A_171 = vector.broadcast %eq3A_170 : i32 to vector<16xi32>
      %eq3A_172 = arith.cmpi eq, %get3A_169, %eq3A_171 : vector<16xi32>
      %or3A_173 = arith.ori %or3A_161, %eq3A_172 : vector<16xi1>
      %mul3A_174 = arith.constant 25 : i32
      %mul3A_175 = arith.muli %scan3A_103, %mul3A_174 : i32
      %add3A_176 = arith.constant 6 : i32
      %add3A_177 = arith.addi %mul3A_175, %add3A_176 : i32
      %mul3A_178 = arith.constant 16 : i32
      %mul3A_179 = arith.muli %add3A_177, %mul3A_178 : i32
      %get3A_180 = arith.index_cast %mul3A_179 : i32 to index
      %get3A_181 = tpu.vector_load %arg6[%get3A_180] {strides = array<i32>} : memref<10000xi32, #tpu.memory_space<vmem>>, vector<16xi32>,
      %eq3A_182 = arith.constant 49999 : i32
      %eq3A_183 = vector.broadcast %eq3A_182 : i32 to vector<16xi32>
      %eq3A_184 = arith.cmpi eq, %get3A_181, %eq3A_183 : vector<16xi32>
      %or3A_185 = arith.ori %or3A_173, %eq3A_184 : vector<16xi1>
      %mul3A_186 = arith.constant 25 : i32
      %mul3A_187 = arith.muli %scan3A_103, %mul3A_186 : i32
      %add3A_188 = arith.constant 7 : i32
      %add3A_189 = arith.addi %mul3A_187, %add3A_188 : i32
      %mul3A_190 = arith.constant 16 : i32
      %mul3A_191 = arith.muli %add3A_189, %mul3A_190 : i32
      %get3A_192 = arith.index_cast %mul3A_191 : i32 to index
      %get3A_193 = tpu.vector_load %arg6[%get3A_192] {strides = array<i32>} : memref<10000xi32, #tpu.memory_space<vmem>>, vector<16xi32>,
      %eq3A_194 = arith.constant 49999 : i32
      %eq3A_195 = vector.broadcast %eq3A_194 : i32 to vector<16xi32>
      %eq3A_196 = arith.cmpi eq, %get3A_193, %eq3A_195 : vector<16xi32>
      %or3A_197 = arith.ori %or3A_185, %eq3A_196 : vector<16xi1>
      %mul3A_198 = arith.constant 25 : i32
      %mul3A_199 = arith.muli %scan3A_103, %mul3A_198 : i32
      %add3A_200 = arith.constant 8 : i32
      %add3A_201 = arith.addi %mul3A_199, %add3A_200 : i32
      %mul3A_202 = arith.constant 16 : i32
      %mul3A_203 = arith.muli %add3A_201, %mul3A_202 : i32
      %get3A_204 = arith.index_cast %mul3A_203 : i32 to index
      %get3A_205 = tpu.vector_load %arg6[%get3A_204] {strides = array<i32>} : memref<10000xi32, #tpu.memory_space<vmem>>, vector<16xi32>,
      %eq3A_206 = arith.constant 49999 : i32
      %eq3A_207 = vector.broadcast %eq3A_206 : i32 to vector<16xi32>
      %eq3A_208 = arith.cmpi eq, %get3A_205, %eq3A_207 : vector<16xi32>
      %or3A_209 = arith.ori %or3A_197, %eq3A_208 : vector<16xi1>
      %mul3A_210 = arith.constant 25 : i32
      %mul3A_211 = arith.muli %scan3A_103, %mul3A_210 : i32
      %add3A_212 = arith.constant 9 : i32
      %add3A_213 = arith.addi %mul3A_211, %add3A_212 : i32
      %mul3A_214 = arith.constant 16 : i32
      %mul3A_215 = arith.muli %add3A_213, %mul3A_214 : i32
      %get3A_216 = arith.index_cast %mul3A_215 : i32 to index
      %get3A_217 = tpu.vector_load %arg6[%get3A_216] {strides = array<i32>} : memref<10000xi32, #tpu.memory_space<vmem>>, vector<16xi32>,
      %eq3A_218 = arith.constant 49999 : i32
      %eq3A_219 = vector.broadcast %eq3A_218 : i32 to vector<16xi32>
      %eq3A_220 = arith.cmpi eq, %get3A_217, %eq3A_219 : vector<16xi32>
      %or3A_221 = arith.ori %or3A_209, %eq3A_220 : vector<16xi1>
      %mul3A_222 = arith.constant 25 : i32
      %mul3A_223 = arith.muli %scan3A_103, %mul3A_222 : i32
      %add3A_224 = arith.constant 10 : i32
      %add3A_225 = arith.addi %mul3A_223, %add3A_224 : i32
      %mul3A_226 = arith.constant 16 : i32
      %mul3A_227 = arith.muli %add3A_225, %mul3A_226 : i32
      %get3A_228 = arith.index_cast %mul3A_227 : i32 to index
      %get3A_229 = tpu.vector_load %arg6[%get3A_228] {strides = array<i32>} : memref<10000xi32, #tpu.memory_space<vmem>>, vector<16xi32>,
      %eq3A_230 = arith.constant 49999 : i32
      %eq3A_231 = vector.broadcast %eq3A_230 : i32 to vector<16xi32>
      %eq3A_232 = arith.cmpi eq, %get3A_229, %eq3A_231 : vector<16xi32>
      %or3A_233 = arith.ori %or3A_221, %eq3A_232 : vector<16xi1>
      %mul3A_234 = arith.constant 25 : i32
      %mul3A_235 = arith.muli %scan3A_103, %mul3A_234 : i32
      %add3A_236 = arith.constant 11 : i32
      %add3A_237 = arith.addi %mul3A_235, %add3A_236 : i32
      %mul3A_238 = arith.constant 16 : i32
      %mul3A_239 = arith.muli %add3A_237, %mul3A_238 : i32
      %get3A_240 = arith.index_cast %mul3A_239 : i32 to index
      %get3A_241 = tpu.vector_load %arg6[%get3A_240] {strides = array<i32>} : memref<10000xi32, #tpu.memory_space<vmem>>, vector<16xi32>,
      %eq3A_242 = arith.constant 49999 : i32
      %eq3A_243 = vector.broadcast %eq3A_242 : i32 to vector<16xi32>
      %eq3A_244 = arith.cmpi eq, %get3A_241, %eq3A_243 : vector<16xi32>
      %or3A_245 = arith.ori %or3A_233, %eq3A_244 : vector<16xi1>
      %mul3A_246 = arith.constant 25 : i32
      %mul3A_247 = arith.muli %scan3A_103, %mul3A_246 : i32
      %add3A_248 = arith.constant 12 : i32
      %add3A_249 = arith.addi %mul3A_247, %add3A_248 : i32
      %mul3A_250 = arith.constant 16 : i32
      %mul3A_251 = arith.muli %add3A_249, %mul3A_250 : i32
      %get3A_252 = arith.index_cast %mul3A_251 : i32 to index
      %get3A_253 = tpu.vector_load %arg6[%get3A_252] {strides = array<i32>} : memref<10000xi32, #tpu.memory_space<vmem>>, vector<16xi32>,
      %eq3A_254 = arith.constant 49999 : i32
      %eq3A_255 = vector.broadcast %eq3A_254 : i32 to vector<16xi32>
      %eq3A_256 = arith.cmpi eq, %get3A_253, %eq3A_255 : vector<16xi32>
      %or3A_257 = arith.ori %or3A_245, %eq3A_256 : vector<16xi1>
      %mul3A_258 = arith.constant 25 : i32
      %mul3A_259 = arith.muli %scan3A_103, %mul3A_258 : i32
      %add3A_260 = arith.constant 13 : i32
      %add3A_261 = arith.addi %mul3A_259, %add3A_260 : i32
      %mul3A_262 = arith.constant 16 : i32
      %mul3A_263 = arith.muli %add3A_261, %mul3A_262 : i32
      %get3A_264 = arith.index_cast %mul3A_263 : i32 to index
      %get3A_265 = tpu.vector_load %arg6[%get3A_264] {strides = array<i32>} : memref<10000xi32, #tpu.memory_space<vmem>>, vector<16xi32>,
      %eq3A_266 = arith.constant 49999 : i32
      %eq3A_267 = vector.broadcast %eq3A_266 : i32 to vector<16xi32>
      %eq3A_268 = arith.cmpi eq, %get3A_265, %eq3A_267 : vector<16xi32>
      %or3A_269 = arith.ori %or3A_257, %eq3A_268 : vector<16xi1>
      %mul3A_270 = arith.constant 25 : i32
      %mul3A_271 = arith.muli %scan3A_103, %mul3A_270 : i32
      %add3A_272 = arith.constant 14 : i32
      %add3A_273 = arith.addi %mul3A_271, %add3A_272 : i32
      %mul3A_274 = arith.constant 16 : i32
      %mul3A_275 = arith.muli %add3A_273, %mul3A_274 : i32
      %get3A_276 = arith.index_cast %mul3A_275 : i32 to index
      %get3A_277 = tpu.vector_load %arg6[%get3A_276] {strides = array<i32>} : memref<10000xi32, #tpu.memory_space<vmem>>, vector<16xi32>,
      %eq3A_278 = arith.constant 49999 : i32
      %eq3A_279 = vector.broadcast %eq3A_278 : i32 to vector<16xi32>
      %eq3A_280 = arith.cmpi eq, %get3A_277, %eq3A_279 : vector<16xi32>
      %or3A_281 = arith.ori %or3A_269, %eq3A_280 : vector<16xi1>
      %mul3A_282 = arith.constant 25 : i32
      %mul3A_283 = arith.muli %scan3A_103, %mul3A_282 : i32
      %add3A_284 = arith.constant 15 : i32
      %add3A_285 = arith.addi %mul3A_283, %add3A_284 : i32
      %mul3A_286 = arith.constant 16 : i32
      %mul3A_287 = arith.muli %add3A_285, %mul3A_286 : i32
      %get3A_288 = arith.index_cast %mul3A_287 : i32 to index
      %get3A_289 = tpu.vector_load %arg6[%get3A_288] {strides = array<i32>} : memref<10000xi32, #tpu.memory_space<vmem>>, vector<16xi32>,
      %eq3A_290 = arith.constant 49999 : i32
      %eq3A_291 = vector.broadcast %eq3A_290 : i32 to vector<16xi32>
      %eq3A_292 = arith.cmpi eq, %get3A_289, %eq3A_291 : vector<16xi32>
      %or3A_293 = arith.ori %or3A_281, %eq3A_292 : vector<16xi1>
      %mul3A_294 = arith.constant 25 : i32
      %mul3A_295 = arith.muli %scan3A_103, %mul3A_294 : i32
      %add3A_296 = arith.constant 16 : i32
      %add3A_297 = arith.addi %mul3A_295, %add3A_296 : i32
      %mul3A_298 = arith.constant 16 : i32
      %mul3A_299 = arith.muli %add3A_297, %mul3A_298 : i32
      %get3A_300 = arith.index_cast %mul3A_299 : i32 to index
      %get3A_301 = tpu.vector_load %arg6[%get3A_300] {strides = array<i32>} : memref<10000xi32, #tpu.memory_space<vmem>>, vector<16xi32>,
      %eq3A_302 = arith.constant 49999 : i32
      %eq3A_303 = vector.broadcast %eq3A_302 : i32 to vector<16xi32>
      %eq3A_304 = arith.cmpi eq, %get3A_301, %eq3A_303 : vector<16xi32>
      %or3A_305 = arith.ori %or3A_293, %eq3A_304 : vector<16xi1>
      %mul3A_306 = arith.constant 25 : i32
      %mul3A_307 = arith.muli %scan3A_103, %mul3A_306 : i32
      %add3A_308 = arith.constant 17 : i32
      %add3A_309 = arith.addi %mul3A_307, %add3A_308 : i32
      %mul3A_310 = arith.constant 16 : i32
      %mul3A_311 = arith.muli %add3A_309, %mul3A_310 : i32
      %get3A_312 = arith.index_cast %mul3A_311 : i32 to index
      %get3A_313 = tpu.vector_load %arg6[%get3A_312] {strides = array<i32>} : memref<10000xi32, #tpu.memory_space<vmem>>, vector<16xi32>,
      %eq3A_314 = arith.constant 49999 : i32
      %eq3A_315 = vector.broadcast %eq3A_314 : i32 to vector<16xi32>
      %eq3A_316 = arith.cmpi eq, %get3A_313, %eq3A_315 : vector<16xi32>
      %or3A_317 = arith.ori %or3A_305, %eq3A_316 : vector<16xi1>
      %mul3A_318 = arith.constant 25 : i32
      %mul3A_319 = arith.muli %scan3A_103, %mul3A_318 : i32
      %add3A_320 = arith.constant 18 : i32
      %add3A_321 = arith.addi %mul3A_319, %add3A_320 : i32
      %mul3A_322 = arith.constant 16 : i32
      %mul3A_323 = arith.muli %add3A_321, %mul3A_322 : i32
      %get3A_324 = arith.index_cast %mul3A_323 : i32 to index
      %get3A_325 = tpu.vector_load %arg6[%get3A_324] {strides = array<i32>} : memref<10000xi32, #tpu.memory_space<vmem>>, vector<16xi32>,
      %eq3A_326 = arith.constant 49999 : i32
      %eq3A_327 = vector.broadcast %eq3A_326 : i32 to vector<16xi32>
      %eq3A_328 = arith.cmpi eq, %get3A_325, %eq3A_327 : vector<16xi32>
      %or3A_329 = arith.ori %or3A_317, %eq3A_328 : vector<16xi1>
      %mul3A_330 = arith.constant 25 : i32
      %mul3A_331 = arith.muli %scan3A_103, %mul3A_330 : i32
      %add3A_332 = arith.constant 19 : i32
      %add3A_333 = arith.addi %mul3A_331, %add3A_332 : i32
      %mul3A_334 = arith.constant 16 : i32
      %mul3A_335 = arith.muli %add3A_333, %mul3A_334 : i32
      %get3A_336 = arith.index_cast %mul3A_335 : i32 to index
      %get3A_337 = tpu.vector_load %arg6[%get3A_336] {strides = array<i32>} : memref<10000xi32, #tpu.memory_space<vmem>>, vector<16xi32>,
      %eq3A_338 = arith.constant 49999 : i32
      %eq3A_339 = vector.broadcast %eq3A_338 : i32 to vector<16xi32>
      %eq3A_340 = arith.cmpi eq, %get3A_337, %eq3A_339 : vector<16xi32>
      %or3A_341 = arith.ori %or3A_329, %eq3A_340 : vector<16xi1>
      %mul3A_342 = arith.constant 25 : i32
      %mul3A_343 = arith.muli %scan3A_103, %mul3A_342 : i32
      %add3A_344 = arith.constant 20 : i32
      %add3A_345 = arith.addi %mul3A_343, %add3A_344 : i32
      %mul3A_346 = arith.constant 16 : i32
      %mul3A_347 = arith.muli %add3A_345, %mul3A_346 : i32
      %get3A_348 = arith.index_cast %mul3A_347 : i32 to index
      %get3A_349 = tpu.vector_load %arg6[%get3A_348] {strides = array<i32>} : memref<10000xi32, #tpu.memory_space<vmem>>, vector<16xi32>,
      %eq3A_350 = arith.constant 49999 : i32
      %eq3A_351 = vector.broadcast %eq3A_350 : i32 to vector<16xi32>
      %eq3A_352 = arith.cmpi eq, %get3A_349, %eq3A_351 : vector<16xi32>
      %or3A_353 = arith.ori %or3A_341, %eq3A_352 : vector<16xi1>
      %mul3A_354 = arith.constant 25 : i32
      %mul3A_355 = arith.muli %scan3A_103, %mul3A_354 : i32
      %add3A_356 = arith.constant 21 : i32
      %add3A_357 = arith.addi %mul3A_355, %add3A_356 : i32
      %mul3A_358 = arith.constant 16 : i32
      %mul3A_359 = arith.muli %add3A_357, %mul3A_358 : i32
      %get3A_360 = arith.index_cast %mul3A_359 : i32 to index
      %get3A_361 = tpu.vector_load %arg6[%get3A_360] {strides = array<i32>} : memref<10000xi32, #tpu.memory_space<vmem>>, vector<16xi32>,
      %eq3A_362 = arith.constant 49999 : i32
      %eq3A_363 = vector.broadcast %eq3A_362 : i32 to vector<16xi32>
      %eq3A_364 = arith.cmpi eq, %get3A_361, %eq3A_363 : vector<16xi32>
      %or3A_365 = arith.ori %or3A_353, %eq3A_364 : vector<16xi1>
      %mul3A_366 = arith.constant 25 : i32
      %mul3A_367 = arith.muli %scan3A_103, %mul3A_366 : i32
      %add3A_368 = arith.constant 22 : i32
      %add3A_369 = arith.addi %mul3A_367, %add3A_368 : i32
      %mul3A_370 = arith.constant 16 : i32
      %mul3A_371 = arith.muli %add3A_369, %mul3A_370 : i32
      %get3A_372 = arith.index_cast %mul3A_371 : i32 to index
      %get3A_373 = tpu.vector_load %arg6[%get3A_372] {strides = array<i32>} : memref<10000xi32, #tpu.memory_space<vmem>>, vector<16xi32>,
      %eq3A_374 = arith.constant 49999 : i32
      %eq3A_375 = vector.broadcast %eq3A_374 : i32 to vector<16xi32>
      %eq3A_376 = arith.cmpi eq, %get3A_373, %eq3A_375 : vector<16xi32>
      %or3A_377 = arith.ori %or3A_365, %eq3A_376 : vector<16xi1>
      %mul3A_378 = arith.constant 25 : i32
      %mul3A_379 = arith.muli %scan3A_103, %mul3A_378 : i32
      %add3A_380 = arith.constant 23 : i32
      %add3A_381 = arith.addi %mul3A_379, %add3A_380 : i32
      %mul3A_382 = arith.constant 16 : i32
      %mul3A_383 = arith.muli %add3A_381, %mul3A_382 : i32
      %get3A_384 = arith.index_cast %mul3A_383 : i32 to index
      %get3A_385 = tpu.vector_load %arg6[%get3A_384] {strides = array<i32>} : memref<10000xi32, #tpu.memory_space<vmem>>, vector<16xi32>,
      %eq3A_386 = arith.constant 49999 : i32
      %eq3A_387 = vector.broadcast %eq3A_386 : i32 to vector<16xi32>
      %eq3A_388 = arith.cmpi eq, %get3A_385, %eq3A_387 : vector<16xi32>
      %or3A_389 = arith.ori %or3A_377, %eq3A_388 : vector<16xi1>
      %mul3A_390 = arith.constant 25 : i32
      %mul3A_391 = arith.muli %scan3A_103, %mul3A_390 : i32
      %add3A_392 = arith.constant 24 : i32
      %add3A_393 = arith.addi %mul3A_391, %add3A_392 : i32
      %mul3A_394 = arith.constant 16 : i32
      %mul3A_395 = arith.muli %add3A_393, %mul3A_394 : i32
      %get3A_396 = arith.index_cast %mul3A_395 : i32 to index
      %get3A_397 = tpu.vector_load %arg6[%get3A_396] {strides = array<i32>} : memref<10000xi32, #tpu.memory_space<vmem>>, vector<16xi32>,
      %eq3A_398 = arith.constant 49999 : i32
      %eq3A_399 = vector.broadcast %eq3A_398 : i32 to vector<16xi32>
      %eq3A_400 = arith.cmpi eq, %get3A_397, %eq3A_399 : vector<16xi32>
      %or3A_401 = arith.ori %or3A_389, %eq3A_400 : vector<16xi1>
      %all_reduce_population_count3A = tpu.all_reduce %or3A_401 {dim = 0 : i64, kind = #tpu.reduction_kind<sum>} : vector<16xi1> -> vector<16xi32>
      %slice3A = vector.extract_strided_slice %all_reduce_population_count3A {offsets = [0], sizes = [1], strides = [1]} : vector<16xi32> to vector<1xi32>
      %squeeze3A = vector.extract %slice3A[0] : i32 from vector<1xi32>
      %gt3A = arith.constant 0 : i32
      %gt3A_402 = arith.cmpi sgt, %squeeze3A, %gt3A : i32
      %convert_element_type3A = arith.extui %gt3A_402 : i1 to i32
      %cond3A = arith.constant 0 : i32
      %cond3A_403 = arith.cmpi ne, %convert_element_type3A, %cond3A : i32
      %cond3A_404 = scf.if %cond3A_403 -> (i32) {
        %mul3A_405 = arith.constant 25 : i32
        %mul3A_406 = arith.muli %scan3A_103, %mul3A_405 : i32
        %mul3A_407 = arith.constant 16 : i32
        %mul3A_408 = arith.muli %mul3A_406, %mul3A_407 : i32
        %add3A_409 = arith.addi %add3A_39, %mul3A_408 : i32
        "tpu.region"() ({
          %run_scoped3A = tpu.sem_alloc : memref<!tpu.dma_semaphore, #tpu.memory_space<semaphore_mem>>
          %dma_start3A_416 = tpu.memref_slice %arg2[%add3A_409] : memref<1600000xi32, #tpu.memory_space<hbm>> -> memref<400xi32, #tpu.memory_space<hbm>>
          %dma_start3A_417 = tpu.memref_slice %arg2[%add3A_409] : memref<1600000xi32, #tpu.memory_space<hbm>> -> memref<400xi32, #tpu.memory_space<hbm>>
          tpu.enqueue_dma source(%dma_start3A_417 : memref<400xi32, #tpu.memory_space<hbm>>) target(%arg8 : memref<400xi32, #tpu.memory_space<vmem>>) target_semaphore(%run_scoped3A : memref<!tpu.dma_semaphore, #tpu.memory_space<semaphore_mem>>)
          %dma_wait3A_418 = tpu.memref_slice %arg2[%add3A_409] : memref<1600000xi32, #tpu.memory_space<hbm>> -> memref<400xi32, #tpu.memory_space<hbm>>
          %dma_wait3A_419 = tpu.memref_slice %arg2[%add3A_409] : memref<1600000xi32, #tpu.memory_space<hbm>> -> memref<400xi32, #tpu.memory_space<hbm>>
          tpu.wait_dma2 semaphore(%run_scoped3A : memref<!tpu.dma_semaphore, #tpu.memory_space<semaphore_mem>>) src(%dma_wait3A_419 : memref<400xi32, #tpu.memory_space<hbm>>) dst(%arg8 : memref<400xi32, #tpu.memory_space<vmem>>)
          tpu.yield
        }) : () -> ()
        %scan3A_410 = arith.constant 0 : i32
        %scan3A_411 = arith.constant 25 : i32
        %scan3A_412 = arith.addi %scan3A_410, %scan3A_411 : i32
        %scan3A_413 = arith.constant 1 : i32
        %scan3A_414 = scf.for %scan3A_416 = %scan3A_410 to %scan3A_412 step %scan3A_413 iter_args(%scan3A_417 = %scan3A_104) -> (i32)  : i32 {
          %mul3A_418 = arith.constant 25 : i32
          %mul3A_419 = arith.muli %scan3A_103, %mul3A_418 : i32
          %add3A_420 = arith.addi %mul3A_419, %scan3A_416 : i32
          %mul3A_421 = arith.constant 16 : i32
          %mul3A_422 = arith.muli %add3A_420, %mul3A_421 : i32
          %get3A_423 = arith.index_cast %mul3A_422 : i32 to index
          %get3A_424 = tpu.vector_load %arg6[%get3A_423] {strides = array<i32>} : memref<10000xi32, #tpu.memory_space<vmem>>, vector<16xi32>,
          %eq3A_425 = arith.constant 49999 : i32
          %eq3A_426 = vector.broadcast %eq3A_425 : i32 to vector<16xi32>
          %eq3A_427 = arith.cmpi eq, %get3A_424, %eq3A_426 : vector<16xi32>
          %all_reduce_population_count3A_428 = tpu.all_reduce %eq3A_427 {dim = 0 : i64, kind = #tpu.reduction_kind<sum>} : vector<16xi1> -> vector<16xi32>
          %slice3A_429 = vector.extract_strided_slice %all_reduce_population_count3A_428 {offsets = [0], sizes = [1], strides = [1]} : vector<16xi32> to vector<1xi32>
          %squeeze3A_430 = vector.extract %slice3A_429[0] : i32 from vector<1xi32>
          %gt3A_431 = arith.constant 0 : i32
          %gt3A_432 = arith.cmpi sgt, %squeeze3A_430, %gt3A_431 : i32
          %convert_element_type3A_433 = arith.extui %gt3A_432 : i1 to i32
          %cond3A_434 = arith.constant 0 : i32
          %cond3A_435 = arith.cmpi ne, %convert_element_type3A_433, %cond3A_434 : i32
          %cond3A_436 = scf.if %cond3A_435 -> (i32) {
            %mul3A_437 = arith.constant 16 : i32
            %mul3A_438 = arith.muli %scan3A_416, %mul3A_437 : i32
            %get3A_439 = arith.index_cast %mul3A_438 : i32 to index
            %get3A_440 = tpu.vector_load %arg8[%get3A_439] {strides = array<i32>} : memref<400xi32, #tpu.memory_space<vmem>>, vector<16xi32>,
            %min3A = arith.constant 496 : i32
            %min3A_441 = arith.minsi %scan3A_417, %min3A : i32
            %swap3A_442 = arith.index_cast %min3A_441 : i32 to index
            %swap3A_443 = tpu.vector_load %arg9[%swap3A_442] masked %eq3A_427 {strides = array<i32>} : memref<512xi32, #tpu.memory_space<vmem>>, vector<16xi32>, vector<16xi1>
            tpu.vector_store %arg9[%swap3A_442], %get3A_440 masked %eq3A_427 {strides = array<i32>} : memref<512xi32, #tpu.memory_space<vmem>>, vector<16xi32>, vector<16xi1>
            %add3A_444 = arith.addi %scan3A_417, %squeeze3A_430 : i32
            %min3A_445 = arith.constant 496 : i32
            %min3A_446 = arith.minsi %add3A_444, %min3A_445 : i32
            scf.yield %min3A_446 : i32
          } else {
            scf.yield %scan3A_417 : i32
          }
          scf.yield %cond3A_436 : i32
        }
        %scan3A_415 = arith.constant 25 : i32
        scf.yield %scan3A_414 : i32
      } else {
        scf.yield %scan3A_104 : i32
      }
      scf.yield %cond3A_404 : i32
    }
    %scan3A_45 = arith.constant 25 : i32
    %dma_wait3A_46 = tpu.memref_slice %arg3[%add3A_35] : memref<1600000xi32, #tpu.memory_space<hbm>> -> memref<10000xi32, #tpu.memory_space<hbm>>
    %dma_wait3A_47 = tpu.memref_slice %arg3[%add3A_35] : memref<1600000xi32, #tpu.memory_space<hbm>> -> memref<10000xi32, #tpu.memory_space<hbm>>
    tpu.wait_dma2 semaphore(%arg12 : memref<!tpu.dma_semaphore, #tpu.memory_space<semaphore_mem>>) src(%dma_wait3A_47 : memref<10000xi32, #tpu.memory_space<hbm>>) dst(%arg7 : memref<10000xi32, #tpu.memory_space<vmem>>)
    %add3A_48 = arith.constant 40000 : i32
    %add3A_49 = arith.addi %mul3A_2, %add3A_48 : i32
    %dma_start3A_50 = tpu.memref_slice %arg3[%add3A_49] : memref<1600000xi32, #tpu.memory_space<hbm>> -> memref<10000xi32, #tpu.memory_space<hbm>>
    %dma_start3A_51 = tpu.memref_slice %arg3[%add3A_49] : memref<1600000xi32, #tpu.memory_space<hbm>> -> memref<10000xi32, #tpu.memory_space<hbm>>
    tpu.enqueue_dma source(%dma_start3A_51 : memref<10000xi32, #tpu.memory_space<hbm>>) target(%arg6 : memref<10000xi32, #tpu.memory_space<vmem>>) target_semaphore(%arg11 : memref<!tpu.dma_semaphore, #tpu.memory_space<semaphore_mem>>)
    %add3A_52 = arith.constant 30000 : i32
    %add3A_53 = arith.addi %mul3A_2, %add3A_52 : i32
    %scan3A_54 = arith.constant 0 : i32
    %scan3A_55 = arith.constant 25 : i32
    %scan3A_56 = arith.addi %scan3A_54, %scan3A_55 : i32
    %scan3A_57 = arith.constant 1 : i32
    %scan3A_58 = scf.for %scan3A_103 = %scan3A_54 to %scan3A_56 step %scan3A_57 iter_args(%scan3A_104 = %scan3A_44) -> (i32)  : i32 {
      %mul3A_105 = arith.constant 25 : i32
      %mul3A_106 = arith.muli %scan3A_103, %mul3A_105 : i32
      %add3A_107 = arith.constant 0 : i32
      %add3A_108 = arith.addi %mul3A_106, %add3A_107 : i32
      %mul3A_109 = arith.constant 16 : i32
      %mul3A_110 = arith.muli %add3A_108, %mul3A_109 : i32
      %get3A = arith.index_cast %mul3A_110 : i32 to index
      %get3A_111 = tpu.vector_load %arg7[%get3A] {strides = array<i32>} : memref<10000xi32, #tpu.memory_space<vmem>>, vector<16xi32>,
      %eq3A = arith.constant 49999 : i32
      %eq3A_112 = vector.broadcast %eq3A : i32 to vector<16xi32>
      %eq3A_113 = arith.cmpi eq, %get3A_111, %eq3A_112 : vector<16xi32>
      %or3A = arith.ori %broadcast_in_dim3A_3, %eq3A_113 : vector<16xi1>
      %mul3A_114 = arith.constant 25 : i32
      %mul3A_115 = arith.muli %scan3A_103, %mul3A_114 : i32
      %add3A_116 = arith.constant 1 : i32
      %add3A_117 = arith.addi %mul3A_115, %add3A_116 : i32
      %mul3A_118 = arith.constant 16 : i32
      %mul3A_119 = arith.muli %add3A_117, %mul3A_118 : i32
      %get3A_120 = arith.index_cast %mul3A_119 : i32 to index
      %get3A_121 = tpu.vector_load %arg7[%get3A_120] {strides = array<i32>} : memref<10000xi32, #tpu.memory_space<vmem>>, vector<16xi32>,
      %eq3A_122 = arith.constant 49999 : i32
      %eq3A_123 = vector.broadcast %eq3A_122 : i32 to vector<16xi32>
      %eq3A_124 = arith.cmpi eq, %get3A_121, %eq3A_123 : vector<16xi32>
      %or3A_125 = arith.ori %or3A, %eq3A_124 : vector<16xi1>
      %mul3A_126 = arith.constant 25 : i32
      %mul3A_127 = arith.muli %scan3A_103, %mul3A_126 : i32
      %add3A_128 = arith.constant 2 : i32
      %add3A_129 = arith.addi %mul3A_127, %add3A_128 : i32
      %mul3A_130 = arith.constant 16 : i32
      %mul3A_131 = arith.muli %add3A_129, %mul3A_130 : i32
      %get3A_132 = arith.index_cast %mul3A_131 : i32 to index
      %get3A_133 = tpu.vector_load %arg7[%get3A_132] {strides = array<i32>} : memref<10000xi32, #tpu.memory_space<vmem>>, vector<16xi32>,
      %eq3A_134 = arith.constant 49999 : i32
      %eq3A_135 = vector.broadcast %eq3A_134 : i32 to vector<16xi32>
      %eq3A_136 = arith.cmpi eq, %get3A_133, %eq3A_135 : vector<16xi32>
      %or3A_137 = arith.ori %or3A_125, %eq3A_136 : vector<16xi1>
      %mul3A_138 = arith.constant 25 : i32
      %mul3A_139 = arith.muli %scan3A_103, %mul3A_138 : i32
      %add3A_140 = arith.constant 3 : i32
      %add3A_141 = arith.addi %mul3A_139, %add3A_140 : i32
      %mul3A_142 = arith.constant 16 : i32
      %mul3A_143 = arith.muli %add3A_141, %mul3A_142 : i32
      %get3A_144 = arith.index_cast %mul3A_143 : i32 to index
      %get3A_145 = tpu.vector_load %arg7[%get3A_144] {strides = array<i32>} : memref<10000xi32, #tpu.memory_space<vmem>>, vector<16xi32>,
      %eq3A_146 = arith.constant 49999 : i32
      %eq3A_147 = vector.broadcast %eq3A_146 : i32 to vector<16xi32>
      %eq3A_148 = arith.cmpi eq, %get3A_145, %eq3A_147 : vector<16xi32>
      %or3A_149 = arith.ori %or3A_137, %eq3A_148 : vector<16xi1>
      %mul3A_150 = arith.constant 25 : i32
      %mul3A_151 = arith.muli %scan3A_103, %mul3A_150 : i32
      %add3A_152 = arith.constant 4 : i32
      %add3A_153 = arith.addi %mul3A_151, %add3A_152 : i32
      %mul3A_154 = arith.constant 16 : i32
      %mul3A_155 = arith.muli %add3A_153, %mul3A_154 : i32
      %get3A_156 = arith.index_cast %mul3A_155 : i32 to index
      %get3A_157 = tpu.vector_load %arg7[%get3A_156] {strides = array<i32>} : memref<10000xi32, #tpu.memory_space<vmem>>, vector<16xi32>,
      %eq3A_158 = arith.constant 49999 : i32
      %eq3A_159 = vector.broadcast %eq3A_158 : i32 to vector<16xi32>
      %eq3A_160 = arith.cmpi eq, %get3A_157, %eq3A_159 : vector<16xi32>
      %or3A_161 = arith.ori %or3A_149, %eq3A_160 : vector<16xi1>
      %mul3A_162 = arith.constant 25 : i32
      %mul3A_163 = arith.muli %scan3A_103, %mul3A_162 : i32
      %add3A_164 = arith.constant 5 : i32
      %add3A_165 = arith.addi %mul3A_163, %add3A_164 : i32
      %mul3A_166 = arith.constant 16 : i32
      %mul3A_167 = arith.muli %add3A_165, %mul3A_166 : i32
      %get3A_168 = arith.index_cast %mul3A_167 : i32 to index
      %get3A_169 = tpu.vector_load %arg7[%get3A_168] {strides = array<i32>} : memref<10000xi32, #tpu.memory_space<vmem>>, vector<16xi32>,
      %eq3A_170 = arith.constant 49999 : i32
      %eq3A_171 = vector.broadcast %eq3A_170 : i32 to vector<16xi32>
      %eq3A_172 = arith.cmpi eq, %get3A_169, %eq3A_171 : vector<16xi32>
      %or3A_173 = arith.ori %or3A_161, %eq3A_172 : vector<16xi1>
      %mul3A_174 = arith.constant 25 : i32
      %mul3A_175 = arith.muli %scan3A_103, %mul3A_174 : i32
      %add3A_176 = arith.constant 6 : i32
      %add3A_177 = arith.addi %mul3A_175, %add3A_176 : i32
      %mul3A_178 = arith.constant 16 : i32
      %mul3A_179 = arith.muli %add3A_177, %mul3A_178 : i32
      %get3A_180 = arith.index_cast %mul3A_179 : i32 to index
      %get3A_181 = tpu.vector_load %arg7[%get3A_180] {strides = array<i32>} : memref<10000xi32, #tpu.memory_space<vmem>>, vector<16xi32>,
      %eq3A_182 = arith.constant 49999 : i32
      %eq3A_183 = vector.broadcast %eq3A_182 : i32 to vector<16xi32>
      %eq3A_184 = arith.cmpi eq, %get3A_181, %eq3A_183 : vector<16xi32>
      %or3A_185 = arith.ori %or3A_173, %eq3A_184 : vector<16xi1>
      %mul3A_186 = arith.constant 25 : i32
      %mul3A_187 = arith.muli %scan3A_103, %mul3A_186 : i32
      %add3A_188 = arith.constant 7 : i32
      %add3A_189 = arith.addi %mul3A_187, %add3A_188 : i32
      %mul3A_190 = arith.constant 16 : i32
      %mul3A_191 = arith.muli %add3A_189, %mul3A_190 : i32
      %get3A_192 = arith.index_cast %mul3A_191 : i32 to index
      %get3A_193 = tpu.vector_load %arg7[%get3A_192] {strides = array<i32>} : memref<10000xi32, #tpu.memory_space<vmem>>, vector<16xi32>,
      %eq3A_194 = arith.constant 49999 : i32
      %eq3A_195 = vector.broadcast %eq3A_194 : i32 to vector<16xi32>
      %eq3A_196 = arith.cmpi eq, %get3A_193, %eq3A_195 : vector<16xi32>
      %or3A_197 = arith.ori %or3A_185, %eq3A_196 : vector<16xi1>
      %mul3A_198 = arith.constant 25 : i32
      %mul3A_199 = arith.muli %scan3A_103, %mul3A_198 : i32
      %add3A_200 = arith.constant 8 : i32
      %add3A_201 = arith.addi %mul3A_199, %add3A_200 : i32
      %mul3A_202 = arith.constant 16 : i32
      %mul3A_203 = arith.muli %add3A_201, %mul3A_202 : i32
      %get3A_204 = arith.index_cast %mul3A_203 : i32 to index
      %get3A_205 = tpu.vector_load %arg7[%get3A_204] {strides = array<i32>} : memref<10000xi32, #tpu.memory_space<vmem>>, vector<16xi32>,
      %eq3A_206 = arith.constant 49999 : i32
      %eq3A_207 = vector.broadcast %eq3A_206 : i32 to vector<16xi32>
      %eq3A_208 = arith.cmpi eq, %get3A_205, %eq3A_207 : vector<16xi32>
      %or3A_209 = arith.ori %or3A_197, %eq3A_208 : vector<16xi1>
      %mul3A_210 = arith.constant 25 : i32
      %mul3A_211 = arith.muli %scan3A_103, %mul3A_210 : i32
      %add3A_212 = arith.constant 9 : i32
      %add3A_213 = arith.addi %mul3A_211, %add3A_212 : i32
      %mul3A_214 = arith.constant 16 : i32
      %mul3A_215 = arith.muli %add3A_213, %mul3A_214 : i32
      %get3A_216 = arith.index_cast %mul3A_215 : i32 to index
      %get3A_217 = tpu.vector_load %arg7[%get3A_216] {strides = array<i32>} : memref<10000xi32, #tpu.memory_space<vmem>>, vector<16xi32>,
      %eq3A_218 = arith.constant 49999 : i32
      %eq3A_219 = vector.broadcast %eq3A_218 : i32 to vector<16xi32>
      %eq3A_220 = arith.cmpi eq, %get3A_217, %eq3A_219 : vector<16xi32>
      %or3A_221 = arith.ori %or3A_209, %eq3A_220 : vector<16xi1>
      %mul3A_222 = arith.constant 25 : i32
      %mul3A_223 = arith.muli %scan3A_103, %mul3A_222 : i32
      %add3A_224 = arith.constant 10 : i32
      %add3A_225 = arith.addi %mul3A_223, %add3A_224 : i32
      %mul3A_226 = arith.constant 16 : i32
      %mul3A_227 = arith.muli %add3A_225, %mul3A_226 : i32
      %get3A_228 = arith.index_cast %mul3A_227 : i32 to index
      %get3A_229 = tpu.vector_load %arg7[%get3A_228] {strides = array<i32>} : memref<10000xi32, #tpu.memory_space<vmem>>, vector<16xi32>,
      %eq3A_230 = arith.constant 49999 : i32
      %eq3A_231 = vector.broadcast %eq3A_230 : i32 to vector<16xi32>
      %eq3A_232 = arith.cmpi eq, %get3A_229, %eq3A_231 : vector<16xi32>
      %or3A_233 = arith.ori %or3A_221, %eq3A_232 : vector<16xi1>
      %mul3A_234 = arith.constant 25 : i32
      %mul3A_235 = arith.muli %scan3A_103, %mul3A_234 : i32
      %add3A_236 = arith.constant 11 : i32
      %add3A_237 = arith.addi %mul3A_235, %add3A_236 : i32
      %mul3A_238 = arith.constant 16 : i32
      %mul3A_239 = arith.muli %add3A_237, %mul3A_238 : i32
      %get3A_240 = arith.index_cast %mul3A_239 : i32 to index
      %get3A_241 = tpu.vector_load %arg7[%get3A_240] {strides = array<i32>} : memref<10000xi32, #tpu.memory_space<vmem>>, vector<16xi32>,
      %eq3A_242 = arith.constant 49999 : i32
      %eq3A_243 = vector.broadcast %eq3A_242 : i32 to vector<16xi32>
      %eq3A_244 = arith.cmpi eq, %get3A_241, %eq3A_243 : vector<16xi32>
      %or3A_245 = arith.ori %or3A_233, %eq3A_244 : vector<16xi1>
      %mul3A_246 = arith.constant 25 : i32
      %mul3A_247 = arith.muli %scan3A_103, %mul3A_246 : i32
      %add3A_248 = arith.constant 12 : i32
      %add3A_249 = arith.addi %mul3A_247, %add3A_248 : i32
      %mul3A_250 = arith.constant 16 : i32
      %mul3A_251 = arith.muli %add3A_249, %mul3A_250 : i32
      %get3A_252 = arith.index_cast %mul3A_251 : i32 to index
      %get3A_253 = tpu.vector_load %arg7[%get3A_252] {strides = array<i32>} : memref<10000xi32, #tpu.memory_space<vmem>>, vector<16xi32>,
      %eq3A_254 = arith.constant 49999 : i32
      %eq3A_255 = vector.broadcast %eq3A_254 : i32 to vector<16xi32>
      %eq3A_256 = arith.cmpi eq, %get3A_253, %eq3A_255 : vector<16xi32>
      %or3A_257 = arith.ori %or3A_245, %eq3A_256 : vector<16xi1>
      %mul3A_258 = arith.constant 25 : i32
      %mul3A_259 = arith.muli %scan3A_103, %mul3A_258 : i32
      %add3A_260 = arith.constant 13 : i32
      %add3A_261 = arith.addi %mul3A_259, %add3A_260 : i32
      %mul3A_262 = arith.constant 16 : i32
      %mul3A_263 = arith.muli %add3A_261, %mul3A_262 : i32
      %get3A_264 = arith.index_cast %mul3A_263 : i32 to index
      %get3A_265 = tpu.vector_load %arg7[%get3A_264] {strides = array<i32>} : memref<10000xi32, #tpu.memory_space<vmem>>, vector<16xi32>,
      %eq3A_266 = arith.constant 49999 : i32
      %eq3A_267 = vector.broadcast %eq3A_266 : i32 to vector<16xi32>
      %eq3A_268 = arith.cmpi eq, %get3A_265, %eq3A_267 : vector<16xi32>
      %or3A_269 = arith.ori %or3A_257, %eq3A_268 : vector<16xi1>
      %mul3A_270 = arith.constant 25 : i32
      %mul3A_271 = arith.muli %scan3A_103, %mul3A_270 : i32
      %add3A_272 = arith.constant 14 : i32
      %add3A_273 = arith.addi %mul3A_271, %add3A_272 : i32
      %mul3A_274 = arith.constant 16 : i32
      %mul3A_275 = arith.muli %add3A_273, %mul3A_274 : i32
      %get3A_276 = arith.index_cast %mul3A_275 : i32 to index
      %get3A_277 = tpu.vector_load %arg7[%get3A_276] {strides = array<i32>} : memref<10000xi32, #tpu.memory_space<vmem>>, vector<16xi32>,
      %eq3A_278 = arith.constant 49999 : i32
      %eq3A_279 = vector.broadcast %eq3A_278 : i32 to vector<16xi32>
      %eq3A_280 = arith.cmpi eq, %get3A_277, %eq3A_279 : vector<16xi32>
      %or3A_281 = arith.ori %or3A_269, %eq3A_280 : vector<16xi1>
      %mul3A_282 = arith.constant 25 : i32
      %mul3A_283 = arith.muli %scan3A_103, %mul3A_282 : i32
      %add3A_284 = arith.constant 15 : i32
      %add3A_285 = arith.addi %mul3A_283, %add3A_284 : i32
      %mul3A_286 = arith.constant 16 : i32
      %mul3A_287 = arith.muli %add3A_285, %mul3A_286 : i32
      %get3A_288 = arith.index_cast %mul3A_287 : i32 to index
      %get3A_289 = tpu.vector_load %arg7[%get3A_288] {strides = array<i32>} : memref<10000xi32, #tpu.memory_space<vmem>>, vector<16xi32>,
      %eq3A_290 = arith.constant 49999 : i32
      %eq3A_291 = vector.broadcast %eq3A_290 : i32 to vector<16xi32>
      %eq3A_292 = arith.cmpi eq, %get3A_289, %eq3A_291 : vector<16xi32>
      %or3A_293 = arith.ori %or3A_281, %eq3A_292 : vector<16xi1>
      %mul3A_294 = arith.constant 25 : i32
      %mul3A_295 = arith.muli %scan3A_103, %mul3A_294 : i32
      %add3A_296 = arith.constant 16 : i32
      %add3A_297 = arith.addi %mul3A_295, %add3A_296 : i32
      %mul3A_298 = arith.constant 16 : i32
      %mul3A_299 = arith.muli %add3A_297, %mul3A_298 : i32
      %get3A_300 = arith.index_cast %mul3A_299 : i32 to index
      %get3A_301 = tpu.vector_load %arg7[%get3A_300] {strides = array<i32>} : memref<10000xi32, #tpu.memory_space<vmem>>, vector<16xi32>,
      %eq3A_302 = arith.constant 49999 : i32
      %eq3A_303 = vector.broadcast %eq3A_302 : i32 to vector<16xi32>
      %eq3A_304 = arith.cmpi eq, %get3A_301, %eq3A_303 : vector<16xi32>
      %or3A_305 = arith.ori %or3A_293, %eq3A_304 : vector<16xi1>
      %mul3A_306 = arith.constant 25 : i32
      %mul3A_307 = arith.muli %scan3A_103, %mul3A_306 : i32
      %add3A_308 = arith.constant 17 : i32
      %add3A_309 = arith.addi %mul3A_307, %add3A_308 : i32
      %mul3A_310 = arith.constant 16 : i32
      %mul3A_311 = arith.muli %add3A_309, %mul3A_310 : i32
      %get3A_312 = arith.index_cast %mul3A_311 : i32 to index
      %get3A_313 = tpu.vector_load %arg7[%get3A_312] {strides = array<i32>} : memref<10000xi32, #tpu.memory_space<vmem>>, vector<16xi32>,
      %eq3A_314 = arith.constant 49999 : i32
      %eq3A_315 = vector.broadcast %eq3A_314 : i32 to vector<16xi32>
      %eq3A_316 = arith.cmpi eq, %get3A_313, %eq3A_315 : vector<16xi32>
      %or3A_317 = arith.ori %or3A_305, %eq3A_316 : vector<16xi1>
      %mul3A_318 = arith.constant 25 : i32
      %mul3A_319 = arith.muli %scan3A_103, %mul3A_318 : i32
      %add3A_320 = arith.constant 18 : i32
      %add3A_321 = arith.addi %mul3A_319, %add3A_320 : i32
      %mul3A_322 = arith.constant 16 : i32
      %mul3A_323 = arith.muli %add3A_321, %mul3A_322 : i32
      %get3A_324 = arith.index_cast %mul3A_323 : i32 to index
      %get3A_325 = tpu.vector_load %arg7[%get3A_324] {strides = array<i32>} : memref<10000xi32, #tpu.memory_space<vmem>>, vector<16xi32>,
      %eq3A_326 = arith.constant 49999 : i32
      %eq3A_327 = vector.broadcast %eq3A_326 : i32 to vector<16xi32>
      %eq3A_328 = arith.cmpi eq, %get3A_325, %eq3A_327 : vector<16xi32>
      %or3A_329 = arith.ori %or3A_317, %eq3A_328 : vector<16xi1>
      %mul3A_330 = arith.constant 25 : i32
      %mul3A_331 = arith.muli %scan3A_103, %mul3A_330 : i32
      %add3A_332 = arith.constant 19 : i32
      %add3A_333 = arith.addi %mul3A_331, %add3A_332 : i32
      %mul3A_334 = arith.constant 16 : i32
      %mul3A_335 = arith.muli %add3A_333, %mul3A_334 : i32
      %get3A_336 = arith.index_cast %mul3A_335 : i32 to index
      %get3A_337 = tpu.vector_load %arg7[%get3A_336] {strides = array<i32>} : memref<10000xi32, #tpu.memory_space<vmem>>, vector<16xi32>,
      %eq3A_338 = arith.constant 49999 : i32
      %eq3A_339 = vector.broadcast %eq3A_338 : i32 to vector<16xi32>
      %eq3A_340 = arith.cmpi eq, %get3A_337, %eq3A_339 : vector<16xi32>
      %or3A_341 = arith.ori %or3A_329, %eq3A_340 : vector<16xi1>
      %mul3A_342 = arith.constant 25 : i32
      %mul3A_343 = arith.muli %scan3A_103, %mul3A_342 : i32
      %add3A_344 = arith.constant 20 : i32
      %add3A_345 = arith.addi %mul3A_343, %add3A_344 : i32
      %mul3A_346 = arith.constant 16 : i32
      %mul3A_347 = arith.muli %add3A_345, %mul3A_346 : i32
      %get3A_348 = arith.index_cast %mul3A_347 : i32 to index
      %get3A_349 = tpu.vector_load %arg7[%get3A_348] {strides = array<i32>} : memref<10000xi32, #tpu.memory_space<vmem>>, vector<16xi32>,
      %eq3A_350 = arith.constant 49999 : i32
      %eq3A_351 = vector.broadcast %eq3A_350 : i32 to vector<16xi32>
      %eq3A_352 = arith.cmpi eq, %get3A_349, %eq3A_351 : vector<16xi32>
      %or3A_353 = arith.ori %or3A_341, %eq3A_352 : vector<16xi1>
      %mul3A_354 = arith.constant 25 : i32
      %mul3A_355 = arith.muli %scan3A_103, %mul3A_354 : i32
      %add3A_356 = arith.constant 21 : i32
      %add3A_357 = arith.addi %mul3A_355, %add3A_356 : i32
      %mul3A_358 = arith.constant 16 : i32
      %mul3A_359 = arith.muli %add3A_357, %mul3A_358 : i32
      %get3A_360 = arith.index_cast %mul3A_359 : i32 to index
      %get3A_361 = tpu.vector_load %arg7[%get3A_360] {strides = array<i32>} : memref<10000xi32, #tpu.memory_space<vmem>>, vector<16xi32>,
      %eq3A_362 = arith.constant 49999 : i32
      %eq3A_363 = vector.broadcast %eq3A_362 : i32 to vector<16xi32>
      %eq3A_364 = arith.cmpi eq, %get3A_361, %eq3A_363 : vector<16xi32>
      %or3A_365 = arith.ori %or3A_353, %eq3A_364 : vector<16xi1>
      %mul3A_366 = arith.constant 25 : i32
      %mul3A_367 = arith.muli %scan3A_103, %mul3A_366 : i32
      %add3A_368 = arith.constant 22 : i32
      %add3A_369 = arith.addi %mul3A_367, %add3A_368 : i32
      %mul3A_370 = arith.constant 16 : i32
      %mul3A_371 = arith.muli %add3A_369, %mul3A_370 : i32
      %get3A_372 = arith.index_cast %mul3A_371 : i32 to index
      %get3A_373 = tpu.vector_load %arg7[%get3A_372] {strides = array<i32>} : memref<10000xi32, #tpu.memory_space<vmem>>, vector<16xi32>,
      %eq3A_374 = arith.constant 49999 : i32
      %eq3A_375 = vector.broadcast %eq3A_374 : i32 to vector<16xi32>
      %eq3A_376 = arith.cmpi eq, %get3A_373, %eq3A_375 : vector<16xi32>
      %or3A_377 = arith.ori %or3A_365, %eq3A_376 : vector<16xi1>
      %mul3A_378 = arith.constant 25 : i32
      %mul3A_379 = arith.muli %scan3A_103, %mul3A_378 : i32
      %add3A_380 = arith.constant 23 : i32
      %add3A_381 = arith.addi %mul3A_379, %add3A_380 : i32
      %mul3A_382 = arith.constant 16 : i32
      %mul3A_383 = arith.muli %add3A_381, %mul3A_382 : i32
      %get3A_384 = arith.index_cast %mul3A_383 : i32 to index
      %get3A_385 = tpu.vector_load %arg7[%get3A_384] {strides = array<i32>} : memref<10000xi32, #tpu.memory_space<vmem>>, vector<16xi32>,
      %eq3A_386 = arith.constant 49999 : i32
      %eq3A_387 = vector.broadcast %eq3A_386 : i32 to vector<16xi32>
      %eq3A_388 = arith.cmpi eq, %get3A_385, %eq3A_387 : vector<16xi32>
      %or3A_389 = arith.ori %or3A_377, %eq3A_388 : vector<16xi1>
      %mul3A_390 = arith.constant 25 : i32
      %mul3A_391 = arith.muli %scan3A_103, %mul3A_390 : i32
      %add3A_392 = arith.constant 24 : i32
      %add3A_393 = arith.addi %mul3A_391, %add3A_392 : i32
      %mul3A_394 = arith.constant 16 : i32
      %mul3A_395 = arith.muli %add3A_393, %mul3A_394 : i32
      %get3A_396 = arith.index_cast %mul3A_395 : i32 to index
      %get3A_397 = tpu.vector_load %arg7[%get3A_396] {strides = array<i32>} : memref<10000xi32, #tpu.memory_space<vmem>>, vector<16xi32>,
      %eq3A_398 = arith.constant 49999 : i32
      %eq3A_399 = vector.broadcast %eq3A_398 : i32 to vector<16xi32>
      %eq3A_400 = arith.cmpi eq, %get3A_397, %eq3A_399 : vector<16xi32>
      %or3A_401 = arith.ori %or3A_389, %eq3A_400 : vector<16xi1>
      %all_reduce_population_count3A = tpu.all_reduce %or3A_401 {dim = 0 : i64, kind = #tpu.reduction_kind<sum>} : vector<16xi1> -> vector<16xi32>
      %slice3A = vector.extract_strided_slice %all_reduce_population_count3A {offsets = [0], sizes = [1], strides = [1]} : vector<16xi32> to vector<1xi32>
      %squeeze3A = vector.extract %slice3A[0] : i32 from vector<1xi32>
      %gt3A = arith.constant 0 : i32
      %gt3A_402 = arith.cmpi sgt, %squeeze3A, %gt3A : i32
      %convert_element_type3A = arith.extui %gt3A_402 : i1 to i32
      %cond3A = arith.constant 0 : i32
      %cond3A_403 = arith.cmpi ne, %convert_element_type3A, %cond3A : i32
      %cond3A_404 = scf.if %cond3A_403 -> (i32) {
        %mul3A_405 = arith.constant 25 : i32
        %mul3A_406 = arith.muli %scan3A_103, %mul3A_405 : i32
        %mul3A_407 = arith.constant 16 : i32
        %mul3A_408 = arith.muli %mul3A_406, %mul3A_407 : i32
        %add3A_409 = arith.addi %add3A_53, %mul3A_408 : i32
        "tpu.region"() ({
          %run_scoped3A = tpu.sem_alloc : memref<!tpu.dma_semaphore, #tpu.memory_space<semaphore_mem>>
          %dma_start3A_416 = tpu.memref_slice %arg2[%add3A_409] : memref<1600000xi32, #tpu.memory_space<hbm>> -> memref<400xi32, #tpu.memory_space<hbm>>
          %dma_start3A_417 = tpu.memref_slice %arg2[%add3A_409] : memref<1600000xi32, #tpu.memory_space<hbm>> -> memref<400xi32, #tpu.memory_space<hbm>>
          tpu.enqueue_dma source(%dma_start3A_417 : memref<400xi32, #tpu.memory_space<hbm>>) target(%arg8 : memref<400xi32, #tpu.memory_space<vmem>>) target_semaphore(%run_scoped3A : memref<!tpu.dma_semaphore, #tpu.memory_space<semaphore_mem>>)
          %dma_wait3A_418 = tpu.memref_slice %arg2[%add3A_409] : memref<1600000xi32, #tpu.memory_space<hbm>> -> memref<400xi32, #tpu.memory_space<hbm>>
          %dma_wait3A_419 = tpu.memref_slice %arg2[%add3A_409] : memref<1600000xi32, #tpu.memory_space<hbm>> -> memref<400xi32, #tpu.memory_space<hbm>>
          tpu.wait_dma2 semaphore(%run_scoped3A : memref<!tpu.dma_semaphore, #tpu.memory_space<semaphore_mem>>) src(%dma_wait3A_419 : memref<400xi32, #tpu.memory_space<hbm>>) dst(%arg8 : memref<400xi32, #tpu.memory_space<vmem>>)
          tpu.yield
        }) : () -> ()
        %scan3A_410 = arith.constant 0 : i32
        %scan3A_411 = arith.constant 25 : i32
        %scan3A_412 = arith.addi %scan3A_410, %scan3A_411 : i32
        %scan3A_413 = arith.constant 1 : i32
        %scan3A_414 = scf.for %scan3A_416 = %scan3A_410 to %scan3A_412 step %scan3A_413 iter_args(%scan3A_417 = %scan3A_104) -> (i32)  : i32 {
          %mul3A_418 = arith.constant 25 : i32
          %mul3A_419 = arith.muli %scan3A_103, %mul3A_418 : i32
          %add3A_420 = arith.addi %mul3A_419, %scan3A_416 : i32
          %mul3A_421 = arith.constant 16 : i32
          %mul3A_422 = arith.muli %add3A_420, %mul3A_421 : i32
          %get3A_423 = arith.index_cast %mul3A_422 : i32 to index
          %get3A_424 = tpu.vector_load %arg7[%get3A_423] {strides = array<i32>} : memref<10000xi32, #tpu.memory_space<vmem>>, vector<16xi32>,
          %eq3A_425 = arith.constant 49999 : i32
          %eq3A_426 = vector.broadcast %eq3A_425 : i32 to vector<16xi32>
          %eq3A_427 = arith.cmpi eq, %get3A_424, %eq3A_426 : vector<16xi32>
          %all_reduce_population_count3A_428 = tpu.all_reduce %eq3A_427 {dim = 0 : i64, kind = #tpu.reduction_kind<sum>} : vector<16xi1> -> vector<16xi32>
          %slice3A_429 = vector.extract_strided_slice %all_reduce_population_count3A_428 {offsets = [0], sizes = [1], strides = [1]} : vector<16xi32> to vector<1xi32>
          %squeeze3A_430 = vector.extract %slice3A_429[0] : i32 from vector<1xi32>
          %gt3A_431 = arith.constant 0 : i32
          %gt3A_432 = arith.cmpi sgt, %squeeze3A_430, %gt3A_431 : i32
          %convert_element_type3A_433 = arith.extui %gt3A_432 : i1 to i32
          %cond3A_434 = arith.constant 0 : i32
          %cond3A_435 = arith.cmpi ne, %convert_element_type3A_433, %cond3A_434 : i32
          %cond3A_436 = scf.if %cond3A_435 -> (i32) {
            %mul3A_437 = arith.constant 16 : i32
            %mul3A_438 = arith.muli %scan3A_416, %mul3A_437 : i32
            %get3A_439 = arith.index_cast %mul3A_438 : i32 to index
            %get3A_440 = tpu.vector_load %arg8[%get3A_439] {strides = array<i32>} : memref<400xi32, #tpu.memory_space<vmem>>, vector<16xi32>,
            %min3A = arith.constant 496 : i32
            %min3A_441 = arith.minsi %scan3A_417, %min3A : i32
            %swap3A_442 = arith.index_cast %min3A_441 : i32 to index
            %swap3A_443 = tpu.vector_load %arg9[%swap3A_442] masked %eq3A_427 {strides = array<i32>} : memref<512xi32, #tpu.memory_space<vmem>>, vector<16xi32>, vector<16xi1>
            tpu.vector_store %arg9[%swap3A_442], %get3A_440 masked %eq3A_427 {strides = array<i32>} : memref<512xi32, #tpu.memory_space<vmem>>, vector<16xi32>, vector<16xi1>
            %add3A_444 = arith.addi %scan3A_417, %squeeze3A_430 : i32
            %min3A_445 = arith.constant 496 : i32
            %min3A_446 = arith.minsi %add3A_444, %min3A_445 : i32
            scf.yield %min3A_446 : i32
          } else {
            scf.yield %scan3A_417 : i32
          }
          scf.yield %cond3A_436 : i32
        }
        %scan3A_415 = arith.constant 25 : i32
        scf.yield %scan3A_414 : i32
      } else {
        scf.yield %scan3A_104 : i32
      }
      scf.yield %cond3A_404 : i32
    }
    %scan3A_59 = arith.constant 25 : i32
    %dma_wait3A_60 = tpu.memref_slice %arg3[%add3A_49] : memref<1600000xi32, #tpu.memory_space<hbm>> -> memref<10000xi32, #tpu.memory_space<hbm>>
    %dma_wait3A_61 = tpu.memref_slice %arg3[%add3A_49] : memref<1600000xi32, #tpu.memory_space<hbm>> -> memref<10000xi32, #tpu.memory_space<hbm>>
    tpu.wait_dma2 semaphore(%arg11 : memref<!tpu.dma_semaphore, #tpu.memory_space<semaphore_mem>>) src(%dma_wait3A_61 : memref<10000xi32, #tpu.memory_space<hbm>>) dst(%arg6 : memref<10000xi32, #tpu.memory_space<vmem>>)
    %add3A_62 = arith.constant 40000 : i32
    %add3A_63 = arith.addi %mul3A_2, %add3A_62 : i32
    %scan3A_64 = arith.constant 0 : i32
    %scan3A_65 = arith.constant 25 : i32
    %scan3A_66 = arith.addi %scan3A_64, %scan3A_65 : i32
    %scan3A_67 = arith.constant 1 : i32
    %scan3A_68 = scf.for %scan3A_103 = %scan3A_64 to %scan3A_66 step %scan3A_67 iter_args(%scan3A_104 = %scan3A_58) -> (i32)  : i32 {
      %mul3A_105 = arith.constant 25 : i32
      %mul3A_106 = arith.muli %scan3A_103, %mul3A_105 : i32
      %add3A_107 = arith.constant 0 : i32
      %add3A_108 = arith.addi %mul3A_106, %add3A_107 : i32
      %mul3A_109 = arith.constant 16 : i32
      %mul3A_110 = arith.muli %add3A_108, %mul3A_109 : i32
      %get3A = arith.index_cast %mul3A_110 : i32 to index
      %get3A_111 = tpu.vector_load %arg6[%get3A] {strides = array<i32>} : memref<10000xi32, #tpu.memory_space<vmem>>, vector<16xi32>,
      %eq3A = arith.constant 49999 : i32
      %eq3A_112 = vector.broadcast %eq3A : i32 to vector<16xi32>
      %eq3A_113 = arith.cmpi eq, %get3A_111, %eq3A_112 : vector<16xi32>
      %or3A = arith.ori %broadcast_in_dim3A_3, %eq3A_113 : vector<16xi1>
      %mul3A_114 = arith.constant 25 : i32
      %mul3A_115 = arith.muli %scan3A_103, %mul3A_114 : i32
      %add3A_116 = arith.constant 1 : i32
      %add3A_117 = arith.addi %mul3A_115, %add3A_116 : i32
      %mul3A_118 = arith.constant 16 : i32
      %mul3A_119 = arith.muli %add3A_117, %mul3A_118 : i32
      %get3A_120 = arith.index_cast %mul3A_119 : i32 to index
      %get3A_121 = tpu.vector_load %arg6[%get3A_120] {strides = array<i32>} : memref<10000xi32, #tpu.memory_space<vmem>>, vector<16xi32>,
      %eq3A_122 = arith.constant 49999 : i32
      %eq3A_123 = vector.broadcast %eq3A_122 : i32 to vector<16xi32>
      %eq3A_124 = arith.cmpi eq, %get3A_121, %eq3A_123 : vector<16xi32>
      %or3A_125 = arith.ori %or3A, %eq3A_124 : vector<16xi1>
      %mul3A_126 = arith.constant 25 : i32
      %mul3A_127 = arith.muli %scan3A_103, %mul3A_126 : i32
      %add3A_128 = arith.constant 2 : i32
      %add3A_129 = arith.addi %mul3A_127, %add3A_128 : i32
      %mul3A_130 = arith.constant 16 : i32
      %mul3A_131 = arith.muli %add3A_129, %mul3A_130 : i32
      %get3A_132 = arith.index_cast %mul3A_131 : i32 to index
      %get3A_133 = tpu.vector_load %arg6[%get3A_132] {strides = array<i32>} : memref<10000xi32, #tpu.memory_space<vmem>>, vector<16xi32>,
      %eq3A_134 = arith.constant 49999 : i32
      %eq3A_135 = vector.broadcast %eq3A_134 : i32 to vector<16xi32>
      %eq3A_136 = arith.cmpi eq, %get3A_133, %eq3A_135 : vector<16xi32>
      %or3A_137 = arith.ori %or3A_125, %eq3A_136 : vector<16xi1>
      %mul3A_138 = arith.constant 25 : i32
      %mul3A_139 = arith.muli %scan3A_103, %mul3A_138 : i32
      %add3A_140 = arith.constant 3 : i32
      %add3A_141 = arith.addi %mul3A_139, %add3A_140 : i32
      %mul3A_142 = arith.constant 16 : i32
      %mul3A_143 = arith.muli %add3A_141, %mul3A_142 : i32
      %get3A_144 = arith.index_cast %mul3A_143 : i32 to index
      %get3A_145 = tpu.vector_load %arg6[%get3A_144] {strides = array<i32>} : memref<10000xi32, #tpu.memory_space<vmem>>, vector<16xi32>,
      %eq3A_146 = arith.constant 49999 : i32
      %eq3A_147 = vector.broadcast %eq3A_146 : i32 to vector<16xi32>
      %eq3A_148 = arith.cmpi eq, %get3A_145, %eq3A_147 : vector<16xi32>
      %or3A_149 = arith.ori %or3A_137, %eq3A_148 : vector<16xi1>
      %mul3A_150 = arith.constant 25 : i32
      %mul3A_151 = arith.muli %scan3A_103, %mul3A_150 : i32
      %add3A_152 = arith.constant 4 : i32
      %add3A_153 = arith.addi %mul3A_151, %add3A_152 : i32
      %mul3A_154 = arith.constant 16 : i32
      %mul3A_155 = arith.muli %add3A_153, %mul3A_154 : i32
      %get3A_156 = arith.index_cast %mul3A_155 : i32 to index
      %get3A_157 = tpu.vector_load %arg6[%get3A_156] {strides = array<i32>} : memref<10000xi32, #tpu.memory_space<vmem>>, vector<16xi32>,
      %eq3A_158 = arith.constant 49999 : i32
      %eq3A_159 = vector.broadcast %eq3A_158 : i32 to vector<16xi32>
      %eq3A_160 = arith.cmpi eq, %get3A_157, %eq3A_159 : vector<16xi32>
      %or3A_161 = arith.ori %or3A_149, %eq3A_160 : vector<16xi1>
      %mul3A_162 = arith.constant 25 : i32
      %mul3A_163 = arith.muli %scan3A_103, %mul3A_162 : i32
      %add3A_164 = arith.constant 5 : i32
      %add3A_165 = arith.addi %mul3A_163, %add3A_164 : i32
      %mul3A_166 = arith.constant 16 : i32
      %mul3A_167 = arith.muli %add3A_165, %mul3A_166 : i32
      %get3A_168 = arith.index_cast %mul3A_167 : i32 to index
      %get3A_169 = tpu.vector_load %arg6[%get3A_168] {strides = array<i32>} : memref<10000xi32, #tpu.memory_space<vmem>>, vector<16xi32>,
      %eq3A_170 = arith.constant 49999 : i32
      %eq3A_171 = vector.broadcast %eq3A_170 : i32 to vector<16xi32>
      %eq3A_172 = arith.cmpi eq, %get3A_169, %eq3A_171 : vector<16xi32>
      %or3A_173 = arith.ori %or3A_161, %eq3A_172 : vector<16xi1>
      %mul3A_174 = arith.constant 25 : i32
      %mul3A_175 = arith.muli %scan3A_103, %mul3A_174 : i32
      %add3A_176 = arith.constant 6 : i32
      %add3A_177 = arith.addi %mul3A_175, %add3A_176 : i32
      %mul3A_178 = arith.constant 16 : i32
      %mul3A_179 = arith.muli %add3A_177, %mul3A_178 : i32
      %get3A_180 = arith.index_cast %mul3A_179 : i32 to index
      %get3A_181 = tpu.vector_load %arg6[%get3A_180] {strides = array<i32>} : memref<10000xi32, #tpu.memory_space<vmem>>, vector<16xi32>,
      %eq3A_182 = arith.constant 49999 : i32
      %eq3A_183 = vector.broadcast %eq3A_182 : i32 to vector<16xi32>
      %eq3A_184 = arith.cmpi eq, %get3A_181, %eq3A_183 : vector<16xi32>
      %or3A_185 = arith.ori %or3A_173, %eq3A_184 : vector<16xi1>
      %mul3A_186 = arith.constant 25 : i32
      %mul3A_187 = arith.muli %scan3A_103, %mul3A_186 : i32
      %add3A_188 = arith.constant 7 : i32
      %add3A_189 = arith.addi %mul3A_187, %add3A_188 : i32
      %mul3A_190 = arith.constant 16 : i32
      %mul3A_191 = arith.muli %add3A_189, %mul3A_190 : i32
      %get3A_192 = arith.index_cast %mul3A_191 : i32 to index
      %get3A_193 = tpu.vector_load %arg6[%get3A_192] {strides = array<i32>} : memref<10000xi32, #tpu.memory_space<vmem>>, vector<16xi32>,
      %eq3A_194 = arith.constant 49999 : i32
      %eq3A_195 = vector.broadcast %eq3A_194 : i32 to vector<16xi32>
      %eq3A_196 = arith.cmpi eq, %get3A_193, %eq3A_195 : vector<16xi32>
      %or3A_197 = arith.ori %or3A_185, %eq3A_196 : vector<16xi1>
      %mul3A_198 = arith.constant 25 : i32
      %mul3A_199 = arith.muli %scan3A_103, %mul3A_198 : i32
      %add3A_200 = arith.constant 8 : i32
      %add3A_201 = arith.addi %mul3A_199, %add3A_200 : i32
      %mul3A_202 = arith.constant 16 : i32
      %mul3A_203 = arith.muli %add3A_201, %mul3A_202 : i32
      %get3A_204 = arith.index_cast %mul3A_203 : i32 to index
      %get3A_205 = tpu.vector_load %arg6[%get3A_204] {strides = array<i32>} : memref<10000xi32, #tpu.memory_space<vmem>>, vector<16xi32>,
      %eq3A_206 = arith.constant 49999 : i32
      %eq3A_207 = vector.broadcast %eq3A_206 : i32 to vector<16xi32>
      %eq3A_208 = arith.cmpi eq, %get3A_205, %eq3A_207 : vector<16xi32>
      %or3A_209 = arith.ori %or3A_197, %eq3A_208 : vector<16xi1>
      %mul3A_210 = arith.constant 25 : i32
      %mul3A_211 = arith.muli %scan3A_103, %mul3A_210 : i32
      %add3A_212 = arith.constant 9 : i32
      %add3A_213 = arith.addi %mul3A_211, %add3A_212 : i32
      %mul3A_214 = arith.constant 16 : i32
      %mul3A_215 = arith.muli %add3A_213, %mul3A_214 : i32
      %get3A_216 = arith.index_cast %mul3A_215 : i32 to index
      %get3A_217 = tpu.vector_load %arg6[%get3A_216] {strides = array<i32>} : memref<10000xi32, #tpu.memory_space<vmem>>, vector<16xi32>,
      %eq3A_218 = arith.constant 49999 : i32
      %eq3A_219 = vector.broadcast %eq3A_218 : i32 to vector<16xi32>
      %eq3A_220 = arith.cmpi eq, %get3A_217, %eq3A_219 : vector<16xi32>
      %or3A_221 = arith.ori %or3A_209, %eq3A_220 : vector<16xi1>
      %mul3A_222 = arith.constant 25 : i32
      %mul3A_223 = arith.muli %scan3A_103, %mul3A_222 : i32
      %add3A_224 = arith.constant 10 : i32
      %add3A_225 = arith.addi %mul3A_223, %add3A_224 : i32
      %mul3A_226 = arith.constant 16 : i32
      %mul3A_227 = arith.muli %add3A_225, %mul3A_226 : i32
      %get3A_228 = arith.index_cast %mul3A_227 : i32 to index
      %get3A_229 = tpu.vector_load %arg6[%get3A_228] {strides = array<i32>} : memref<10000xi32, #tpu.memory_space<vmem>>, vector<16xi32>,
      %eq3A_230 = arith.constant 49999 : i32
      %eq3A_231 = vector.broadcast %eq3A_230 : i32 to vector<16xi32>
      %eq3A_232 = arith.cmpi eq, %get3A_229, %eq3A_231 : vector<16xi32>
      %or3A_233 = arith.ori %or3A_221, %eq3A_232 : vector<16xi1>
      %mul3A_234 = arith.constant 25 : i32
      %mul3A_235 = arith.muli %scan3A_103, %mul3A_234 : i32
      %add3A_236 = arith.constant 11 : i32
      %add3A_237 = arith.addi %mul3A_235, %add3A_236 : i32
      %mul3A_238 = arith.constant 16 : i32
      %mul3A_239 = arith.muli %add3A_237, %mul3A_238 : i32
      %get3A_240 = arith.index_cast %mul3A_239 : i32 to index
      %get3A_241 = tpu.vector_load %arg6[%get3A_240] {strides = array<i32>} : memref<10000xi32, #tpu.memory_space<vmem>>, vector<16xi32>,
      %eq3A_242 = arith.constant 49999 : i32
      %eq3A_243 = vector.broadcast %eq3A_242 : i32 to vector<16xi32>
      %eq3A_244 = arith.cmpi eq, %get3A_241, %eq3A_243 : vector<16xi32>
      %or3A_245 = arith.ori %or3A_233, %eq3A_244 : vector<16xi1>
      %mul3A_246 = arith.constant 25 : i32
      %mul3A_247 = arith.muli %scan3A_103, %mul3A_246 : i32
      %add3A_248 = arith.constant 12 : i32
      %add3A_249 = arith.addi %mul3A_247, %add3A_248 : i32
      %mul3A_250 = arith.constant 16 : i32
      %mul3A_251 = arith.muli %add3A_249, %mul3A_250 : i32
      %get3A_252 = arith.index_cast %mul3A_251 : i32 to index
      %get3A_253 = tpu.vector_load %arg6[%get3A_252] {strides = array<i32>} : memref<10000xi32, #tpu.memory_space<vmem>>, vector<16xi32>,
      %eq3A_254 = arith.constant 49999 : i32
      %eq3A_255 = vector.broadcast %eq3A_254 : i32 to vector<16xi32>
      %eq3A_256 = arith.cmpi eq, %get3A_253, %eq3A_255 : vector<16xi32>
      %or3A_257 = arith.ori %or3A_245, %eq3A_256 : vector<16xi1>
      %mul3A_258 = arith.constant 25 : i32
      %mul3A_259 = arith.muli %scan3A_103, %mul3A_258 : i32
      %add3A_260 = arith.constant 13 : i32
      %add3A_261 = arith.addi %mul3A_259, %add3A_260 : i32
      %mul3A_262 = arith.constant 16 : i32
      %mul3A_263 = arith.muli %add3A_261, %mul3A_262 : i32
      %get3A_264 = arith.index_cast %mul3A_263 : i32 to index
      %get3A_265 = tpu.vector_load %arg6[%get3A_264] {strides = array<i32>} : memref<10000xi32, #tpu.memory_space<vmem>>, vector<16xi32>,
      %eq3A_266 = arith.constant 49999 : i32
      %eq3A_267 = vector.broadcast %eq3A_266 : i32 to vector<16xi32>
      %eq3A_268 = arith.cmpi eq, %get3A_265, %eq3A_267 : vector<16xi32>
      %or3A_269 = arith.ori %or3A_257, %eq3A_268 : vector<16xi1>
      %mul3A_270 = arith.constant 25 : i32
      %mul3A_271 = arith.muli %scan3A_103, %mul3A_270 : i32
      %add3A_272 = arith.constant 14 : i32
      %add3A_273 = arith.addi %mul3A_271, %add3A_272 : i32
      %mul3A_274 = arith.constant 16 : i32
      %mul3A_275 = arith.muli %add3A_273, %mul3A_274 : i32
      %get3A_276 = arith.index_cast %mul3A_275 : i32 to index
      %get3A_277 = tpu.vector_load %arg6[%get3A_276] {strides = array<i32>} : memref<10000xi32, #tpu.memory_space<vmem>>, vector<16xi32>,
      %eq3A_278 = arith.constant 49999 : i32
      %eq3A_279 = vector.broadcast %eq3A_278 : i32 to vector<16xi32>
      %eq3A_280 = arith.cmpi eq, %get3A_277, %eq3A_279 : vector<16xi32>
      %or3A_281 = arith.ori %or3A_269, %eq3A_280 : vector<16xi1>
      %mul3A_282 = arith.constant 25 : i32
      %mul3A_283 = arith.muli %scan3A_103, %mul3A_282 : i32
      %add3A_284 = arith.constant 15 : i32
      %add3A_285 = arith.addi %mul3A_283, %add3A_284 : i32
      %mul3A_286 = arith.constant 16 : i32
      %mul3A_287 = arith.muli %add3A_285, %mul3A_286 : i32
      %get3A_288 = arith.index_cast %mul3A_287 : i32 to index
      %get3A_289 = tpu.vector_load %arg6[%get3A_288] {strides = array<i32>} : memref<10000xi32, #tpu.memory_space<vmem>>, vector<16xi32>,
      %eq3A_290 = arith.constant 49999 : i32
      %eq3A_291 = vector.broadcast %eq3A_290 : i32 to vector<16xi32>
      %eq3A_292 = arith.cmpi eq, %get3A_289, %eq3A_291 : vector<16xi32>
      %or3A_293 = arith.ori %or3A_281, %eq3A_292 : vector<16xi1>
      %mul3A_294 = arith.constant 25 : i32
      %mul3A_295 = arith.muli %scan3A_103, %mul3A_294 : i32
      %add3A_296 = arith.constant 16 : i32
      %add3A_297 = arith.addi %mul3A_295, %add3A_296 : i32
      %mul3A_298 = arith.constant 16 : i32
      %mul3A_299 = arith.muli %add3A_297, %mul3A_298 : i32
      %get3A_300 = arith.index_cast %mul3A_299 : i32 to index
      %get3A_301 = tpu.vector_load %arg6[%get3A_300] {strides = array<i32>} : memref<10000xi32, #tpu.memory_space<vmem>>, vector<16xi32>,
      %eq3A_302 = arith.constant 49999 : i32
      %eq3A_303 = vector.broadcast %eq3A_302 : i32 to vector<16xi32>
      %eq3A_304 = arith.cmpi eq, %get3A_301, %eq3A_303 : vector<16xi32>
      %or3A_305 = arith.ori %or3A_293, %eq3A_304 : vector<16xi1>
      %mul3A_306 = arith.constant 25 : i32
      %mul3A_307 = arith.muli %scan3A_103, %mul3A_306 : i32
      %add3A_308 = arith.constant 17 : i32
      %add3A_309 = arith.addi %mul3A_307, %add3A_308 : i32
      %mul3A_310 = arith.constant 16 : i32
      %mul3A_311 = arith.muli %add3A_309, %mul3A_310 : i32
      %get3A_312 = arith.index_cast %mul3A_311 : i32 to index
      %get3A_313 = tpu.vector_load %arg6[%get3A_312] {strides = array<i32>} : memref<10000xi32, #tpu.memory_space<vmem>>, vector<16xi32>,
      %eq3A_314 = arith.constant 49999 : i32
      %eq3A_315 = vector.broadcast %eq3A_314 : i32 to vector<16xi32>
      %eq3A_316 = arith.cmpi eq, %get3A_313, %eq3A_315 : vector<16xi32>
      %or3A_317 = arith.ori %or3A_305, %eq3A_316 : vector<16xi1>
      %mul3A_318 = arith.constant 25 : i32
      %mul3A_319 = arith.muli %scan3A_103, %mul3A_318 : i32
      %add3A_320 = arith.constant 18 : i32
      %add3A_321 = arith.addi %mul3A_319, %add3A_320 : i32
      %mul3A_322 = arith.constant 16 : i32
      %mul3A_323 = arith.muli %add3A_321, %mul3A_322 : i32
      %get3A_324 = arith.index_cast %mul3A_323 : i32 to index
      %get3A_325 = tpu.vector_load %arg6[%get3A_324] {strides = array<i32>} : memref<10000xi32, #tpu.memory_space<vmem>>, vector<16xi32>,
      %eq3A_326 = arith.constant 49999 : i32
      %eq3A_327 = vector.broadcast %eq3A_326 : i32 to vector<16xi32>
      %eq3A_328 = arith.cmpi eq, %get3A_325, %eq3A_327 : vector<16xi32>
      %or3A_329 = arith.ori %or3A_317, %eq3A_328 : vector<16xi1>
      %mul3A_330 = arith.constant 25 : i32
      %mul3A_331 = arith.muli %scan3A_103, %mul3A_330 : i32
      %add3A_332 = arith.constant 19 : i32
      %add3A_333 = arith.addi %mul3A_331, %add3A_332 : i32
      %mul3A_334 = arith.constant 16 : i32
      %mul3A_335 = arith.muli %add3A_333, %mul3A_334 : i32
      %get3A_336 = arith.index_cast %mul3A_335 : i32 to index
      %get3A_337 = tpu.vector_load %arg6[%get3A_336] {strides = array<i32>} : memref<10000xi32, #tpu.memory_space<vmem>>, vector<16xi32>,
      %eq3A_338 = arith.constant 49999 : i32
      %eq3A_339 = vector.broadcast %eq3A_338 : i32 to vector<16xi32>
      %eq3A_340 = arith.cmpi eq, %get3A_337, %eq3A_339 : vector<16xi32>
      %or3A_341 = arith.ori %or3A_329, %eq3A_340 : vector<16xi1>
      %mul3A_342 = arith.constant 25 : i32
      %mul3A_343 = arith.muli %scan3A_103, %mul3A_342 : i32
      %add3A_344 = arith.constant 20 : i32
      %add3A_345 = arith.addi %mul3A_343, %add3A_344 : i32
      %mul3A_346 = arith.constant 16 : i32
      %mul3A_347 = arith.muli %add3A_345, %mul3A_346 : i32
      %get3A_348 = arith.index_cast %mul3A_347 : i32 to index
      %get3A_349 = tpu.vector_load %arg6[%get3A_348] {strides = array<i32>} : memref<10000xi32, #tpu.memory_space<vmem>>, vector<16xi32>,
      %eq3A_350 = arith.constant 49999 : i32
      %eq3A_351 = vector.broadcast %eq3A_350 : i32 to vector<16xi32>
      %eq3A_352 = arith.cmpi eq, %get3A_349, %eq3A_351 : vector<16xi32>
      %or3A_353 = arith.ori %or3A_341, %eq3A_352 : vector<16xi1>
      %mul3A_354 = arith.constant 25 : i32
      %mul3A_355 = arith.muli %scan3A_103, %mul3A_354 : i32
      %add3A_356 = arith.constant 21 : i32
      %add3A_357 = arith.addi %mul3A_355, %add3A_356 : i32
      %mul3A_358 = arith.constant 16 : i32
      %mul3A_359 = arith.muli %add3A_357, %mul3A_358 : i32
      %get3A_360 = arith.index_cast %mul3A_359 : i32 to index
      %get3A_361 = tpu.vector_load %arg6[%get3A_360] {strides = array<i32>} : memref<10000xi32, #tpu.memory_space<vmem>>, vector<16xi32>,
      %eq3A_362 = arith.constant 49999 : i32
      %eq3A_363 = vector.broadcast %eq3A_362 : i32 to vector<16xi32>
      %eq3A_364 = arith.cmpi eq, %get3A_361, %eq3A_363 : vector<16xi32>
      %or3A_365 = arith.ori %or3A_353, %eq3A_364 : vector<16xi1>
      %mul3A_366 = arith.constant 25 : i32
      %mul3A_367 = arith.muli %scan3A_103, %mul3A_366 : i32
      %add3A_368 = arith.constant 22 : i32
      %add3A_369 = arith.addi %mul3A_367, %add3A_368 : i32
      %mul3A_370 = arith.constant 16 : i32
      %mul3A_371 = arith.muli %add3A_369, %mul3A_370 : i32
      %get3A_372 = arith.index_cast %mul3A_371 : i32 to index
      %get3A_373 = tpu.vector_load %arg6[%get3A_372] {strides = array<i32>} : memref<10000xi32, #tpu.memory_space<vmem>>, vector<16xi32>,
      %eq3A_374 = arith.constant 49999 : i32
      %eq3A_375 = vector.broadcast %eq3A_374 : i32 to vector<16xi32>
      %eq3A_376 = arith.cmpi eq, %get3A_373, %eq3A_375 : vector<16xi32>
      %or3A_377 = arith.ori %or3A_365, %eq3A_376 : vector<16xi1>
      %mul3A_378 = arith.constant 25 : i32
      %mul3A_379 = arith.muli %scan3A_103, %mul3A_378 : i32
      %add3A_380 = arith.constant 23 : i32
      %add3A_381 = arith.addi %mul3A_379, %add3A_380 : i32
      %mul3A_382 = arith.constant 16 : i32
      %mul3A_383 = arith.muli %add3A_381, %mul3A_382 : i32
      %get3A_384 = arith.index_cast %mul3A_383 : i32 to index
      %get3A_385 = tpu.vector_load %arg6[%get3A_384] {strides = array<i32>} : memref<10000xi32, #tpu.memory_space<vmem>>, vector<16xi32>,
      %eq3A_386 = arith.constant 49999 : i32
      %eq3A_387 = vector.broadcast %eq3A_386 : i32 to vector<16xi32>
      %eq3A_388 = arith.cmpi eq, %get3A_385, %eq3A_387 : vector<16xi32>
      %or3A_389 = arith.ori %or3A_377, %eq3A_388 : vector<16xi1>
      %mul3A_390 = arith.constant 25 : i32
      %mul3A_391 = arith.muli %scan3A_103, %mul3A_390 : i32
      %add3A_392 = arith.constant 24 : i32
      %add3A_393 = arith.addi %mul3A_391, %add3A_392 : i32
      %mul3A_394 = arith.constant 16 : i32
      %mul3A_395 = arith.muli %add3A_393, %mul3A_394 : i32
      %get3A_396 = arith.index_cast %mul3A_395 : i32 to index
      %get3A_397 = tpu.vector_load %arg6[%get3A_396] {strides = array<i32>} : memref<10000xi32, #tpu.memory_space<vmem>>, vector<16xi32>,
      %eq3A_398 = arith.constant 49999 : i32
      %eq3A_399 = vector.broadcast %eq3A_398 : i32 to vector<16xi32>
      %eq3A_400 = arith.cmpi eq, %get3A_397, %eq3A_399 : vector<16xi32>
      %or3A_401 = arith.ori %or3A_389, %eq3A_400 : vector<16xi1>
      %all_reduce_population_count3A = tpu.all_reduce %or3A_401 {dim = 0 : i64, kind = #tpu.reduction_kind<sum>} : vector<16xi1> -> vector<16xi32>
      %slice3A = vector.extract_strided_slice %all_reduce_population_count3A {offsets = [0], sizes = [1], strides = [1]} : vector<16xi32> to vector<1xi32>
      %squeeze3A = vector.extract %slice3A[0] : i32 from vector<1xi32>
      %gt3A = arith.constant 0 : i32
      %gt3A_402 = arith.cmpi sgt, %squeeze3A, %gt3A : i32
      %convert_element_type3A = arith.extui %gt3A_402 : i1 to i32
      %cond3A = arith.constant 0 : i32
      %cond3A_403 = arith.cmpi ne, %convert_element_type3A, %cond3A : i32
      %cond3A_404 = scf.if %cond3A_403 -> (i32) {
        %mul3A_405 = arith.constant 25 : i32
        %mul3A_406 = arith.muli %scan3A_103, %mul3A_405 : i32
        %mul3A_407 = arith.constant 16 : i32
        %mul3A_408 = arith.muli %mul3A_406, %mul3A_407 : i32
        %add3A_409 = arith.addi %add3A_63, %mul3A_408 : i32
        "tpu.region"() ({
          %run_scoped3A = tpu.sem_alloc : memref<!tpu.dma_semaphore, #tpu.memory_space<semaphore_mem>>
          %dma_start3A_416 = tpu.memref_slice %arg2[%add3A_409] : memref<1600000xi32, #tpu.memory_space<hbm>> -> memref<400xi32, #tpu.memory_space<hbm>>
          %dma_start3A_417 = tpu.memref_slice %arg2[%add3A_409] : memref<1600000xi32, #tpu.memory_space<hbm>> -> memref<400xi32, #tpu.memory_space<hbm>>
          tpu.enqueue_dma source(%dma_start3A_417 : memref<400xi32, #tpu.memory_space<hbm>>) target(%arg8 : memref<400xi32, #tpu.memory_space<vmem>>) target_semaphore(%run_scoped3A : memref<!tpu.dma_semaphore, #tpu.memory_space<semaphore_mem>>)
          %dma_wait3A_418 = tpu.memref_slice %arg2[%add3A_409] : memref<1600000xi32, #tpu.memory_space<hbm>> -> memref<400xi32, #tpu.memory_space<hbm>>
          %dma_wait3A_419 = tpu.memref_slice %arg2[%add3A_409] : memref<1600000xi32, #tpu.memory_space<hbm>> -> memref<400xi32, #tpu.memory_space<hbm>>
          tpu.wait_dma2 semaphore(%run_scoped3A : memref<!tpu.dma_semaphore, #tpu.memory_space<semaphore_mem>>) src(%dma_wait3A_419 : memref<400xi32, #tpu.memory_space<hbm>>) dst(%arg8 : memref<400xi32, #tpu.memory_space<vmem>>)
          tpu.yield
        }) : () -> ()
        %scan3A_410 = arith.constant 0 : i32
        %scan3A_411 = arith.constant 25 : i32
        %scan3A_412 = arith.addi %scan3A_410, %scan3A_411 : i32
        %scan3A_413 = arith.constant 1 : i32
        %scan3A_414 = scf.for %scan3A_416 = %scan3A_410 to %scan3A_412 step %scan3A_413 iter_args(%scan3A_417 = %scan3A_104) -> (i32)  : i32 {
          %mul3A_418 = arith.constant 25 : i32
          %mul3A_419 = arith.muli %scan3A_103, %mul3A_418 : i32
          %add3A_420 = arith.addi %mul3A_419, %scan3A_416 : i32
          %mul3A_421 = arith.constant 16 : i32
          %mul3A_422 = arith.muli %add3A_420, %mul3A_421 : i32
          %get3A_423 = arith.index_cast %mul3A_422 : i32 to index
          %get3A_424 = tpu.vector_load %arg6[%get3A_423] {strides = array<i32>} : memref<10000xi32, #tpu.memory_space<vmem>>, vector<16xi32>,
          %eq3A_425 = arith.constant 49999 : i32
          %eq3A_426 = vector.broadcast %eq3A_425 : i32 to vector<16xi32>
          %eq3A_427 = arith.cmpi eq, %get3A_424, %eq3A_426 : vector<16xi32>
          %all_reduce_population_count3A_428 = tpu.all_reduce %eq3A_427 {dim = 0 : i64, kind = #tpu.reduction_kind<sum>} : vector<16xi1> -> vector<16xi32>
          %slice3A_429 = vector.extract_strided_slice %all_reduce_population_count3A_428 {offsets = [0], sizes = [1], strides = [1]} : vector<16xi32> to vector<1xi32>
          %squeeze3A_430 = vector.extract %slice3A_429[0] : i32 from vector<1xi32>
          %gt3A_431 = arith.constant 0 : i32
          %gt3A_432 = arith.cmpi sgt, %squeeze3A_430, %gt3A_431 : i32
          %convert_element_type3A_433 = arith.extui %gt3A_432 : i1 to i32
          %cond3A_434 = arith.constant 0 : i32
          %cond3A_435 = arith.cmpi ne, %convert_element_type3A_433, %cond3A_434 : i32
          %cond3A_436 = scf.if %cond3A_435 -> (i32) {
            %mul3A_437 = arith.constant 16 : i32
            %mul3A_438 = arith.muli %scan3A_416, %mul3A_437 : i32
            %get3A_439 = arith.index_cast %mul3A_438 : i32 to index
            %get3A_440 = tpu.vector_load %arg8[%get3A_439] {strides = array<i32>} : memref<400xi32, #tpu.memory_space<vmem>>, vector<16xi32>,
            %min3A = arith.constant 496 : i32
            %min3A_441 = arith.minsi %scan3A_417, %min3A : i32
            %swap3A_442 = arith.index_cast %min3A_441 : i32 to index
            %swap3A_443 = tpu.vector_load %arg9[%swap3A_442] masked %eq3A_427 {strides = array<i32>} : memref<512xi32, #tpu.memory_space<vmem>>, vector<16xi32>, vector<16xi1>
            tpu.vector_store %arg9[%swap3A_442], %get3A_440 masked %eq3A_427 {strides = array<i32>} : memref<512xi32, #tpu.memory_space<vmem>>, vector<16xi32>, vector<16xi1>
            %add3A_444 = arith.addi %scan3A_417, %squeeze3A_430 : i32
            %min3A_445 = arith.constant 496 : i32
            %min3A_446 = arith.minsi %add3A_444, %min3A_445 : i32
            scf.yield %min3A_446 : i32
          } else {
            scf.yield %scan3A_417 : i32
          }
          scf.yield %cond3A_436 : i32
        }
        %scan3A_415 = arith.constant 25 : i32
        scf.yield %scan3A_414 : i32
      } else {
        scf.yield %scan3A_104 : i32
      }
      scf.yield %cond3A_404 : i32
    }
    %scan3A_69 = arith.constant 25 : i32
    %add3A_70 = arith.constant 16 : i32
    %add3A_71 = arith.addi %scan3A_68, %add3A_70 : i32
    %sub3A = arith.constant 1 : i32
    %sub3A_72 = arith.subi %add3A_71, %sub3A : i32
    %jit3A = arith.constant 16 : i32
    %div3A = arith.divsi %sub3A_72, %jit3A : i32
    %sign3A = arith.constant 0 : i32
    %sign3A_73 = arith.cmpi sgt, %sub3A_72, %sign3A : i32
    %sign3A_74 = arith.extui %sign3A_73 : i1 to i32
    %sign3A_75 = arith.constant 0 : i32
    %sign3A_76 = arith.cmpi slt, %sub3A_72, %sign3A_75 : i32
    %sign3A_77 = arith.extui %sign3A_76 : i1 to i32
    %sign3A_78 = arith.subi %sign3A_74, %sign3A_77 : i32
    %sign3A_79 = arith.constant 0 : i32
    %sign3A_80 = arith.cmpi sgt, %jit3A, %sign3A_79 : i32
    %sign3A_81 = arith.extui %sign3A_80 : i1 to i32
    %sign3A_82 = arith.constant 0 : i32
    %sign3A_83 = arith.cmpi slt, %jit3A, %sign3A_82 : i32
    %sign3A_84 = arith.extui %sign3A_83 : i1 to i32
    %sign3A_85 = arith.subi %sign3A_81, %sign3A_84 : i32
    %ne3A = arith.cmpi ne, %sign3A_78, %sign3A_85 : i32
    %rem3A = arith.remsi %sub3A_72, %jit3A : i32
    %ne3A_86 = arith.constant 0 : i32
    %ne3A_87 = arith.cmpi ne, %rem3A, %ne3A_86 : i32
    %and3A = arith.andi %ne3A, %ne3A_87 : i1
    %sub3A_88 = arith.constant 1 : i32
    %sub3A_89 = arith.subi %div3A, %sub3A_88 : i32
    %select_n3A = arith.select %and3A, %sub3A_89, %div3A : i32
    %while3A = arith.constant 0 : i32
    %while3A_90 = arith.constant 0 : i32
    %while3A_91 = arith.subi %select_n3A, %while3A_90 : i32
    %while3A_92 = arith.addi %while3A_90, %while3A_91 : i32
    %while3A_93 = arith.constant 1 : i32
    %while3A_94 = arith.divsi %while3A_91, %while3A_93 : i32
    %while3A_95 = arith.muli %while3A_94, %while3A_93 : i32
    %while3A_96 = arith.addi %while3A_90, %while3A_95 : i32
    %while3A_97 = arith.constant 1 : i32
    scf.for %while3A_103 = %while3A_90 to %while3A_96 step %while3A_97  : i32 {
      %mul3A_104 = arith.constant 16 : i32
      %mul3A_105 = arith.muli %while3A_103, %mul3A_104 : i32
      %mul3A_106 = arith.constant 512 : i32
      %mul3A_107 = arith.muli %add3A, %mul3A_106 : i32
      %mul3A_108 = arith.constant 16 : i32
      %mul3A_109 = arith.muli %while3A_103, %mul3A_108 : i32
      %add3A_110 = arith.addi %mul3A_107, %mul3A_109 : i32
      "tpu.region"() ({
        %run_scoped3A = tpu.sem_alloc : memref<!tpu.dma_semaphore, #tpu.memory_space<semaphore_mem>>
        %dma_start3A_111 = tpu.memref_slice %arg9[%mul3A_105] : memref<512xi32, #tpu.memory_space<vmem>> -> memref<16xi32, #tpu.memory_space<vmem>>
        %dma_start3A_112 = tpu.memref_slice %arg4[%add3A_110] : memref<16384xi32, #tpu.memory_space<hbm>> -> memref<16xi32, #tpu.memory_space<hbm>>
        %dma_start3A_113 = tpu.memref_slice %arg4[%add3A_110] : memref<16384xi32, #tpu.memory_space<hbm>> -> memref<16xi32, #tpu.memory_space<hbm>>
        %dma_start3A_114 = tpu.memref_slice %arg9[%mul3A_105] : memref<512xi32, #tpu.memory_space<vmem>> -> memref<16xi32, #tpu.memory_space<vmem>>
        tpu.enqueue_dma source(%dma_start3A_114 : memref<16xi32, #tpu.memory_space<vmem>>) target(%dma_start3A_113 : memref<16xi32, #tpu.memory_space<hbm>>) target_semaphore(%run_scoped3A : memref<!tpu.dma_semaphore, #tpu.memory_space<semaphore_mem>>)
        %dma_wait3A_115 = tpu.memref_slice %arg9[%mul3A_105] : memref<512xi32, #tpu.memory_space<vmem>> -> memref<16xi32, #tpu.memory_space<vmem>>
        %dma_wait3A_116 = tpu.memref_slice %arg4[%add3A_110] : memref<16384xi32, #tpu.memory_space<hbm>> -> memref<16xi32, #tpu.memory_space<hbm>>
        %dma_wait3A_117 = tpu.memref_slice %arg4[%add3A_110] : memref<16384xi32, #tpu.memory_space<hbm>> -> memref<16xi32, #tpu.memory_space<hbm>>
        %dma_wait3A_118 = tpu.memref_slice %arg9[%mul3A_105] : memref<512xi32, #tpu.memory_space<vmem>> -> memref<16xi32, #tpu.memory_space<vmem>>
        tpu.wait_dma2 semaphore(%run_scoped3A : memref<!tpu.dma_semaphore, #tpu.memory_space<semaphore_mem>>) src(%dma_wait3A_118 : memref<16xi32, #tpu.memory_space<vmem>>) dst(%dma_wait3A_117 : memref<16xi32, #tpu.memory_space<hbm>>)
        tpu.yield
      }) : () -> ()
    }
    %while3A_98 = arith.constant 1 : i32
    scf.for %while3A_103 = %while3A_96 to %while3A_92 step %while3A_98  : i32 {
      %mul3A_104 = arith.constant 16 : i32
      %mul3A_105 = arith.muli %while3A_103, %mul3A_104 : i32
      %mul3A_106 = arith.constant 512 : i32
      %mul3A_107 = arith.muli %add3A, %mul3A_106 : i32
      %mul3A_108 = arith.constant 16 : i32
      %mul3A_109 = arith.muli %while3A_103, %mul3A_108 : i32
      %add3A_110 = arith.addi %mul3A_107, %mul3A_109 : i32
      "tpu.region"() ({
        %run_scoped3A = tpu.sem_alloc : memref<!tpu.dma_semaphore, #tpu.memory_space<semaphore_mem>>
        %dma_start3A_111 = tpu.memref_slice %arg9[%mul3A_105] : memref<512xi32, #tpu.memory_space<vmem>> -> memref<16xi32, #tpu.memory_space<vmem>>
        %dma_start3A_112 = tpu.memref_slice %arg4[%add3A_110] : memref<16384xi32, #tpu.memory_space<hbm>> -> memref<16xi32, #tpu.memory_space<hbm>>
        %dma_start3A_113 = tpu.memref_slice %arg4[%add3A_110] : memref<16384xi32, #tpu.memory_space<hbm>> -> memref<16xi32, #tpu.memory_space<hbm>>
        %dma_start3A_114 = tpu.memref_slice %arg9[%mul3A_105] : memref<512xi32, #tpu.memory_space<vmem>> -> memref<16xi32, #tpu.memory_space<vmem>>
        tpu.enqueue_dma source(%dma_start3A_114 : memref<16xi32, #tpu.memory_space<vmem>>) target(%dma_start3A_113 : memref<16xi32, #tpu.memory_space<hbm>>) target_semaphore(%run_scoped3A : memref<!tpu.dma_semaphore, #tpu.memory_space<semaphore_mem>>)
        %dma_wait3A_115 = tpu.memref_slice %arg9[%mul3A_105] : memref<512xi32, #tpu.memory_space<vmem>> -> memref<16xi32, #tpu.memory_space<vmem>>
        %dma_wait3A_116 = tpu.memref_slice %arg4[%add3A_110] : memref<16384xi32, #tpu.memory_space<hbm>> -> memref<16xi32, #tpu.memory_space<hbm>>
        %dma_wait3A_117 = tpu.memref_slice %arg4[%add3A_110] : memref<16384xi32, #tpu.memory_space<hbm>> -> memref<16xi32, #tpu.memory_space<hbm>>
        %dma_wait3A_118 = tpu.memref_slice %arg9[%mul3A_105] : memref<512xi32, #tpu.memory_space<vmem>> -> memref<16xi32, #tpu.memory_space<vmem>>
        tpu.wait_dma2 semaphore(%run_scoped3A : memref<!tpu.dma_semaphore, #tpu.memory_space<semaphore_mem>>) src(%dma_wait3A_118 : memref<16xi32, #tpu.memory_space<vmem>>) dst(%dma_wait3A_117 : memref<16xi32, #tpu.memory_space<hbm>>)
        tpu.yield
      }) : () -> ()
    }
    %broadcast_in_dim3A_99 = vector.broadcast %scan3A_68 : i32 to vector<16xi32>
    %swap3A = arith.constant 0 : index
    %swap3A_100 = tpu.vector_load %arg10[%swap3A] {strides = array<i32>} : memref<16xi32, #tpu.memory_space<vmem>>, vector<16xi32>,
    tpu.vector_store %arg10[%swap3A], %broadcast_in_dim3A_99 {strides = array<i32>} : memref<16xi32, #tpu.memory_space<vmem>>, vector<16xi32>,
    %mul3A_101 = arith.constant 16 : i32
    %mul3A_102 = arith.muli %add3A, %mul3A_101 : i32
    "tpu.region"() ({
      %run_scoped3A = tpu.sem_alloc : memref<!tpu.dma_semaphore, #tpu.memory_space<semaphore_mem>>
      %dma_start3A_103 = tpu.memref_slice %arg5[%mul3A_102] : memref<512xi32, #tpu.memory_space<hbm>> -> memref<16xi32, #tpu.memory_space<hbm>>
      %dma_start3A_104 = tpu.memref_slice %arg5[%mul3A_102] : memref<512xi32, #tpu.memory_space<hbm>> -> memref<16xi32, #tpu.memory_space<hbm>>
      tpu.enqueue_dma source(%arg10 : memref<16xi32, #tpu.memory_space<vmem>>) target(%dma_start3A_104 : memref<16xi32, #tpu.memory_space<hbm>>) target_semaphore(%run_scoped3A : memref<!tpu.dma_semaphore, #tpu.memory_space<semaphore_mem>>)
      %dma_wait3A_105 = tpu.memref_slice %arg5[%mul3A_102] : memref<512xi32, #tpu.memory_space<hbm>> -> memref<16xi32, #tpu.memory_space<hbm>>
      %dma_wait3A_106 = tpu.memref_slice %arg5[%mul3A_102] : memref<512xi32, #tpu.memory_space<hbm>> -> memref<16xi32, #tpu.memory_space<hbm>>
      tpu.wait_dma2 semaphore(%run_scoped3A : memref<!tpu.dma_semaphore, #tpu.memory_space<semaphore_mem>>) src(%arg10 : memref<16xi32, #tpu.memory_space<vmem>>) dst(%dma_wait3A_106 : memref<16xi32, #tpu.memory_space<hbm>>)
      tpu.yield
    }) : () -> ()
    return
  }
}

module attributes {stable_mosaic.version = 14 : i64} {
  func.func @_l4_body(%arg0: memref<4352x256xf32, #tpu.memory_space<vmem>>, %arg1: memref<1x4352xi32, #tpu.memory_space<vmem>>, %arg2: memref<4352x1xi32, #tpu.memory_space<vmem>>, %arg3: memref<256x1xf32, #tpu.memory_space<vmem>>, %arg4: memref<256x128xf32, #tpu.memory_space<vmem>>, %arg5: memref<1x128xf32, #tpu.memory_space<vmem>>, %arg6: memref<128x128xf32, #tpu.memory_space<vmem>>, %arg7: memref<1x128xf32, #tpu.memory_space<vmem>>, %arg8: memref<128x128xf32, #tpu.memory_space<vmem>>, %arg9: memref<1x128xf32, #tpu.memory_space<vmem>>, %arg10: memref<128x128xf32, #tpu.memory_space<vmem>>, %arg11: memref<1x128xf32, #tpu.memory_space<vmem>>, %arg12: memref<128x16xf32, #tpu.memory_space<vmem>>, %arg13: memref<1x16xf32, #tpu.memory_space<vmem>>, %arg14: memref<1x16xf32, #tpu.memory_space<vmem>>) attributes {dimension_semantics = [], scalar_prefetch = 0 : i64, scratch_operands = 0 : i64, tpu.core_type = #tpu.core_type<tc>} {
    %get3A = arith.constant 0 : index
    %get3A_0 = arith.constant 0 : index
    %get3A_1 = vector.load %arg0[%get3A, %get3A_0] : memref<4352x256xf32, #tpu.memory_space<vmem>>, vector<4352x256xf32>
    %get3A_2 = arith.constant 0 : index
    %get3A_3 = arith.constant 0 : index
    %get3A_4 = vector.load %arg2[%get3A_2, %get3A_3] : memref<4352x1xi32, #tpu.memory_space<vmem>>, vector<4352x1xi32>
    %ne3A = arith.constant 256 : i32
    %ne3A_5 = vector.broadcast %ne3A : i32 to vector<4352x1xi32>
    %ne3A_6 = arith.cmpi ne, %get3A_4, %ne3A_5 : vector<4352x1xi32>
    %jit3A = arith.constant 0.000000e+00 : f32
    %broadcast_in_dim3A = vector.shape_cast %ne3A_6 : vector<4352x1xi1> to vector<4352x1xi1>
    %broadcast_in_dim3A_7 = vector.broadcast %broadcast_in_dim3A : vector<4352x1xi1> to vector<4352x256xi1>
    %broadcast_in_dim3A_8 = vector.broadcast %jit3A : f32 to vector<4352x256xf32>
    %select_n3A = arith.select %broadcast_in_dim3A_7, %get3A_1, %broadcast_in_dim3A_8 : vector<4352x256xi1>, vector<4352x256xf32>
    %get3A_9 = arith.constant 0 : index
    %get3A_10 = arith.constant 0 : index
    %get3A_11 = vector.load %arg1[%get3A_9, %get3A_10] : memref<1x4352xi32, #tpu.memory_space<vmem>>, vector<1x4352xi32>
    %iota3A = tpu.iota {dimensions = array<i32: 0>} : vector<256x4352xi32>
    %eq3A = vector.broadcast %get3A_11 : vector<1x4352xi32> to vector<256x4352xi32>
    %eq3A_12 = arith.cmpi eq, %iota3A, %eq3A : vector<256x4352xi32>
    %convert_element_type3A = arith.extui %eq3A_12 : vector<256x4352xi1> to vector<256x4352xi32>
    %convert_element_type3A_13 = arith.sitofp %convert_element_type3A : vector<256x4352xi32> to vector<256x4352xf32>
    %dot_general3A = arith.constant dense<0.000000e+00> : vector<256x256xf32>
    %dot_general3A_14 = tpu.matmul %convert_element_type3A_13, %select_n3A, %dot_general3A {dimension_numbers = #tpu.dot_dimension_numbers<[1], [0], [0], [1], [0, 0, 1, 1], [], []>, transpose_lhs_hint = false} : vector<256x4352xf32>, vector<4352x256xf32>, vector<256x256xf32> -> vector<256x256xf32>
    %get3A_15 = arith.constant 0 : index
    %get3A_16 = arith.constant 0 : index
    %get3A_17 = vector.load %arg4[%get3A_15, %get3A_16] : memref<256x128xf32, #tpu.memory_space<vmem>>, vector<256x128xf32>
    %dot_general3A_18 = arith.constant dense<0.000000e+00> : vector<256x128xf32>
    %dot_general3A_19 = tpu.matmul %dot_general3A_14, %get3A_17, %dot_general3A_18 {dimension_numbers = #tpu.dot_dimension_numbers<[1], [0], [0], [1], [0, 0, 1, 1], [], []>, transpose_lhs_hint = false} : vector<256x256xf32>, vector<256x128xf32>, vector<256x128xf32> -> vector<256x128xf32>
    %get3A_20 = arith.constant 0 : index
    %get3A_21 = arith.constant 0 : index
    %get3A_22 = vector.load %arg5[%get3A_20, %get3A_21] : memref<1x128xf32, #tpu.memory_space<vmem>>, vector<1x128xf32>
    %add3A = vector.broadcast %get3A_22 : vector<1x128xf32> to vector<256x128xf32>
    %add3A_23 = arith.addf %dot_general3A_19, %add3A : vector<256x128xf32>
    %get3A_24 = arith.constant 0 : index
    %get3A_25 = arith.constant 0 : index
    %get3A_26 = vector.load %arg6[%get3A_24, %get3A_25] : memref<128x128xf32, #tpu.memory_space<vmem>>, vector<128x128xf32>
    %dot_general3A_27 = arith.constant dense<0.000000e+00> : vector<256x128xf32>
    %dot_general3A_28 = tpu.matmul %add3A_23, %get3A_26, %dot_general3A_27 {dimension_numbers = #tpu.dot_dimension_numbers<[1], [0], [0], [1], [0, 0, 1, 1], [], []>, transpose_lhs_hint = false} : vector<256x128xf32>, vector<128x128xf32>, vector<256x128xf32> -> vector<256x128xf32>
    %get3A_29 = arith.constant 0 : index
    %get3A_30 = arith.constant 0 : index
    %get3A_31 = vector.load %arg7[%get3A_29, %get3A_30] : memref<1x128xf32, #tpu.memory_space<vmem>>, vector<1x128xf32>
    %add3A_32 = vector.broadcast %get3A_31 : vector<1x128xf32> to vector<256x128xf32>
    %add3A_33 = arith.addf %dot_general3A_28, %add3A_32 : vector<256x128xf32>
    %max3A = arith.constant 0.000000e+00 : f32
    %max3A_34 = vector.broadcast %max3A : f32 to vector<256x128xf32>
    %max3A_35 = arith.maximumf %add3A_33, %max3A_34 : vector<256x128xf32>
    %get3A_36 = arith.constant 0 : index
    %get3A_37 = arith.constant 0 : index
    %get3A_38 = vector.load %arg8[%get3A_36, %get3A_37] : memref<128x128xf32, #tpu.memory_space<vmem>>, vector<128x128xf32>
    %dot_general3A_39 = arith.constant dense<0.000000e+00> : vector<256x128xf32>
    %dot_general3A_40 = tpu.matmul %max3A_35, %get3A_38, %dot_general3A_39 {dimension_numbers = #tpu.dot_dimension_numbers<[1], [0], [0], [1], [0, 0, 1, 1], [], []>, transpose_lhs_hint = false} : vector<256x128xf32>, vector<128x128xf32>, vector<256x128xf32> -> vector<256x128xf32>
    %get3A_41 = arith.constant 0 : index
    %get3A_42 = arith.constant 0 : index
    %get3A_43 = vector.load %arg9[%get3A_41, %get3A_42] : memref<1x128xf32, #tpu.memory_space<vmem>>, vector<1x128xf32>
    %add3A_44 = vector.broadcast %get3A_43 : vector<1x128xf32> to vector<256x128xf32>
    %add3A_45 = arith.addf %dot_general3A_40, %add3A_44 : vector<256x128xf32>
    %max3A_46 = arith.constant 0.000000e+00 : f32
    %max3A_47 = vector.broadcast %max3A_46 : f32 to vector<256x128xf32>
    %max3A_48 = arith.maximumf %add3A_45, %max3A_47 : vector<256x128xf32>
    %get3A_49 = arith.constant 0 : index
    %get3A_50 = arith.constant 0 : index
    %get3A_51 = vector.load %arg3[%get3A_49, %get3A_50] : memref<256x1xf32, #tpu.memory_space<vmem>>, vector<256x1xf32>
    %mul3A = vector.broadcast %get3A_51 : vector<256x1xf32> to vector<256x128xf32>
    %mul3A_52 = arith.mulf %max3A_48, %mul3A : vector<256x128xf32>
    %reduce_sum3A = arith.constant dense<0.000000e+00> : vector<128xf32>
    %reduce_sum3A_53 = vector.multi_reduction <add>, %mul3A_52, %reduce_sum3A [0] : vector<256x128xf32> to vector<128xf32>
    %broadcast_in_dim3A_54 = vector.shape_cast %reduce_sum3A_53 : vector<128xf32> to vector<1x128xf32>
    %slice3A = vector.extract_strided_slice %max3A_35 {offsets = [0, 0], sizes = [1, 128], strides = [1, 1]} : vector<256x128xf32> to vector<1x128xf32>
    %get3A_55 = arith.constant 0 : index
    %get3A_56 = arith.constant 0 : index
    %get3A_57 = vector.load %arg10[%get3A_55, %get3A_56] : memref<128x128xf32, #tpu.memory_space<vmem>>, vector<128x128xf32>
    %dot_general3A_58 = arith.constant dense<0.000000e+00> : vector<1x128xf32>
    %dot_general3A_59 = tpu.matmul %slice3A, %get3A_57, %dot_general3A_58 {dimension_numbers = #tpu.dot_dimension_numbers<[1], [0], [0], [1], [0, 0, 1, 1], [], []>, transpose_lhs_hint = false} : vector<1x128xf32>, vector<128x128xf32>, vector<1x128xf32> -> vector<1x128xf32>
    %get3A_60 = arith.constant 0 : index
    %get3A_61 = arith.constant 0 : index
    %get3A_62 = vector.load %arg11[%get3A_60, %get3A_61] : memref<1x128xf32, #tpu.memory_space<vmem>>, vector<1x128xf32>
    %add3A_63 = arith.addf %dot_general3A_59, %get3A_62 : vector<1x128xf32>
    %max3A_64 = arith.constant 0.000000e+00 : f32
    %max3A_65 = vector.broadcast %max3A_64 : f32 to vector<1x128xf32>
    %max3A_66 = arith.maximumf %add3A_63, %max3A_65 : vector<1x128xf32>
    %add3A_67 = arith.addf %broadcast_in_dim3A_54, %max3A_66 : vector<1x128xf32>
    %get3A_68 = arith.constant 0 : index
    %get3A_69 = arith.constant 0 : index
    %get3A_70 = vector.load %arg12[%get3A_68, %get3A_69] : memref<128x16xf32, #tpu.memory_space<vmem>>, vector<128x16xf32>
    %dot_general3A_71 = arith.constant dense<0.000000e+00> : vector<1x16xf32>
    %dot_general3A_72 = tpu.matmul %add3A_67, %get3A_70, %dot_general3A_71 {dimension_numbers = #tpu.dot_dimension_numbers<[1], [0], [0], [1], [0, 0, 1, 1], [], []>, transpose_lhs_hint = false} : vector<1x128xf32>, vector<128x16xf32>, vector<1x16xf32> -> vector<1x16xf32>
    %get3A_73 = arith.constant 0 : index
    %get3A_74 = arith.constant 0 : index
    %get3A_75 = vector.load %arg13[%get3A_73, %get3A_74] : memref<1x16xf32, #tpu.memory_space<vmem>>, vector<1x16xf32>
    %add3A_76 = arith.addf %dot_general3A_72, %get3A_75 : vector<1x16xf32>
    %swap3A = arith.constant 0 : index
    %swap3A_77 = arith.constant 0 : index
    %swap3A_78 = vector.load %arg14[%swap3A, %swap3A_77] : memref<1x16xf32, #tpu.memory_space<vmem>>, vector<1x16xf32>
    tpu.vector_store %arg14[%swap3A, %swap3A_77], %add3A_76 {strides = array<i32>} : memref<1x16xf32, #tpu.memory_space<vmem>>, vector<1x16xf32>,
    return
  }
}

</mosaic_0001>

<sc_bundles>
// kernel: kernel.5.cloned.1.call-start
scs
__scs_entry_jumppad:
0x0: {  	(pc) =	sbr.rel $0x88, $3  }
0x1: {  	(tag) =	ssettag $0x0;
	lr =	simm.s32 $0x1  }
0x2: {  	[smem:$0x3F94] =	sst lr;
	_ =	strace $0xD0000000  }
0x3: {  	_ = 	snop  }
0x4: {  	_ = 	snop  }
0x5: {  	_ = 	snop  }
0x6: {  	_ = 	snop  }
0x7: {  	_ = 	snop  }
__scs_overlays_trampoline_lowered:
0x8: {  	[smem:$0x3FA3] =	sst s0  }
0x9: {  	[smem:$0x3FA4] =	sst s1  }
0xa: {  	[smem:$0x3FA5] =	sst s2  }
0xb: {  	[smem:$0x3FA6] =	sst s3  }
0xc: {  	[smem:$0x3FA7] =	sst s4  }
0xd: {  	[smem:$0x3FA8] =	sst s5  }
0xe: {  	[smem:$0x3FA9] =	sst s6  }
0xf: {  	[smem:$0x3FAA] =	sst s7  }
0x10: {  	[smem:$0x3FAB] =	sst s8  }
0x11: {  	[smem:$0x3FAC] =	sst s9;
	s0 =	simm.s32 @!p0 $0x0  }
0x12: {  	s1 =	sld [smem:$0x3F92];
	s0 =	simm.s32 @p0 $0x1  }
0x13: {  	[smem:$0x3FAD] =	sst s0;
	s0 =	simm.s32 @!p1 $0x0  }
0x14: {  	s2 =	sld [smem:$0x3F91];
	s0 =	simm.s32 @p1 $0x1  }
0x15: {  	[smem:$0x3FAE] =	sst s0;
	s0 =	simm.s32 @!p2 $0x0  }
0x16: {  	s3 =	sld [smem:$0x3FDB];
	s0 =	simm.s32 @p2 $0x1  }
0x17: {  	s4 =	simm.s32 $0x1BF5;
	[smem:$0x3FB0] =	sst s0  }
0x18: {  	s0 =	sld [smem:$0x3F93];
	_ =	swait.ge [sflag:s4], $0x0  }
0x19: {  	s7 =	sld [smem:$0x3F94]  }
0x1a: {  	s8 =	sadd.s32 $0xFFFFE003, lr  }
0x1b: {  	s9 =	sadd.s32 $0xFFFFFEF7, lr;
	s5 =	simm.s32 $0xFFFFFFFF;
	p2 =	slt.u32 s8, $0xFFFFF086  }
0x1c: {  	p1 =	slt.u32 s9, $0xF7A;
	s5 =	simm.s32 @!p2 $0x0  }
0x1d: {  	s5 =	simm.s32 @p1 $0x1;
	p0 =	seq.s32 s7, s2  }
0x1e: {  	s7 =	smul.u32 @!p0 $0xF7A, s2;
	p2 =	seq.s32 @!p0 s5, $0x0  }
0x1f: {  	s9 =	smul.u32 $0xF7A, s1;
	s8 =	simm.s32 @!p0 $0x1BF5;
	p2 =	por !p2, p0  }
0x20: {  	[sflag:s8] =	ssyncset.s32 @!p0 $0xFFFFF086;
	s6 =	sadd.s32 @!p0 s3, s7;
	s7 =	simm.s32 @!p0 $0x108  }
0x21: {  	s3 =	sadd.s32 s3, s9;
	s6 =	sadd.s32 @!p0 $0x88, s6;
	s7 =	simm.s32 @p2 $0x1082  }
0x22: {  	[simem:s7], [sflag:s8] =	dma.local @!p0 [hbm:s6], $0xF7A  }
0x23: {  	s9 =	sor.u32 $0xD0000000, s2;
	s6 =	simm.s32 $0x108;
	_ =	swait.ge @!p0 [sflag:s8], $0x0  }
0x24: {  	s3 =	sadd.s32 $0x88, s3;
	s6 =	simm.s32 @!p1 $0x1082;
	[sflag:s4] =	ssyncset.s32 $0xFFFFF086  }
0x25: {  	[simem:s6], [sflag:s4] =	dma.local [hbm:s3], $0xF7A  }
0x26: {  	[smem:$0x3F94] =	sst s1;
	(tag) =	ssettag s2;
	_ =	strace s9  }
0x27: {  	s1 =	sld [smem:$0x3FA4]  }
0x28: {  	s2 =	sld [smem:$0x3FA5]  }
0x29: {  	s4 =	sld [smem:$0x3FA7]  }
0x2a: {  	p0 =	seq.s32 s5, $0x0;
	s5 =	sld [smem:$0x3FA8]  }
0x2b: {  	s6 =	sld [smem:$0x3FA9]  }
0x2c: {  	s7 =	sld [smem:$0x3FAA]  }
0x2d: {  	s3 =	simm.s32 $0x108;
	s8 =	sld [smem:$0x3FAB]  }
0x2e: {  	s3 =	simm.s32 @!p0 $0x1082;
	s9 =	sld [smem:$0x3FAC]  }
0x2f: {  	lr =	sadd.s32 s0, s3;
	s0 =	sld [smem:$0x3FA3]  }
0x30: {  	s3 =	sld [smem:$0x3FA6]  }
0x31: {  	[smem:$0x3FAF] =	sst s10  }
0x32: {  	s10 =	sld [smem:$0x3FAD];
	_ =	sdelay $0x3  }
0x33: {  	p0 =	seq.s32 s10, $0x1;
	s10 =	sld [smem:$0x3FAF];
	_ =	sdelay $0x3  }
0x34: {  	[smem:$0x3FAF] =	sst s10  }
0x35: {  	s10 =	sld [smem:$0x3FAE];
	_ =	sdelay $0x3  }
0x36: {  	p1 =	seq.s32 s10, $0x1;
	s10 =	sld [smem:$0x3FAF];
	_ =	sdelay $0x3  }
0x37: {  	[smem:$0x3FAF] =	sst s10  }
0x38: {  	s10 =	sld [smem:$0x3FB0]  }
0x39: {  	_ = 	snop;
	(pc) =	sbr.ind lr, $3  }
0x3a: {  	_ = 	snop  }
0x3b: {  	_ = 	snop  }
0x3c: {  	p2 =	seq.s32 s10, $0x1;
	s10 =	sld [smem:$0x3FAF]  }
0x3d: {  	_ =	shalt  }
0x3e: {  	_ =	shalt  }
0x3f: {  	_ =	shalt  }
0x40: {  	_ =	shalt  }
0x41: {  	_ =	shalt  }
0x42: {  	_ =	shalt  }
0x43: {  	_ =	shalt  }
0x44: {  	_ =	shalt  }
0x45: {  	_ =	shalt  }
0x46: {  	_ =	shalt  }
0x47: {  	_ =	shalt  }
0x48: {  	_ =	shalt  }
0x49: {  	_ =	shalt  }
0x4a: {  	_ =	shalt  }
0x4b: {  	_ =	shalt  }
0x4c: {  	_ =	shalt  }
0x4d: {  	_ =	shalt  }
0x4e: {  	_ =	shalt  }
0x4f: {  	_ =	shalt  }
0x50: {  	_ =	shalt  }
0x51: {  	_ =	shalt  }
0x52: {  	_ =	shalt  }
0x53: {  	_ =	shalt  }
0x54: {  	_ =	shalt  }
0x55: {  	_ =	shalt  }
0x56: {  	_ =	shalt  }
0x57: {  	_ =	shalt  }
0x58: {  	_ =	shalt  }
0x59: {  	_ =	shalt  }
0x5a: {  	_ =	shalt  }
0x5b: {  	_ =	shalt  }
0x5c: {  	_ =	shalt  }
0x5d: {  	_ =	shalt  }
0x5e: {  	_ =	shalt  }
0x5f: {  	_ =	shalt  }
0x60: {  	_ =	shalt  }
0x61: {  	_ =	shalt  }
0x62: {  	_ =	shalt  }
0x63: {  	_ =	shalt  }
0x64: {  	_ =	shalt  }
0x65: {  	_ =	shalt  }
0x66: {  	_ =	shalt  }
0x67: {  	_ =	shalt  }
0x68: {  	_ =	shalt  }
0x69: {  	_ =	shalt  }
0x6a: {  	_ =	shalt  }
0x6b: {  	_ =	shalt  }
0x6c: {  	_ =	shalt  }
0x6d: {  	_ =	shalt  }
0x6e: {  	_ =	shalt  }
0x6f: {  	_ =	shalt  }
0x70: {  	_ =	shalt  }
0x71: {  	_ =	shalt  }
0x72: {  	_ =	shalt  }
0x73: {  	_ =	shalt  }
0x74: {  	_ =	shalt  }
0x75: {  	_ =	shalt  }
0x76: {  	_ =	shalt  }
0x77: {  	_ =	shalt  }
0x78: {  	_ =	shalt  }
0x79: {  	_ =	shalt  }
0x7a: {  	_ =	shalt  }
0x7b: {  	_ =	shalt  }
0x7c: {  	_ =	shalt  }
0x7d: {  	_ =	shalt  }
0x7e: {  	_ =	shalt  }
0x7f: {  	_ =	shalt  }
0x80: {  	_ =	shalt  }
0x81: {  	_ =	shalt  }
0x82: {  	_ =	shalt  }
0x83: {  	_ =	shalt  }
0x84: {  	_ =	shalt  }
0x85: {  	_ =	shalt  }
0x86: {  	_ =	shalt  }
0x87: {  	_ =	shalt  }
.Lfunc_end0:
.L_simem_size_0:
called_computation_lowered:
.L_overlay_start_0:
0x88: {  	s2 =	sld [smem:$0x3FD9]  }
0x89: {  	s3 =	sld [smem:$0x3FFE];
	_ =	sdelay $0x1  }
0x8a: {  	s1 =	srdreg.scid  }
0x8b: {  	s0 =	sand.u32 $0x1, s1  }
0x8c: {  	s17 =	sshll.u32 s0, $0xA;
	s2 =	sadd.s32 s3, s2  }
0x8d: {  	s2 =	sadd.s32 s2, s17  }
0x8e: {  	[smem:$0x3FBB] =	sst s2  }
0x8f: {  	_ = 	snop  }
0x90: {  	s2 =	sld [smem:$0x3FC8]  }
0x91: {  	s18 =	sld [smem:$0x3FC7];
	(tm) =	ssettm $0x1  }
0x92: {  	s4 =	sld [smem:$0x3FFB];
	_ =	sdelay $0x3  }
0x93: {  	_ =	strace s4  }
0x94: {  	s4 =	sld [smem:$0x3FFC];
	_ =	sdelay $0x3  }
0x95: {  	_ =	strace s4  }
0x96: {  	s4 =	sld [smem:$0x3FFD];
	_ =	sdelay $0x3  }
0x97: {  	_ =	strace s4  }
0x98: {  	_ =	strace $0x8FFFFFFF  }
0x99: {  	s19 =	sld [smem:$0x3FDB];
	_ =	sdelay $0x1  }
0x9a: {  	s5 =	simm.s32 $_scs_section_size  }
0x9b: {  	s6 =	simm.s32 $_size__tile_overlayer_lowered;
	s7 =	simm.s32 $_tile_overlayer_lowered  }
0x9c: {  	s22 =	simm.s32 $0x1BFF;
	s21 =	sshll.u32 s7, $0x1;
	s4 =	sadd.s32 s5, s19  }
0x9d: {  	s8 =	simm.s32 $0x0;
	s20 =	sshll.u32 s6, $0x1;
	s6 =	sadd.s32 s21, s4  }
0x9e: {  	[timem:s8], [sflag:s22] =	dma.local [hbm:s6], s20  }
0x9f: {  	_ =	swait.ge [sflag:s22], s20  }
0xa0: {  	s5 =	ssub.s32 $0x0, s20;
	[sflag:s22] =	ssyncset.done $0x0  }
0xa1: {  	[sflag:s22] =	ssyncadd.s32 s5;
	_ =	sdelay $0x1  }
0xa2: {  	s23 =	simm.s32 $0x1B8B  }
0xa3: {  	_ =	swait.ge [sflag:s23], $0x1  }
0xa4: {  	[sflag:s23] =	ssyncset.done $0x0  }
0xa5: {  	s25 =	simm.s32 $0x1B8E;
	s24 =	sld [smem:$0x3FFE];
	[sflag:s23] =	ssyncadd.s32 $0xFFFFFFFF  }
0xa6: {  	s26 =	simm.s32 $execute0_lowered;
	[smem:$0x3FD2] =	sst s25  }
0xa7: {  	s6 =	sshll.u32 s26, $0x1;
	_ =	strace $0x80000046;
	[dreg:$0x1] =	wrdreg $0xFFFFFFFF  }
0xa8: {  	s28 =	simm.s32 $_size_execute0_lowered;
	s4 =	sadd.s32 s4, s6;
	[dreg:$0x0] =	wrdreg $0x0  }
0xa9: {  	s6 =	sshll.u32 s28, $0x1;
	[dreg:$0x2] =	wrdreg s4  }
0xaa: {  	[dreg:$0x3] =	wrdreg s6  }
0xab: {  	[dreg:$0x4] =	wrdreg $0xC0  }
0xac: {  	_ =	task [dreg:s8], $0x5FFFF  }
0xad: {  	[dreg:$0x1] =	wrdreg $0xFFFFFFFF  }
0xae: {  	[dreg:$0x0] =	wrdreg $0x60  }
0xaf: {  	[dreg:$0x2] =	wrdreg s2  }
0xb0: {  	[dreg:$0x3] =	wrdreg s18  }
0xb1: {  	[dreg:$0x4] =	wrdreg s24  }
0xb2: {  	[dreg:$0x5] =	wrdreg $0x9  }
0xb3: {  	_ =	task.clear_ibuf [dreg:s8], $0x6FFFF;
	_ =	strace $0x90000046  }
0xb4: {  	s29 =	simm.s32 $0x9;
	_ =	strace $0x80000048  }
0xb5: {  	_ =	swait.ge [sflag:s29], $0x1  }
0xb6: {  	[sflag:s29] =	ssyncadd.s32 $0xFFFFFFFF  }
0xb7: {  	_ =	strace $0x90000048  }
0xb8: {  	_ =	sfence  }
0xb9: {  	s30 =	sld [smem:$0x0];
	_ =	sdelay $0x2  }
0xba: {  	s31 =	sshll.u32 s1, $0xD;
	s1 =	sshrl.u32 s1, $0x2  }
0xbb: {  	s3 =	sand.u32 $0x4000, s31;
	s1 =	sadd.s32 s1, s30  }
0xbc: {  	s0 =	sor.u32 s3, s0;
	s1 =	sshll.u32 s1, $0x11  }
0xbd: {  	s0 =	sor.u32 s1, s0  }
0xbe: {  	s0 =	sadd.s32 $0x8F2B, s0  }
0xbf: {  	[sflag:s0] =	ssyncadd.remote.s32 $0x1  }
0xc0: {  	_ =	sfence.sel $0xFFFF  }
0xc1: {  	[dreg:$0x0] =	wrdreg $0xFFFFFFFF;
	(pc) =	sbr.abs _section_cstart, $3  }
0xc2: {  	[dreg:$0x1] =	wrdreg $0xFFFFFFFF  }
0xc3: {  	_ =	task.clear_ibuf [dreg:s8], $0x2FFFF;
	_ =	strace $0x9FFFFFFF  }
0xc4: {  	(tm) =	ssettm $0x7FFFFFFF  }
0xc5: {  	_ =	shalt  }
tec
execute0_lowered:
.L_overlay_start_1:
0x0: {  	(tag) =	ssettag $0x1  }
0x1: {  	s1 =	rddreg [dreg:$0x0]  }
0x2: {  	s13 =	rddreg [dreg:$0x1]  }
0x3: {  	s5 =	rddreg [dreg:$0x2];
	s4 =	srdreg.scid;
	s3 =	simm.s32 $0x0  }
0x4: {  	s2 =	stileid.u32;
	s18 =	simm.s32 $0x2780;
	s19 =	simm.s32 $0x4F00  }
0x5: {  	s20 =	simm.s32 $0x3;
	s21 =	simm.s32 $0x2;
	s22 =	simm.s32 $0x5300  }
0x6: {  	s23 =	simm.s32 $0x0;
	s6 =	sand.u32 $0x1, s4;
	s7 =	sshll.u32 s2, $0x9  }
0x7: {  	[smem:$0x7FF] =	sst s3;
	s4 =	sshll.u32 s6, $0xD;
	s8 =	sshll.u32 s6, $0x4  }
0x8: {  	_ =	strace $0x80000047;
	s6 =	ssub.s32 $0x2, s6;
	s4 =	sor.u32 s7, s4  }
0x9: {  	s26 =	sor.u32 s2, s8;
	s29 =	sshrl.u32 s6, $0x1;
	s28 =	sshrl.u32 s4, $0x3  }
0xa: {  	s4 =	smul.u32 $0xC350, s26;
	s7 =	sshll.u32 s26, $0x1;
	s15 =	ssub.s32 s6, s29  }
0xb: {  	s16 =	sadd.s32 s28, s5;
	s14 =	sadd.s32 s7, s5;
	s15 =	smax.u32 s15, $0x1  }
0xc: {  	s5 =	sadd.s32 $0x2710, s4;
	s30 =	sshrl.u32 s4, $0x3;
	s8 =	sadd.s32 $0x4E20, s4  }
.Ltmp0:
0xd: {  	s9 =	sadd.s32 $0x7530, s4;
	s10 =	sadd.s32 $0x9C40, s4;
	(pc) =	sbr.rel .LBB2_1-.Ltmp0, $4  }
0xe: {  	s14 =	sadd.s32 $0x2E00, s14;
	s16 =	sadd.s32 $0x2600, s16;
	s31 =	sshrl.u32 s5, $0x3  }
0xf: {  	s6 =	sadd.s32 s13, s30;
	s11 =	sshrl.u32 s8, $0x3;
	s12 =	sshrl.u32 s9, $0x3  }
0x10: {  	s17 =	sshrl.u32 s10, $0x3;
	s7 =	sadd.s32 s13, s31;
	s11 =	sadd.s32 s13, s11  }
0x11: {  	s12 =	sadd.s32 s13, s12;
	s13 =	sadd.s32 s13, s17;
	s17 =	simm.s32 $0x1  }
.LBB2_34:
0x12: {  	[sflag:s20] =	ssyncadd.s32 $0xFFFFFFF0  }
.LBB2_35:
0x13: {  	s23 =	sadd.s32 $0x1, s23  }
0x14: {  	v0 =	vmov s24;
	p0 =	sne.s32 s23, s15  }
.Ltmp1:
0x15: {  	[tilespmem:$0x5300] =	vst v0;
	(pc) =	sbr.rel @!p0 .LBB2_36-.Ltmp1, $4  }
0x16: {  	[hbm4b:s14+s3] =	stream.linear.scatter [tilespmem:s22], [sflag:$0x3], $0x10, $0x38;
	[tilespmem:$0x5380] =	vst v63  }
0x17: {  	_ =	swait.ge [sflag:s20], $0x10  }
0x18: {  	[sflag:s20] =	ssyncset.done $0x0  }
0x19: {  	[sflag:s20] =	ssyncadd.s32 $0xFFFFFFF0  }
.LBB2_1:
0x1a: {  	[tilespmem:s3], [sflag:$0x1] =	stream.linear.gather [hbm4b:s6+s3], $0x2710, $0x38;
	[tilespmem:$0x5380] =	vst v63  }
.Ltmp2:
0x1b: {  	_ = 	snop;
	(pc) =	sbr.rel .LBB2_2-.Ltmp2, $4  }
0x1c: {  	_ =	swait.ge [sflag:s17], $0x2710  }
0x1d: {  	s25 =	simm.s32 $0x0;
	[sflag:s17] =	ssyncset.done $0x0  }
0x1e: {  	s24 =	simm.s32 $0x0;
	s26 =	simm.s32 $0x0;
	[sflag:s17] =	ssyncadd.s32 $0xFFFFD8F0  }
0x1f: {  	[tilespmem:s18], [sflag:$0x2] =	stream.linear.gather [hbm4b:s7+s3], $0x2710, $0x38;
	[tilespmem:$0x5380] =	vst v63  }
.LBB2_6:
0x20: {  	s26 =	sadd.s32 $0x1, s26  }
0x21: {  	p0 =	sne.s32 s26, $0x19  }
.Ltmp3:
0x22: {  	_ = 	snop;
	(pc) =	sbr.rel @!p0 .LBB2_7-.Ltmp3, $2  }
0x23: {  	_ =	sdelay $0x2  }
0x24: {  	s25 =	sadd.s32 $0x190, s25  }
.LBB2_2:
0x25: {  	s28 =	smul.u32 $0x190, s26  }
0x26: {  	s29 =	smul.u32 $0x640, s26;
	_ =	sdelay $0x1  }
0x27: {  	v0 =	vld [tilespmem:s28+$0x0];
	s29 =	sshra.s32 s29, $0x2  }
0x28: {  	v1 =	vld [tilespmem:s29+$0x10]  }
0x29: {  	v2 =	vld [tilespmem:s29+$0x20]  }
0x2a: {  	v3 =	vld [tilespmem:s29+$0x30]  }
0x2b: {  	v4 =	vld [tilespmem:s29+$0x40]  }
0x2c: {  	v5 =	vld [tilespmem:s29+$0x50]  }
0x2d: {  	v44 =	vld [tilespmem:s29+$0x60];
	vm0 =	veq.s32 v0, $0xC34F;
	vm1 =	veq.s32 v1, $0xC34F  }
0x2e: {  	s30 =	sand.u32 $0x3FF0, s28;
	v45 =	vld [tilespmem:s29+$0x70];
	vm5 =	veq.s32 v2, $0xC34F;
	vm0 =	vmor vm0, vm1  }
0x2f: {  	v46 =	vld [tilespmem:s30+$0x80];
	vm6 =	veq.s32 v3, $0xC34F;
	vm0 =	vmor vm0, vm5  }
0x30: {  	v47 =	vld [tilespmem:s29+$0x90];
	vm7 =	veq.s32 v4, $0xC34F;
	vm0 =	vmor vm0, vm6  }
0x31: {  	v48 =	vld [tilespmem:s29+$0xA0];
	vm8 =	veq.s32 v5, $0xC34F;
	vm0 =	vmor vm0, vm7  }
0x32: {  	v49 =	vld [tilespmem:s29+$0xB0];
	vm9 =	veq.s32 v44, $0xC34F;
	vm0 =	vmor vm0, vm8  }
0x33: {  	v50 =	vld [tilespmem:s29+$0xC0];
	vm10 =	veq.s32 v45, $0xC34F;
	vm0 =	vmor vm0, vm9  }
0x34: {  	v51 =	vld [tilespmem:s29+$0xD0];
	vm11 =	veq.s32 v46, $0xC34F;
	vm0 =	vmor vm0, vm10  }
0x35: {  	v52 =	vld [tilespmem:s29+$0xE0];
	vm12 =	veq.s32 v47, $0xC34F;
	vm0 =	vmor vm0, vm11  }
0x36: {  	v53 =	vld [tilespmem:s29+$0xF0];
	vm13 =	veq.s32 v48, $0xC34F;
	vm0 =	vmor vm0, vm12  }
0x37: {  	v54 =	vld [tilespmem:s30+$0x100];
	vm14 =	veq.s32 v49, $0xC34F;
	vm0 =	vmor vm0, vm13  }
0x38: {  	v55 =	vld [tilespmem:s29+$0x110];
	vm15 =	veq.s32 v50, $0xC34F;
	vm0 =	vmor vm0, vm14  }
0x39: {  	v56 =	vld [tilespmem:s29+$0x120];
	vm4 =	veq.s32 v51, $0xC34F;
	vm0 =	vmor vm0, vm15  }
0x3a: {  	v57 =	vld [tilespmem:s29+$0x130];
	vm5 =	veq.s32 v52, $0xC34F;
	vm0 =	vmor vm0, vm4  }
0x3b: {  	v58 =	vld [tilespmem:s29+$0x140];
	vm6 =	veq.s32 v53, $0xC34F;
	vm0 =	vmor vm0, vm5  }
0x3c: {  	v59 =	vld [tilespmem:s29+$0x150];
	vm7 =	veq.s32 v54, $0xC34F;
	vm0 =	vmor vm0, vm6  }
0x3d: {  	v60 =	vld [tilespmem:s29+$0x160];
	vm8 =	veq.s32 v55, $0xC34F;
	vm0 =	vmor vm0, vm7  }
0x3e: {  	v61 =	vld [tilespmem:s29+$0x170];
	vm9 =	veq.s32 v56, $0xC34F;
	vm0 =	vmor vm0, vm8  }
0x3f: {  	v62 =	vld [tilespmem:s30+$0x180];
	vm10 =	veq.s32 v57, $0xC34F;
	vm0 =	vmor vm0, vm9  }
0x40: {  	vm11 =	veq.s32 v58, $0xC34F;
	vm0 =	vmor vm0, vm10  }
0x41: {  	vm12 =	veq.s32 v59, $0xC34F;
	vm0 =	vmor vm0, vm11  }
0x42: {  	vm13 =	veq.s32 v60, $0xC34F;
	vm0 =	vmor vm0, vm12  }
0x43: {  	vm14 =	veq.s32 v61, $0xC34F;
	vm0 =	vmor vm0, vm13  }
0x44: {  	vm15 =	veq.s32 v62, $0xC34F;
	vm0 =	vmor vm0, vm14  }
0x45: {  	vm0 =	vmor vm0, vm15  }
0x46: {  	v63 =	vmpcnt.ones.xlane vm0;
	_ =	sdelay $0x1  }
0x47: {  	(v2sf) =	vpush v63, $0x0;
	_ =	sdelay $0xe  }
0x48: {  	s31 =	spop (v2sf)  }
0x49: {  	p0 =	slt.s32 s31, $0x1  }
.Ltmp4:
0x4a: {  	_ = 	snop;
	(pc) =	sbr.rel @p0 .LBB2_6-.Ltmp4, $1  }
0x4b: {  	_ =	sdelay $0x3  }
0x4c: {  	s28 =	sadd.s32 s4, s28  }
0x4d: {  	s28 =	sshrl.u32 s28, $0x3  }
0x4e: {  	s29 =	simm.s32 $0x0;
	v0 =	vmov s25;
	s28 =	sadd.s32 s1, s28  }
0x4f: {  	[tilespmem:s19], [sflag:$0x3] =	stream.linear.gather [hbm4b:s28+s29], $0x190, $0x38;
	[tilespmem:$0x5380] =	vst v63  }
0x50: {  	_ =	swait.ge [sflag:s20], $0x190  }
0x51: {  	[sflag:s20] =	ssyncset.done $0x0  }
0x52: {  	s28 =	simm.s32 $0x0;
	[sflag:s20] =	ssyncadd.s32 $0xFFFFFE70  }
0x53: {  	v1 =	vld.idx.msk [tilespmem:v0+s28+$0x0 ss:$0x1], $0xffff;
	_ =	sdelay $0x4  }
0x54: {  	vm0 =	veq.s32 v1, $0xC34F  }
0x55: {  	v2 =	vmpcnt.ones.xlane vm0;
	_ =	sdelay $0x1  }
0x56: {  	(v2sf) =	vpush v2, $0x0;
	_ =	sdelay $0xe  }
0x57: {  	s28 =	spop (v2sf)  }
0x58: {  	p1 =	slt.s32 s28, $0x1  }
0x59: {  	s31 =	sadd.s32 @!p1 s24, s28  }
0x5a: {  	s28 =	simm.s32 @!p1 $0x0;
	p0 =	slt.s32 @!p1 s31, $0x1F0  }
0x5b: {  	vm0 =	veq.s32 @!p1 v1, $0xC34F;
	v1 =	vld @!p1 [tilespmem:s28+$0x4F00];
	p0 =	por !p0, p1  }
0x5c: {  	p2 =	slt.s32 @!p1 s24, $0x1F0;
	s31 =	simm.s32 @p0 $0x1F0  }
0x5d: {  	s30 =	simm.s32 $0x80;
	p0 =	por !p2, p1;
	s31 =	smov.u32 @p1 s24  }
0x5e: {  	s29 =	simm.s32 $0x40;
	s24 =	simm.s32 @p0 $0x1F0;
	s28 =	smov.u32 s31  }
.LBB2_4:
0x5f: {  	s0 =	smov.u32 s31  }
0x60: {  	s31 =	sshra.s32 s29, $0x2;
	[tilespmem:s24+$0x5100] =	vst.msk @!p1 vm0, v1;
	s24 =	smov.u32 s30;
	s30 =	sadd.s32 $0x40, s30  }
0x61: {  	p0 =	sne.s32 s30, $0x640;
	v1 =	vld.idx.msk [tilespmem:v0+s31+$0x0 ss:$0x1], $0xffff;
	_ =	sdelay $0x5  }
0x62: {  	vm0 =	veq.s32 v1, $0xC34F  }
0x63: {  	v2 =	vmpcnt.ones.xlane vm0;
	_ =	sdelay $0x1  }
0x64: {  	(v2sf) =	vpush v2, $0x0;
	_ =	sdelay $0xe  }
0x65: {  	s31 =	spop (v2sf)  }
0x66: {  	p1 =	slt.s32 s31, $0x1  }
0x67: {  	vm0 =	veq.s32 @!p1 v1, $0xC34F;
	s29 =	sshra.s32 @!p1 s29, $0x2;
	p2 =	slt.s32 @!p1 s0, $0x1F0;
	s31 =	sadd.s32 @!p1 s0, s31  }
.Ltmp5:
0x68: {  	v1 =	vld @!p1 [tilespmem:s29+$0x4F00];
	p2 =	por !p2, p1;
	p3 =	slt.s32 @!p1 s31, $0x1F0;
	(pc) =	sbr.rel @p0 .LBB2_4-.Ltmp5, $4  }
0x69: {  	s29 =	smov.u32 s24;
	p3 =	por !p3, p1  }
0x6a: {  	s31 =	simm.s32 @p3 $0x1F0  }
0x6b: {  	s24 =	smov.u32 s28;
	s31 =	smov.u32 @p1 s0  }
0x6c: {  	s24 =	simm.s32 @p2 $0x1F0;
	s28 =	smov.u32 s31  }
0x6d: {  	_ =	sdelay $0x2  }
0x6e: {  	s0 =	sshra.s32 s29, $0x2;
	[tilespmem:s24+$0x5100] =	vst.msk @!p1 vm0, v1  }
0x6f: {  	v0 =	vld.idx.msk [tilespmem:v0+s0+$0x0 ss:$0x1], $0xffff;
	_ =	sdelay $0x4  }
0x70: {  	vm15 =	veq.s32 v0, $0xC34F  }
0x71: {  	v63 =	vmpcnt.ones.xlane vm15;
	_ =	sdelay $0x1  }
0x72: {  	(v2sf) =	vpush v63, $0x0;
	_ =	sdelay $0xe  }
0x73: {  	s0 =	spop (v2sf)  }
0x74: {  	p0 =	slt.s32 s0, $0x1  }
0x75: {  	s24 =	sshra.s32 @!p0 s29, $0x2  }
0x76: {  	v1 =	vld @!p0 [tilespmem:s24+$0x4F00]  }
.Ltmp6:
0x77: {  	s24 =	sadd.s32 @!p0 s31, s0;
	(pc) =	sbr.rel .LBB2_6-.Ltmp6, $4  }
0x78: {  	p1 =	slt.s32 @!p0 s31, $0x1F0;
	p2 =	slt.s32 @!p0 s24, $0x1F0  }
0x79: {  	p1 =	por !p1, p0;
	p2 =	por !p2, p0  }
0x7a: {  	vm0 =	veq.s32 @!p0 v0, $0xC34F;
	s28 =	simm.s32 @p1 $0x1F0;
	s24 =	simm.s32 @p2 $0x1F0  }
0x7b: {  	s24 =	smov.u32 @p0 s31;
	[tilespmem:s28+$0x5100] =	vst.msk @!p0 vm0, v1  }
.LBB2_7:
.Ltmp7:
0x7c: {  	(pc) =	sbr.rel .LBB2_8-.Ltmp7, $4  }
0x7d: {  	_ =	swait.ge [sflag:s21], $0x2710  }
0x7e: {  	[sflag:s21] =	ssyncset.done $0x0  }
0x7f: {  	s25 =	simm.s32 $0x0;
	s26 =	simm.s32 $0x2780;
	[sflag:s21] =	ssyncadd.s32 $0xFFFFD8F0  }
0x80: {  	[tilespmem:s25], [sflag:$0x1] =	stream.linear.gather [hbm4b:s11+s25], $0x2710, $0x38;
	[tilespmem:$0x5380] =	vst v63  }
.LBB2_12:
0x81: {  	s25 =	sadd.s32 $0x1, s25  }
0x82: {  	p0 =	sne.s32 s25, $0x19  }
.Ltmp8:
0x83: {  	_ = 	snop;
	(pc) =	sbr.rel @!p0 .LBB2_13-.Ltmp8, $2  }
0x84: {  	_ =	sdelay $0x2  }
0x85: {  	s26 =	sadd.s32 $0x190, s26  }
.LBB2_8:
0x86: {  	s28 =	smul.u32 $0x190, s25  }
0x87: {  	s0 =	smul.u32 $0x640, s25;
	_ =	sdelay $0x1  }
0x88: {  	v0 =	vld [tilespmem:s28+$0x2780];
	s0 =	sshra.s32 s0, $0x2  }
0x89: {  	v1 =	vld [tilespmem:s0+$0x2790]  }
0x8a: {  	v2 =	vld [tilespmem:s0+$0x27A0]  }
0x8b: {  	v3 =	vld [tilespmem:s0+$0x27B0]  }
0x8c: {  	v4 =	vld [tilespmem:s0+$0x27C0]  }
0x8d: {  	v5 =	vld [tilespmem:s0+$0x27D0]  }
0x8e: {  	v44 =	vld [tilespmem:s0+$0x27E0];
	vm0 =	veq.s32 v0, $0xC34F;
	vm1 =	veq.s32 v1, $0xC34F  }
0x8f: {  	s29 =	sand.u32 $0x3FF0, s28;
	v45 =	vld [tilespmem:s0+$0x27F0];
	vm5 =	veq.s32 v2, $0xC34F;
	vm0 =	vmor vm0, vm1  }
0x90: {  	v46 =	vld [tilespmem:s29+$0x2800];
	vm6 =	veq.s32 v3, $0xC34F;
	vm0 =	vmor vm0, vm5  }
0x91: {  	v47 =	vld [tilespmem:s0+$0x2810];
	vm7 =	veq.s32 v4, $0xC34F;
	vm0 =	vmor vm0, vm6  }
0x92: {  	v48 =	vld [tilespmem:s0+$0x2820];
	vm8 =	veq.s32 v5, $0xC34F;
	vm0 =	vmor vm0, vm7  }
0x93: {  	v49 =	vld [tilespmem:s0+$0x2830];
	vm9 =	veq.s32 v44, $0xC34F;
	vm0 =	vmor vm0, vm8  }
0x94: {  	v50 =	vld [tilespmem:s0+$0x2840];
	vm10 =	veq.s32 v45, $0xC34F;
	vm0 =	vmor vm0, vm9  }
0x95: {  	v51 =	vld [tilespmem:s0+$0x2850];
	vm11 =	veq.s32 v46, $0xC34F;
	vm0 =	vmor vm0, vm10  }
0x96: {  	v52 =	vld [tilespmem:s0+$0x2860];
	vm12 =	veq.s32 v47, $0xC34F;
	vm0 =	vmor vm0, vm11  }
0x97: {  	v53 =	vld [tilespmem:s0+$0x2870];
	vm13 =	veq.s32 v48, $0xC34F;
	vm0 =	vmor vm0, vm12  }
0x98: {  	v54 =	vld [tilespmem:s29+$0x2880];
	vm14 =	veq.s32 v49, $0xC34F;
	vm0 =	vmor vm0, vm13  }
0x99: {  	v55 =	vld [tilespmem:s0+$0x2890];
	vm15 =	veq.s32 v50, $0xC34F;
	vm0 =	vmor vm0, vm14  }
0x9a: {  	v56 =	vld [tilespmem:s0+$0x28A0];
	vm4 =	veq.s32 v51, $0xC34F;
	vm0 =	vmor vm0, vm15  }
0x9b: {  	v57 =	vld [tilespmem:s0+$0x28B0];
	vm5 =	veq.s32 v52, $0xC34F;
	vm0 =	vmor vm0, vm4  }
0x9c: {  	v58 =	vld [tilespmem:s0+$0x28C0];
	vm6 =	veq.s32 v53, $0xC34F;
	vm0 =	vmor vm0, vm5  }
0x9d: {  	v59 =	vld [tilespmem:s0+$0x28D0];
	vm7 =	veq.s32 v54, $0xC34F;
	vm0 =	vmor vm0, vm6  }
0x9e: {  	v60 =	vld [tilespmem:s0+$0x28E0];
	vm8 =	veq.s32 v55, $0xC34F;
	vm0 =	vmor vm0, vm7  }
0x9f: {  	v61 =	vld [tilespmem:s0+$0x28F0];
	vm9 =	veq.s32 v56, $0xC34F;
	vm0 =	vmor vm0, vm8  }
0xa0: {  	v62 =	vld [tilespmem:s29+$0x2900];
	vm10 =	veq.s32 v57, $0xC34F;
	vm0 =	vmor vm0, vm9  }
0xa1: {  	vm11 =	veq.s32 v58, $0xC34F;
	vm0 =	vmor vm0, vm10  }
0xa2: {  	vm12 =	veq.s32 v59, $0xC34F;
	vm0 =	vmor vm0, vm11  }
0xa3: {  	vm13 =	veq.s32 v60, $0xC34F;
	vm0 =	vmor vm0, vm12  }
0xa4: {  	vm14 =	veq.s32 v61, $0xC34F;
	vm0 =	vmor vm0, vm13  }
0xa5: {  	vm15 =	veq.s32 v62, $0xC34F;
	vm0 =	vmor vm0, vm14  }
0xa6: {  	vm0 =	vmor vm0, vm15  }
0xa7: {  	v63 =	vmpcnt.ones.xlane vm0;
	_ =	sdelay $0x1  }
0xa8: {  	(v2sf) =	vpush v63, $0x0;
	_ =	sdelay $0xe  }
0xa9: {  	s31 =	spop (v2sf)  }
0xaa: {  	p0 =	slt.s32 s31, $0x1  }
.Ltmp9:
0xab: {  	_ = 	snop;
	(pc) =	sbr.rel @p0 .LBB2_12-.Ltmp9, $1  }
0xac: {  	_ =	sdelay $0x3  }
0xad: {  	s0 =	sadd.s32 s5, s28  }
0xae: {  	s0 =	sshrl.u32 s0, $0x3  }
0xaf: {  	s28 =	simm.s32 $0x0;
	v0 =	vmov s26;
	s0 =	sadd.s32 s1, s0  }
0xb0: {  	[tilespmem:s19], [sflag:$0x3] =	stream.linear.gather [hbm4b:s0+s28], $0x190, $0x38;
	[tilespmem:$0x5380] =	vst v63  }
0xb1: {  	_ =	swait.ge [sflag:s20], $0x190  }
0xb2: {  	[sflag:s20] =	ssyncset.done $0x0  }
0xb3: {  	s0 =	simm.s32 $0x0;
	[sflag:s20] =	ssyncadd.s32 $0xFFFFFE70  }
0xb4: {  	v1 =	vld.idx.msk [tilespmem:v0+s0+$0x0 ss:$0x1], $0xffff;
	_ =	sdelay $0x4  }
0xb5: {  	vm0 =	veq.s32 v1, $0xC34F  }
0xb6: {  	v2 =	vmpcnt.ones.xlane vm0;
	_ =	sdelay $0x1  }
0xb7: {  	(v2sf) =	vpush v2, $0x0;
	_ =	sdelay $0xe  }
0xb8: {  	s0 =	spop (v2sf)  }
0xb9: {  	p1 =	slt.s32 s0, $0x1  }
0xba: {  	s31 =	sadd.s32 @!p1 s24, s0  }
0xbb: {  	s0 =	simm.s32 @!p1 $0x0;
	p0 =	slt.s32 @!p1 s31, $0x1F0  }
0xbc: {  	vm0 =	veq.s32 @!p1 v1, $0xC34F;
	v1 =	vld @!p1 [tilespmem:s0+$0x4F00];
	p0 =	por !p0, p1  }
0xbd: {  	p2 =	slt.s32 @!p1 s24, $0x1F0;
	s31 =	simm.s32 @p0 $0x1F0  }
0xbe: {  	s29 =	simm.s32 $0x40;
	p0 =	por !p2, p1;
	s31 =	smov.u32 @p1 s24  }
0xbf: {  	s30 =	simm.s32 $0x80;
	s24 =	simm.s32 @p0 $0x1F0;
	s28 =	smov.u32 s31  }
.LBB2_10:
0xc0: {  	s0 =	smov.u32 s31  }
0xc1: {  	s31 =	sshra.s32 s29, $0x2;
	[tilespmem:s24+$0x5100] =	vst.msk @!p1 vm0, v1;
	s24 =	smov.u32 s30;
	s30 =	sadd.s32 $0x40, s30  }
0xc2: {  	p0 =	sne.s32 s30, $0x640;
	v1 =	vld.idx.msk [tilespmem:v0+s31+$0x0 ss:$0x1], $0xffff;
	_ =	sdelay $0x5  }
0xc3: {  	vm0 =	veq.s32 v1, $0xC34F  }
0xc4: {  	v2 =	vmpcnt.ones.xlane vm0;
	_ =	sdelay $0x1  }
0xc5: {  	(v2sf) =	vpush v2, $0x0;
	_ =	sdelay $0xe  }
0xc6: {  	s31 =	spop (v2sf)  }
0xc7: {  	p1 =	slt.s32 s31, $0x1  }
0xc8: {  	vm0 =	veq.s32 @!p1 v1, $0xC34F;
	s29 =	sshra.s32 @!p1 s29, $0x2;
	p2 =	slt.s32 @!p1 s0, $0x1F0;
	s31 =	sadd.s32 @!p1 s0, s31  }
.Ltmp10:
0xc9: {  	v1 =	vld @!p1 [tilespmem:s29+$0x4F00];
	p2 =	por !p2, p1;
	p3 =	slt.s32 @!p1 s31, $0x1F0;
	(pc) =	sbr.rel @p0 .LBB2_10-.Ltmp10, $4  }
0xca: {  	s29 =	smov.u32 s24;
	p3 =	por !p3, p1  }
0xcb: {  	s31 =	simm.s32 @p3 $0x1F0  }
0xcc: {  	s24 =	smov.u32 s28;
	s31 =	smov.u32 @p1 s0  }
0xcd: {  	s24 =	simm.s32 @p2 $0x1F0;
	s28 =	smov.u32 s31  }
0xce: {  	_ =	sdelay $0x2  }
0xcf: {  	s0 =	sshra.s32 s29, $0x2;
	[tilespmem:s24+$0x5100] =	vst.msk @!p1 vm0, v1  }
0xd0: {  	v0 =	vld.idx.msk [tilespmem:v0+s0+$0x0 ss:$0x1], $0xffff;
	_ =	sdelay $0x4  }
0xd1: {  	vm15 =	veq.s32 v0, $0xC34F  }
0xd2: {  	v63 =	vmpcnt.ones.xlane vm15;
	_ =	sdelay $0x1  }
0xd3: {  	(v2sf) =	vpush v63, $0x0;
	_ =	sdelay $0xe  }
0xd4: {  	s0 =	spop (v2sf)  }
0xd5: {  	p0 =	slt.s32 s0, $0x1  }
0xd6: {  	s24 =	sshra.s32 @!p0 s29, $0x2  }
0xd7: {  	v1 =	vld @!p0 [tilespmem:s24+$0x4F00]  }
.Ltmp11:
0xd8: {  	s24 =	sadd.s32 @!p0 s31, s0;
	(pc) =	sbr.rel .LBB2_12-.Ltmp11, $4  }
0xd9: {  	p1 =	slt.s32 @!p0 s31, $0x1F0;
	p2 =	slt.s32 @!p0 s24, $0x1F0  }
0xda: {  	p1 =	por !p1, p0;
	p2 =	por !p2, p0  }
0xdb: {  	vm0 =	veq.s32 @!p0 v0, $0xC34F;
	s28 =	simm.s32 @p1 $0x1F0;
	s24 =	simm.s32 @p2 $0x1F0  }
0xdc: {  	s24 =	smov.u32 @p0 s31;
	[tilespmem:s28+$0x5100] =	vst.msk @!p0 vm0, v1  }
.LBB2_13:
.Ltmp12:
0xdd: {  	(pc) =	sbr.rel .LBB2_14-.Ltmp12, $4  }
0xde: {  	_ =	swait.ge [sflag:s17], $0x2710  }
0xdf: {  	[sflag:s17] =	ssyncset.done $0x0  }
0xe0: {  	s25 =	simm.s32 $0x0;
	s26 =	simm.s32 $0x0;
	[sflag:s17] =	ssyncadd.s32 $0xFFFFD8F0  }
0xe1: {  	[tilespmem:s18], [sflag:$0x2] =	stream.linear.gather [hbm4b:s12+s25], $0x2710, $0x38;
	[tilespmem:$0x5380] =	vst v63  }
.LBB2_18:
0xe2: {  	s26 =	sadd.s32 $0x1, s26  }
0xe3: {  	p0 =	sne.s32 s26, $0x19  }
.Ltmp13:
0xe4: {  	_ = 	snop;
	(pc) =	sbr.rel @!p0 .LBB2_19-.Ltmp13, $2  }
0xe5: {  	_ =	sdelay $0x2  }
0xe6: {  	s25 =	sadd.s32 $0x190, s25  }
.LBB2_14:
0xe7: {  	s28 =	smul.u32 $0x190, s26  }
0xe8: {  	s0 =	smul.u32 $0x640, s26;
	_ =	sdelay $0x1  }
0xe9: {  	v0 =	vld [tilespmem:s28+$0x0];
	s0 =	sshra.s32 s0, $0x2  }
0xea: {  	v1 =	vld [tilespmem:s0+$0x10]  }
0xeb: {  	v2 =	vld [tilespmem:s0+$0x20]  }
0xec: {  	v3 =	vld [tilespmem:s0+$0x30]  }
0xed: {  	v4 =	vld [tilespmem:s0+$0x40]  }
0xee: {  	v5 =	vld [tilespmem:s0+$0x50]  }
0xef: {  	v44 =	vld [tilespmem:s0+$0x60];
	vm0 =	veq.s32 v0, $0xC34F;
	vm1 =	veq.s32 v1, $0xC34F  }
0xf0: {  	s29 =	sand.u32 $0x3FF0, s28;
	v45 =	vld [tilespmem:s0+$0x70];
	vm5 =	veq.s32 v2, $0xC34F;
	vm0 =	vmor vm0, vm1  }
0xf1: {  	v46 =	vld [tilespmem:s29+$0x80];
	vm6 =	veq.s32 v3, $0xC34F;
	vm0 =	vmor vm0, vm5  }
0xf2: {  	v47 =	vld [tilespmem:s0+$0x90];
	vm7 =	veq.s32 v4, $0xC34F;
	vm0 =	vmor vm0, vm6  }
0xf3: {  	v48 =	vld [tilespmem:s0+$0xA0];
	vm8 =	veq.s32 v5, $0xC34F;
	vm0 =	vmor vm0, vm7  }
0xf4: {  	v49 =	vld [tilespmem:s0+$0xB0];
	vm9 =	veq.s32 v44, $0xC34F;
	vm0 =	vmor vm0, vm8  }
0xf5: {  	v50 =	vld [tilespmem:s0+$0xC0];
	vm10 =	veq.s32 v45, $0xC34F;
	vm0 =	vmor vm0, vm9  }
0xf6: {  	v51 =	vld [tilespmem:s0+$0xD0];
	vm11 =	veq.s32 v46, $0xC34F;
	vm0 =	vmor vm0, vm10  }
0xf7: {  	v52 =	vld [tilespmem:s0+$0xE0];
	vm12 =	veq.s32 v47, $0xC34F;
	vm0 =	vmor vm0, vm11  }
0xf8: {  	v53 =	vld [tilespmem:s0+$0xF0];
	vm13 =	veq.s32 v48, $0xC34F;
	vm0 =	vmor vm0, vm12  }
0xf9: {  	v54 =	vld [tilespmem:s29+$0x100];
	vm14 =	veq.s32 v49, $0xC34F;
	vm0 =	vmor vm0, vm13  }
0xfa: {  	v55 =	vld [tilespmem:s0+$0x110];
	vm15 =	veq.s32 v50, $0xC34F;
	vm0 =	vmor vm0, vm14  }
0xfb: {  	v56 =	vld [tilespmem:s0+$0x120];
	vm4 =	veq.s32 v51, $0xC34F;
	vm0 =	vmor vm0, vm15  }
0xfc: {  	v57 =	vld [tilespmem:s0+$0x130];
	vm5 =	veq.s32 v52, $0xC34F;
	vm0 =	vmor vm0, vm4  }
0xfd: {  	v58 =	vld [tilespmem:s0+$0x140];
	vm6 =	veq.s32 v53, $0xC34F;
	vm0 =	vmor vm0, vm5  }
0xfe: {  	v59 =	vld [tilespmem:s0+$0x150];
	vm7 =	veq.s32 v54, $0xC34F;
	vm0 =	vmor vm0, vm6  }
0xff: {  	v60 =	vld [tilespmem:s0+$0x160];
	vm8 =	veq.s32 v55, $0xC34F;
	vm0 =	vmor vm0, vm7  }
0x100: {  	v61 =	vld [tilespmem:s0+$0x170];
	vm9 =	veq.s32 v56, $0xC34F;
	vm0 =	vmor vm0, vm8  }
0x101: {  	v62 =	vld [tilespmem:s29+$0x180];
	vm10 =	veq.s32 v57, $0xC34F;
	vm0 =	vmor vm0, vm9  }
0x102: {  	vm11 =	veq.s32 v58, $0xC34F;
	vm0 =	vmor vm0, vm10  }
0x103: {  	vm12 =	veq.s32 v59, $0xC34F;
	vm0 =	vmor vm0, vm11  }
0x104: {  	vm13 =	veq.s32 v60, $0xC34F;
	vm0 =	vmor vm0, vm12  }
0x105: {  	vm14 =	veq.s32 v61, $0xC34F;
	vm0 =	vmor vm0, vm13  }
0x106: {  	vm15 =	veq.s32 v62, $0xC34F;
	vm0 =	vmor vm0, vm14  }
0x107: {  	vm0 =	vmor vm0, vm15  }
0x108: {  	v63 =	vmpcnt.ones.xlane vm0;
	_ =	sdelay $0x1  }
0x109: {  	(v2sf) =	vpush v63, $0x0;
	_ =	sdelay $0xe  }
0x10a: {  	s31 =	spop (v2sf)  }
0x10b: {  	p0 =	slt.s32 s31, $0x1  }
.Ltmp14:
0x10c: {  	_ = 	snop;
	(pc) =	sbr.rel @p0 .LBB2_18-.Ltmp14, $1  }
0x10d: {  	_ =	sdelay $0x3  }
0x10e: {  	s0 =	sadd.s32 s8, s28  }
0x10f: {  	s0 =	sshrl.u32 s0, $0x3  }
0x110: {  	s28 =	simm.s32 $0x0;
	v0 =	vmov s25;
	s0 =	sadd.s32 s1, s0  }
0x111: {  	[tilespmem:s19], [sflag:$0x3] =	stream.linear.gather [hbm4b:s0+s28], $0x190, $0x38;
	[tilespmem:$0x5380] =	vst v63  }
0x112: {  	_ =	swait.ge [sflag:s20], $0x190  }
0x113: {  	[sflag:s20] =	ssyncset.done $0x0  }
0x114: {  	s0 =	simm.s32 $0x0;
	[sflag:s20] =	ssyncadd.s32 $0xFFFFFE70  }
0x115: {  	v1 =	vld.idx.msk [tilespmem:v0+s0+$0x0 ss:$0x1], $0xffff;
	_ =	sdelay $0x4  }
0x116: {  	vm0 =	veq.s32 v1, $0xC34F  }
0x117: {  	v2 =	vmpcnt.ones.xlane vm0;
	_ =	sdelay $0x1  }
0x118: {  	(v2sf) =	vpush v2, $0x0;
	_ =	sdelay $0xe  }
0x119: {  	s0 =	spop (v2sf)  }
0x11a: {  	p1 =	slt.s32 s0, $0x1  }
0x11b: {  	s31 =	sadd.s32 @!p1 s24, s0  }
0x11c: {  	s0 =	simm.s32 @!p1 $0x0;
	p0 =	slt.s32 @!p1 s31, $0x1F0  }
0x11d: {  	vm0 =	veq.s32 @!p1 v1, $0xC34F;
	v1 =	vld @!p1 [tilespmem:s0+$0x4F00];
	p0 =	por !p0, p1  }
0x11e: {  	p2 =	slt.s32 @!p1 s24, $0x1F0;
	s31 =	simm.s32 @p0 $0x1F0  }
0x11f: {  	s29 =	simm.s32 $0x40;
	p0 =	por !p2, p1;
	s31 =	smov.u32 @p1 s24  }
0x120: {  	s30 =	simm.s32 $0x80;
	s24 =	simm.s32 @p0 $0x1F0;
	s28 =	smov.u32 s31  }
.LBB2_16:
0x121: {  	s0 =	smov.u32 s31  }
0x122: {  	s31 =	sshra.s32 s29, $0x2;
	[tilespmem:s24+$0x5100] =	vst.msk @!p1 vm0, v1;
	s24 =	smov.u32 s30;
	s30 =	sadd.s32 $0x40, s30  }
0x123: {  	p0 =	sne.s32 s30, $0x640;
	v1 =	vld.idx.msk [tilespmem:v0+s31+$0x0 ss:$0x1], $0xffff;
	_ =	sdelay $0x5  }
0x124: {  	vm0 =	veq.s32 v1, $0xC34F  }
0x125: {  	v2 =	vmpcnt.ones.xlane vm0;
	_ =	sdelay $0x1  }
0x126: {  	(v2sf) =	vpush v2, $0x0;
	_ =	sdelay $0xe  }
0x127: {  	s31 =	spop (v2sf)  }
0x128: {  	p1 =	slt.s32 s31, $0x1  }
0x129: {  	vm0 =	veq.s32 @!p1 v1, $0xC34F;
	s29 =	sshra.s32 @!p1 s29, $0x2;
	p2 =	slt.s32 @!p1 s0, $0x1F0;
	s31 =	sadd.s32 @!p1 s0, s31  }
.Ltmp15:
0x12a: {  	v1 =	vld @!p1 [tilespmem:s29+$0x4F00];
	p2 =	por !p2, p1;
	p3 =	slt.s32 @!p1 s31, $0x1F0;
	(pc) =	sbr.rel @p0 .LBB2_16-.Ltmp15, $4  }
0x12b: {  	s29 =	smov.u32 s24;
	p3 =	por !p3, p1  }
0x12c: {  	s31 =	simm.s32 @p3 $0x1F0  }
0x12d: {  	s24 =	smov.u32 s28;
	s31 =	smov.u32 @p1 s0  }
0x12e: {  	s24 =	simm.s32 @p2 $0x1F0;
	s28 =	smov.u32 s31  }
0x12f: {  	_ =	sdelay $0x2  }
0x130: {  	s0 =	sshra.s32 s29, $0x2;
	[tilespmem:s24+$0x5100] =	vst.msk @!p1 vm0, v1  }
0x131: {  	v0 =	vld.idx.msk [tilespmem:v0+s0+$0x0 ss:$0x1], $0xffff;
	_ =	sdelay $0x4  }
0x132: {  	vm15 =	veq.s32 v0, $0xC34F  }
0x133: {  	v63 =	vmpcnt.ones.xlane vm15;
	_ =	sdelay $0x1  }
0x134: {  	(v2sf) =	vpush v63, $0x0;
	_ =	sdelay $0xe  }
0x135: {  	s0 =	spop (v2sf)  }
0x136: {  	p0 =	slt.s32 s0, $0x1  }
0x137: {  	s24 =	sshra.s32 @!p0 s29, $0x2  }
0x138: {  	v1 =	vld @!p0 [tilespmem:s24+$0x4F00]  }
.Ltmp16:
0x139: {  	s24 =	sadd.s32 @!p0 s31, s0;
	(pc) =	sbr.rel .LBB2_18-.Ltmp16, $4  }
0x13a: {  	p1 =	slt.s32 @!p0 s31, $0x1F0;
	p2 =	slt.s32 @!p0 s24, $0x1F0  }
0x13b: {  	p1 =	por !p1, p0;
	p2 =	por !p2, p0  }
0x13c: {  	vm0 =	veq.s32 @!p0 v0, $0xC34F;
	s28 =	simm.s32 @p1 $0x1F0;
	s24 =	simm.s32 @p2 $0x1F0  }
0x13d: {  	s24 =	smov.u32 @p0 s31;
	[tilespmem:s28+$0x5100] =	vst.msk @!p0 vm0, v1  }
.LBB2_19:
.Ltmp17:
0x13e: {  	(pc) =	sbr.rel .LBB2_20-.Ltmp17, $4  }
0x13f: {  	_ =	swait.ge [sflag:s21], $0x2710  }
0x140: {  	[sflag:s21] =	ssyncset.done $0x0  }
0x141: {  	s25 =	simm.s32 $0x0;
	s26 =	simm.s32 $0x2780;
	[sflag:s21] =	ssyncadd.s32 $0xFFFFD8F0  }
0x142: {  	[tilespmem:s25], [sflag:$0x1] =	stream.linear.gather [hbm4b:s13+s25], $0x2710, $0x38;
	[tilespmem:$0x5380] =	vst v63  }
.LBB2_24:
0x143: {  	s25 =	sadd.s32 $0x1, s25  }
0x144: {  	p0 =	sne.s32 s25, $0x19  }
.Ltmp18:
0x145: {  	_ = 	snop;
	(pc) =	sbr.rel @!p0 .LBB2_25-.Ltmp18, $2  }
0x146: {  	_ =	sdelay $0x2  }
0x147: {  	s26 =	sadd.s32 $0x190, s26  }
.LBB2_20:
0x148: {  	s28 =	smul.u32 $0x190, s25  }
0x149: {  	s0 =	smul.u32 $0x640, s25;
	_ =	sdelay $0x1  }
0x14a: {  	v0 =	vld [tilespmem:s28+$0x2780];
	s0 =	sshra.s32 s0, $0x2  }
0x14b: {  	v1 =	vld [tilespmem:s0+$0x2790]  }
0x14c: {  	v2 =	vld [tilespmem:s0+$0x27A0]  }
0x14d: {  	v3 =	vld [tilespmem:s0+$0x27B0]  }
0x14e: {  	v4 =	vld [tilespmem:s0+$0x27C0]  }
0x14f: {  	v5 =	vld [tilespmem:s0+$0x27D0]  }
0x150: {  	v44 =	vld [tilespmem:s0+$0x27E0];
	vm0 =	veq.s32 v0, $0xC34F;
	vm1 =	veq.s32 v1, $0xC34F  }
0x151: {  	s29 =	sand.u32 $0x3FF0, s28;
	v45 =	vld [tilespmem:s0+$0x27F0];
	vm5 =	veq.s32 v2, $0xC34F;
	vm0 =	vmor vm0, vm1  }
0x152: {  	v46 =	vld [tilespmem:s29+$0x2800];
	vm6 =	veq.s32 v3, $0xC34F;
	vm0 =	vmor vm0, vm5  }
0x153: {  	v47 =	vld [tilespmem:s0+$0x2810];
	vm7 =	veq.s32 v4, $0xC34F;
	vm0 =	vmor vm0, vm6  }
0x154: {  	v48 =	vld [tilespmem:s0+$0x2820];
	vm8 =	veq.s32 v5, $0xC34F;
	vm0 =	vmor vm0, vm7  }
0x155: {  	v49 =	vld [tilespmem:s0+$0x2830];
	vm9 =	veq.s32 v44, $0xC34F;
	vm0 =	vmor vm0, vm8  }
0x156: {  	v50 =	vld [tilespmem:s0+$0x2840];
	vm10 =	veq.s32 v45, $0xC34F;
	vm0 =	vmor vm0, vm9  }
0x157: {  	v51 =	vld [tilespmem:s0+$0x2850];
	vm11 =	veq.s32 v46, $0xC34F;
	vm0 =	vmor vm0, vm10  }
0x158: {  	v52 =	vld [tilespmem:s0+$0x2860];
	vm12 =	veq.s32 v47, $0xC34F;
	vm0 =	vmor vm0, vm11  }
0x159: {  	v53 =	vld [tilespmem:s0+$0x2870];
	vm13 =	veq.s32 v48, $0xC34F;
	vm0 =	vmor vm0, vm12  }
0x15a: {  	v54 =	vld [tilespmem:s29+$0x2880];
	vm14 =	veq.s32 v49, $0xC34F;
	vm0 =	vmor vm0, vm13  }
0x15b: {  	v55 =	vld [tilespmem:s0+$0x2890];
	vm15 =	veq.s32 v50, $0xC34F;
	vm0 =	vmor vm0, vm14  }
0x15c: {  	v56 =	vld [tilespmem:s0+$0x28A0];
	vm4 =	veq.s32 v51, $0xC34F;
	vm0 =	vmor vm0, vm15  }
0x15d: {  	v57 =	vld [tilespmem:s0+$0x28B0];
	vm5 =	veq.s32 v52, $0xC34F;
	vm0 =	vmor vm0, vm4  }
0x15e: {  	v58 =	vld [tilespmem:s0+$0x28C0];
	vm6 =	veq.s32 v53, $0xC34F;
	vm0 =	vmor vm0, vm5  }
0x15f: {  	v59 =	vld [tilespmem:s0+$0x28D0];
	vm7 =	veq.s32 v54, $0xC34F;
	vm0 =	vmor vm0, vm6  }
0x160: {  	v60 =	vld [tilespmem:s0+$0x28E0];
	vm8 =	veq.s32 v55, $0xC34F;
	vm0 =	vmor vm0, vm7  }
0x161: {  	v61 =	vld [tilespmem:s0+$0x28F0];
	vm9 =	veq.s32 v56, $0xC34F;
	vm0 =	vmor vm0, vm8  }
0x162: {  	v62 =	vld [tilespmem:s29+$0x2900];
	vm10 =	veq.s32 v57, $0xC34F;
	vm0 =	vmor vm0, vm9  }
0x163: {  	vm11 =	veq.s32 v58, $0xC34F;
	vm0 =	vmor vm0, vm10  }
0x164: {  	vm12 =	veq.s32 v59, $0xC34F;
	vm0 =	vmor vm0, vm11  }
0x165: {  	vm13 =	veq.s32 v60, $0xC34F;
	vm0 =	vmor vm0, vm12  }
0x166: {  	vm14 =	veq.s32 v61, $0xC34F;
	vm0 =	vmor vm0, vm13  }
0x167: {  	vm15 =	veq.s32 v62, $0xC34F;
	vm0 =	vmor vm0, vm14  }
0x168: {  	vm0 =	vmor vm0, vm15  }
0x169: {  	v63 =	vmpcnt.ones.xlane vm0;
	_ =	sdelay $0x1  }
0x16a: {  	(v2sf) =	vpush v63, $0x0;
	_ =	sdelay $0xe  }
0x16b: {  	s31 =	spop (v2sf)  }
0x16c: {  	p0 =	slt.s32 s31, $0x1  }
.Ltmp19:
0x16d: {  	_ = 	snop;
	(pc) =	sbr.rel @p0 .LBB2_24-.Ltmp19, $1  }
0x16e: {  	_ =	sdelay $0x3  }
0x16f: {  	s0 =	sadd.s32 s9, s28  }
0x170: {  	s0 =	sshrl.u32 s0, $0x3  }
0x171: {  	s28 =	simm.s32 $0x0;
	v0 =	vmov s26;
	s0 =	sadd.s32 s1, s0  }
0x172: {  	[tilespmem:s19], [sflag:$0x3] =	stream.linear.gather [hbm4b:s0+s28], $0x190, $0x38;
	[tilespmem:$0x5380] =	vst v63  }
0x173: {  	_ =	swait.ge [sflag:s20], $0x190  }
0x174: {  	[sflag:s20] =	ssyncset.done $0x0  }
0x175: {  	s0 =	simm.s32 $0x0;
	[sflag:s20] =	ssyncadd.s32 $0xFFFFFE70  }
0x176: {  	v1 =	vld.idx.msk [tilespmem:v0+s0+$0x0 ss:$0x1], $0xffff;
	_ =	sdelay $0x4  }
0x177: {  	vm0 =	veq.s32 v1, $0xC34F  }
0x178: {  	v2 =	vmpcnt.ones.xlane vm0;
	_ =	sdelay $0x1  }
0x179: {  	(v2sf) =	vpush v2, $0x0;
	_ =	sdelay $0xe  }
0x17a: {  	s0 =	spop (v2sf)  }
0x17b: {  	p1 =	slt.s32 s0, $0x1  }
0x17c: {  	s31 =	sadd.s32 @!p1 s24, s0  }
0x17d: {  	s0 =	simm.s32 @!p1 $0x0;
	p0 =	slt.s32 @!p1 s31, $0x1F0  }
0x17e: {  	vm0 =	veq.s32 @!p1 v1, $0xC34F;
	v1 =	vld @!p1 [tilespmem:s0+$0x4F00];
	p0 =	por !p0, p1  }
0x17f: {  	p2 =	slt.s32 @!p1 s24, $0x1F0;
	s31 =	simm.s32 @p0 $0x1F0  }
0x180: {  	s29 =	simm.s32 $0x40;
	p0 =	por !p2, p1;
	s31 =	smov.u32 @p1 s24  }
0x181: {  	s30 =	simm.s32 $0x80;
	s24 =	simm.s32 @p0 $0x1F0;
	s28 =	smov.u32 s31  }
.LBB2_22:
0x182: {  	s0 =	smov.u32 s31  }
0x183: {  	s31 =	sshra.s32 s29, $0x2;
	[tilespmem:s24+$0x5100] =	vst.msk @!p1 vm0, v1;
	s24 =	smov.u32 s30;
	s30 =	sadd.s32 $0x40, s30  }
0x184: {  	p0 =	sne.s32 s30, $0x640;
	v1 =	vld.idx.msk [tilespmem:v0+s31+$0x0 ss:$0x1], $0xffff;
	_ =	sdelay $0x5  }
0x185: {  	vm0 =	veq.s32 v1, $0xC34F  }
0x186: {  	v2 =	vmpcnt.ones.xlane vm0;
	_ =	sdelay $0x1  }
0x187: {  	(v2sf) =	vpush v2, $0x0;
	_ =	sdelay $0xe  }
0x188: {  	s31 =	spop (v2sf)  }
0x189: {  	p1 =	slt.s32 s31, $0x1  }
0x18a: {  	vm0 =	veq.s32 @!p1 v1, $0xC34F;
	s29 =	sshra.s32 @!p1 s29, $0x2;
	p2 =	slt.s32 @!p1 s0, $0x1F0;
	s31 =	sadd.s32 @!p1 s0, s31  }
.Ltmp20:
0x18b: {  	v1 =	vld @!p1 [tilespmem:s29+$0x4F00];
	p2 =	por !p2, p1;
	p3 =	slt.s32 @!p1 s31, $0x1F0;
	(pc) =	sbr.rel @p0 .LBB2_22-.Ltmp20, $4  }
0x18c: {  	s29 =	smov.u32 s24;
	p3 =	por !p3, p1  }
0x18d: {  	s31 =	simm.s32 @p3 $0x1F0  }
0x18e: {  	s24 =	smov.u32 s28;
	s31 =	smov.u32 @p1 s0  }
0x18f: {  	s24 =	simm.s32 @p2 $0x1F0;
	s28 =	smov.u32 s31  }
0x190: {  	_ =	sdelay $0x2  }
0x191: {  	s0 =	sshra.s32 s29, $0x2;
	[tilespmem:s24+$0x5100] =	vst.msk @!p1 vm0, v1  }
0x192: {  	v0 =	vld.idx.msk [tilespmem:v0+s0+$0x0 ss:$0x1], $0xffff;
	_ =	sdelay $0x4  }
0x193: {  	vm15 =	veq.s32 v0, $0xC34F  }
0x194: {  	v63 =	vmpcnt.ones.xlane vm15;
	_ =	sdelay $0x1  }
0x195: {  	(v2sf) =	vpush v63, $0x0;
	_ =	sdelay $0xe  }
0x196: {  	s0 =	spop (v2sf)  }
0x197: {  	p0 =	slt.s32 s0, $0x1  }
0x198: {  	s24 =	sshra.s32 @!p0 s29, $0x2  }
0x199: {  	v1 =	vld @!p0 [tilespmem:s24+$0x4F00]  }
.Ltmp21:
0x19a: {  	s24 =	sadd.s32 @!p0 s31, s0;
	(pc) =	sbr.rel .LBB2_24-.Ltmp21, $4  }
0x19b: {  	p1 =	slt.s32 @!p0 s31, $0x1F0;
	p2 =	slt.s32 @!p0 s24, $0x1F0  }
0x19c: {  	p1 =	por !p1, p0;
	p2 =	por !p2, p0  }
0x19d: {  	vm0 =	veq.s32 @!p0 v0, $0xC34F;
	s28 =	simm.s32 @p1 $0x1F0;
	s24 =	simm.s32 @p2 $0x1F0  }
0x19e: {  	s24 =	smov.u32 @p0 s31;
	[tilespmem:s28+$0x5100] =	vst.msk @!p0 vm0, v1  }
.LBB2_25:
.Ltmp22:
0x19f: {  	(pc) =	sbr.rel .LBB2_26-.Ltmp22, $4  }
0x1a0: {  	_ = 	snop  }
0x1a1: {  	_ =	swait.ge [sflag:s17], $0x2710  }
0x1a2: {  	[sflag:s17] =	ssyncset.done $0x0  }
0x1a3: {  	s25 =	simm.s32 $0x0;
	s26 =	simm.s32 $0x0;
	[sflag:s17] =	ssyncadd.s32 $0xFFFFD8F0  }
.LBB2_30:
0x1a4: {  	s26 =	sadd.s32 $0x1, s26  }
0x1a5: {  	p0 =	sne.s32 s26, $0x19  }
.Ltmp23:
0x1a6: {  	_ = 	snop;
	(pc) =	sbr.rel @!p0 .LBB2_31-.Ltmp23, $2  }
0x1a7: {  	_ =	sdelay $0x2  }
0x1a8: {  	s25 =	sadd.s32 $0x190, s25  }
.LBB2_26:
0x1a9: {  	s28 =	smul.u32 $0x190, s26  }
0x1aa: {  	s0 =	smul.u32 $0x640, s26;
	_ =	sdelay $0x1  }
0x1ab: {  	v0 =	vld [tilespmem:s28+$0x0];
	s0 =	sshra.s32 s0, $0x2  }
0x1ac: {  	v1 =	vld [tilespmem:s0+$0x10]  }
0x1ad: {  	v2 =	vld [tilespmem:s0+$0x20]  }
0x1ae: {  	v3 =	vld [tilespmem:s0+$0x30]  }
0x1af: {  	v4 =	vld [tilespmem:s0+$0x40]  }
0x1b0: {  	v5 =	vld [tilespmem:s0+$0x50]  }
0x1b1: {  	v44 =	vld [tilespmem:s0+$0x60];
	vm0 =	veq.s32 v0, $0xC34F;
	vm1 =	veq.s32 v1, $0xC34F  }
0x1b2: {  	s29 =	sand.u32 $0x3FF0, s28;
	v45 =	vld [tilespmem:s0+$0x70];
	vm5 =	veq.s32 v2, $0xC34F;
	vm0 =	vmor vm0, vm1  }
0x1b3: {  	v46 =	vld [tilespmem:s29+$0x80];
	vm6 =	veq.s32 v3, $0xC34F;
	vm0 =	vmor vm0, vm5  }
0x1b4: {  	v47 =	vld [tilespmem:s0+$0x90];
	vm7 =	veq.s32 v4, $0xC34F;
	vm0 =	vmor vm0, vm6  }
0x1b5: {  	v48 =	vld [tilespmem:s0+$0xA0];
	vm8 =	veq.s32 v5, $0xC34F;
	vm0 =	vmor vm0, vm7  }
0x1b6: {  	v49 =	vld [tilespmem:s0+$0xB0];
	vm9 =	veq.s32 v44, $0xC34F;
	vm0 =	vmor vm0, vm8  }
0x1b7: {  	v50 =	vld [tilespmem:s0+$0xC0];
	vm10 =	veq.s32 v45, $0xC34F;
	vm0 =	vmor vm0, vm9  }
0x1b8: {  	v51 =	vld [tilespmem:s0+$0xD0];
	vm11 =	veq.s32 v46, $0xC34F;
	vm0 =	vmor vm0, vm10  }
0x1b9: {  	v52 =	vld [tilespmem:s0+$0xE0];
	vm12 =	veq.s32 v47, $0xC34F;
	vm0 =	vmor vm0, vm11  }
0x1ba: {  	v53 =	vld [tilespmem:s0+$0xF0];
	vm13 =	veq.s32 v48, $0xC34F;
	vm0 =	vmor vm0, vm12  }
0x1bb: {  	v54 =	vld [tilespmem:s29+$0x100];
	vm14 =	veq.s32 v49, $0xC34F;
	vm0 =	vmor vm0, vm13  }
0x1bc: {  	v55 =	vld [tilespmem:s0+$0x110];
	vm15 =	veq.s32 v50, $0xC34F;
	vm0 =	vmor vm0, vm14  }
0x1bd: {  	v56 =	vld [tilespmem:s0+$0x120];
	vm4 =	veq.s32 v51, $0xC34F;
	vm0 =	vmor vm0, vm15  }
0x1be: {  	v57 =	vld [tilespmem:s0+$0x130];
	vm5 =	veq.s32 v52, $0xC34F;
	vm0 =	vmor vm0, vm4  }
0x1bf: {  	v58 =	vld [tilespmem:s0+$0x140];
	vm6 =	veq.s32 v53, $0xC34F;
	vm0 =	vmor vm0, vm5  }
0x1c0: {  	v59 =	vld [tilespmem:s0+$0x150];
	vm7 =	veq.s32 v54, $0xC34F;
	vm0 =	vmor vm0, vm6  }
0x1c1: {  	v60 =	vld [tilespmem:s0+$0x160];
	vm8 =	veq.s32 v55, $0xC34F;
	vm0 =	vmor vm0, vm7  }
0x1c2: {  	v61 =	vld [tilespmem:s0+$0x170];
	vm9 =	veq.s32 v56, $0xC34F;
	vm0 =	vmor vm0, vm8  }
0x1c3: {  	v62 =	vld [tilespmem:s29+$0x180];
	vm10 =	veq.s32 v57, $0xC34F;
	vm0 =	vmor vm0, vm9  }
0x1c4: {  	vm11 =	veq.s32 v58, $0xC34F;
	vm0 =	vmor vm0, vm10  }
0x1c5: {  	vm12 =	veq.s32 v59, $0xC34F;
	vm0 =	vmor vm0, vm11  }
0x1c6: {  	vm13 =	veq.s32 v60, $0xC34F;
	vm0 =	vmor vm0, vm12  }
0x1c7: {  	vm14 =	veq.s32 v61, $0xC34F;
	vm0 =	vmor vm0, vm13  }
0x1c8: {  	vm15 =	veq.s32 v62, $0xC34F;
	vm0 =	vmor vm0, vm14  }
0x1c9: {  	vm0 =	vmor vm0, vm15  }
0x1ca: {  	v63 =	vmpcnt.ones.xlane vm0;
	_ =	sdelay $0x1  }
0x1cb: {  	(v2sf) =	vpush v63, $0x0;
	_ =	sdelay $0xe  }
0x1cc: {  	s31 =	spop (v2sf)  }
0x1cd: {  	p0 =	slt.s32 s31, $0x1  }
.Ltmp24:
0x1ce: {  	_ = 	snop;
	(pc) =	sbr.rel @p0 .LBB2_30-.Ltmp24, $1  }
0x1cf: {  	_ =	sdelay $0x3  }
0x1d0: {  	s0 =	sadd.s32 s10, s28  }
0x1d1: {  	s0 =	sshrl.u32 s0, $0x3  }
0x1d2: {  	s28 =	simm.s32 $0x0;
	v0 =	vmov s25;
	s0 =	sadd.s32 s1, s0  }
0x1d3: {  	[tilespmem:s19], [sflag:$0x3] =	stream.linear.gather [hbm4b:s0+s28], $0x190, $0x38;
	[tilespmem:$0x5380] =	vst v63  }
0x1d4: {  	_ =	swait.ge [sflag:s20], $0x190  }
0x1d5: {  	[sflag:s20] =	ssyncset.done $0x0  }
0x1d6: {  	s0 =	simm.s32 $0x0;
	[sflag:s20] =	ssyncadd.s32 $0xFFFFFE70  }
0x1d7: {  	v1 =	vld.idx.msk [tilespmem:v0+s0+$0x0 ss:$0x1], $0xffff;
	_ =	sdelay $0x4  }
0x1d8: {  	vm0 =	veq.s32 v1, $0xC34F  }
0x1d9: {  	v2 =	vmpcnt.ones.xlane vm0;
	_ =	sdelay $0x1  }
0x1da: {  	(v2sf) =	vpush v2, $0x0;
	_ =	sdelay $0xe  }
0x1db: {  	s0 =	spop (v2sf)  }
0x1dc: {  	p1 =	slt.s32 s0, $0x1  }
0x1dd: {  	s31 =	sadd.s32 @!p1 s24, s0  }
0x1de: {  	s0 =	simm.s32 @!p1 $0x0;
	p0 =	slt.s32 @!p1 s31, $0x1F0  }
0x1df: {  	vm0 =	veq.s32 @!p1 v1, $0xC34F;
	v1 =	vld @!p1 [tilespmem:s0+$0x4F00];
	p0 =	por !p0, p1  }
0x1e0: {  	p2 =	slt.s32 @!p1 s24, $0x1F0;
	s31 =	simm.s32 @p0 $0x1F0  }
0x1e1: {  	s29 =	simm.s32 $0x40;
	p0 =	por !p2, p1;
	s31 =	smov.u32 @p1 s24  }
0x1e2: {  	s30 =	simm.s32 $0x80;
	s24 =	simm.s32 @p0 $0x1F0;
	s28 =	smov.u32 s31  }
.LBB2_28:
0x1e3: {  	s0 =	smov.u32 s31  }
0x1e4: {  	s31 =	sshra.s32 s29, $0x2;
	[tilespmem:s24+$0x5100] =	vst.msk @!p1 vm0, v1;
	s24 =	smov.u32 s30;
	s30 =	sadd.s32 $0x40, s30  }
0x1e5: {  	p0 =	sne.s32 s30, $0x640;
	v1 =	vld.idx.msk [tilespmem:v0+s31+$0x0 ss:$0x1], $0xffff;
	_ =	sdelay $0x5  }
0x1e6: {  	vm0 =	veq.s32 v1, $0xC34F  }
0x1e7: {  	v2 =	vmpcnt.ones.xlane vm0;
	_ =	sdelay $0x1  }
0x1e8: {  	(v2sf) =	vpush v2, $0x0;
	_ =	sdelay $0xe  }
0x1e9: {  	s31 =	spop (v2sf)  }
0x1ea: {  	p1 =	slt.s32 s31, $0x1  }
0x1eb: {  	vm0 =	veq.s32 @!p1 v1, $0xC34F;
	s29 =	sshra.s32 @!p1 s29, $0x2;
	p2 =	slt.s32 @!p1 s0, $0x1F0;
	s31 =	sadd.s32 @!p1 s0, s31  }
.Ltmp25:
0x1ec: {  	v1 =	vld @!p1 [tilespmem:s29+$0x4F00];
	p2 =	por !p2, p1;
	p3 =	slt.s32 @!p1 s31, $0x1F0;
	(pc) =	sbr.rel @p0 .LBB2_28-.Ltmp25, $4  }
0x1ed: {  	s29 =	smov.u32 s24;
	p3 =	por !p3, p1  }
0x1ee: {  	s31 =	simm.s32 @p3 $0x1F0  }
0x1ef: {  	s24 =	smov.u32 s28;
	s31 =	smov.u32 @p1 s0  }
0x1f0: {  	s24 =	simm.s32 @p2 $0x1F0;
	s28 =	smov.u32 s31  }
0x1f1: {  	_ =	sdelay $0x2  }
0x1f2: {  	s0 =	sshra.s32 s29, $0x2;
	[tilespmem:s24+$0x5100] =	vst.msk @!p1 vm0, v1  }
0x1f3: {  	v0 =	vld.idx.msk [tilespmem:v0+s0+$0x0 ss:$0x1], $0xffff;
	_ =	sdelay $0x4  }
0x1f4: {  	vm15 =	veq.s32 v0, $0xC34F  }
0x1f5: {  	v63 =	vmpcnt.ones.xlane vm15;
	_ =	sdelay $0x1  }
0x1f6: {  	(v2sf) =	vpush v63, $0x0;
	_ =	sdelay $0xe  }
0x1f7: {  	s0 =	spop (v2sf)  }
0x1f8: {  	p0 =	slt.s32 s0, $0x1  }
0x1f9: {  	s24 =	sshra.s32 @!p0 s29, $0x2  }
0x1fa: {  	v1 =	vld @!p0 [tilespmem:s24+$0x4F00]  }
.Ltmp26:
0x1fb: {  	s24 =	sadd.s32 @!p0 s31, s0;
	(pc) =	sbr.rel .LBB2_30-.Ltmp26, $4  }
0x1fc: {  	p1 =	slt.s32 @!p0 s31, $0x1F0;
	p2 =	slt.s32 @!p0 s24, $0x1F0  }
0x1fd: {  	p1 =	por !p1, p0;
	p2 =	por !p2, p0  }
0x1fe: {  	vm0 =	veq.s32 @!p0 v0, $0xC34F;
	s28 =	simm.s32 @p1 $0x1F0;
	s24 =	simm.s32 @p2 $0x1F0  }
0x1ff: {  	s24 =	smov.u32 @p0 s31;
	[tilespmem:s28+$0x5100] =	vst.msk @!p0 vm0, v1  }
.LBB2_31:
0x200: {  	s0 =	sadd.s32 $0xF, s24  }
0x201: {  	s25 =	sand.u32 $0xF, s0  }
0x202: {  	p0 =	slt.s32 s24, $0xFFFFFFF2;
	s26 =	sshra.s32 s0, $0x1F;
	p1 =	sne.s32 s25, $0x0  }
0x203: {  	s31 =	sshrl.u32 s26, $0x1C;
	p0 =	por !p0, !p1  }
0x204: {  	s25 =	simm.s32 $0x1;
	s0 =	sadd.s32 s31, s0;
	p0 =	por !p0, !p0  }
0x205: {  	s0 =	sshra.s32 s0, $0x4;
	s25 =	simm.s32 @!p0 $0x0  }
0x206: {  	s26 =	ssub.s32 s0, s25  }
0x207: {  	p0 =	slt.s32 s26, $0x1  }
.Ltmp27:
0x208: {  	_ = 	snop;
	(pc) =	sbr.rel @p0 .LBB2_35-.Ltmp27, $1  }
0x209: {  	_ =	sdelay $0x3  }
0x20a: {  	p0 =	sne.s32 s26, $0x1  }
.Ltmp28:
0x20b: {  	_ = 	snop;
	(pc) =	sbr.rel @!p0 .LBB2_34-.Ltmp28, $4  }
0x20c: {  	s25 =	simm.s32 $0x5100  }
0x20d: {  	[hbm4b:s16+s3] =	stream.linear.scatter [tilespmem:s25], [sflag:$0x3], $0x10, $0x38;
	[tilespmem:$0x5380] =	vst v63  }
0x20e: {  	_ =	swait.ge [sflag:s20], $0x10  }
0x20f: {  	s26 =	sadd.s32 $0xFFFFFFFF, s26;
	s28 =	smov.u32 s16;
	[sflag:s20] =	ssyncset.done $0x0  }
.LBB2_33:
0x210: {  	[sflag:s20] =	ssyncadd.s32 $0xFFFFFFF0  }
0x211: {  	s28 =	sadd.s32 $0x2, s28;
	s25 =	sadd.s32 $0x10, s25;
	p0 =	sne.s32 s26, $0x1  }
.Ltmp29:
0x212: {  	s26 =	sadd.s32 $0xFFFFFFFF, s26;
	(pc) =	sbr.rel @p0 .LBB2_33-.Ltmp29, $4  }
0x213: {  	_ = 	snop  }
0x214: {  	[hbm4b:s28+s3] =	stream.linear.scatter [tilespmem:s25], [sflag:$0x3], $0x10, $0x38;
	[tilespmem:$0x5380] =	vst v63  }
0x215: {  	_ =	swait.ge [sflag:s20], $0x10  }
0x216: {  	[sflag:s20] =	ssyncset.done $0x0  }
.Ltmp30:
0x217: {  	_ = 	snop;
	(pc) =	sbr.rel .LBB2_34-.Ltmp30, $1  }
0x218: {  	_ =	sdelay $0x3  }
.LBB2_36:
0x219: {  	_ =	sfence.sel $0x180000  }
0x21a: {  	[bflag:$0x0] =	sbarrier.arrive $0xFFFF  }
0x21b: {  	_ =	strace $0x90000047  }
0x21c: {  	[bflag:$0x2] =	sbarrier.arrive $0xFFFF  }
0x21d: {  	p0 =	sne.s32 s2, $0x0;
	s0 =	rddreg [dreg:$0x3]  }
0x21e: {  	s0 =	sadd.s32 @!p0 $0x100000, s0  }
0x21f: {  	[sflag:s0] =	ssyncadd.tile.s32 @!p0 $0x1;
	_ =	shalt  }
.Lfunc_end2:
_tile_overlayer_lowered:
.L_overlay_start_2:
0x220: {  	(tag) =	ssettag $0x2  }
0x221: {  	s0 =	rddreg [dreg:$0x0];
	s2 =	stileid.u32  }
0x222: {  	s1 =	rddreg [dreg:$0x1];
	p0 =	sne.s32 s2, $0x0  }
0x223: {  	s3 =	rddreg [dreg:$0x2];
	[bflag:$0x3] =	sbarrier.arrive $0xFFFF;
	s2 =	simm.s32 @!p0 $0x1C03  }
0x224: {  	[timem:s3], [sflag:s2] =	dma.local @!p0 [hbm:s0], s1  }
0x225: {  	s0 =	simm.s32 @!p0 $0x3  }
0x226: {  	_ =	swait.ge @!p0 [sflag:s0], s1  }
0x227: {  	s1 =	ssub.s32 @!p0 $0x0, s1;
	[sflag:s0] =	ssyncset.done @!p0 $0x0  }
0x228: {  	[sflag:s0] =	ssyncadd.s32 @!p0 s1  }
0x229: {  	[bflag:$0x3] =	sbarrier.arrive $0xFFFF  }
0x22a: {  	_ =	shalt  }

// kernel: kernel.8.cloned.1.call-start
scs
__scs_entry_jumppad:
0x0: {  	(pc) =	sbr.rel $0x88, $3  }
0x1: {  	(tag) =	ssettag $0x0;
	lr =	simm.s32 $0x1  }
0x2: {  	[smem:$0x3F94] =	sst lr;
	_ =	strace $0xD0000000  }
0x3: {  	_ = 	snop  }
0x4: {  	_ = 	snop  }
0x5: {  	_ = 	snop  }
0x6: {  	_ = 	snop  }
0x7: {  	_ = 	snop  }
__scs_overlays_trampoline_lowered:
0x8: {  	[smem:$0x3FA3] =	sst s0  }
0x9: {  	[smem:$0x3FA4] =	sst s1  }
0xa: {  	[smem:$0x3FA5] =	sst s2  }
0xb: {  	[smem:$0x3FA6] =	sst s3  }
0xc: {  	[smem:$0x3FA7] =	sst s4  }
0xd: {  	[smem:$0x3FA8] =	sst s5  }
0xe: {  	[smem:$0x3FA9] =	sst s6  }
0xf: {  	[smem:$0x3FAA] =	sst s7  }
0x10: {  	[smem:$0x3FAB] =	sst s8  }
0x11: {  	[smem:$0x3FAC] =	sst s9;
	s0 =	simm.s32 @!p0 $0x0  }
0x12: {  	s1 =	sld [smem:$0x3F92];
	s0 =	simm.s32 @p0 $0x1  }
0x13: {  	[smem:$0x3FAD] =	sst s0;
	s0 =	simm.s32 @!p1 $0x0  }
0x14: {  	s2 =	sld [smem:$0x3F91];
	s0 =	simm.s32 @p1 $0x1  }
0x15: {  	[smem:$0x3FAE] =	sst s0;
	s0 =	simm.s32 @!p2 $0x0  }
0x16: {  	s3 =	sld [smem:$0x3FDB];
	s0 =	simm.s32 @p2 $0x1  }
0x17: {  	s4 =	simm.s32 $0x1BF5;
	[smem:$0x3FB0] =	sst s0  }
0x18: {  	s0 =	sld [smem:$0x3F93];
	_ =	swait.ge [sflag:s4], $0x0  }
0x19: {  	s7 =	sld [smem:$0x3F94]  }
0x1a: {  	s8 =	sadd.s32 $0xFFFFE003, lr  }
0x1b: {  	s9 =	sadd.s32 $0xFFFFFEF7, lr;
	s5 =	simm.s32 $0xFFFFFFFF;
	p2 =	slt.u32 s8, $0xFFFFF086  }
0x1c: {  	p1 =	slt.u32 s9, $0xF7A;
	s5 =	simm.s32 @!p2 $0x0  }
0x1d: {  	s5 =	simm.s32 @p1 $0x1;
	p0 =	seq.s32 s7, s2  }
0x1e: {  	s7 =	smul.u32 @!p0 $0xF7A, s2;
	p2 =	seq.s32 @!p0 s5, $0x0  }
0x1f: {  	s9 =	smul.u32 $0xF7A, s1;
	s8 =	simm.s32 @!p0 $0x1BF5;
	p2 =	por !p2, p0  }
0x20: {  	[sflag:s8] =	ssyncset.s32 @!p0 $0xFFFFF086;
	s6 =	sadd.s32 @!p0 s3, s7;
	s7 =	simm.s32 @!p0 $0x108  }
0x21: {  	s3 =	sadd.s32 s3, s9;
	s6 =	sadd.s32 @!p0 $0x88, s6;
	s7 =	simm.s32 @p2 $0x1082  }
0x22: {  	[simem:s7], [sflag:s8] =	dma.local @!p0 [hbm:s6], $0xF7A  }
0x23: {  	s9 =	sor.u32 $0xD0000000, s2;
	s6 =	simm.s32 $0x108;
	_ =	swait.ge @!p0 [sflag:s8], $0x0  }
0x24: {  	s3 =	sadd.s32 $0x88, s3;
	s6 =	simm.s32 @!p1 $0x1082;
	[sflag:s4] =	ssyncset.s32 $0xFFFFF086  }
0x25: {  	[simem:s6], [sflag:s4] =	dma.local [hbm:s3], $0xF7A  }
0x26: {  	[smem:$0x3F94] =	sst s1;
	(tag) =	ssettag s2;
	_ =	strace s9  }
0x27: {  	s1 =	sld [smem:$0x3FA4]  }
0x28: {  	s2 =	sld [smem:$0x3FA5]  }
0x29: {  	s4 =	sld [smem:$0x3FA7]  }
0x2a: {  	p0 =	seq.s32 s5, $0x0;
	s5 =	sld [smem:$0x3FA8]  }
0x2b: {  	s6 =	sld [smem:$0x3FA9]  }
0x2c: {  	s7 =	sld [smem:$0x3FAA]  }
0x2d: {  	s3 =	simm.s32 $0x108;
	s8 =	sld [smem:$0x3FAB]  }
0x2e: {  	s3 =	simm.s32 @!p0 $0x1082;
	s9 =	sld [smem:$0x3FAC]  }
0x2f: {  	lr =	sadd.s32 s0, s3;
	s0 =	sld [smem:$0x3FA3]  }
0x30: {  	s3 =	sld [smem:$0x3FA6]  }
0x31: {  	[smem:$0x3FAF] =	sst s10  }
0x32: {  	s10 =	sld [smem:$0x3FAD];
	_ =	sdelay $0x3  }
0x33: {  	p0 =	seq.s32 s10, $0x1;
	s10 =	sld [smem:$0x3FAF];
	_ =	sdelay $0x3  }
0x34: {  	[smem:$0x3FAF] =	sst s10  }
0x35: {  	s10 =	sld [smem:$0x3FAE];
	_ =	sdelay $0x3  }
0x36: {  	p1 =	seq.s32 s10, $0x1;
	s10 =	sld [smem:$0x3FAF];
	_ =	sdelay $0x3  }
0x37: {  	[smem:$0x3FAF] =	sst s10  }
0x38: {  	s10 =	sld [smem:$0x3FB0]  }
0x39: {  	_ = 	snop;
	(pc) =	sbr.ind lr, $3  }
0x3a: {  	_ = 	snop  }
0x3b: {  	_ = 	snop  }
0x3c: {  	p2 =	seq.s32 s10, $0x1;
	s10 =	sld [smem:$0x3FAF]  }
0x3d: {  	_ =	shalt  }
0x3e: {  	_ =	shalt  }
0x3f: {  	_ =	shalt  }
0x40: {  	_ =	shalt  }
0x41: {  	_ =	shalt  }
0x42: {  	_ =	shalt  }
0x43: {  	_ =	shalt  }
0x44: {  	_ =	shalt  }
0x45: {  	_ =	shalt  }
0x46: {  	_ =	shalt  }
0x47: {  	_ =	shalt  }
0x48: {  	_ =	shalt  }
0x49: {  	_ =	shalt  }
0x4a: {  	_ =	shalt  }
0x4b: {  	_ =	shalt  }
0x4c: {  	_ =	shalt  }
0x4d: {  	_ =	shalt  }
0x4e: {  	_ =	shalt  }
0x4f: {  	_ =	shalt  }
0x50: {  	_ =	shalt  }
0x51: {  	_ =	shalt  }
0x52: {  	_ =	shalt  }
0x53: {  	_ =	shalt  }
0x54: {  	_ =	shalt  }
0x55: {  	_ =	shalt  }
0x56: {  	_ =	shalt  }
0x57: {  	_ =	shalt  }
0x58: {  	_ =	shalt  }
0x59: {  	_ =	shalt  }
0x5a: {  	_ =	shalt  }
0x5b: {  	_ =	shalt  }
0x5c: {  	_ =	shalt  }
0x5d: {  	_ =	shalt  }
0x5e: {  	_ =	shalt  }
0x5f: {  	_ =	shalt  }
0x60: {  	_ =	shalt  }
0x61: {  	_ =	shalt  }
0x62: {  	_ =	shalt  }
0x63: {  	_ =	shalt  }
0x64: {  	_ =	shalt  }
0x65: {  	_ =	shalt  }
0x66: {  	_ =	shalt  }
0x67: {  	_ =	shalt  }
0x68: {  	_ =	shalt  }
0x69: {  	_ =	shalt  }
0x6a: {  	_ =	shalt  }
0x6b: {  	_ =	shalt  }
0x6c: {  	_ =	shalt  }
0x6d: {  	_ =	shalt  }
0x6e: {  	_ =	shalt  }
0x6f: {  	_ =	shalt  }
0x70: {  	_ =	shalt  }
0x71: {  	_ =	shalt  }
0x72: {  	_ =	shalt  }
0x73: {  	_ =	shalt  }
0x74: {  	_ =	shalt  }
0x75: {  	_ =	shalt  }
0x76: {  	_ =	shalt  }
0x77: {  	_ =	shalt  }
0x78: {  	_ =	shalt  }
0x79: {  	_ =	shalt  }
0x7a: {  	_ =	shalt  }
0x7b: {  	_ =	shalt  }
0x7c: {  	_ =	shalt  }
0x7d: {  	_ =	shalt  }
0x7e: {  	_ =	shalt  }
0x7f: {  	_ =	shalt  }
0x80: {  	_ =	shalt  }
0x81: {  	_ =	shalt  }
0x82: {  	_ =	shalt  }
0x83: {  	_ =	shalt  }
0x84: {  	_ =	shalt  }
0x85: {  	_ =	shalt  }
0x86: {  	_ =	shalt  }
0x87: {  	_ =	shalt  }
.Lfunc_end0:
.L_simem_size_0:
called_computation.1_lowered:
.L_overlay_start_0:
0x88: {  	s2 =	sld [smem:$0x3FD9]  }
0x89: {  	s3 =	sld [smem:$0x3FFE];
	_ =	sdelay $0x1  }
0x8a: {  	s1 =	srdreg.scid  }
0x8b: {  	s0 =	sand.u32 $0x1, s1  }
0x8c: {  	s17 =	sshll.u32 s0, $0xA;
	s2 =	sadd.s32 s3, s2  }
0x8d: {  	s2 =	sadd.s32 s2, s17  }
0x8e: {  	[smem:$0x3FBB] =	sst s2  }
0x8f: {  	_ = 	snop  }
0x90: {  	s2 =	sld [smem:$0x3FC9]  }
0x91: {  	s18 =	sld [smem:$0x3FC8]  }
0x92: {  	s4 =	sld [smem:$0x3FC7]  }
0x93: {  	s5 =	sld [smem:$0x3FD0];
	(tm) =	ssettm $0x1  }
0x94: {  	s6 =	sld [smem:$0x3FFB];
	_ =	sdelay $0x3  }
0x95: {  	_ =	strace s6  }
0x96: {  	s6 =	sld [smem:$0x3FFC];
	_ =	sdelay $0x3  }
0x97: {  	_ =	strace s6  }
0x98: {  	s6 =	sld [smem:$0x3FFD];
	_ =	sdelay $0x3  }
0x99: {  	_ =	strace s6  }
0x9a: {  	_ =	strace $0x8FFFFFFF  }
0x9b: {  	s19 =	sld [smem:$0x3FDB];
	_ =	sdelay $0x1  }
0x9c: {  	s7 =	simm.s32 $_scs_section_size  }
0x9d: {  	s8 =	simm.s32 $_size__tile_overlayer_lowered;
	s9 =	simm.s32 $_tile_overlayer_lowered  }
0x9e: {  	s22 =	simm.s32 $0x1BFF;
	s21 =	sshll.u32 s9, $0x1;
	s6 =	sadd.s32 s7, s19  }
0x9f: {  	s10 =	simm.s32 $0x0;
	s20 =	sshll.u32 s8, $0x1;
	s8 =	sadd.s32 s21, s6  }
0xa0: {  	[timem:s10], [sflag:s22] =	dma.local [hbm:s8], s20  }
0xa1: {  	_ =	swait.ge [sflag:s22], s20  }
0xa2: {  	s7 =	ssub.s32 $0x0, s20;
	[sflag:s22] =	ssyncset.done $0x0  }
0xa3: {  	[sflag:s22] =	ssyncadd.s32 s7;
	_ =	sdelay $0x1  }
0xa4: {  	s23 =	simm.s32 $0x1B8B  }
0xa5: {  	_ =	swait.ge [sflag:s23], $0x1  }
0xa6: {  	[sflag:s23] =	ssyncset.done $0x0  }
0xa7: {  	s25 =	simm.s32 $0x1B8E;
	s24 =	sld [smem:$0x3FFE];
	[sflag:s23] =	ssyncadd.s32 $0xFFFFFFFF  }
0xa8: {  	s26 =	simm.s32 $execute0_lowered;
	[smem:$0x3FD2] =	sst s25  }
0xa9: {  	s8 =	sshll.u32 s26, $0x1;
	_ =	strace $0x80000049;
	[dreg:$0x1] =	wrdreg $0xFFFFFFFF  }
0xaa: {  	s28 =	simm.s32 $_size_execute0_lowered;
	s6 =	sadd.s32 s6, s8;
	[dreg:$0x0] =	wrdreg $0x0  }
0xab: {  	s8 =	sshll.u32 s28, $0x1;
	[dreg:$0x2] =	wrdreg s6  }
0xac: {  	[dreg:$0x3] =	wrdreg s8  }
0xad: {  	[dreg:$0x4] =	wrdreg $0xC0  }
0xae: {  	_ =	task [dreg:s10], $0x5FFFF  }
0xaf: {  	[dreg:$0x1] =	wrdreg $0xFFFFFFFF  }
0xb0: {  	[dreg:$0x0] =	wrdreg $0x60  }
0xb1: {  	[dreg:$0x2] =	wrdreg s18  }
0xb2: {  	[dreg:$0x3] =	wrdreg s4  }
0xb3: {  	[dreg:$0x4] =	wrdreg s2  }
0xb4: {  	[dreg:$0x5] =	wrdreg s24  }
0xb5: {  	[dreg:$0x6] =	wrdreg s5  }
0xb6: {  	[dreg:$0x7] =	wrdreg $0x1B8800  }
0xb7: {  	[dreg:$0x8] =	wrdreg $0x1C4B80  }
0xb8: {  	[dreg:$0x9] =	wrdreg $0x9  }
0xb9: {  	_ =	task.clear_ibuf [dreg:s10], $0xAFFFF;
	_ =	strace $0x90000049  }
0xba: {  	s29 =	simm.s32 $0x9;
	_ =	strace $0x8000004B  }
0xbb: {  	_ =	swait.ge [sflag:s29], $0x1  }
0xbc: {  	[sflag:s29] =	ssyncadd.s32 $0xFFFFFFFF  }
0xbd: {  	_ =	strace $0x9000004B  }
0xbe: {  	_ =	sfence  }
0xbf: {  	s30 =	sld [smem:$0x0];
	_ =	sdelay $0x2  }
0xc0: {  	s31 =	sshll.u32 s1, $0xD;
	s1 =	sshrl.u32 s1, $0x2  }
0xc1: {  	s3 =	sand.u32 $0x4000, s31;
	s1 =	sadd.s32 s1, s30  }
0xc2: {  	s0 =	sor.u32 s3, s0;
	s1 =	sshll.u32 s1, $0x11  }
0xc3: {  	s0 =	sor.u32 s1, s0  }
0xc4: {  	s0 =	sadd.s32 $0x8F2B, s0  }
0xc5: {  	[sflag:s0] =	ssyncadd.remote.s32 $0x1  }
0xc6: {  	_ =	sfence.sel $0xFFFF  }
0xc7: {  	[dreg:$0x0] =	wrdreg $0xFFFFFFFF;
	(pc) =	sbr.abs _section_cstart, $3  }
0xc8: {  	[dreg:$0x1] =	wrdreg $0xFFFFFFFF  }
0xc9: {  	_ =	task.clear_ibuf [dreg:s10], $0x2FFFF;
	_ =	strace $0x9FFFFFFF  }
0xca: {  	(tm) =	ssettm $0x7FFFFFFF  }
0xcb: {  	_ =	shalt  }
tec
execute0_lowered:
.L_overlay_start_1:
0x0: {  	(tag) =	ssettag $0x1  }
0x1: {  	s1 =	rddreg [dreg:$0x0]  }
0x2: {  	s2 =	rddreg [dreg:$0x1]  }
0x3: {  	s0 =	rddreg [dreg:$0x2]  }
0x4: {  	s3 =	rddreg [dreg:$0x3];
	s4 =	srdreg.scid  }
0x5: {  	s12 =	rddreg [dreg:$0x6];
	s11 =	stileid.u32  }
0x6: {  	s6 =	simm.s32 $0x0;
	s28 =	simm.s32 $0xC380;
	s29 =	simm.s32 $0x11280  }
0x7: {  	s30 =	simm.s32 $0x17600;
	s31 =	simm.s32 $0x5;
	s4 =	sand.u32 $0x1, s4  }
0x8: {  	[smem:$0x7FF] =	sst s6;
	s9 =	sadd.s32 $0x2600, s3;
	s10 =	sadd.s32 $0x2E00, s3  }
0x9: {  	s20 =	sshll.u32 s11, $0xF;
	s21 =	sadd.s32 $0x3000, s3;
	p2 =	seq.s32 s11, $0x0  }
0xa: {  	s5 =	sshll.u32 s4, $0x4;
	_ =	strace $0x8000004A;
	[dreg:$0x8] =	wrdreg s9  }
0xb: {  	s8 =	ssub.s32 $0x2, s4;
	[dreg:$0x9] =	wrdreg s10;
	s19 =	sshll.u32 s4, $0x13  }
0xc: {  	[dreg:$0x14] =	wrdreg s21;
	s21 =	sadd.s32 $0x5000, s3;
	s5 =	sor.u32 s11, s5  }
0xd: {  	p0 =	sne.s32 s4, $0x0;
	s23 =	sor.u32 s11, s4;
	s7 =	smul.u32 $0xC350, s5  }
0xe: {  	s4 =	simm.s32 $0x16400;
	s24 =	sshrl.u32 s8, $0x1;
	s20 =	sor.u32 s20, s19  }
0xf: {  	s8 =	ssub.s32 s8, s24;
	s24 =	sadd.s32 $0x4E00, s3;
	s7 =	sshrl.u32 s7, $0x3  }
0x10: {  	p1 =	sne.s32 s23, $0x0;
	[dreg:$0x15] =	wrdreg s24;
	s25 =	sadd.s32 s2, s7  }
0x11: {  	s26 =	sadd.s32 s1, s7;
	s10 =	sadd.s32 $0x4E2, s7;
	[dreg:$0xa] =	wrdreg s25  }
0x12: {  	s19 =	simm.s32 $0x2;
	[dreg:$0xb] =	wrdreg s26;
	s13 =	sadd.s32 s2, s10  }
0x13: {  	s14 =	sadd.s32 $0x9C4, s7;
	s9 =	sadd.s32 s1, s10;
	[dreg:$0xc] =	wrdreg s13  }
0x14: {  	s22 =	sshll.u32 s5, $0x4;
	s15 =	sadd.s32 s2, s14;
	[dreg:$0xd] =	wrdreg s9  }
0x15: {  	s17 =	sadd.s32 $0xEA6, s7;
	s16 =	sadd.s32 s1, s14;
	[dreg:$0xe] =	wrdreg s15  }
0x16: {  	s7 =	sadd.s32 $0x1388, s7;
	s18 =	sadd.s32 s2, s17;
	[dreg:$0xf] =	wrdreg s16  }
0x17: {  	s5 =	simm.s32 $0x16C00;
	s2 =	sadd.s32 s2, s7;
	[dreg:$0x10] =	wrdreg s18  }
0x18: {  	s24 =	smax.u32 s8, $0x1;
	s25 =	sadd.s32 $0x25000, s3;
	[dreg:$0x12] =	wrdreg s2  }
0x19: {  	s8 =	simm.s32 $0x13A00;
	s26 =	sadd.s32 $0x4C00, s3;
	[dreg:$0x16] =	wrdreg s25  }
0x1a: {  	s9 =	sadd.s32 s1, s17;
	s1 =	sadd.s32 s1, s7;
	[dreg:$0x17] =	wrdreg s26  }
.Ltmp0:
0x1b: {  	s2 =	simm.s32 @!p1 $0x0;
	[dreg:$0x11] =	wrdreg s9;
	(pc) =	sbr.rel .LBB2_1-.Ltmp0, $4  }
0x1c: {  	v0 =	vimm.s32 $0x0;
	s26 =	simm.s32 $0x6;
	s25 =	simm.s32 $0x0;
	[dreg:$0x13] =	wrdreg s1  }
0x1d: {  	v1 =	vimm.f32 $0.0e+00;
	v2 =	vimm.s32 $0xC34F;
	v3 =	vlaneseq.u32;
	s1 =	sadd.s32 s22, s3;
	s2 =	simm.s32 @p1 $0x1;
	s9 =	simm.s32 $0x1B800  }
0x1e: {  	v4 =	vimm.s32 $0x100;
	vm0 =	vmmov $0xffff;
	v6 =	vshrl.u32 v3, $0x3;
	s3 =	simm.s32 $0x3;
	s22 =	simm.s32 $0x4;
	[smem:$0x7FD] =	sst s2  }
0x1f: {  	v5 =	vand.u32 $0x7, v3;
	v7 =	vor.u32 $0x8, v3;
	v6 =	vmul.u32 $0x8, v6;
	s23 =	sadd.s32 $0x4A00, s1;
	s2 =	simm.s32 $0x1;
	s1 =	simm.s32 $0x16380  }
.LBB2_52:
0x20: {  	s25 =	sadd.s32 $0x1, s25  }
0x21: {  	p1 =	sne.s32 s25, s24  }
.Ltmp1:
0x22: {  	_ = 	snop;
	(pc) =	sbr.rel @!p1 .LBB2_53-.Ltmp1, $2  }
0x23: {  	_ =	sdelay $0x2  }
0x24: {  	s9 =	simm.s32 $0x1B800  }
.LBB2_1:
.Ltmp2:
0x25: {  	(pc) =	sbr.rel @p2 .LBB2_3-.Ltmp2, $4  }
0x26: {  	s7 =	rddreg [dreg:$0xa]  }
0x27: {  	[tilespmem:s28], [sflag:$0x1] =	stream.linear.gather [hbm4b:s7+s6], $0x2710, $0x38;
	[tilespmem:$0x1C4C0] =	vst v63  }
0x28: {  	s18 =	rddreg [dreg:$0xb]  }
0x29: {  	[tilespmem:s29], [sflag:$0x3] =	stream.linear.gather [hbm4b:s18+s6], $0x2710, $0x38;
	[tilespmem:$0x1C4C0] =	vst v63  }
0x2a: {  	[bflag:$0x0] =	sbarrier.arrive $0xFFFF  }
.Ltmp3:
0x2b: {  	s7 =	rddreg [dreg:$0x5];
	(pc) =	sbr.rel .LBB2_14-.Ltmp3, $4  }
0x2c: {  	[tilespmem:s6], [sflag:$0x5] =	stream.linear.gather [spmem:s7], $0xC380, $0x38;
	[tilespmem:$0x1C4C0] =	vst v63  }
0x2d: {  	_ =	swait.ge [sflag:s31], $0xC380  }
0x2e: {  	[sflag:s31] =	ssyncset.done $0x0  }
0x2f: {  	[sflag:s31] =	ssyncadd.s32 $0xFFFF3C80  }
.LBB2_3:
0x30: {  	s9 =	simm.s32 $0x0;
	s7 =	rddreg [dreg:$0x8]  }
0x31: {  	[tilespmem:s30], [sflag:$0x5] =	stream.linear.gather [hbm4b:s7+s9], $0x4000, $0x38;
	[tilespmem:$0x1C4C0] =	vst v63  }
0x32: {  	_ =	swait.ge [sflag:s31], $0x4000  }
0x33: {  	[sflag:s31] =	ssyncset.done $0x0  }
0x34: {  	s10 =	simm.s32 $0x1B600;
	s16 =	rddreg [dreg:$0x9];
	[sflag:s31] =	ssyncadd.s32 $0xFFFFC000  }
0x35: {  	[tilespmem:s10], [sflag:$0x5] =	stream.linear.gather [hbm4b:s16+s9], $0x200, $0x38;
	[tilespmem:$0x1C4C0] =	vst v63  }
0x36: {  	_ =	swait.ge [sflag:s31], $0x200  }
0x37: {  	[sflag:s31] =	ssyncset.done $0x0  }
0x38: {  	s17 =	rddreg [dreg:$0x14];
	[sflag:s31] =	ssyncadd.s32 $0xFFFFFE00  }
0x39: {  	[tilespmem:s9], [sflag:$0x5] =	stream.linear.gather [hbm4b:s17+s9], $0xC380, $0x38;
	[tilespmem:$0x1C4C0] =	vst v63  }
0x3a: {  	_ =	swait.ge [sflag:s31], $0xC380  }
0x3b: {  	[sflag:s31] =	ssyncset.done $0x0  }
0x3c: {  	[sflag:s31] =	ssyncadd.s32 $0xFFFF3C80  }
0x3d: {  	[tilespmem:$0x17400] =	vst v0  }
0x3e: {  	[tilespmem:$0x17500] =	vst v1  }
0x3f: {  	[tilespmem:$0x17410] =	vst v0  }
0x40: {  	[tilespmem:$0x17510] =	vst v1  }
0x41: {  	[tilespmem:$0x17420] =	vst v0  }
0x42: {  	[tilespmem:$0x17520] =	vst v1  }
0x43: {  	[tilespmem:$0x17430] =	vst v0  }
0x44: {  	[tilespmem:$0x17530] =	vst v1  }
0x45: {  	[tilespmem:$0x17440] =	vst v0  }
0x46: {  	[tilespmem:$0x17540] =	vst v1  }
0x47: {  	[tilespmem:$0x17450] =	vst v0  }
0x48: {  	[tilespmem:$0x17550] =	vst v1  }
0x49: {  	[tilespmem:$0x17460] =	vst v0  }
0x4a: {  	[tilespmem:$0x17560] =	vst v1  }
0x4b: {  	[tilespmem:$0x17470] =	vst v0  }
0x4c: {  	[tilespmem:$0x17570] =	vst v1  }
0x4d: {  	[tilespmem:$0x17480] =	vst v0  }
0x4e: {  	[tilespmem:$0x17580] =	vst v1  }
0x4f: {  	[tilespmem:$0x17490] =	vst v0  }
0x50: {  	[tilespmem:$0x17590] =	vst v1  }
0x51: {  	[tilespmem:$0x174A0] =	vst v0  }
0x52: {  	[tilespmem:$0x175A0] =	vst v1  }
0x53: {  	[tilespmem:$0x174B0] =	vst v0  }
0x54: {  	[tilespmem:$0x175B0] =	vst v1  }
0x55: {  	[tilespmem:$0x174C0] =	vst v0  }
0x56: {  	[tilespmem:$0x175C0] =	vst v1  }
0x57: {  	[tilespmem:$0x174D0] =	vst v0  }
0x58: {  	[tilespmem:$0x175D0] =	vst v1  }
0x59: {  	[tilespmem:$0x174E0] =	vst v0  }
.Ltmp4:
0x5a: {  	[tilespmem:$0x175E0] =	vst v1;
	(pc) =	sbr.rel .LBB2_4-.Ltmp4, $4  }
0x5b: {  	[tilespmem:$0x174F0] =	vst v0  }
0x5c: {  	[tilespmem:$0x175F0] =	vst v1  }
0x5d: {  	s18 =	simm.s32 $0x17400;
	[tilespmem:v2+s9+$0x0] =	vst.idx.msk $0x1, v0  }
0x5e: {  	s13 =	simm.s32 $0x1;
	s10 =	simm.s32 $0x0;
	[tilespmem:v0+s18+$0x0] =	vst.idx.msk $0x1, v2  }
.LBB2_6:
0x5f: {  	_ = 	snop  }
.LBB2_11:
0x60: {  	_ =	sdelay $0x2  }
0x61: {  	p1 =	por p5, !p3  }
0x62: {  	[tilespmem:v8+s7+$0x0] =	vst.idx.add.f32.msk @!p1 $0x1, v10  }
0x63: {  	v8 =	vld.idx.msk [tilespmem:v9+s30+$0x0], $0xffff;
	_ =	sdelay $0x7  }
0x64: {  	v9 =	vld.idx.msk [tilespmem:v8+s6+$0x0], $0xffff;
	_ =	sdelay $0x4  }
0x65: {  	(v2sf) =	vpush v9, $0x0;
	_ =	sdelay $0xe  }
0x66: {  	s18 =	spop (v2sf)  }
0x67: {  	p1 =	sgt.s32 s18, $0xFFFFFFFF  }
0x68: {  	p4 =	sgt.s32 @!p1 s13, $0xFF  }
0x69: {  	p3 =	por p4, p1  }
0x6a: {  	v10 =	vmov @!p3 s13;
	_ =	sdelay $0x1  }
0x6b: {  	s12 =	smov.u32 s13;
	v11 =	vimm.f32 @p1 $1.000000000e+00;
	s7 =	simm.s32 @p1 $0x17500  }
0x6c: {  	[tilespmem:v9+s7+$0x0] =	vst.idx.add.f32.msk @p1 $0x1, v11;
	p4 =	por !p4, p1;
	s7 =	simm.s32 @!p3 $0x0;
	s11 =	sadd.s32 @!p3 $0x1, s13  }
0x6d: {  	[tilespmem:v8+s7+$0x0] =	vst.idx.msk @!p3 $0x1, v10;
	s12 =	smov.u32 @p4 s11;
	s7 =	simm.s32 @!p3 $0x17400  }
0x6e: {  	s12 =	smov.u32 @p1 s13;
	[tilespmem:v10+s7+$0x0] =	vst.idx.msk @!p3 $0x1, v8;
	v8 =	vimm.f32 @!p3 $1.000000000e+00;
	s7 =	simm.s32 @!p3 $0x17500  }
0x6f: {  	s13 =	smov.u32 s12;
	[tilespmem:v10+s7+$0x0] =	vst.idx.add.f32.msk @!p3 $0x1, v8  }
.LBB2_12:
0x70: {  	s10 =	sadd.s32 $0x1, s10  }
0x71: {  	p1 =	sne.s32 s10, $0x20  }
.Ltmp5:
0x72: {  	_ = 	snop;
	(pc) =	sbr.rel @!p1 .LBB2_13-.Ltmp5, $2  }
0x73: {  	_ =	sdelay $0x2  }
0x74: {  	s9 =	sadd.s32 $0x200, s9  }
.LBB2_4:
0x75: {  	s7 =	sshll.u32 s10, $0x4  }
0x76: {  	s7 =	sand.u32 $0x3FFFFFF0, s7  }
0x77: {  	v8 =	vld [tilespmem:s7+$0x1B600];
	_ =	sdelay $0x4  }
0x78: {  	(v2sf) =	vpush v8, $0x0;
	_ =	sdelay $0xe  }
0x79: {  	s7 =	spop (v2sf)  }
0x7a: {  	p3 =	slt.s32 s7, $0x1  }
.Ltmp6:
0x7b: {  	_ = 	snop;
	(pc) =	sbr.rel @p3 .LBB2_12-.Ltmp6, $1  }
0x7c: {  	_ =	sdelay $0x3  }
0x7d: {  	s7 =	sadd.s32 $0xFFFFFFFF, s7  }
0x7e: {  	p4 =	sne.s32 s7, $0x0  }
.Ltmp7:
0x7f: {  	_ = 	snop;
	(pc) =	sbr.rel @!p4 .LBB2_6-.Ltmp7, $2  }
0x80: {  	_ =	sdelay $0x2  }
0x81: {  	v9 =	vmov s9;
	p3 =	por $0x0, $0x0  }
0x82: {  	_ =	sdelay $0x3  }
0x83: {  	v10 =	vld.idx.msk [tilespmem:v9+s30+$0x0], $0xffff;
	_ =	sdelay $0x7  }
0x84: {  	v9 =	vld.idx.msk [tilespmem:v10+s6+$0x0], $0xffff;
	_ =	sdelay $0x4  }
0x85: {  	(v2sf) =	vpush v9, $0x0;
	_ =	sdelay $0xe  }
0x86: {  	s11 =	spop (v2sf)  }
0x87: {  	p3 =	sgt.s32 s11, $0xFFFFFFFF  }
0x88: {  	p6 =	sgt.s32 @!p3 s13, $0xFF  }
0x89: {  	s11 =	sadd.s32 $0xFFFFFFFF, s7;
	p5 =	por p6, p3  }
0x8a: {  	s12 =	smov.u32 s13;
	p4 =	sne.s32 s11, $0x0;
	v8 =	vmov @!p5 s13  }
.Ltmp8:
0x8b: {  	p6 =	por !p6, p3;
	s14 =	sadd.s32 @!p5 $0x1, s13;
	(pc) =	sbr.rel @!p4 .LBB2_8-.Ltmp8, $4  }
0x8c: {  	v11 =	vimm.f32 @p3 $1.000000000e+00;
	s7 =	simm.s32 @p3 $0x17500;
	s12 =	smov.u32 @p6 s14;
	s14 =	sadd.s32 $0x1, s9  }
0x8d: {  	[tilespmem:v9+s7+$0x0] =	vst.idx.add.f32.msk @p3 $0x1, v11;
	s7 =	simm.s32 @!p5 $0x0;
	v9 =	vmov s14  }
0x8e: {  	[tilespmem:v10+s7+$0x0] =	vst.idx.msk @!p5 $0x1, v8;
	s7 =	simm.s32 @!p5 $0x17400  }
0x8f: {  	s12 =	smov.u32 @p3 s13;
	p3 =	por $0x1, $0x1;
	[tilespmem:v8+s7+$0x0] =	vst.idx.msk @!p5 $0x1, v10;
	v10 =	vimm.f32 @!p5 $1.000000000e+00;
	s7 =	simm.s32 @!p5 $0x17500  }
.LBB2_9:
0x90: {  	s13 =	smov.u32 s12  }
0x91: {  	s11 =	sadd.s32 $0xFFFFFFFF, s11;
	[tilespmem:v8+s7+$0x0] =	vst.idx.add.f32.msk @!p5 $0x1, v10  }
0x92: {  	p4 =	sne.s32 s11, $0x0;
	v10 =	vld.idx.msk [tilespmem:v9+s30+$0x0], $0xffff;
	_ =	sdelay $0x7  }
0x93: {  	v8 =	vld.idx.msk [tilespmem:v10+s6+$0x0], $0xffff;
	_ =	sdelay $0x5  }
0x94: {  	(v2sf) =	vpush v8, $0x0;
	_ =	sdelay $0xe  }
0x95: {  	s7 =	spop (v2sf)  }
0x96: {  	p6 =	sgt.s32 s7, $0xFFFFFFFF  }
0x97: {  	v9 =	vimm.f32 @p6 $1.000000000e+00;
	s7 =	simm.s32 @p6 $0x17500;
	p1 =	sgt.s32 @!p6 s12, $0xFF  }
0x98: {  	[tilespmem:v8+s7+$0x0] =	vst.idx.add.f32.msk @p6 $0x1, v9;
	p5 =	por p1, p6;
	p1 =	por !p1, p6  }
0x99: {  	v8 =	vmov @!p5 s12;
	s7 =	simm.s32 @!p5 $0x0;
	s15 =	sadd.s32 @!p5 $0x1, s12  }
.Ltmp9:
0x9a: {  	s14 =	sadd.s32 $0x1, s14;
	[tilespmem:v10+s7+$0x0] =	vst.idx.msk @!p5 $0x1, v8;
	s12 =	smov.u32 @p1 s15;
	(pc) =	sbr.rel @p4 .LBB2_9-.Ltmp9, $3  }
0x9b: {  	v9 =	vmov s14;
	s12 =	smov.u32 @p6 s13;
	_ =	sdelay $0x1  }
0x9c: {  	s7 =	simm.s32 @!p5 $0x17400  }
0x9d: {  	[tilespmem:v8+s7+$0x0] =	vst.idx.msk @!p5 $0x1, v10;
	v10 =	vimm.f32 @!p5 $1.000000000e+00;
	s7 =	simm.s32 @!p5 $0x17500  }
.Ltmp10:
0x9e: {  	(pc) =	sbr.rel .LBB2_11-.Ltmp10, $2  }
0x9f: {  	_ =	sdelay $0x2  }
0xa0: {  	s13 =	smov.u32 s12  }
.LBB2_8:
.Ltmp11:
0xa1: {  	(pc) =	sbr.rel .LBB2_11-.Ltmp11, $2  }
0xa2: {  	_ =	sdelay $0x2  }
0xa3: {  	s13 =	smov.u32 s12  }
.LBB2_13:
0xa4: {  	s7 =	rddreg [dreg:$0x5]  }
0xa5: {  	[spmem:s7] =	stream.linear.scatter [tilespmem:s6], [sflag:$0x5], $0xC380, $0x38;
	[tilespmem:$0x1C4C0] =	vst v63  }
0xa6: {  	_ =	swait.ge [sflag:s31], $0xC380  }
0xa7: {  	[sflag:s31] =	ssyncset.done $0x0  }
0xa8: {  	v8 =	vmov s13;
	[sflag:s31] =	ssyncadd.s32 $0xFFFF3C80  }
0xa9: {  	s18 =	simm.s32 $0x1B800;
	[tilespmem:$0x1B800] =	vst v8;
	s12 =	rddreg [dreg:$0x6]  }
0xaa: {  	[spmem:s12] =	stream.linear.scatter [tilespmem:s18], [sflag:$0x5], $0x80, $0x38;
	[tilespmem:$0x1C4C0] =	vst v63  }
0xab: {  	_ =	swait.ge [sflag:s31], $0x80  }
0xac: {  	s9 =	simm.s32 @!p0 $0x17500;
	[sflag:s31] =	ssyncset.done $0x0  }
0xad: {  	s7 =	simm.s32 @!p0 $0x0;
	s10 =	rddreg [dreg:$0x15];
	[sflag:s31] =	ssyncadd.s32 $0xFFFFFF80  }
0xae: {  	[hbm4b:s10+s7] =	stream.linear.scatter @!p0 [tilespmem:s9], [sflag:$0x5], $0x100, $0x38;
	[tilespmem:$0x1C4C0] =	vst v63  }
0xaf: {  	s9 =	simm.s32 @!p0 $0x5  }
0xb0: {  	_ =	swait.ge @!p0 [sflag:s9], $0x100  }
0xb1: {  	[sflag:s9] =	ssyncset.done @!p0 $0x0  }
0xb2: {  	[sflag:s9] =	ssyncadd.s32 @!p0 $0xFFFFFF00  }
0xb3: {  	s10 =	simm.s32 @!p0 $0x1B800;
	s11 =	rddreg [dreg:$0x4]  }
0xb4: {  	[hbm4b:s11+s7] =	stream.linear.scatter @!p0 [tilespmem:s10], [sflag:$0x5], $0x80, $0x38;
	[tilespmem:$0x1C4C0] =	vst v63  }
0xb5: {  	_ =	swait.ge @!p0 [sflag:s9], $0x80  }
0xb6: {  	[sflag:s9] =	ssyncset.done @!p0 $0x0  }
0xb7: {  	[sflag:s9] =	ssyncadd.s32 @!p0 $0xFFFFFF80  }
0xb8: {  	s9 =	simm.s32 $0x1B800;
	[bflag:$0x0] =	sbarrier.arrive $0xFFFF  }
.LBB2_14:
0xb9: {  	[tilespmem:s9], [sflag:$0x5] =	stream.linear.gather [spmem:s12], $0x80, $0x38;
	[tilespmem:$0x1C4C0] =	vst v63  }
0xba: {  	_ =	swait.ge [sflag:s31], $0x80  }
0xbb: {  	[sflag:s31] =	ssyncset.done $0x0  }
0xbc: {  	[sflag:s31] =	ssyncadd.s32 $0xFFFFFF80  }
0xbd: {  	[tilespmem:$0x16180] =	vst v4  }
0xbe: {  	[tilespmem:$0x16280] =	vst v0  }
0xbf: {  	[tilespmem:$0x16190] =	vst v4  }
0xc0: {  	[tilespmem:$0x16290] =	vst v0  }
0xc1: {  	[tilespmem:$0x161A0] =	vst v4  }
0xc2: {  	[tilespmem:$0x162A0] =	vst v0  }
0xc3: {  	[tilespmem:$0x161B0] =	vst v4  }
0xc4: {  	[tilespmem:$0x162B0] =	vst v0  }
0xc5: {  	[tilespmem:$0x161C0] =	vst v4  }
0xc6: {  	[tilespmem:$0x162C0] =	vst v0  }
0xc7: {  	[tilespmem:$0x161D0] =	vst v4  }
0xc8: {  	[tilespmem:$0x162D0] =	vst v0  }
0xc9: {  	[tilespmem:$0x161E0] =	vst v4  }
0xca: {  	[tilespmem:$0x162E0] =	vst v0  }
0xcb: {  	[tilespmem:$0x161F0] =	vst v4  }
0xcc: {  	[tilespmem:$0x162F0] =	vst v0  }
0xcd: {  	[tilespmem:$0x16200] =	vst v4  }
0xce: {  	[tilespmem:$0x16300] =	vst v0  }
0xcf: {  	v8 =	vld [tilespmem:$0x1B800];
	_ =	swait.ge [sflag:s2], $0x2710  }
0xd0: {  	[sflag:s2] =	ssyncset.done $0x0  }
0xd1: {  	[sflag:s2] =	ssyncadd.s32 $0xFFFFD8F0  }
0xd2: {  	s10 =	simm.s32 $0x0;
	s17 =	simm.s32 $0xEB00;
	_ =	swait.ge [sflag:s3], $0x2710  }
.Ltmp12:
0xd3: {  	s11 =	simm.s32 $0xC380;
	[sflag:s3] =	ssyncset.done $0x0;
	(pc) =	sbr.rel .LBB2_15-.Ltmp12, $4  }
0xd4: {  	s12 =	simm.s32 $0x11280;
	s7 =	rddreg [dreg:$0xc];
	[sflag:s3] =	ssyncadd.s32 $0xFFFFD8F0  }
0xd5: {  	[tilespmem:s17], [sflag:$0x2] =	stream.linear.gather [hbm4b:s7+s10], $0x2710, $0x38;
	[tilespmem:$0x1C4C0] =	vst v63  }
0xd6: {  	s9 =	simm.s32 $0x0;
	s13 =	simm.s32 $0x0;
	s18 =	rddreg [dreg:$0xd]  }
0xd7: {  	[tilespmem:s8], [sflag:$0x4] =	stream.linear.gather [hbm4b:s18+s10], $0x2710, $0x38;
	[tilespmem:$0x1C4C0] =	vst v63  }
.LBB2_19:
0xd8: {  	s13 =	sadd.s32 $0x1, s13  }
0xd9: {  	p1 =	sne.s32 s13, $0x19  }
.Ltmp13:
0xda: {  	_ = 	snop;
	(pc) =	sbr.rel @!p1 .LBB2_20-.Ltmp13, $2  }
0xdb: {  	_ =	sdelay $0x2  }
0xdc: {  	s11 =	sadd.s32 $0x190, s11;
	s12 =	sadd.s32 $0x190, s12  }
.LBB2_15:
0xdd: {  	s7 =	smul.u32 $0x640, s13;
	_ =	sdelay $0x1  }
0xde: {  	s7 =	sshra.s32 s7, $0x2  }
0xdf: {  	v9 =	vld [tilespmem:s7+$0xC380]  }
0xe0: {  	v10 =	vld [tilespmem:s7+$0xC390]  }
0xe1: {  	v11 =	vld [tilespmem:s7+$0xC3A0]  }
0xe2: {  	v12 =	vld [tilespmem:s7+$0xC3B0]  }
0xe3: {  	v13 =	vld [tilespmem:s7+$0xC3C0]  }
0xe4: {  	s14 =	smul.u32 $0x190, s13;
	v14 =	vld [tilespmem:s7+$0xC3D0]  }
0xe5: {  	v15 =	vld [tilespmem:s7+$0xC3E0]  }
0xe6: {  	s14 =	sand.u32 $0x3FF0, s14;
	v16 =	vld [tilespmem:s7+$0xC3F0]  }
0xe7: {  	v17 =	vld [tilespmem:s14+$0xC400]  }
0xe8: {  	v18 =	vld [tilespmem:s7+$0xC410]  }
0xe9: {  	v19 =	vld [tilespmem:s7+$0xC420]  }
0xea: {  	v20 =	vld [tilespmem:s7+$0xC430]  }
0xeb: {  	v21 =	vld [tilespmem:s7+$0xC440]  }
0xec: {  	v22 =	vld [tilespmem:s7+$0xC450]  }
0xed: {  	v23 =	vld [tilespmem:s7+$0xC460]  }
0xee: {  	v24 =	vld [tilespmem:s7+$0xC470]  }
0xef: {  	v25 =	vld [tilespmem:s14+$0xC480]  }
0xf0: {  	v53 =	vld [tilespmem:s7+$0xC490]  }
0xf1: {  	v54 =	vld [tilespmem:s7+$0xC4A0]  }
0xf2: {  	v55 =	vld [tilespmem:s7+$0xC4B0]  }
0xf3: {  	v56 =	vld [tilespmem:s7+$0xC4C0]  }
0xf4: {  	v57 =	vld [tilespmem:s7+$0xC4D0]  }
0xf5: {  	v58 =	vld [tilespmem:s7+$0xC4E0]  }
0xf6: {  	v59 =	vld [tilespmem:s7+$0xC4F0]  }
0xf7: {  	v60 =	vld [tilespmem:s14+$0xC500]  }
0xf8: {  	v9 =	vld.idx.msk [tilespmem:v9+s10+$0x0], $0xffff  }
0xf9: {  	v10 =	vld.idx.msk [tilespmem:v10+s10+$0x0], $0xffff  }
0xfa: {  	v11 =	vld.idx.msk [tilespmem:v11+s10+$0x0], $0xffff  }
0xfb: {  	v12 =	vld.idx.msk [tilespmem:v12+s10+$0x0], $0xffff  }
0xfc: {  	v13 =	vld.idx.msk [tilespmem:v13+s10+$0x0], $0xffff  }
0xfd: {  	v14 =	vld.idx.msk [tilespmem:v14+s10+$0x0], $0xffff  }
0xfe: {  	v15 =	vld.idx.msk [tilespmem:v15+s10+$0x0], $0xffff;
	v9 =	vand.u32 v9, v10  }
0xff: {  	v16 =	vld.idx.msk [tilespmem:v16+s10+$0x0], $0xffff;
	v9 =	vand.u32 v11, v9  }
0x100: {  	v17 =	vld.idx.msk [tilespmem:v17+s10+$0x0], $0xffff;
	v9 =	vand.u32 v12, v9  }
0x101: {  	v18 =	vld.idx.msk [tilespmem:v18+s10+$0x0], $0xffff;
	v9 =	vand.u32 v13, v9  }
0x102: {  	v19 =	vld.idx.msk [tilespmem:v19+s10+$0x0], $0xffff;
	v9 =	vand.u32 v14, v9  }
0x103: {  	v20 =	vld.idx.msk [tilespmem:v20+s10+$0x0], $0xffff;
	v9 =	vand.u32 v15, v9  }
0x104: {  	v21 =	vld.idx.msk [tilespmem:v21+s10+$0x0], $0xffff;
	v9 =	vand.u32 v16, v9  }
0x105: {  	v22 =	vld.idx.msk [tilespmem:v22+s10+$0x0], $0xffff;
	v9 =	vand.u32 v17, v9  }
0x106: {  	v10 =	vld.idx.msk [tilespmem:v23+s10+$0x0], $0xffff;
	v9 =	vand.u32 v18, v9  }
0x107: {  	v11 =	vld.idx.msk [tilespmem:v24+s10+$0x0], $0xffff;
	v9 =	vand.u32 v19, v9  }
0x108: {  	v52 =	vld.idx.msk [tilespmem:v25+s10+$0x0], $0xffff;
	v9 =	vand.u32 v20, v9  }
0x109: {  	v13 =	vld.idx.msk [tilespmem:v53+s10+$0x0], $0xffff;
	v9 =	vand.u32 v21, v9  }
0x10a: {  	v14 =	vld.idx.msk [tilespmem:v54+s10+$0x0], $0xffff;
	v9 =	vand.u32 v22, v9  }
0x10b: {  	v9 =	vand.u32 v10, v9;
	v10 =	vld.idx.msk [tilespmem:v55+s10+$0x0], $0xffff  }
0x10c: {  	v9 =	vand.u32 v11, v9;
	v11 =	vld.idx.msk [tilespmem:v56+s10+$0x0], $0xffff  }
0x10d: {  	v61 =	vld.idx.msk [tilespmem:v57+s10+$0x0], $0xffff;
	v9 =	vand.u32 v52, v9  }
0x10e: {  	v62 =	vld.idx.msk [tilespmem:v58+s10+$0x0], $0xffff;
	v9 =	vand.u32 v13, v9  }
0x10f: {  	v63 =	vld.idx.msk [tilespmem:v59+s10+$0x0], $0xffff;
	v9 =	vand.u32 v14, v9  }
0x110: {  	v9 =	vand.u32 v10, v9;
	v10 =	vld.idx.msk [tilespmem:v60+s10+$0x0], $0xffff  }
0x111: {  	v9 =	vand.u32 v11, v9  }
0x112: {  	v9 =	vand.u32 v61, v9  }
0x113: {  	v9 =	vand.u32 v62, v9  }
0x114: {  	v9 =	vand.u32 v63, v9  }
0x115: {  	v9 =	vand.u32 v10, v9  }
0x116: {  	vm1 =	vgt.s32 v9, $0xFFFFFFFF  }
0x117: {  	v9 =	vmpcnt.ones.xlane vm1;
	_ =	sdelay $0x1  }
0x118: {  	(v2sf) =	vpush v9, $0x0;
	_ =	sdelay $0xe  }
0x119: {  	s18 =	spop (v2sf)  }
0x11a: {  	p1 =	slt.s32 s18, $0x1  }
.Ltmp14:
0x11b: {  	_ = 	snop;
	(pc) =	sbr.rel @p1 .LBB2_19-.Ltmp14, $1  }
0x11c: {  	_ =	sdelay $0x3  }
0x11d: {  	s7 =	sadd.s32 $0x0, s11  }
0x11e: {  	v9 =	vld [tilespmem:s7+$0x0];
	_ =	sdelay $0x7  }
0x11f: {  	v10 =	vld.idx.msk [tilespmem:v9+s6+$0x0], $0xffff;
	_ =	sdelay $0x4  }
0x120: {  	vm1 =	vgt.s32 v10, $0xFFFFFFFF  }
0x121: {  	v9 =	vmpcnt.ones.xlane vm1;
	_ =	sdelay $0x1  }
0x122: {  	(v2sf) =	vpush v9, $0x0;
	_ =	sdelay $0xe  }
0x123: {  	s7 =	spop (v2sf)  }
0x124: {  	p4 =	slt.s32 s7, $0x1  }
0x125: {  	s17 =	sadd.s32 @!p4 s9, s7  }
0x126: {  	s7 =	sadd.s32 @!p4 $0x0, s12;
	p1 =	slt.s32 @!p4 s17, $0x80  }
0x127: {  	p3 =	slt.s32 @!p4 s9, $0x80;
	v9 =	vld @!p4 [tilespmem:s7+$0x0];
	p1 =	por !p1, p4  }
0x128: {  	s17 =	simm.s32 @p1 $0x80;
	p1 =	por !p3, p4  }
0x129: {  	s15 =	simm.s32 $0x40;
	vm1 =	vgt.s32 @!p4 v10, $0xFFFFFFFF;
	s17 =	smov.u32 @p4 s9;
	s9 =	simm.s32 @p1 $0x80  }
0x12a: {  	s16 =	simm.s32 $0x80;
	s18 =	simm.s32 $0x10;
	[tilespmem:s9+$0x16180] =	vst.msk @!p4 vm1, v10;
	s14 =	smov.u32 s17  }
.LBB2_17:
0x12b: {  	s7 =	smov.u32 s17  }
0x12c: {  	s17 =	sadd.s32 s18, s11;
	[tilespmem:s9+$0x16280] =	vst.msk @!p4 vm1, v9;
	s9 =	smov.u32 s16;
	s16 =	sadd.s32 $0x40, s16  }
0x12d: {  	p3 =	sne.s32 s16, $0x640;
	v9 =	vld [tilespmem:s17+$0x0];
	_ =	sdelay $0x7  }
0x12e: {  	v10 =	vld.idx.msk [tilespmem:v9+s6+$0x0], $0xffff;
	_ =	sdelay $0x5  }
0x12f: {  	vm1 =	vgt.s32 v10, $0xFFFFFFFF  }
0x130: {  	v9 =	vmpcnt.ones.xlane vm1;
	_ =	sdelay $0x1  }
0x131: {  	(v2sf) =	vpush v9, $0x0;
	_ =	sdelay $0xe  }
0x132: {  	s17 =	spop (v2sf)  }
0x133: {  	p4 =	slt.s32 s17, $0x1  }
0x134: {  	s15 =	sshra.s32 @!p4 s15, $0x2;
	p1 =	slt.s32 @!p4 s7, $0x80;
	s17 =	sadd.s32 @!p4 s7, s17  }
0x135: {  	s15 =	sadd.s32 @!p4 s15, s12;
	p1 =	por !p1, p4;
	p5 =	slt.s32 @!p4 s17, $0x80  }
.Ltmp15:
0x136: {  	v9 =	vld @!p4 [tilespmem:s15+$0x0];
	p5 =	por !p5, p4;
	s15 =	smov.u32 s9;
	(pc) =	sbr.rel @p3 .LBB2_17-.Ltmp15, $4  }
0x137: {  	s17 =	simm.s32 @p5 $0x80  }
0x138: {  	s9 =	smov.u32 s14;
	s17 =	smov.u32 @p4 s7  }
0x139: {  	vm1 =	vgt.s32 @!p4 v10, $0xFFFFFFFF;
	s9 =	simm.s32 @p1 $0x80;
	s14 =	smov.u32 s17  }
0x13a: {  	s18 =	sshra.s32 s15, $0x2;
	[tilespmem:s9+$0x16180] =	vst.msk @!p4 vm1, v10  }
0x13b: {  	s7 =	sadd.s32 s18, s11;
	[tilespmem:s9+$0x16280] =	vst.msk @!p4 vm1, v9  }
0x13c: {  	v9 =	vld [tilespmem:s7+$0x0];
	_ =	sdelay $0x7  }
0x13d: {  	v9 =	vld.idx.msk [tilespmem:v9+s6+$0x0], $0xffff;
	_ =	sdelay $0x4  }
0x13e: {  	vm1 =	vgt.s32 v9, $0xFFFFFFFF  }
0x13f: {  	v10 =	vmpcnt.ones.xlane vm1;
	_ =	sdelay $0x1  }
0x140: {  	(v2sf) =	vpush v10, $0x0;
	_ =	sdelay $0xe  }
0x141: {  	s7 =	spop (v2sf)  }
0x142: {  	p1 =	slt.s32 s7, $0x1  }
0x143: {  	s9 =	sshra.s32 @!p1 s15, $0x2  }
0x144: {  	s9 =	sadd.s32 @!p1 s9, s12  }
0x145: {  	v10 =	vld @!p1 [tilespmem:s9+$0x0]  }
.Ltmp16:
0x146: {  	p3 =	slt.s32 @!p1 s17, $0x80;
	s9 =	sadd.s32 @!p1 s17, s7;
	(pc) =	sbr.rel .LBB2_19-.Ltmp16, $4  }
0x147: {  	p3 =	por !p3, p1;
	p4 =	slt.s32 @!p1 s9, $0x80  }
0x148: {  	vm1 =	vgt.s32 @!p1 v9, $0xFFFFFFFF;
	s14 =	simm.s32 @p3 $0x80;
	p4 =	por !p4, p1  }
0x149: {  	[tilespmem:s14+$0x16180] =	vst.msk @!p1 vm1, v9;
	s9 =	simm.s32 @p4 $0x80  }
0x14a: {  	s9 =	smov.u32 @p1 s17;
	[tilespmem:s14+$0x16280] =	vst.msk @!p1 vm1, v10  }
.LBB2_20:
0x14b: {  	_ =	swait.ge [sflag:s19], $0x2710  }
0x14c: {  	[sflag:s19] =	ssyncset.done $0x0  }
0x14d: {  	[sflag:s19] =	ssyncadd.s32 $0xFFFFD8F0  }
0x14e: {  	_ =	swait.ge [sflag:s22], $0x2710  }
.Ltmp17:
0x14f: {  	s10 =	simm.s32 $0x0;
	[sflag:s22] =	ssyncset.done $0x0;
	(pc) =	sbr.rel .LBB2_21-.Ltmp17, $4  }
0x150: {  	s11 =	simm.s32 $0xEB00;
	s7 =	rddreg [dreg:$0xe];
	[sflag:s22] =	ssyncadd.s32 $0xFFFFD8F0  }
0x151: {  	[tilespmem:s28], [sflag:$0x1] =	stream.linear.gather [hbm4b:s7+s10], $0x2710, $0x38;
	[tilespmem:$0x1C4C0] =	vst v63  }
0x152: {  	s12 =	simm.s32 $0x13A00;
	s13 =	simm.s32 $0x0;
	s18 =	rddreg [dreg:$0xf]  }
0x153: {  	[tilespmem:s29], [sflag:$0x3] =	stream.linear.gather [hbm4b:s18+s10], $0x2710, $0x38;
	[tilespmem:$0x1C4C0] =	vst v63  }
.LBB2_25:
0x154: {  	s13 =	sadd.s32 $0x1, s13  }
0x155: {  	p1 =	sne.s32 s13, $0x19  }
.Ltmp18:
0x156: {  	_ = 	snop;
	(pc) =	sbr.rel @!p1 .LBB2_26-.Ltmp18, $2  }
0x157: {  	_ =	sdelay $0x2  }
0x158: {  	s11 =	sadd.s32 $0x190, s11;
	s12 =	sadd.s32 $0x190, s12  }
.LBB2_21:
0x159: {  	s7 =	smul.u32 $0x640, s13;
	_ =	sdelay $0x1  }
0x15a: {  	s7 =	sshra.s32 s7, $0x2  }
0x15b: {  	v9 =	vld [tilespmem:s7+$0xEB00]  }
0x15c: {  	v10 =	vld [tilespmem:s7+$0xEB10]  }
0x15d: {  	v11 =	vld [tilespmem:s7+$0xEB20]  }
0x15e: {  	v12 =	vld [tilespmem:s7+$0xEB30]  }
0x15f: {  	v13 =	vld [tilespmem:s7+$0xEB40]  }
0x160: {  	s14 =	smul.u32 $0x190, s13;
	v14 =	vld [tilespmem:s7+$0xEB50]  }
0x161: {  	v15 =	vld [tilespmem:s7+$0xEB60]  }
0x162: {  	s14 =	sand.u32 $0x3FF0, s14;
	v16 =	vld [tilespmem:s7+$0xEB70]  }
0x163: {  	v17 =	vld [tilespmem:s14+$0xEB80]  }
0x164: {  	v18 =	vld [tilespmem:s7+$0xEB90]  }
0x165: {  	v19 =	vld [tilespmem:s7+$0xEBA0]  }
0x166: {  	v20 =	vld [tilespmem:s7+$0xEBB0]  }
0x167: {  	v21 =	vld [tilespmem:s7+$0xEBC0]  }
0x168: {  	v22 =	vld [tilespmem:s7+$0xEBD0]  }
0x169: {  	v23 =	vld [tilespmem:s7+$0xEBE0]  }
0x16a: {  	v24 =	vld [tilespmem:s7+$0xEBF0]  }
0x16b: {  	v25 =	vld [tilespmem:s14+$0xEC00]  }
0x16c: {  	v53 =	vld [tilespmem:s7+$0xEC10]  }
0x16d: {  	v54 =	vld [tilespmem:s7+$0xEC20]  }
0x16e: {  	v55 =	vld [tilespmem:s7+$0xEC30]  }
0x16f: {  	v56 =	vld [tilespmem:s7+$0xEC40]  }
0x170: {  	v57 =	vld [tilespmem:s7+$0xEC50]  }
0x171: {  	v58 =	vld [tilespmem:s7+$0xEC60]  }
0x172: {  	v59 =	vld [tilespmem:s7+$0xEC70]  }
0x173: {  	v60 =	vld [tilespmem:s14+$0xEC80]  }
0x174: {  	v9 =	vld.idx.msk [tilespmem:v9+s10+$0x0], $0xffff  }
0x175: {  	v10 =	vld.idx.msk [tilespmem:v10+s10+$0x0], $0xffff  }
0x176: {  	v11 =	vld.idx.msk [tilespmem:v11+s10+$0x0], $0xffff  }
0x177: {  	v12 =	vld.idx.msk [tilespmem:v12+s10+$0x0], $0xffff  }
0x178: {  	v13 =	vld.idx.msk [tilespmem:v13+s10+$0x0], $0xffff  }
0x179: {  	v14 =	vld.idx.msk [tilespmem:v14+s10+$0x0], $0xffff  }
0x17a: {  	v15 =	vld.idx.msk [tilespmem:v15+s10+$0x0], $0xffff;
	v9 =	vand.u32 v9, v10  }
0x17b: {  	v16 =	vld.idx.msk [tilespmem:v16+s10+$0x0], $0xffff;
	v9 =	vand.u32 v11, v9  }
0x17c: {  	v17 =	vld.idx.msk [tilespmem:v17+s10+$0x0], $0xffff;
	v9 =	vand.u32 v12, v9  }
0x17d: {  	v18 =	vld.idx.msk [tilespmem:v18+s10+$0x0], $0xffff;
	v9 =	vand.u32 v13, v9  }
0x17e: {  	v19 =	vld.idx.msk [tilespmem:v19+s10+$0x0], $0xffff;
	v9 =	vand.u32 v14, v9  }
0x17f: {  	v20 =	vld.idx.msk [tilespmem:v20+s10+$0x0], $0xffff;
	v9 =	vand.u32 v15, v9  }
0x180: {  	v21 =	vld.idx.msk [tilespmem:v21+s10+$0x0], $0xffff;
	v9 =	vand.u32 v16, v9  }
0x181: {  	v22 =	vld.idx.msk [tilespmem:v22+s10+$0x0], $0xffff;
	v9 =	vand.u32 v17, v9  }
0x182: {  	v10 =	vld.idx.msk [tilespmem:v23+s10+$0x0], $0xffff;
	v9 =	vand.u32 v18, v9  }
0x183: {  	v11 =	vld.idx.msk [tilespmem:v24+s10+$0x0], $0xffff;
	v9 =	vand.u32 v19, v9  }
0x184: {  	v52 =	vld.idx.msk [tilespmem:v25+s10+$0x0], $0xffff;
	v9 =	vand.u32 v20, v9  }
0x185: {  	v13 =	vld.idx.msk [tilespmem:v53+s10+$0x0], $0xffff;
	v9 =	vand.u32 v21, v9  }
0x186: {  	v14 =	vld.idx.msk [tilespmem:v54+s10+$0x0], $0xffff;
	v9 =	vand.u32 v22, v9  }
0x187: {  	v9 =	vand.u32 v10, v9;
	v10 =	vld.idx.msk [tilespmem:v55+s10+$0x0], $0xffff  }
0x188: {  	v9 =	vand.u32 v11, v9;
	v11 =	vld.idx.msk [tilespmem:v56+s10+$0x0], $0xffff  }
0x189: {  	v61 =	vld.idx.msk [tilespmem:v57+s10+$0x0], $0xffff;
	v9 =	vand.u32 v52, v9  }
0x18a: {  	v62 =	vld.idx.msk [tilespmem:v58+s10+$0x0], $0xffff;
	v9 =	vand.u32 v13, v9  }
0x18b: {  	v63 =	vld.idx.msk [tilespmem:v59+s10+$0x0], $0xffff;
	v9 =	vand.u32 v14, v9  }
0x18c: {  	v9 =	vand.u32 v10, v9;
	v10 =	vld.idx.msk [tilespmem:v60+s10+$0x0], $0xffff  }
0x18d: {  	v9 =	vand.u32 v11, v9  }
0x18e: {  	v9 =	vand.u32 v61, v9  }
0x18f: {  	v9 =	vand.u32 v62, v9  }
0x190: {  	v9 =	vand.u32 v63, v9  }
0x191: {  	v9 =	vand.u32 v10, v9  }
0x192: {  	vm1 =	vgt.s32 v9, $0xFFFFFFFF  }
0x193: {  	v9 =	vmpcnt.ones.xlane vm1;
	_ =	sdelay $0x1  }
0x194: {  	(v2sf) =	vpush v9, $0x0;
	_ =	sdelay $0xe  }
0x195: {  	s18 =	spop (v2sf)  }
0x196: {  	p1 =	slt.s32 s18, $0x1  }
.Ltmp19:
0x197: {  	_ = 	snop;
	(pc) =	sbr.rel @p1 .LBB2_25-.Ltmp19, $1  }
0x198: {  	_ =	sdelay $0x3  }
0x199: {  	s7 =	sadd.s32 $0x0, s11  }
0x19a: {  	v9 =	vld [tilespmem:s7+$0x0];
	_ =	sdelay $0x7  }
0x19b: {  	v10 =	vld.idx.msk [tilespmem:v9+s6+$0x0], $0xffff;
	_ =	sdelay $0x4  }
0x19c: {  	vm1 =	vgt.s32 v10, $0xFFFFFFFF  }
0x19d: {  	v9 =	vmpcnt.ones.xlane vm1;
	_ =	sdelay $0x1  }
0x19e: {  	(v2sf) =	vpush v9, $0x0;
	_ =	sdelay $0xe  }
0x19f: {  	s7 =	spop (v2sf)  }
0x1a0: {  	p4 =	slt.s32 s7, $0x1  }
0x1a1: {  	s7 =	sadd.s32 @!p4 s9, s7  }
0x1a2: {  	s14 =	sadd.s32 @!p4 $0x0, s12;
	p1 =	slt.s32 @!p4 s7, $0x80  }
0x1a3: {  	p3 =	slt.s32 @!p4 s9, $0x80;
	v9 =	vld @!p4 [tilespmem:s14+$0x0];
	p1 =	por !p1, p4  }
0x1a4: {  	s7 =	simm.s32 @p1 $0x80;
	p1 =	por !p3, p4  }
0x1a5: {  	s15 =	simm.s32 $0x40;
	vm1 =	vgt.s32 @!p4 v10, $0xFFFFFFFF;
	s7 =	smov.u32 @p4 s9;
	s9 =	simm.s32 @p1 $0x80  }
0x1a6: {  	s16 =	simm.s32 $0x80;
	s18 =	simm.s32 $0x10;
	[tilespmem:s9+$0x16180] =	vst.msk @!p4 vm1, v10;
	s14 =	smov.u32 s7  }
.LBB2_23:
0x1a7: {  	s17 =	smov.u32 s7  }
0x1a8: {  	s7 =	sadd.s32 s18, s11;
	[tilespmem:s9+$0x16280] =	vst.msk @!p4 vm1, v9;
	s9 =	smov.u32 s16;
	s16 =	sadd.s32 $0x40, s16  }
0x1a9: {  	p3 =	sne.s32 s16, $0x640;
	v9 =	vld [tilespmem:s7+$0x0];
	_ =	sdelay $0x7  }
0x1aa: {  	v10 =	vld.idx.msk [tilespmem:v9+s6+$0x0], $0xffff;
	_ =	sdelay $0x5  }
0x1ab: {  	vm1 =	vgt.s32 v10, $0xFFFFFFFF  }
0x1ac: {  	v9 =	vmpcnt.ones.xlane vm1;
	_ =	sdelay $0x1  }
0x1ad: {  	(v2sf) =	vpush v9, $0x0;
	_ =	sdelay $0xe  }
0x1ae: {  	s7 =	spop (v2sf)  }
0x1af: {  	p4 =	slt.s32 s7, $0x1  }
0x1b0: {  	s15 =	sshra.s32 @!p4 s15, $0x2;
	p1 =	slt.s32 @!p4 s17, $0x80;
	s7 =	sadd.s32 @!p4 s17, s7  }
0x1b1: {  	s15 =	sadd.s32 @!p4 s15, s12;
	p1 =	por !p1, p4;
	p5 =	slt.s32 @!p4 s7, $0x80  }
.Ltmp20:
0x1b2: {  	v9 =	vld @!p4 [tilespmem:s15+$0x0];
	p5 =	por !p5, p4;
	s15 =	smov.u32 s9;
	(pc) =	sbr.rel @p3 .LBB2_23-.Ltmp20, $4  }
0x1b3: {  	s7 =	simm.s32 @p5 $0x80  }
0x1b4: {  	s9 =	smov.u32 s14;
	s7 =	smov.u32 @p4 s17  }
0x1b5: {  	vm1 =	vgt.s32 @!p4 v10, $0xFFFFFFFF;
	s9 =	simm.s32 @p1 $0x80;
	s14 =	smov.u32 s7  }
0x1b6: {  	s18 =	sshra.s32 s15, $0x2;
	[tilespmem:s9+$0x16180] =	vst.msk @!p4 vm1, v10  }
0x1b7: {  	s16 =	sadd.s32 s18, s11;
	[tilespmem:s9+$0x16280] =	vst.msk @!p4 vm1, v9  }
0x1b8: {  	v9 =	vld [tilespmem:s16+$0x0];
	_ =	sdelay $0x7  }
0x1b9: {  	v9 =	vld.idx.msk [tilespmem:v9+s6+$0x0], $0xffff;
	_ =	sdelay $0x4  }
0x1ba: {  	vm1 =	vgt.s32 v9, $0xFFFFFFFF  }
0x1bb: {  	v10 =	vmpcnt.ones.xlane vm1;
	_ =	sdelay $0x1  }
0x1bc: {  	(v2sf) =	vpush v10, $0x0;
	_ =	sdelay $0xe  }
0x1bd: {  	s9 =	spop (v2sf)  }
0x1be: {  	p1 =	slt.s32 s9, $0x1  }
0x1bf: {  	s15 =	sshra.s32 @!p1 s15, $0x2  }
0x1c0: {  	s15 =	sadd.s32 @!p1 s15, s12  }
0x1c1: {  	v10 =	vld @!p1 [tilespmem:s15+$0x0]  }
.Ltmp21:
0x1c2: {  	p3 =	slt.s32 @!p1 s7, $0x80;
	s9 =	sadd.s32 @!p1 s7, s9;
	(pc) =	sbr.rel .LBB2_25-.Ltmp21, $4  }
0x1c3: {  	p3 =	por !p3, p1;
	p4 =	slt.s32 @!p1 s9, $0x80  }
0x1c4: {  	vm1 =	vgt.s32 @!p1 v9, $0xFFFFFFFF;
	p4 =	por !p4, p1;
	s14 =	simm.s32 @p3 $0x80  }
0x1c5: {  	s9 =	simm.s32 @p4 $0x80;
	[tilespmem:s14+$0x16180] =	vst.msk @!p1 vm1, v9  }
0x1c6: {  	s9 =	smov.u32 @p1 s7;
	[tilespmem:s14+$0x16280] =	vst.msk @!p1 vm1, v10  }
.LBB2_26:
0x1c7: {  	_ =	swait.ge [sflag:s2], $0x2710  }
0x1c8: {  	[sflag:s2] =	ssyncset.done $0x0  }
0x1c9: {  	[sflag:s2] =	ssyncadd.s32 $0xFFFFD8F0  }
0x1ca: {  	s10 =	simm.s32 $0x0;
	_ =	swait.ge [sflag:s3], $0x2710  }
.Ltmp22:
0x1cb: {  	s11 =	simm.s32 $0xEB00;
	[sflag:s3] =	ssyncset.done $0x0;
	(pc) =	sbr.rel .LBB2_27-.Ltmp22, $4  }
0x1cc: {  	s12 =	simm.s32 $0x11280;
	s7 =	rddreg [dreg:$0x10];
	[sflag:s3] =	ssyncadd.s32 $0xFFFFD8F0  }
0x1cd: {  	[tilespmem:s11], [sflag:$0x2] =	stream.linear.gather [hbm4b:s7+s10], $0x2710, $0x38;
	[tilespmem:$0x1C4C0] =	vst v63  }
0x1ce: {  	s13 =	simm.s32 $0x0;
	s18 =	rddreg [dreg:$0x11];
	s11 =	simm.s32 $0xC380  }
0x1cf: {  	[tilespmem:s8], [sflag:$0x4] =	stream.linear.gather [hbm4b:s18+s10], $0x2710, $0x38;
	[tilespmem:$0x1C4C0] =	vst v63  }
.LBB2_31:
0x1d0: {  	s13 =	sadd.s32 $0x1, s13  }
0x1d1: {  	p1 =	sne.s32 s13, $0x19  }
.Ltmp23:
0x1d2: {  	_ = 	snop;
	(pc) =	sbr.rel @!p1 .LBB2_32-.Ltmp23, $2  }
0x1d3: {  	_ =	sdelay $0x2  }
0x1d4: {  	s11 =	sadd.s32 $0x190, s11;
	s12 =	sadd.s32 $0x190, s12  }
.LBB2_27:
0x1d5: {  	s7 =	smul.u32 $0x640, s13;
	_ =	sdelay $0x1  }
0x1d6: {  	s7 =	sshra.s32 s7, $0x2  }
0x1d7: {  	v9 =	vld [tilespmem:s7+$0xC380]  }
0x1d8: {  	v10 =	vld [tilespmem:s7+$0xC390]  }
0x1d9: {  	v11 =	vld [tilespmem:s7+$0xC3A0]  }
0x1da: {  	v12 =	vld [tilespmem:s7+$0xC3B0]  }
0x1db: {  	v13 =	vld [tilespmem:s7+$0xC3C0]  }
0x1dc: {  	s14 =	smul.u32 $0x190, s13;
	v14 =	vld [tilespmem:s7+$0xC3D0]  }
0x1dd: {  	v15 =	vld [tilespmem:s7+$0xC3E0]  }
0x1de: {  	s14 =	sand.u32 $0x3FF0, s14;
	v16 =	vld [tilespmem:s7+$0xC3F0]  }
0x1df: {  	v17 =	vld [tilespmem:s14+$0xC400]  }
0x1e0: {  	v18 =	vld [tilespmem:s7+$0xC410]  }
0x1e1: {  	v19 =	vld [tilespmem:s7+$0xC420]  }
0x1e2: {  	v20 =	vld [tilespmem:s7+$0xC430]  }
0x1e3: {  	v21 =	vld [tilespmem:s7+$0xC440]  }
0x1e4: {  	v22 =	vld [tilespmem:s7+$0xC450]  }
0x1e5: {  	v23 =	vld [tilespmem:s7+$0xC460]  }
0x1e6: {  	v24 =	vld [tilespmem:s7+$0xC470]  }
0x1e7: {  	v25 =	vld [tilespmem:s14+$0xC480]  }
0x1e8: {  	v53 =	vld [tilespmem:s7+$0xC490]  }
0x1e9: {  	v54 =	vld [tilespmem:s7+$0xC4A0]  }
0x1ea: {  	v55 =	vld [tilespmem:s7+$0xC4B0]  }
0x1eb: {  	v56 =	vld [tilespmem:s7+$0xC4C0]  }
0x1ec: {  	v57 =	vld [tilespmem:s7+$0xC4D0]  }
0x1ed: {  	v58 =	vld [tilespmem:s7+$0xC4E0]  }
0x1ee: {  	v59 =	vld [tilespmem:s7+$0xC4F0]  }
0x1ef: {  	v60 =	vld [tilespmem:s14+$0xC500]  }
0x1f0: {  	v9 =	vld.idx.msk [tilespmem:v9+s10+$0x0], $0xffff  }
0x1f1: {  	v10 =	vld.idx.msk [tilespmem:v10+s10+$0x0], $0xffff  }
0x1f2: {  	v11 =	vld.idx.msk [tilespmem:v11+s10+$0x0], $0xffff  }
0x1f3: {  	v12 =	vld.idx.msk [tilespmem:v12+s10+$0x0], $0xffff  }
0x1f4: {  	v13 =	vld.idx.msk [tilespmem:v13+s10+$0x0], $0xffff  }
0x1f5: {  	v14 =	vld.idx.msk [tilespmem:v14+s10+$0x0], $0xffff  }
0x1f6: {  	v15 =	vld.idx.msk [tilespmem:v15+s10+$0x0], $0xffff;
	v9 =	vand.u32 v9, v10  }
0x1f7: {  	v16 =	vld.idx.msk [tilespmem:v16+s10+$0x0], $0xffff;
	v9 =	vand.u32 v11, v9  }
0x1f8: {  	v17 =	vld.idx.msk [tilespmem:v17+s10+$0x0], $0xffff;
	v9 =	vand.u32 v12, v9  }
0x1f9: {  	v18 =	vld.idx.msk [tilespmem:v18+s10+$0x0], $0xffff;
	v9 =	vand.u32 v13, v9  }
0x1fa: {  	v19 =	vld.idx.msk [tilespmem:v19+s10+$0x0], $0xffff;
	v9 =	vand.u32 v14, v9  }
0x1fb: {  	v20 =	vld.idx.msk [tilespmem:v20+s10+$0x0], $0xffff;
	v9 =	vand.u32 v15, v9  }
0x1fc: {  	v21 =	vld.idx.msk [tilespmem:v21+s10+$0x0], $0xffff;
	v9 =	vand.u32 v16, v9  }
0x1fd: {  	v22 =	vld.idx.msk [tilespmem:v22+s10+$0x0], $0xffff;
	v9 =	vand.u32 v17, v9  }
0x1fe: {  	v10 =	vld.idx.msk [tilespmem:v23+s10+$0x0], $0xffff;
	v9 =	vand.u32 v18, v9  }
0x1ff: {  	v11 =	vld.idx.msk [tilespmem:v24+s10+$0x0], $0xffff;
	v9 =	vand.u32 v19, v9  }
0x200: {  	v52 =	vld.idx.msk [tilespmem:v25+s10+$0x0], $0xffff;
	v9 =	vand.u32 v20, v9  }
0x201: {  	v13 =	vld.idx.msk [tilespmem:v53+s10+$0x0], $0xffff;
	v9 =	vand.u32 v21, v9  }
0x202: {  	v14 =	vld.idx.msk [tilespmem:v54+s10+$0x0], $0xffff;
	v9 =	vand.u32 v22, v9  }
0x203: {  	v9 =	vand.u32 v10, v9;
	v10 =	vld.idx.msk [tilespmem:v55+s10+$0x0], $0xffff  }
0x204: {  	v9 =	vand.u32 v11, v9;
	v11 =	vld.idx.msk [tilespmem:v56+s10+$0x0], $0xffff  }
0x205: {  	v61 =	vld.idx.msk [tilespmem:v57+s10+$0x0], $0xffff;
	v9 =	vand.u32 v52, v9  }
0x206: {  	v62 =	vld.idx.msk [tilespmem:v58+s10+$0x0], $0xffff;
	v9 =	vand.u32 v13, v9  }
0x207: {  	v63 =	vld.idx.msk [tilespmem:v59+s10+$0x0], $0xffff;
	v9 =	vand.u32 v14, v9  }
0x208: {  	v9 =	vand.u32 v10, v9;
	v10 =	vld.idx.msk [tilespmem:v60+s10+$0x0], $0xffff  }
0x209: {  	v9 =	vand.u32 v11, v9  }
0x20a: {  	v9 =	vand.u32 v61, v9  }
0x20b: {  	v9 =	vand.u32 v62, v9  }
0x20c: {  	v9 =	vand.u32 v63, v9  }
0x20d: {  	v9 =	vand.u32 v10, v9  }
0x20e: {  	vm1 =	vgt.s32 v9, $0xFFFFFFFF  }
0x20f: {  	v9 =	vmpcnt.ones.xlane vm1;
	_ =	sdelay $0x1  }
0x210: {  	(v2sf) =	vpush v9, $0x0;
	_ =	sdelay $0xe  }
0x211: {  	s18 =	spop (v2sf)  }
0x212: {  	p1 =	slt.s32 s18, $0x1  }
.Ltmp24:
0x213: {  	_ = 	snop;
	(pc) =	sbr.rel @p1 .LBB2_31-.Ltmp24, $1  }
0x214: {  	_ =	sdelay $0x3  }
0x215: {  	s7 =	sadd.s32 $0x0, s11  }
0x216: {  	v9 =	vld [tilespmem:s7+$0x0];
	_ =	sdelay $0x7  }
0x217: {  	v10 =	vld.idx.msk [tilespmem:v9+s6+$0x0], $0xffff;
	_ =	sdelay $0x4  }
0x218: {  	vm1 =	vgt.s32 v10, $0xFFFFFFFF  }
0x219: {  	v9 =	vmpcnt.ones.xlane vm1;
	_ =	sdelay $0x1  }
0x21a: {  	(v2sf) =	vpush v9, $0x0;
	_ =	sdelay $0xe  }
0x21b: {  	s7 =	spop (v2sf)  }
0x21c: {  	p4 =	slt.s32 s7, $0x1  }
0x21d: {  	s7 =	sadd.s32 @!p4 s9, s7  }
0x21e: {  	s14 =	sadd.s32 @!p4 $0x0, s12;
	p1 =	slt.s32 @!p4 s7, $0x80  }
0x21f: {  	p3 =	slt.s32 @!p4 s9, $0x80;
	v9 =	vld @!p4 [tilespmem:s14+$0x0];
	p1 =	por !p1, p4  }
0x220: {  	s7 =	simm.s32 @p1 $0x80;
	p1 =	por !p3, p4  }
0x221: {  	s15 =	simm.s32 $0x40;
	vm1 =	vgt.s32 @!p4 v10, $0xFFFFFFFF;
	s7 =	smov.u32 @p4 s9;
	s9 =	simm.s32 @p1 $0x80  }
0x222: {  	s16 =	simm.s32 $0x80;
	s18 =	simm.s32 $0x10;
	[tilespmem:s9+$0x16180] =	vst.msk @!p4 vm1, v10;
	s14 =	smov.u32 s7  }
.LBB2_29:
0x223: {  	s17 =	smov.u32 s7  }
0x224: {  	s7 =	sadd.s32 s18, s11;
	[tilespmem:s9+$0x16280] =	vst.msk @!p4 vm1, v9;
	s9 =	smov.u32 s16;
	s16 =	sadd.s32 $0x40, s16  }
0x225: {  	p3 =	sne.s32 s16, $0x640;
	v9 =	vld [tilespmem:s7+$0x0];
	_ =	sdelay $0x7  }
0x226: {  	v10 =	vld.idx.msk [tilespmem:v9+s6+$0x0], $0xffff;
	_ =	sdelay $0x5  }
0x227: {  	vm1 =	vgt.s32 v10, $0xFFFFFFFF  }
0x228: {  	v9 =	vmpcnt.ones.xlane vm1;
	_ =	sdelay $0x1  }
0x229: {  	(v2sf) =	vpush v9, $0x0;
	_ =	sdelay $0xe  }
0x22a: {  	s7 =	spop (v2sf)  }
0x22b: {  	p4 =	slt.s32 s7, $0x1  }
0x22c: {  	s15 =	sshra.s32 @!p4 s15, $0x2;
	p1 =	slt.s32 @!p4 s17, $0x80;
	s7 =	sadd.s32 @!p4 s17, s7  }
0x22d: {  	s15 =	sadd.s32 @!p4 s15, s12;
	p1 =	por !p1, p4;
	p5 =	slt.s32 @!p4 s7, $0x80  }
.Ltmp25:
0x22e: {  	v9 =	vld @!p4 [tilespmem:s15+$0x0];
	p5 =	por !p5, p4;
	s15 =	smov.u32 s9;
	(pc) =	sbr.rel @p3 .LBB2_29-.Ltmp25, $4  }
0x22f: {  	s7 =	simm.s32 @p5 $0x80  }
0x230: {  	s9 =	smov.u32 s14;
	s7 =	smov.u32 @p4 s17  }
0x231: {  	vm1 =	vgt.s32 @!p4 v10, $0xFFFFFFFF;
	s9 =	simm.s32 @p1 $0x80;
	s14 =	smov.u32 s7  }
0x232: {  	s18 =	sshra.s32 s15, $0x2;
	[tilespmem:s9+$0x16180] =	vst.msk @!p4 vm1, v10  }
0x233: {  	s16 =	sadd.s32 s18, s11;
	[tilespmem:s9+$0x16280] =	vst.msk @!p4 vm1, v9  }
0x234: {  	v9 =	vld [tilespmem:s16+$0x0];
	_ =	sdelay $0x7  }
0x235: {  	v9 =	vld.idx.msk [tilespmem:v9+s6+$0x0], $0xffff;
	_ =	sdelay $0x4  }
0x236: {  	vm1 =	vgt.s32 v9, $0xFFFFFFFF  }
0x237: {  	v10 =	vmpcnt.ones.xlane vm1;
	_ =	sdelay $0x1  }
0x238: {  	(v2sf) =	vpush v10, $0x0;
	_ =	sdelay $0xe  }
0x239: {  	s9 =	spop (v2sf)  }
0x23a: {  	p1 =	slt.s32 s9, $0x1  }
0x23b: {  	s15 =	sshra.s32 @!p1 s15, $0x2  }
0x23c: {  	s15 =	sadd.s32 @!p1 s15, s12  }
0x23d: {  	v10 =	vld @!p1 [tilespmem:s15+$0x0]  }
.Ltmp26:
0x23e: {  	p3 =	slt.s32 @!p1 s7, $0x80;
	s9 =	sadd.s32 @!p1 s7, s9;
	(pc) =	sbr.rel .LBB2_31-.Ltmp26, $4  }
0x23f: {  	p3 =	por !p3, p1;
	p4 =	slt.s32 @!p1 s9, $0x80  }
0x240: {  	vm1 =	vgt.s32 @!p1 v9, $0xFFFFFFFF;
	p4 =	por !p4, p1;
	s14 =	simm.s32 @p3 $0x80  }
0x241: {  	s9 =	simm.s32 @p4 $0x80;
	[tilespmem:s14+$0x16180] =	vst.msk @!p1 vm1, v9  }
0x242: {  	s9 =	smov.u32 @p1 s7;
	[tilespmem:s14+$0x16280] =	vst.msk @!p1 vm1, v10  }
.LBB2_32:
0x243: {  	_ =	swait.ge [sflag:s19], $0x2710  }
0x244: {  	[sflag:s19] =	ssyncset.done $0x0  }
0x245: {  	[sflag:s19] =	ssyncadd.s32 $0xFFFFD8F0  }
0x246: {  	_ =	swait.ge [sflag:s22], $0x2710  }
.Ltmp27:
0x247: {  	s10 =	simm.s32 $0x0;
	[sflag:s22] =	ssyncset.done $0x0;
	(pc) =	sbr.rel .LBB2_33-.Ltmp27, $4  }
0x248: {  	s11 =	simm.s32 $0xEB00;
	s7 =	rddreg [dreg:$0x12];
	[sflag:s22] =	ssyncadd.s32 $0xFFFFD8F0  }
0x249: {  	[tilespmem:s28], [sflag:$0x1] =	stream.linear.gather [hbm4b:s7+s10], $0x2710, $0x38;
	[tilespmem:$0x1C4C0] =	vst v63  }
0x24a: {  	s12 =	simm.s32 $0x13A00;
	s13 =	simm.s32 $0x0;
	s18 =	rddreg [dreg:$0x13]  }
0x24b: {  	[tilespmem:s29], [sflag:$0x3] =	stream.linear.gather [hbm4b:s18+s10], $0x2710, $0x38;
	[tilespmem:$0x1C4C0] =	vst v63  }
.LBB2_37:
0x24c: {  	s13 =	sadd.s32 $0x1, s13  }
0x24d: {  	p1 =	sne.s32 s13, $0x19  }
.Ltmp28:
0x24e: {  	_ = 	snop;
	(pc) =	sbr.rel @!p1 .LBB2_38-.Ltmp28, $2  }
0x24f: {  	_ =	sdelay $0x2  }
0x250: {  	s11 =	sadd.s32 $0x190, s11;
	s12 =	sadd.s32 $0x190, s12  }
.LBB2_33:
0x251: {  	s7 =	smul.u32 $0x640, s13;
	_ =	sdelay $0x1  }
0x252: {  	s7 =	sshra.s32 s7, $0x2  }
0x253: {  	v9 =	vld [tilespmem:s7+$0xEB00]  }
0x254: {  	v10 =	vld [tilespmem:s7+$0xEB10]  }
0x255: {  	v11 =	vld [tilespmem:s7+$0xEB20]  }
0x256: {  	v12 =	vld [tilespmem:s7+$0xEB30]  }
0x257: {  	v13 =	vld [tilespmem:s7+$0xEB40]  }
0x258: {  	s14 =	smul.u32 $0x190, s13;
	v14 =	vld [tilespmem:s7+$0xEB50]  }
0x259: {  	v15 =	vld [tilespmem:s7+$0xEB60]  }
0x25a: {  	s14 =	sand.u32 $0x3FF0, s14;
	v16 =	vld [tilespmem:s7+$0xEB70]  }
0x25b: {  	v17 =	vld [tilespmem:s14+$0xEB80]  }
0x25c: {  	v18 =	vld [tilespmem:s7+$0xEB90]  }
0x25d: {  	v19 =	vld [tilespmem:s7+$0xEBA0]  }
0x25e: {  	v20 =	vld [tilespmem:s7+$0xEBB0]  }
0x25f: {  	v21 =	vld [tilespmem:s7+$0xEBC0]  }
0x260: {  	v22 =	vld [tilespmem:s7+$0xEBD0]  }
0x261: {  	v23 =	vld [tilespmem:s7+$0xEBE0]  }
0x262: {  	v24 =	vld [tilespmem:s7+$0xEBF0]  }
0x263: {  	v25 =	vld [tilespmem:s14+$0xEC00]  }
0x264: {  	v53 =	vld [tilespmem:s7+$0xEC10]  }
0x265: {  	v54 =	vld [tilespmem:s7+$0xEC20]  }
0x266: {  	v55 =	vld [tilespmem:s7+$0xEC30]  }
0x267: {  	v56 =	vld [tilespmem:s7+$0xEC40]  }
0x268: {  	v57 =	vld [tilespmem:s7+$0xEC50]  }
0x269: {  	v58 =	vld [tilespmem:s7+$0xEC60]  }
0x26a: {  	v59 =	vld [tilespmem:s7+$0xEC70]  }
0x26b: {  	v60 =	vld [tilespmem:s14+$0xEC80]  }
0x26c: {  	v9 =	vld.idx.msk [tilespmem:v9+s10+$0x0], $0xffff  }
0x26d: {  	v10 =	vld.idx.msk [tilespmem:v10+s10+$0x0], $0xffff  }
0x26e: {  	v11 =	vld.idx.msk [tilespmem:v11+s10+$0x0], $0xffff  }
0x26f: {  	v12 =	vld.idx.msk [tilespmem:v12+s10+$0x0], $0xffff  }
0x270: {  	v13 =	vld.idx.msk [tilespmem:v13+s10+$0x0], $0xffff  }
0x271: {  	v14 =	vld.idx.msk [tilespmem:v14+s10+$0x0], $0xffff  }
0x272: {  	v15 =	vld.idx.msk [tilespmem:v15+s10+$0x0], $0xffff;
	v9 =	vand.u32 v9, v10  }
0x273: {  	v16 =	vld.idx.msk [tilespmem:v16+s10+$0x0], $0xffff;
	v9 =	vand.u32 v11, v9  }
0x274: {  	v17 =	vld.idx.msk [tilespmem:v17+s10+$0x0], $0xffff;
	v9 =	vand.u32 v12, v9  }
0x275: {  	v18 =	vld.idx.msk [tilespmem:v18+s10+$0x0], $0xffff;
	v9 =	vand.u32 v13, v9  }
0x276: {  	v19 =	vld.idx.msk [tilespmem:v19+s10+$0x0], $0xffff;
	v9 =	vand.u32 v14, v9  }
0x277: {  	v20 =	vld.idx.msk [tilespmem:v20+s10+$0x0], $0xffff;
	v9 =	vand.u32 v15, v9  }
0x278: {  	v21 =	vld.idx.msk [tilespmem:v21+s10+$0x0], $0xffff;
	v9 =	vand.u32 v16, v9  }
0x279: {  	v22 =	vld.idx.msk [tilespmem:v22+s10+$0x0], $0xffff;
	v9 =	vand.u32 v17, v9  }
0x27a: {  	v10 =	vld.idx.msk [tilespmem:v23+s10+$0x0], $0xffff;
	v9 =	vand.u32 v18, v9  }
0x27b: {  	v11 =	vld.idx.msk [tilespmem:v24+s10+$0x0], $0xffff;
	v9 =	vand.u32 v19, v9  }
0x27c: {  	v52 =	vld.idx.msk [tilespmem:v25+s10+$0x0], $0xffff;
	v9 =	vand.u32 v20, v9  }
0x27d: {  	v13 =	vld.idx.msk [tilespmem:v53+s10+$0x0], $0xffff;
	v9 =	vand.u32 v21, v9  }
0x27e: {  	v14 =	vld.idx.msk [tilespmem:v54+s10+$0x0], $0xffff;
	v9 =	vand.u32 v22, v9  }
0x27f: {  	v9 =	vand.u32 v10, v9;
	v10 =	vld.idx.msk [tilespmem:v55+s10+$0x0], $0xffff  }
0x280: {  	v9 =	vand.u32 v11, v9;
	v11 =	vld.idx.msk [tilespmem:v56+s10+$0x0], $0xffff  }
0x281: {  	v61 =	vld.idx.msk [tilespmem:v57+s10+$0x0], $0xffff;
	v9 =	vand.u32 v52, v9  }
0x282: {  	v62 =	vld.idx.msk [tilespmem:v58+s10+$0x0], $0xffff;
	v9 =	vand.u32 v13, v9  }
0x283: {  	v63 =	vld.idx.msk [tilespmem:v59+s10+$0x0], $0xffff;
	v9 =	vand.u32 v14, v9  }
0x284: {  	v9 =	vand.u32 v10, v9;
	v10 =	vld.idx.msk [tilespmem:v60+s10+$0x0], $0xffff  }
0x285: {  	v9 =	vand.u32 v11, v9  }
0x286: {  	v9 =	vand.u32 v61, v9  }
0x287: {  	v9 =	vand.u32 v62, v9  }
0x288: {  	v9 =	vand.u32 v63, v9  }
0x289: {  	v9 =	vand.u32 v10, v9  }
0x28a: {  	vm1 =	vgt.s32 v9, $0xFFFFFFFF  }
0x28b: {  	v9 =	vmpcnt.ones.xlane vm1;
	_ =	sdelay $0x1  }
0x28c: {  	(v2sf) =	vpush v9, $0x0;
	_ =	sdelay $0xe  }
0x28d: {  	s18 =	spop (v2sf)  }
0x28e: {  	p1 =	slt.s32 s18, $0x1  }
.Ltmp29:
0x28f: {  	_ = 	snop;
	(pc) =	sbr.rel @p1 .LBB2_37-.Ltmp29, $1  }
0x290: {  	_ =	sdelay $0x3  }
0x291: {  	s7 =	sadd.s32 $0x0, s11  }
0x292: {  	v9 =	vld [tilespmem:s7+$0x0];
	_ =	sdelay $0x7  }
0x293: {  	v10 =	vld.idx.msk [tilespmem:v9+s6+$0x0], $0xffff;
	_ =	sdelay $0x4  }
0x294: {  	vm1 =	vgt.s32 v10, $0xFFFFFFFF  }
0x295: {  	v9 =	vmpcnt.ones.xlane vm1;
	_ =	sdelay $0x1  }
0x296: {  	(v2sf) =	vpush v9, $0x0;
	_ =	sdelay $0xe  }
0x297: {  	s7 =	spop (v2sf)  }
0x298: {  	p4 =	slt.s32 s7, $0x1  }
0x299: {  	s7 =	sadd.s32 @!p4 s9, s7  }
0x29a: {  	s14 =	sadd.s32 @!p4 $0x0, s12;
	p1 =	slt.s32 @!p4 s7, $0x80  }
0x29b: {  	p3 =	slt.s32 @!p4 s9, $0x80;
	v9 =	vld @!p4 [tilespmem:s14+$0x0];
	p1 =	por !p1, p4  }
0x29c: {  	s7 =	simm.s32 @p1 $0x80;
	p1 =	por !p3, p4  }
0x29d: {  	s15 =	simm.s32 $0x40;
	vm1 =	vgt.s32 @!p4 v10, $0xFFFFFFFF;
	s7 =	smov.u32 @p4 s9;
	s9 =	simm.s32 @p1 $0x80  }
0x29e: {  	s16 =	simm.s32 $0x80;
	s18 =	simm.s32 $0x10;
	[tilespmem:s9+$0x16180] =	vst.msk @!p4 vm1, v10;
	s14 =	smov.u32 s7  }
.LBB2_35:
0x29f: {  	s17 =	smov.u32 s7  }
0x2a0: {  	s7 =	sadd.s32 s18, s11;
	[tilespmem:s9+$0x16280] =	vst.msk @!p4 vm1, v9;
	s9 =	smov.u32 s16;
	s16 =	sadd.s32 $0x40, s16  }
0x2a1: {  	p3 =	sne.s32 s16, $0x640;
	v9 =	vld [tilespmem:s7+$0x0];
	_ =	sdelay $0x7  }
0x2a2: {  	v10 =	vld.idx.msk [tilespmem:v9+s6+$0x0], $0xffff;
	_ =	sdelay $0x5  }
0x2a3: {  	vm1 =	vgt.s32 v10, $0xFFFFFFFF  }
0x2a4: {  	v9 =	vmpcnt.ones.xlane vm1;
	_ =	sdelay $0x1  }
0x2a5: {  	(v2sf) =	vpush v9, $0x0;
	_ =	sdelay $0xe  }
0x2a6: {  	s7 =	spop (v2sf)  }
0x2a7: {  	p4 =	slt.s32 s7, $0x1  }
0x2a8: {  	s15 =	sshra.s32 @!p4 s15, $0x2;
	p1 =	slt.s32 @!p4 s17, $0x80;
	s7 =	sadd.s32 @!p4 s17, s7  }
0x2a9: {  	s15 =	sadd.s32 @!p4 s15, s12;
	p1 =	por !p1, p4;
	p5 =	slt.s32 @!p4 s7, $0x80  }
.Ltmp30:
0x2aa: {  	v9 =	vld @!p4 [tilespmem:s15+$0x0];
	p5 =	por !p5, p4;
	s15 =	smov.u32 s9;
	(pc) =	sbr.rel @p3 .LBB2_35-.Ltmp30, $4  }
0x2ab: {  	s7 =	simm.s32 @p5 $0x80  }
0x2ac: {  	s9 =	smov.u32 s14;
	s7 =	smov.u32 @p4 s17  }
0x2ad: {  	vm1 =	vgt.s32 @!p4 v10, $0xFFFFFFFF;
	s9 =	simm.s32 @p1 $0x80;
	s14 =	smov.u32 s7  }
0x2ae: {  	s18 =	sshra.s32 s15, $0x2;
	[tilespmem:s9+$0x16180] =	vst.msk @!p4 vm1, v10  }
0x2af: {  	s16 =	sadd.s32 s18, s11;
	[tilespmem:s9+$0x16280] =	vst.msk @!p4 vm1, v9  }
0x2b0: {  	v9 =	vld [tilespmem:s16+$0x0];
	_ =	sdelay $0x7  }
0x2b1: {  	v9 =	vld.idx.msk [tilespmem:v9+s6+$0x0], $0xffff;
	_ =	sdelay $0x4  }
0x2b2: {  	vm1 =	vgt.s32 v9, $0xFFFFFFFF  }
0x2b3: {  	v10 =	vmpcnt.ones.xlane vm1;
	_ =	sdelay $0x1  }
0x2b4: {  	(v2sf) =	vpush v10, $0x0;
	_ =	sdelay $0xe  }
0x2b5: {  	s9 =	spop (v2sf)  }
0x2b6: {  	p1 =	slt.s32 s9, $0x1  }
0x2b7: {  	s15 =	sshra.s32 @!p1 s15, $0x2  }
0x2b8: {  	s15 =	sadd.s32 @!p1 s15, s12  }
0x2b9: {  	v10 =	vld @!p1 [tilespmem:s15+$0x0]  }
.Ltmp31:
0x2ba: {  	p3 =	slt.s32 @!p1 s7, $0x80;
	s9 =	sadd.s32 @!p1 s7, s9;
	(pc) =	sbr.rel .LBB2_37-.Ltmp31, $4  }
0x2bb: {  	p3 =	por !p3, p1;
	p4 =	slt.s32 @!p1 s9, $0x80  }
0x2bc: {  	vm1 =	vgt.s32 @!p1 v9, $0xFFFFFFFF;
	p4 =	por !p4, p1;
	s14 =	simm.s32 @p3 $0x80  }
0x2bd: {  	s9 =	simm.s32 @p4 $0x80;
	[tilespmem:s14+$0x16180] =	vst.msk @!p1 vm1, v9  }
0x2be: {  	s9 =	smov.u32 @p1 s7;
	[tilespmem:s14+$0x16280] =	vst.msk @!p1 vm1, v10  }
.LBB2_38:
0x2bf: {  	_ =	swait.ge [sflag:s2], $0x2710  }
.Ltmp32:
0x2c0: {  	[sflag:s2] =	ssyncset.done $0x0;
	(pc) =	sbr.rel .LBB2_39-.Ltmp32, $4  }
0x2c1: {  	[sflag:s2] =	ssyncadd.s32 $0xFFFFD8F0  }
0x2c2: {  	_ =	swait.ge [sflag:s3], $0x2710  }
0x2c3: {  	s10 =	simm.s32 $0x0;
	s11 =	simm.s32 $0xC380;
	[sflag:s3] =	ssyncset.done $0x0  }
0x2c4: {  	s12 =	simm.s32 $0x11280;
	s13 =	simm.s32 $0x0;
	[sflag:s3] =	ssyncadd.s32 $0xFFFFD8F0  }
.LBB2_43:
0x2c5: {  	s13 =	sadd.s32 $0x1, s13  }
0x2c6: {  	p1 =	sne.s32 s13, $0x19  }
.Ltmp33:
0x2c7: {  	_ = 	snop;
	(pc) =	sbr.rel @!p1 .LBB2_44-.Ltmp33, $2  }
0x2c8: {  	_ =	sdelay $0x2  }
0x2c9: {  	s11 =	sadd.s32 $0x190, s11;
	s12 =	sadd.s32 $0x190, s12  }
.LBB2_39:
0x2ca: {  	s7 =	smul.u32 $0x640, s13;
	_ =	sdelay $0x1  }
0x2cb: {  	s7 =	sshra.s32 s7, $0x2  }
0x2cc: {  	v9 =	vld [tilespmem:s7+$0xC380]  }
0x2cd: {  	v10 =	vld [tilespmem:s7+$0xC390]  }
0x2ce: {  	v11 =	vld [tilespmem:s7+$0xC3A0]  }
0x2cf: {  	v12 =	vld [tilespmem:s7+$0xC3B0]  }
0x2d0: {  	v13 =	vld [tilespmem:s7+$0xC3C0]  }
0x2d1: {  	s14 =	smul.u32 $0x190, s13;
	v14 =	vld [tilespmem:s7+$0xC3D0]  }
0x2d2: {  	v15 =	vld [tilespmem:s7+$0xC3E0]  }
0x2d3: {  	s14 =	sand.u32 $0x3FF0, s14;
	v16 =	vld [tilespmem:s7+$0xC3F0]  }
0x2d4: {  	v17 =	vld [tilespmem:s14+$0xC400]  }
0x2d5: {  	v18 =	vld [tilespmem:s7+$0xC410]  }
0x2d6: {  	v19 =	vld [tilespmem:s7+$0xC420]  }
0x2d7: {  	v20 =	vld [tilespmem:s7+$0xC430]  }
0x2d8: {  	v21 =	vld [tilespmem:s7+$0xC440]  }
0x2d9: {  	v22 =	vld [tilespmem:s7+$0xC450]  }
0x2da: {  	v23 =	vld [tilespmem:s7+$0xC460]  }
0x2db: {  	v24 =	vld [tilespmem:s7+$0xC470]  }
0x2dc: {  	v25 =	vld [tilespmem:s14+$0xC480]  }
0x2dd: {  	v53 =	vld [tilespmem:s7+$0xC490]  }
0x2de: {  	v54 =	vld [tilespmem:s7+$0xC4A0]  }
0x2df: {  	v55 =	vld [tilespmem:s7+$0xC4B0]  }
0x2e0: {  	v56 =	vld [tilespmem:s7+$0xC4C0]  }
0x2e1: {  	v57 =	vld [tilespmem:s7+$0xC4D0]  }
0x2e2: {  	v58 =	vld [tilespmem:s7+$0xC4E0]  }
0x2e3: {  	v59 =	vld [tilespmem:s7+$0xC4F0]  }
0x2e4: {  	v60 =	vld [tilespmem:s14+$0xC500]  }
0x2e5: {  	v9 =	vld.idx.msk [tilespmem:v9+s10+$0x0], $0xffff  }
0x2e6: {  	v10 =	vld.idx.msk [tilespmem:v10+s10+$0x0], $0xffff  }
0x2e7: {  	v11 =	vld.idx.msk [tilespmem:v11+s10+$0x0], $0xffff  }
0x2e8: {  	v12 =	vld.idx.msk [tilespmem:v12+s10+$0x0], $0xffff  }
0x2e9: {  	v13 =	vld.idx.msk [tilespmem:v13+s10+$0x0], $0xffff  }
0x2ea: {  	v14 =	vld.idx.msk [tilespmem:v14+s10+$0x0], $0xffff  }
0x2eb: {  	v15 =	vld.idx.msk [tilespmem:v15+s10+$0x0], $0xffff;
	v9 =	vand.u32 v9, v10  }
0x2ec: {  	v16 =	vld.idx.msk [tilespmem:v16+s10+$0x0], $0xffff;
	v9 =	vand.u32 v11, v9  }
0x2ed: {  	v17 =	vld.idx.msk [tilespmem:v17+s10+$0x0], $0xffff;
	v9 =	vand.u32 v12, v9  }
0x2ee: {  	v18 =	vld.idx.msk [tilespmem:v18+s10+$0x0], $0xffff;
	v9 =	vand.u32 v13, v9  }
0x2ef: {  	v19 =	vld.idx.msk [tilespmem:v19+s10+$0x0], $0xffff;
	v9 =	vand.u32 v14, v9  }
0x2f0: {  	v20 =	vld.idx.msk [tilespmem:v20+s10+$0x0], $0xffff;
	v9 =	vand.u32 v15, v9  }
0x2f1: {  	v21 =	vld.idx.msk [tilespmem:v21+s10+$0x0], $0xffff;
	v9 =	vand.u32 v16, v9  }
0x2f2: {  	v22 =	vld.idx.msk [tilespmem:v22+s10+$0x0], $0xffff;
	v9 =	vand.u32 v17, v9  }
0x2f3: {  	v10 =	vld.idx.msk [tilespmem:v23+s10+$0x0], $0xffff;
	v9 =	vand.u32 v18, v9  }
0x2f4: {  	v11 =	vld.idx.msk [tilespmem:v24+s10+$0x0], $0xffff;
	v9 =	vand.u32 v19, v9  }
0x2f5: {  	v52 =	vld.idx.msk [tilespmem:v25+s10+$0x0], $0xffff;
	v9 =	vand.u32 v20, v9  }
0x2f6: {  	v13 =	vld.idx.msk [tilespmem:v53+s10+$0x0], $0xffff;
	v9 =	vand.u32 v21, v9  }
0x2f7: {  	v14 =	vld.idx.msk [tilespmem:v54+s10+$0x0], $0xffff;
	v9 =	vand.u32 v22, v9  }
0x2f8: {  	v9 =	vand.u32 v10, v9;
	v10 =	vld.idx.msk [tilespmem:v55+s10+$0x0], $0xffff  }
0x2f9: {  	v9 =	vand.u32 v11, v9;
	v11 =	vld.idx.msk [tilespmem:v56+s10+$0x0], $0xffff  }
0x2fa: {  	v61 =	vld.idx.msk [tilespmem:v57+s10+$0x0], $0xffff;
	v9 =	vand.u32 v52, v9  }
0x2fb: {  	v62 =	vld.idx.msk [tilespmem:v58+s10+$0x0], $0xffff;
	v9 =	vand.u32 v13, v9  }
0x2fc: {  	v63 =	vld.idx.msk [tilespmem:v59+s10+$0x0], $0xffff;
	v9 =	vand.u32 v14, v9  }
0x2fd: {  	v9 =	vand.u32 v10, v9;
	v10 =	vld.idx.msk [tilespmem:v60+s10+$0x0], $0xffff  }
0x2fe: {  	v9 =	vand.u32 v11, v9  }
0x2ff: {  	v9 =	vand.u32 v61, v9  }
0x300: {  	v9 =	vand.u32 v62, v9  }
0x301: {  	v9 =	vand.u32 v63, v9  }
0x302: {  	v9 =	vand.u32 v10, v9  }
0x303: {  	vm1 =	vgt.s32 v9, $0xFFFFFFFF  }
0x304: {  	v9 =	vmpcnt.ones.xlane vm1;
	_ =	sdelay $0x1  }
0x305: {  	(v2sf) =	vpush v9, $0x0;
	_ =	sdelay $0xe  }
0x306: {  	s18 =	spop (v2sf)  }
0x307: {  	p1 =	slt.s32 s18, $0x1  }
.Ltmp34:
0x308: {  	_ = 	snop;
	(pc) =	sbr.rel @p1 .LBB2_43-.Ltmp34, $1  }
0x309: {  	_ =	sdelay $0x3  }
0x30a: {  	s7 =	sadd.s32 $0x0, s11  }
0x30b: {  	v9 =	vld [tilespmem:s7+$0x0];
	_ =	sdelay $0x7  }
0x30c: {  	v10 =	vld.idx.msk [tilespmem:v9+s6+$0x0], $0xffff;
	_ =	sdelay $0x4  }
0x30d: {  	vm1 =	vgt.s32 v10, $0xFFFFFFFF  }
0x30e: {  	v9 =	vmpcnt.ones.xlane vm1;
	_ =	sdelay $0x1  }
0x30f: {  	(v2sf) =	vpush v9, $0x0;
	_ =	sdelay $0xe  }
0x310: {  	s7 =	spop (v2sf)  }
0x311: {  	p4 =	slt.s32 s7, $0x1  }
0x312: {  	s7 =	sadd.s32 @!p4 s9, s7  }
0x313: {  	s14 =	sadd.s32 @!p4 $0x0, s12;
	p1 =	slt.s32 @!p4 s7, $0x80  }
0x314: {  	p3 =	slt.s32 @!p4 s9, $0x80;
	v9 =	vld @!p4 [tilespmem:s14+$0x0];
	p1 =	por !p1, p4  }
0x315: {  	s7 =	simm.s32 @p1 $0x80;
	p1 =	por !p3, p4  }
0x316: {  	s15 =	simm.s32 $0x40;
	vm1 =	vgt.s32 @!p4 v10, $0xFFFFFFFF;
	s7 =	smov.u32 @p4 s9;
	s9 =	simm.s32 @p1 $0x80  }
0x317: {  	s16 =	simm.s32 $0x80;
	s18 =	simm.s32 $0x10;
	[tilespmem:s9+$0x16180] =	vst.msk @!p4 vm1, v10;
	s14 =	smov.u32 s7  }
.LBB2_41:
0x318: {  	s17 =	smov.u32 s7  }
0x319: {  	s7 =	sadd.s32 s18, s11;
	[tilespmem:s9+$0x16280] =	vst.msk @!p4 vm1, v9;
	s9 =	smov.u32 s16;
	s16 =	sadd.s32 $0x40, s16  }
0x31a: {  	p3 =	sne.s32 s16, $0x640;
	v9 =	vld [tilespmem:s7+$0x0];
	_ =	sdelay $0x7  }
0x31b: {  	v10 =	vld.idx.msk [tilespmem:v9+s6+$0x0], $0xffff;
	_ =	sdelay $0x5  }
0x31c: {  	vm1 =	vgt.s32 v10, $0xFFFFFFFF  }
0x31d: {  	v9 =	vmpcnt.ones.xlane vm1;
	_ =	sdelay $0x1  }
0x31e: {  	(v2sf) =	vpush v9, $0x0;
	_ =	sdelay $0xe  }
0x31f: {  	s7 =	spop (v2sf)  }
0x320: {  	p4 =	slt.s32 s7, $0x1  }
0x321: {  	s15 =	sshra.s32 @!p4 s15, $0x2;
	p1 =	slt.s32 @!p4 s17, $0x80;
	s7 =	sadd.s32 @!p4 s17, s7  }
0x322: {  	s15 =	sadd.s32 @!p4 s15, s12;
	p1 =	por !p1, p4;
	p5 =	slt.s32 @!p4 s7, $0x80  }
.Ltmp35:
0x323: {  	v9 =	vld @!p4 [tilespmem:s15+$0x0];
	p5 =	por !p5, p4;
	s15 =	smov.u32 s9;
	(pc) =	sbr.rel @p3 .LBB2_41-.Ltmp35, $4  }
0x324: {  	s7 =	simm.s32 @p5 $0x80  }
0x325: {  	s9 =	smov.u32 s14;
	s7 =	smov.u32 @p4 s17  }
0x326: {  	vm1 =	vgt.s32 @!p4 v10, $0xFFFFFFFF;
	s9 =	simm.s32 @p1 $0x80;
	s14 =	smov.u32 s7  }
0x327: {  	s18 =	sshra.s32 s15, $0x2;
	[tilespmem:s9+$0x16180] =	vst.msk @!p4 vm1, v10  }
0x328: {  	s16 =	sadd.s32 s18, s11;
	[tilespmem:s9+$0x16280] =	vst.msk @!p4 vm1, v9  }
0x329: {  	v9 =	vld [tilespmem:s16+$0x0];
	_ =	sdelay $0x7  }
0x32a: {  	v9 =	vld.idx.msk [tilespmem:v9+s6+$0x0], $0xffff;
	_ =	sdelay $0x4  }
0x32b: {  	vm1 =	vgt.s32 v9, $0xFFFFFFFF  }
0x32c: {  	v10 =	vmpcnt.ones.xlane vm1;
	_ =	sdelay $0x1  }
0x32d: {  	(v2sf) =	vpush v10, $0x0;
	_ =	sdelay $0xe  }
0x32e: {  	s9 =	spop (v2sf)  }
0x32f: {  	p1 =	slt.s32 s9, $0x1  }
0x330: {  	s15 =	sshra.s32 @!p1 s15, $0x2  }
0x331: {  	s15 =	sadd.s32 @!p1 s15, s12  }
0x332: {  	v10 =	vld @!p1 [tilespmem:s15+$0x0]  }
.Ltmp36:
0x333: {  	p3 =	slt.s32 @!p1 s7, $0x80;
	s9 =	sadd.s32 @!p1 s7, s9;
	(pc) =	sbr.rel .LBB2_43-.Ltmp36, $4  }
0x334: {  	p3 =	por !p3, p1;
	p4 =	slt.s32 @!p1 s9, $0x80  }
0x335: {  	vm1 =	vgt.s32 @!p1 v9, $0xFFFFFFFF;
	p4 =	por !p4, p1;
	s14 =	simm.s32 @p3 $0x80  }
0x336: {  	s9 =	simm.s32 @p4 $0x80;
	[tilespmem:s14+$0x16180] =	vst.msk @!p1 vm1, v9  }
0x337: {  	s9 =	smov.u32 @p1 s7;
	[tilespmem:s14+$0x16280] =	vst.msk @!p1 vm1, v10  }
.LBB2_44:
0x338: {  	s7 =	simm.s32 $0x16180;
	s17 =	sadd.s32 $0xF, s9  }
0x339: {  	[hbm4b:s23+s6] =	stream.linear.scatter [tilespmem:s7], [sflag:$0x5], $0x80, $0x38;
	[tilespmem:$0x1C4C0] =	vst v63  }
0x33a: {  	s10 =	sand.u32 $0xF, s17  }
0x33b: {  	p1 =	slt.s32 s9, $0xFFFFFFF2;
	s18 =	sshra.s32 s17, $0x1F;
	p3 =	sne.s32 s10, $0x0  }
0x33c: {  	s9 =	sshrl.u32 s18, $0x1C;
	p1 =	por !p1, !p3  }
0x33d: {  	s7 =	sadd.s32 s9, s17;
	s9 =	simm.s32 $0x1;
	p1 =	por !p1, !p1  }
0x33e: {  	s7 =	sshra.s32 s7, $0x4;
	s9 =	simm.s32 @!p1 $0x0  }
0x33f: {  	s7 =	ssub.s32 s7, s9  }
0x340: {  	p1 =	slt.s32 s7, $0x1  }
.Ltmp37:
0x341: {  	_ = 	snop;
	(pc) =	sbr.rel @p1 .LBB2_48-.Ltmp37, $4  }
0x342: {  	_ =	swait.ge [sflag:s31], $0x80  }
0x343: {  	[sflag:s31] =	ssyncset.done $0x0  }
0x344: {  	[sflag:s31] =	ssyncadd.s32 $0xFFFFFF80  }
0x345: {  	s12 =	rddreg [dreg:$0x6];
	s9 =	simm.s32 $0x16280  }
0x346: {  	v9 =	vld [tilespmem:s9+$0x0];
	_ =	sdelay $0x4  }
0x347: {  	v10 =	vshll.u32 v9, $0x1  }
0x348: {  	v11 =	vand.u32 $0x7, v9;
	v10 =	vand.u32 $0xFFFFFFF0, v10  }
0x349: {  	v10 =	vor.u32 v11, v10  }
0x34a: {  	v11 =	vperm.xlane v10, v5;
	_ =	sdelay $0x1  }
0x34b: {  	v10 =	vperm.xlane v10, v7;
	v11 =	vadd.s32 v6, v11;
	_ =	sdelay $0x1  }
0x34c: {  	v10 =	vadd.s32 v6, v10;
	_ =	sdelay $0x1  }
0x34d: {  	[tilespmem:$0x16380] =	vst v9  }
0x34e: {  	[tilespmem:s4], [sflag:$0x5] =	stream.indirect_vreg.gather [hbm4b:s0+s6], $0x80, v11, vm0, $0xb8;
	[tilespmem:$0x1C4C0] =	vst v63  }
0x34f: {  	_ = 	snop  }
0x350: {  	[tilespmem:s5], [sflag:$0x5] =	stream.indirect_vreg.gather [hbm4b:s0+s6], $0x80, v10, vm0, $0xb8;
	[tilespmem:$0x1C4C0] =	vst v63  }
0x351: {  	p1 =	sne.s32 s7, $0x1;
	_ =	swait.ge [sflag:s31], $0x1000  }
.Ltmp38:
0x352: {  	s10 =	sshrl.u32 s20, $0x3;
	[sflag:s31] =	ssyncset.done $0x0;
	(pc) =	sbr.rel @!p1 .LBB2_47-.Ltmp38, $4  }
0x353: {  	s10 =	sadd.s32 s21, s10;
	[sflag:s31] =	ssyncadd.s32 $0xFFFFF000  }
0x354: {  	[hbm4b:s10+s6] =	stream.linear.scatter [tilespmem:s4], [sflag:$0x5], $0x1000, $0x38;
	[tilespmem:$0x1C4C0] =	vst v63  }
0x355: {  	_ =	swait.ge [sflag:s31], $0x1000  }
0x356: {  	s7 =	sadd.s32 $0xFFFFFFFF, s7;
	s10 =	smov.u32 s20;
	[sflag:s31] =	ssyncset.done $0x0  }
.LBB2_46:
0x357: {  	[sflag:s31] =	ssyncadd.s32 $0xFFFFF000;
	s10 =	sadd.s32 $0x1000, s10;
	s9 =	sadd.s32 $0x10, s9  }
0x358: {  	p3 =	sne.s32 s7, $0x1;
	s7 =	sadd.s32 $0xFFFFFFFF, s7;
	v9 =	vld [tilespmem:s9+$0x0];
	_ =	sdelay $0x4  }
0x359: {  	v10 =	vshll.u32 v9, $0x1  }
0x35a: {  	v11 =	vand.u32 $0x7, v9;
	v10 =	vand.u32 $0xFFFFFFF0, v10  }
0x35b: {  	v10 =	vor.u32 v11, v10  }
0x35c: {  	v11 =	vperm.xlane v10, v5;
	v10 =	vperm.xlane v10, v7;
	_ =	sdelay $0x1  }
0x35d: {  	v11 =	vadd.s32 v6, v11;
	_ =	sdelay $0x1  }
0x35e: {  	v10 =	vadd.s32 v6, v10;
	_ =	sdelay $0x1  }
0x35f: {  	[tilespmem:$0x16380] =	vst v9  }
0x360: {  	[tilespmem:s4], [sflag:$0x5] =	stream.indirect_vreg.gather [hbm4b:s0+s6], $0x80, v11, vm0, $0xb8;
	[tilespmem:$0x1C4C0] =	vst v63  }
0x361: {  	_ = 	snop  }
0x362: {  	[tilespmem:s5], [sflag:$0x5] =	stream.indirect_vreg.gather [hbm4b:s0+s6], $0x80, v10, vm0, $0xb8;
	[tilespmem:$0x1C4C0] =	vst v63  }
0x363: {  	_ =	swait.ge [sflag:s31], $0x1000  }
.Ltmp39:
0x364: {  	s11 =	sshrl.u32 s10, $0x3;
	[sflag:s31] =	ssyncset.done $0x0;
	(pc) =	sbr.rel @p3 .LBB2_46-.Ltmp39, $4  }
0x365: {  	s11 =	sadd.s32 s21, s11;
	[sflag:s31] =	ssyncadd.s32 $0xFFFFF000  }
0x366: {  	[hbm4b:s11+s6] =	stream.linear.scatter [tilespmem:s4], [sflag:$0x5], $0x1000, $0x38;
	[tilespmem:$0x1C4C0] =	vst v63  }
0x367: {  	_ =	swait.ge [sflag:s31], $0x1000  }
0x368: {  	[sflag:s31] =	ssyncset.done $0x0  }
.LBB2_47:
0x369: {  	[sflag:s31] =	ssyncadd.s32 $0xFFFFF000  }
.LBB2_48:
0x36a: {  	s7 =	sld [smem:$0x7FD];
	_ =	sdelay $0x2  }
0x36b: {  	p1 =	seq.s32 s7, $0x1  }
.Ltmp40:
0x36c: {  	_ = 	snop;
	(pc) =	sbr.rel @p1 .LBB2_52-.Ltmp40, $1  }
0x36d: {  	_ =	sdelay $0x3  }
0x36e: {  	v8 =	vbroadcast v8, $0x0;
	s7 =	simm.s32 $0x0  }
0x36f: {  	v9 =	vor.u32 s7, v3  }
0x370: {  	vm1 =	vlt.s32 v9, v8  }
0x371: {  	v10 =	vmpcnt.ones.xlane vm1;
	_ =	sdelay $0x1  }
0x372: {  	(v2sf) =	vpush v10, $0x0;
	_ =	sdelay $0xb  }
0x373: {  	s16 =	simm.s32 $0x17400  }
0x374: {  	v10 =	vld [tilespmem:s16+$0x0];
	_ =	sdelay $0x1  }
0x375: {  	s17 =	spop (v2sf)  }
0x376: {  	p3 =	slt.s32 s17, $0x1  }
0x377: {  	vm2 =	vlt.s32 @!p3 v9, v8  }
0x378: {  	v10 =	vnsel @!p3 vm2, $0x0, v10  }
0x379: {  	v12 =	vlaneseq.u32 @!p3;
	v9 =	vnsel vm1, $0x100, v9;
	v11 =	vshll.u32 @!p3 v10, $0x1  }
0x37a: {  	v14 =	vand.u32 @!p3 $0x7, v12;
	v13 =	vand.u32 @!p3 $0x7, v10;
	v11 =	vand.u32 @!p3 $0xFFFFFFF0, v11  }
0x37b: {  	s12 =	rddreg [dreg:$0x17];
	[tilespmem:$0x16380] =	vst v9;
	v9 =	vor.u32 @!p3 $0x8, v12;
	v11 =	vor.u32 @!p3 v13, v11;
	v13 =	vshrl.u32 @!p3 v12, $0x3  }
0x37c: {  	[hbm4b:s12+s6] =	stream.linear.scatter [tilespmem:s1], [sflag:$0x6], $0x10, $0x38;
	v13 =	vmul.u32 @!p3 $0x8, v13;
	v14 =	vperm.xlane @!p3 v11, v14;
	v9 =	vperm.xlane @!p3 v11, v9;
	[tilespmem:$0x1C4C0] =	vst v63  }
0x37d: {  	s18 =	simm.s32 $0x10;
	_ =	swait.ge [sflag:s26], $0x10  }
0x37e: {  	[sflag:s26] =	ssyncset.done $0x0;
	v11 =	vadd.s32 @!p3 v13, v14;
	v12 =	vadd.s32 @!p3 v13, v9;
	v9 =	vor.u32 s18, v3  }
0x37f: {  	[sflag:s26] =	ssyncadd.s32 $0xFFFFFFF0;
	vm2 =	vlt.s32 v9, v8  }
0x380: {  	[tilespmem:$0x16380] =	vst @!p3 v10;
	v10 =	vmpcnt.ones.xlane vm2;
	_ =	sdelay $0x1  }
0x381: {  	vm1 =	vmmov @!p3 $0xffff;
	s9 =	simm.s32 @!p3 $0x0;
	s10 =	simm.s32 @!p3 $0x16400;
	(v2sf) =	vpush v10, $0x0  }
0x382: {  	[tilespmem:s10], [sflag:$0x6] =	stream.indirect_vreg.gather @!p3 [hbm4b:s0+s9], $0x80, v11, vm1, $0xb8;
	[tilespmem:$0x1C4C0] =	vst v63  }
0x383: {  	s7 =	simm.s32 @!p3 $0x16C00  }
0x384: {  	[tilespmem:s7], [sflag:$0x6] =	stream.indirect_vreg.gather @!p3 [hbm4b:s0+s9], $0x80, v12, vm1, $0xb8;
	[tilespmem:$0x1C4C0] =	vst v63  }
0x385: {  	s7 =	simm.s32 @!p3 $0x6  }
0x386: {  	_ =	swait.ge @!p3 [sflag:s7], $0x1000  }
0x387: {  	[sflag:s7] =	ssyncset.done @!p3 $0x0  }
0x388: {  	s13 =	rddreg [dreg:$0x16];
	[sflag:s7] =	ssyncadd.s32 @!p3 $0xFFFFF000;
	s7 =	simm.s32 @!p3 $0x5  }
0x389: {  	[hbm4b:s13+s9] =	stream.linear.scatter @!p3 [tilespmem:s10], [sflag:$0x5], $0x1000, $0x38;
	[tilespmem:$0x1C4C0] =	vst v63  }
0x38a: {  	s11 =	simm.s32 $0x20;
	s10 =	sadd.s32 $0x2, s12;
	_ =	swait.ge @!p3 [sflag:s7], $0x1000  }
0x38b: {  	v10 =	vnsel vm2, $0x100, v9;
	s12 =	simm.s32 $0x17410;
	s9 =	smov.u32 s13;
	[sflag:s7] =	ssyncset.done @!p3 $0x0  }
.LBB2_50:
0x38c: {  	[sflag:s7] =	ssyncadd.s32 @!p3 $0xFFFFF000  }
0x38d: {  	s9 =	sadd.s32 $0x200, s9;
	s7 =	smov.u32 s11;
	s11 =	sadd.s32 $0x10, s11  }
0x38e: {  	p4 =	sne.s32 s11, $0x100;
	v11 =	vld [tilespmem:s12+$0x0]  }
0x38f: {  	[tilespmem:$0x16380] =	vst v10  }
0x390: {  	s13 =	spop (v2sf)  }
0x391: {  	p3 =	slt.s32 s13, $0x1  }
0x392: {  	[hbm4b:s10+s6] =	stream.linear.scatter [tilespmem:s1], [sflag:$0x6], $0x10, $0x38;
	vm1 =	vlt.s32 @!p3 v9, v8;
	v9 =	vlaneseq.u32 @!p3;
	[tilespmem:$0x1C4C0] =	vst v63  }
0x393: {  	v11 =	vnsel @!p3 vm1, $0x0, v11;
	v10 =	vand.u32 @!p3 $0x7, v9;
	v12 =	vshrl.u32 @!p3 v9, $0x3  }
0x394: {  	v15 =	vor.u32 @!p3 $0x8, v9;
	v13 =	vand.u32 @!p3 $0x7, v11;
	v14 =	vshll.u32 @!p3 v11, $0x1  }
0x395: {  	v9 =	vand.u32 @!p3 $0xFFFFFFF0, v14  }
0x396: {  	v12 =	vmul.u32 @!p3 $0x8, v12;
	v13 =	vor.u32 @!p3 v13, v9  }
0x397: {  	v9 =	vor.u32 s7, v3;
	v10 =	vperm.xlane @!p3 v13, v10;
	v13 =	vperm.xlane @!p3 v13, v15  }
0x398: {  	vm1 =	vlt.s32 v9, v8  }
0x399: {  	v14 =	vmpcnt.ones.xlane vm1;
	v15 =	vadd.s32 @!p3 v12, v10;
	v12 =	vadd.s32 @!p3 v12, v13  }
0x39a: {  	v10 =	vnsel vm1, $0x100, v9;
	_ =	swait.ge [sflag:s26], $0x10  }
0x39b: {  	(v2sf) =	vpush v14, $0x0;
	[sflag:s26] =	ssyncset.done $0x0  }
0x39c: {  	[sflag:s26] =	ssyncadd.s32 $0xFFFFFFF0  }
0x39d: {  	s13 =	simm.s32 @!p3 $0x0;
	s14 =	simm.s32 @!p3 $0x16400;
	vm1 =	vmmov @!p3 $0xffff;
	[tilespmem:$0x16380] =	vst @!p3 v11  }
0x39e: {  	[tilespmem:s14], [sflag:$0x6] =	stream.indirect_vreg.gather @!p3 [hbm4b:s0+s13], $0x80, v15, vm1, $0xb8;
	[tilespmem:$0x1C4C0] =	vst v63  }
0x39f: {  	s15 =	simm.s32 @!p3 $0x6;
	s7 =	simm.s32 @!p3 $0x16C00  }
0x3a0: {  	[tilespmem:s7], [sflag:$0x6] =	stream.indirect_vreg.gather @!p3 [hbm4b:s0+s13], $0x80, v12, vm1, $0xb8;
	[tilespmem:$0x1C4C0] =	vst v63  }
0x3a1: {  	_ =	swait.ge @!p3 [sflag:s15], $0x1000  }
.Ltmp41:
0x3a2: {  	[sflag:s15] =	ssyncset.done @!p3 $0x0;
	(pc) =	sbr.rel @p4 .LBB2_50-.Ltmp41, $4  }
0x3a3: {  	s7 =	simm.s32 @!p3 $0x5;
	[sflag:s15] =	ssyncadd.s32 @!p3 $0xFFFFF000  }
0x3a4: {  	[hbm4b:s9+s13] =	stream.linear.scatter @!p3 [tilespmem:s14], [sflag:$0x5], $0x1000, $0x38;
	[tilespmem:$0x1C4C0] =	vst v63  }
0x3a5: {  	_ =	swait.ge @!p3 [sflag:s7], $0x1000  }
0x3a6: {  	s12 =	sadd.s32 $0x10, s12;
	s10 =	sadd.s32 $0x2, s10;
	[sflag:s7] =	ssyncset.done @!p3 $0x0  }
0x3a7: {  	[sflag:s7] =	ssyncadd.s32 @!p3 $0xFFFFF000  }
0x3a8: {  	v11 =	vld [tilespmem:s12+$0x0];
	_ =	sdelay $0x1  }
0x3a9: {  	s18 =	spop (v2sf)  }
0x3aa: {  	p3 =	slt.s32 s18, $0x1  }
0x3ab: {  	vm1 =	vlt.s32 @!p3 v9, v8  }
0x3ac: {  	v8 =	vnsel @!p3 vm1, $0x0, v11  }
0x3ad: {  	v9 =	vshll.u32 @!p3 v8, $0x1  }
0x3ae: {  	v11 =	vlaneseq.u32 @!p3;
	v12 =	vand.u32 @!p3 $0x7, v8;
	v9 =	vand.u32 @!p3 $0xFFFFFFF0, v9  }
0x3af: {  	v13 =	vand.u32 @!p3 $0x7, v11;
	v9 =	vor.u32 @!p3 v12, v9;
	v12 =	vshrl.u32 @!p3 v11, $0x3  }
0x3b0: {  	v12 =	vmul.u32 @!p3 $0x8, v12;
	v13 =	vperm.xlane @!p3 v9, v13  }
0x3b1: {  	[tilespmem:$0x16380] =	vst v10;
	v10 =	vor.u32 @!p3 $0x8, v11  }
0x3b2: {  	[hbm4b:s10+s6] =	stream.linear.scatter [tilespmem:s1], [sflag:$0x6], $0x10, $0x38;
	v9 =	vperm.xlane @!p3 v9, v10;
	v10 =	vadd.s32 @!p3 v12, v13;
	[tilespmem:$0x1C4C0] =	vst v63  }
0x3b3: {  	_ =	swait.ge [sflag:s26], $0x10  }
0x3b4: {  	[sflag:s26] =	ssyncset.done $0x0;
	v9 =	vadd.s32 @!p3 v12, v9  }
0x3b5: {  	[sflag:s26] =	ssyncadd.s32 $0xFFFFFFF0  }
0x3b6: {  	s7 =	simm.s32 @!p3 $0x0;
	s10 =	simm.s32 @!p3 $0x16400;
	vm1 =	vmmov @!p3 $0xffff;
	[tilespmem:$0x16380] =	vst @!p3 v8  }
0x3b7: {  	[tilespmem:s10], [sflag:$0x6] =	stream.indirect_vreg.gather @!p3 [hbm4b:s0+s7], $0x80, v10, vm1, $0xb8;
	[tilespmem:$0x1C4C0] =	vst v63  }
0x3b8: {  	s11 =	simm.s32 @!p3 $0x16C00;
	s12 =	simm.s32 @!p3 $0x6  }
0x3b9: {  	[tilespmem:s11], [sflag:$0x6] =	stream.indirect_vreg.gather @!p3 [hbm4b:s0+s7], $0x80, v9, vm1, $0xb8;
	[tilespmem:$0x1C4C0] =	vst v63  }
0x3ba: {  	_ =	swait.ge @!p3 [sflag:s12], $0x1000  }
0x3bb: {  	[sflag:s12] =	ssyncset.done @!p3 $0x0  }
0x3bc: {  	s9 =	sadd.s32 $0x200, s9;
	[sflag:s12] =	ssyncadd.s32 @!p3 $0xFFFFF000  }
0x3bd: {  	[hbm4b:s9+s7] =	stream.linear.scatter @!p3 [tilespmem:s10], [sflag:$0x5], $0x1000, $0x38;
	[tilespmem:$0x1C4C0] =	vst v63  }
.Ltmp42:
0x3be: {  	s11 =	simm.s32 @!p3 $0x5;
	(pc) =	sbr.rel .LBB2_52-.Ltmp42, $4  }
0x3bf: {  	_ =	swait.ge @!p3 [sflag:s11], $0x1000  }
0x3c0: {  	[sflag:s11] =	ssyncset.done @!p3 $0x0  }
0x3c1: {  	[sflag:s11] =	ssyncadd.s32 @!p3 $0xFFFFF000  }
0x3c2: {  	s12 =	rddreg [dreg:$0x6]  }
.LBB2_53:
0x3c3: {  	_ =	sfence.sel $0x180000  }
0x3c4: {  	[bflag:$0x0] =	sbarrier.arrive $0xFFFF  }
0x3c5: {  	_ =	strace $0x9000004A  }
0x3c6: {  	s0 =	stileid.u32;
	[bflag:$0x2] =	sbarrier.arrive $0xFFFF  }
0x3c7: {  	p0 =	sne.s32 s0, $0x0;
	s0 =	rddreg [dreg:$0x7]  }
0x3c8: {  	s0 =	sadd.s32 @!p0 $0x100000, s0  }
0x3c9: {  	[sflag:s0] =	ssyncadd.tile.s32 @!p0 $0x1;
	_ =	shalt  }
.Lfunc_end2:
_tile_overlayer_lowered:
.L_overlay_start_2:
0x3ca: {  	(tag) =	ssettag $0x2  }
0x3cb: {  	s0 =	rddreg [dreg:$0x0];
	s2 =	stileid.u32  }
0x3cc: {  	s1 =	rddreg [dreg:$0x1];
	p0 =	sne.s32 s2, $0x0  }
0x3cd: {  	s3 =	rddreg [dreg:$0x2];
	[bflag:$0x3] =	sbarrier.arrive $0xFFFF;
	s2 =	simm.s32 @!p0 $0x1C05  }
0x3ce: {  	[timem:s3], [sflag:s2] =	dma.local @!p0 [hbm:s0], s1  }
0x3cf: {  	s0 =	simm.s32 @!p0 $0x5  }
0x3d0: {  	_ =	swait.ge @!p0 [sflag:s0], s1  }
0x3d1: {  	s1 =	ssub.s32 @!p0 $0x0, s1;
	[sflag:s0] =	ssyncset.done @!p0 $0x0  }
0x3d2: {  	[sflag:s0] =	ssyncadd.s32 @!p0 s1  }
0x3d3: {  	[bflag:$0x3] =	sbarrier.arrive $0xFFFF  }
0x3d4: {  	_ =	shalt  }

</sc_bundles>
